<compile_context>
chip_gen: v7x
topology: tpu7x:2x2x1
jax: 0.10.2.dev20260603
libtpu: 0.0.44.dev20260713+nightly
codegen_flags: <defaults>
</compile_context>

<pallas_src>
import functools

import jax
import jax.numpy as jnp
from jax import lax
from jax.experimental import pallas as pl
from jax.experimental.pallas import tpu as pltpu
from jax.experimental.pallas import tpu_sc as plsc

N = 100000
E = 3200000
G = 64
F1 = 16

NC, NS = 2, 16
NW = NC * NS

LANE = 128
SB = 4
CHUNKS = 6272
EPAD = CHUNKS * SB * LANE
PAD_E = EPAD - E

TRASH = 96
A = N + TRASH
TROWS = A // NS
ZROWS = 136
ZITER = TROWS // ZROWS

VROWS = A * F1 // LANE
DROWS = A // LANE

_MESH = plsc.VectorSubcoreMesh(core_axis_name="c", subcore_axis_name="s")
_SC_PARAMS = pltpu.CompilerParams(use_tc_tiling_on_sc=False)



@functools.partial(
    pl.kernel,
    out_type=jax.ShapeDtypeStruct((NC * A,), jnp.float32),
    mesh=_MESH,
    scratch_types=[
        pltpu.VMEM((2, SB, LANE), jnp.int32),
        pltpu.VMEM((LANE,), jnp.float32),
        pltpu.VMEM((TROWS,), jnp.float32),
        pltpu.VMEM_SHARED((A,), jnp.float32),
        pltpu.SemaphoreType.DMA,
        pltpu.SemaphoreType.DMA,
    ],
    compiler_params=_SC_PARAMS,
)
def _deg_kernel(dst_hbm, out_hbm, di_v, ones_v, zb_v, acc_sh, sem0, sem1):
    core = lax.axis_index("c")
    tile = lax.axis_index("s")
    sems = (sem0, sem1)

    @pl.loop(0, LANE, step=16)
    def _(i):
        ones_v[pl.ds(i, 16)] = jnp.ones((16,), jnp.float32)

    @pl.loop(0, TROWS, step=16)
    def _(i):
        zb_v[pl.ds(i, 16)] = jnp.zeros((16,), jnp.float32)

    pltpu.sync_copy(zb_v, acc_sh.at[pl.ds(tile * TROWS, TROWS)])
    plsc.subcore_barrier()

    w = core * NS + tile
    nchunks = CHUNKS // NW
    base = w * nchunks

    def fire(buf, c):
        pltpu.sync_copy(dst_hbm.at[base + c], di_v.at[buf])
        for b in range(SB):
            pltpu.async_copy(ones_v, acc_sh.at[di_v.at[buf, b]], sems[buf],
                             add=True)

    def drain(buf):
        for b in range(SB):
            pltpu.make_async_copy(ones_v, acc_sh.at[di_v.at[buf, b]],
                                  sems[buf]).wait()

    @pl.loop(0, nchunks // 2)
    def _(t):
        @pl.when(t > 0)
        def _():
            drain(0)
        fire(0, 2 * t)

        @pl.when(t > 0)
        def _():
            drain(1)
        fire(1, 2 * t + 1)

    drain(0)
    drain(1)
    plsc.subcore_barrier()
    pltpu.sync_copy(acc_sh.at[pl.ds(tile * TROWS, TROWS)], zb_v)
    pltpu.sync_copy(zb_v, out_hbm.at[pl.ds(core * A + tile * TROWS, TROWS)])


def _make_conv(split):

    @functools.partial(
        pl.kernel,
        out_type=jax.ShapeDtypeStruct((NC, A, F1), jnp.float32),
        mesh=_MESH,
        scratch_types=[
            pltpu.VMEM((2, SB, LANE), jnp.int32),
            pltpu.VMEM((2, SB, LANE), jnp.int32),
            pltpu.VMEM((2, SB, LANE, F1), jnp.float32),
            pltpu.VMEM((ZROWS, F1), jnp.float32),
            pltpu.VMEM_SHARED((A, F1), jnp.float32),
            pltpu.SemaphoreType.DMA,
            pltpu.SemaphoreType.DMA,
            pltpu.SemaphoreType.DMA,
            pltpu.SemaphoreType.DMA,
        ],
        compiler_params=_SC_PARAMS,
    )
    def conv(y_hbm, src2_hbm, dst_hbm, out_hbm, si_v, di_v, rows_v, zb_v,
             acc_sh, gs0, gs1, ss0, ss1):
        core = lax.axis_index("c")
        tile = lax.axis_index("s")
        gsems = (gs0, gs1)
        ssems = (ss0, ss1)

        @pl.loop(0, ZROWS)
        def _(i):
            zb_v[i, :] = jnp.zeros((16,), jnp.float32)

        @pl.loop(0, ZITER)
        def _(k):
            pltpu.sync_copy(
                zb_v, acc_sh.at[pl.ds(tile * TROWS + k * ZROWS, ZROWS)]
            )
        plsc.subcore_barrier()

        if split:
            nchunks = CHUNKS // NS
            base = tile * nchunks
            yplane = core
        else:
            nchunks = CHUNKS // NW
            base = (core * NS + tile) * nchunks
            yplane = 0

        def load_fire(buf, c):
            pltpu.sync_copy(src2_hbm.at[yplane, base + c], si_v.at[buf])
            pltpu.sync_copy(dst_hbm.at[base + c], di_v.at[buf])
            for b in range(SB):
                pltpu.async_copy(y_hbm.at[si_v.at[buf, b]],
                                 rows_v.at[buf, b], gsems[buf])

        def drain_g(buf):
            for b in range(SB):
                pltpu.make_async_copy(y_hbm.at[si_v.at[buf, b]],
                                      rows_v.at[buf, b], gsems[buf]).wait()

        def fire_s(buf):
            for b in range(SB):
                pltpu.async_copy(rows_v.at[buf, b],
                                 acc_sh.at[di_v.at[buf, b]],
                                 ssems[buf], add=True)

        def drain_s(buf):
            for b in range(SB):
                pltpu.make_async_copy(rows_v.at[buf, b],
                                      acc_sh.at[di_v.at[buf, b]],
                                      ssems[buf]).wait()

        @pl.loop(0, nchunks // 2)
        def _(t):
            @pl.when(t > 0)
            def _():
                drain_s(0)
            load_fire(0, 2 * t)

            @pl.when(t > 0)
            def _():
                drain_s(1)
            load_fire(1, 2 * t + 1)

            drain_g(0)
            fire_s(0)
            drain_g(1)
            fire_s(1)

        drain_s(0)
        drain_s(1)
        plsc.subcore_barrier()

        @pl.loop(0, ZITER)
        def _(k):
            off = tile * TROWS + k * ZROWS
            pltpu.sync_copy(acc_sh.at[pl.ds(off, ZROWS)], zb_v)
            pltpu.sync_copy(zb_v, out_hbm.at[core, pl.ds(off, ZROWS)])

    return conv


_conv_l1 = _make_conv(split=False)
_conv_l2 = _make_conv(split=True)



_NBV = 4
_BRV = VROWS // _NBV


def _tc_dinv(deg2v):
    def body(d_ref, o_ref):
        o_ref[...] = lax.rsqrt(d_ref[0] + d_ref[1] + 1.0)

    return pl.pallas_call(
        body,
        grid=(1,),
        in_specs=[pl.BlockSpec((2, DROWS, LANE), lambda i: (0, 0, 0))],
        out_specs=pl.BlockSpec((DROWS, LANE), lambda i: (0, 0)),
        out_shape=jax.ShapeDtypeStruct((DROWS, LANE), jnp.float32),
    )(deg2v)


def _tc_y1(x0e, x1e, dinve, w0t, w1t):
    def body(x0, x1, de, w0, w1, o_ref):
        o_ref[...] = (x0[...] * w0[...] + x1[...] * w1[...]) * de[...]

    blk = pl.BlockSpec((_BRV, LANE), lambda i: (i, 0))
    return pl.pallas_call(
        body,
        grid=(_NBV,),
        in_specs=[blk, blk, blk,
                  pl.BlockSpec((1, LANE), lambda i: (0, 0)),
                  pl.BlockSpec((1, LANE), lambda i: (0, 0))],
        out_specs=blk,
        out_shape=jax.ShapeDtypeStruct((VROWS, LANE), jnp.float32),
    )(x0e, x1e, dinve, w0t, w1t)


def _tc_b(acc1v, y1v, dinve, b1t, Ma, Mb):
    def body(acc, y_ref, de, bt, ma, mb, o_ref):
        dinv = de[...]
        h = jnp.maximum(dinv * (acc[0] + acc[1] + y_ref[...]) + bt[...], 0.0)
        o_ref[0] = (
            jnp.dot(h, ma[...], preferred_element_type=jnp.float32) * dinv
        )
        o_ref[1] = (
            jnp.dot(h, mb[...], preferred_element_type=jnp.float32) * dinv
        )

    blk = pl.BlockSpec((_BRV, LANE), lambda i: (i, 0))
    blk3 = pl.BlockSpec((2, _BRV, LANE), lambda i: (0, i, 0))
    full = lambda s: pl.BlockSpec(s, lambda i: (0, 0))
    return pl.pallas_call(
        body,
        grid=(_NBV,),
        in_specs=[blk3, blk, blk, full((1, LANE)),
                  full((LANE, LANE)), full((LANE, LANE))],
        out_specs=blk3,
        out_shape=jax.ShapeDtypeStruct((2, VROWS, LANE), jnp.float32),
    )(acc1v, y1v, dinve, b1t, Ma, Mb)


def _tc_head(acc2v, y2v, dinve, b2at, b2bt, batchv,
             fc1_Wa, fc1_Wb, fc1_b, fc2_W, fc2_b):
    def body(acc, yab, de, ba, bb, bt, wa, wb, w1b, w2, w2b,
             out_ref, sa, sb, cnt):
        pi = pl.program_id(0)

        @pl.when(pi == 0)
        def _():
            sa[...] = jnp.zeros_like(sa)
            sb[...] = jnp.zeros_like(sb)
            cnt[...] = jnp.zeros_like(cnt)

        dinv = de[...]
        ha = jnp.maximum(dinv * (acc[0] + yab[0]) + ba[...], 0.0)
        hb = jnp.maximum(dinv * (acc[1] + yab[1]) + bb[...], 0.0)
        seg = lax.broadcasted_iota(jnp.int32, (_BRV, G), 1)
        bt_all = bt[...]
        dn = (((0,), (0,)), ((), ()))
        ones = jnp.ones((_BRV, 1), jnp.float32)
        for p in range(8):
            onehot = (bt_all[:, p:p + 1] == seg).astype(jnp.float32)
            sa[...] += lax.dot_general(onehot, ha[:, 16 * p:16 * (p + 1)], dn,
                                       preferred_element_type=jnp.float32)
            sb[...] += lax.dot_general(onehot, hb[:, 16 * p:16 * (p + 1)], dn,
                                       preferred_element_type=jnp.float32)
            cnt[...] += lax.dot_general(onehot, ones, dn,
                                        preferred_element_type=jnp.float32)

        @pl.when(pi == _NBV - 1)
        def _():
            c = jnp.maximum(cnt[...], 1.0)
            pa = sa[...] / c
            pb = sb[...] / c
            r = jnp.maximum(
                jnp.dot(pa, wa[...], preferred_element_type=jnp.float32)
                + jnp.dot(pb, wb[...], preferred_element_type=jnp.float32)
                + w1b[...],
                0.0,
            )
            out_ref[...] = (
                jnp.dot(r, w2[...], preferred_element_type=jnp.float32)
                + w2b[...]
            )

    blk = pl.BlockSpec((_BRV, LANE), lambda i: (i, 0))
    blk3 = pl.BlockSpec((2, _BRV, LANE), lambda i: (0, i, 0))
    blk8 = pl.BlockSpec((_BRV, 8), lambda i: (i, 0))
    full = lambda s: pl.BlockSpec(s, lambda i: (0, 0))
    return pl.pallas_call(
        body,
        grid=(_NBV,),
        in_specs=[blk3, blk3, blk, full((1, LANE)), full((1, LANE)), blk8,
                  full((F1, F1)), full((F1, F1)), full((1, F1)),
                  full((F1, 1)), full((1, 1))],
        out_specs=pl.BlockSpec((G, 1), lambda i: (0, 0)),
        out_shape=jax.ShapeDtypeStruct((G, 1), jnp.float32),
        scratch_shapes=[
            pltpu.VMEM((G, F1), jnp.float32),
            pltpu.VMEM((G, F1), jnp.float32),
            pltpu.VMEM((G, 1), jnp.float32),
        ],
    )(acc2v, y2v, dinve, b2at, b2bt, batchv,
      fc1_Wa, fc1_Wb, fc1_b, fc2_W, fc2_b)



def kernel(x, edge_index, batch, W1, b1, W2, b2, fc1_W, fc1_b, fc2_W, fc2_b):
    ei = edge_index.astype(jnp.int32)
    pad = jnp.arange(PAD_E, dtype=jnp.int32)
    dstp = jnp.concatenate([ei[1], N + pad % TRASH]).reshape(CHUNKS, SB, LANE)
    src_all = jnp.concatenate([ei[0], pad % N])
    srcp2 = jnp.stack([src_all, src_all + A]).reshape(2, CHUNKS, SB, LANE)

    xp = jnp.concatenate([x, jnp.zeros((TRASH, 2), jnp.float32)])
    x0e = jnp.broadcast_to(xp[:, 0:1], (A, F1)).reshape(VROWS, LANE)
    x1e = jnp.broadcast_to(xp[:, 1:2], (A, F1)).reshape(VROWS, LANE)
    batchv = jnp.concatenate(
        [batch.astype(jnp.int32), jnp.full((TRASH,), 127, jnp.int32)]
    ).reshape(VROWS, 8)

    w0t = jnp.tile(W1[0], 8).reshape(1, LANE)
    w1t = jnp.tile(W1[1], 8).reshape(1, LANE)
    b1t = jnp.tile(b1, 8).reshape(1, LANE)
    b2at = jnp.tile(b2[:F1], 8).reshape(1, LANE)
    b2bt = jnp.tile(b2[F1:], 8).reshape(1, LANE)
    eye8 = jnp.eye(8, dtype=jnp.float32)
    Ma = jnp.kron(eye8, W2[:, :F1])
    Mb = jnp.kron(eye8, W2[:, F1:])

    deg2 = _deg_kernel(dstp)
    dinvv = _tc_dinv(deg2.reshape(2, DROWS, LANE))
    dinve = jnp.broadcast_to(
        dinvv.reshape(A, 1), (A, F1)
    ).reshape(VROWS, LANE)

    y1v = _tc_y1(x0e, x1e, dinve, w0t, w1t)

    acc1 = _conv_l1(y1v.reshape(A, F1), srcp2, dstp)
    y2v = _tc_b(acc1.reshape(2, VROWS, LANE), y1v, dinve, b1t, Ma, Mb)

    acc2 = _conv_l2(y2v.reshape(2 * A, F1), srcp2, dstp)

    out2d = _tc_head(
        acc2.reshape(2, VROWS, LANE), y2v, dinve, b2at, b2bt, batchv,
        fc1_W[:F1], fc1_W[F1:], fc1_b.reshape(1, F1),
        fc2_W, fc2_b.reshape(1, 1),
    )
    return out2d.reshape(G)

# --- scband reference (transcript-rebuilt; emitter-appended) ---
"""Pipeline reference for scband-gnnmodel-17549236371687 (READ-ONLY COPY).

The authoritative reference and input builder live on the scoring server;
editing this copy changes nothing except your own understanding.
"""

import jax, jax.numpy as jnp
import numpy as np

NUM_NODES = 100000
NUM_EDGES = 3200000
NUM_GRAPHS = 64


def setup_inputs(seed: int = 0) -> dict:
    key = jax.random.key(seed)
    ks = jax.random.split(key, 12)
    x = jax.random.normal(ks[0], (NUM_NODES, 2), dtype=jnp.float32)
    edge_index = jax.random.randint(ks[1], (2, NUM_EDGES), 0, NUM_NODES, dtype=jnp.int64)
    batch = jnp.sort(jax.random.randint(ks[2], (NUM_NODES,), 0, NUM_GRAPHS, dtype=jnp.int64))
    # GCNConv(2, 16)
    W1 = jax.random.normal(ks[3], (2, 16), dtype=jnp.float32) * (1.0 / np.sqrt(2))
    b1 = jnp.zeros((16,), dtype=jnp.float32)
    # GCNConv(16, 32)
    W2 = jax.random.normal(ks[4], (16, 32), dtype=jnp.float32) * (1.0 / np.sqrt(16))
    b2 = jnp.zeros((32,), dtype=jnp.float32)
    # Linear(32, 16)
    fc1_W = jax.random.normal(ks[5], (32, 16), dtype=jnp.float32) * (1.0 / np.sqrt(32))
    fc1_b = jnp.zeros((16,), dtype=jnp.float32)
    # Linear(16, 1)
    fc2_W = jax.random.normal(ks[6], (16, 1), dtype=jnp.float32) * (1.0 / np.sqrt(16))
    fc2_b = jnp.zeros((1,), dtype=jnp.float32)
    return {"x": x, "edge_index": edge_index, "batch": batch,
            "W1": W1, "b1": b1, "W2": W2, "b2": b2,
            "fc1_W": fc1_W, "fc1_b": fc1_b, "fc2_W": fc2_W, "fc2_b": fc2_b}


def gcn_conv(x, src, dst, norm, W, b, num_nodes):
    # x' = D^{-1/2} (A + I) D^{-1/2} X W + b  (PyG GCNConv semantics)
    xw = x @ W
    msg = xw[src] * norm[:, None]
    out = jnp.zeros((num_nodes, W.shape[1]), dtype=x.dtype).at[dst].add(msg)
    return out + b


def reference(x, edge_index, batch, W1, b1, W2, b2, fc1_W, fc1_b, fc2_W, fc2_b):
    num_nodes = x.shape[0]
    loop = jnp.arange(num_nodes, dtype=edge_index.dtype)
    src = jnp.concatenate([edge_index[0], loop])
    dst = jnp.concatenate([edge_index[1], loop])
    deg = jnp.zeros((num_nodes,), dtype=x.dtype).at[dst].add(1.0)
    deg_inv_sqrt = jnp.where(deg > 0, deg ** -0.5, 0.0)
    norm = deg_inv_sqrt[src] * deg_inv_sqrt[dst]

    h = gcn_conv(x, src, dst, norm, W1, b1, num_nodes)
    h = jax.nn.relu(h)
    h = gcn_conv(h, src, dst, norm, W2, b2, num_nodes)
    h = jax.nn.relu(h)

    # global_mean_pool
    sums = jax.ops.segment_sum(h, batch, num_segments=NUM_GRAPHS)
    counts = jax.ops.segment_sum(jnp.ones((num_nodes,), dtype=h.dtype), batch, num_segments=NUM_GRAPHS)
    pooled = sums / jnp.maximum(counts, 1.0)[:, None]

    h = jax.nn.relu(pooled @ fc1_W + fc1_b)
    out = h @ fc2_W + fc2_b
    return out.squeeze()

if __name__ == "__main__":
    import jax
    _d = setup_inputs()
    print(jax.jit(kernel)(*tuple(_d.values())))

</pallas_src>

<mosaic_0001>
#map = affine_map<(d0, d1) -> (0, 0)>
#map1 = affine_map<(d0, d1) -> (0, 0, 0, 0)>
#map2 = affine_map<(d0, d1) -> (0, 0, 0)>
module attributes {stable_mosaic.version = 14 : i64} {
  func.func @conv(%arg0: i32, %arg1: i32, %arg2: memref<100096x16xf32, #tpu.memory_space<hbm>>, %arg3: memref<2x6272x4x128xi32, #tpu.memory_space<hbm>>, %arg4: memref<6272x4x128xi32, #tpu.memory_space<hbm>>, %arg5: memref<2x100096x16xf32, #tpu.memory_space<hbm>>, %arg6: memref<2x4x128xi32, #tpu.memory_space<vmem>>, %arg7: memref<2x4x128xi32, #tpu.memory_space<vmem>>, %arg8: memref<2x4x128x16xf32, #tpu.memory_space<vmem>>, %arg9: memref<136x16xf32, #tpu.memory_space<vmem>>, %arg10: memref<100096x16xf32, #tpu.memory_space<vmem_shared>>, %arg11: memref<!tpu.dma_semaphore, #tpu.memory_space<semaphore_mem>>, %arg12: memref<!tpu.dma_semaphore, #tpu.memory_space<semaphore_mem>>, %arg13: memref<!tpu.dma_semaphore, #tpu.memory_space<semaphore_mem>>, %arg14: memref<!tpu.dma_semaphore, #tpu.memory_space<semaphore_mem>>) attributes {dimension_semantics = [#tpu.dimension_semantics<core_parallel>, #tpu.dimension_semantics<subcore_parallel>], iteration_bounds = array<i64: 2, 16>, scalar_prefetch = 0 : i64, scratch_operands = 9 : i64, tpu.core_type = #tpu.core_type<sc_vector_subcore>, window_params = [{transform_indices = #map}, {transform_indices = #map1}, {transform_indices = #map2}, {transform_indices = #map2}]} {
    %scan3A = arith.constant 0 : i32
    %scan3A_0 = arith.constant 136 : i32
    %scan3A_1 = arith.addi %scan3A, %scan3A_0 : i32
    %scan3A_2 = arith.constant 1 : i32
    scf.for %scan3A_134 = %scan3A to %scan3A_1 step %scan3A_2  : i32 {
      %mul3A_135 = arith.constant 1 : i32
      %mul3A_136 = arith.muli %scan3A_134, %mul3A_135 : i32
      %add3A_137 = arith.constant 0 : i32
      %add3A_138 = arith.addi %add3A_137, %mul3A_136 : i32
      %broadcast_in_dim3A = arith.constant 0.000000e+00 : f32
      %broadcast_in_dim3A_139 = vector.broadcast %broadcast_in_dim3A : f32 to vector<16xf32>
      %swap3A = arith.index_cast %add3A_138 : i32 to index
      %swap3A_140 = arith.constant 0 : index
      %swap3A_141 = tpu.vector_load %arg9[%swap3A, %swap3A_140] {strides = array<i32>} : memref<136x16xf32, #tpu.memory_space<vmem>>, vector<1x16xf32>,
      %swap3A_142 = vector.shape_cast %swap3A_141 : vector<1x16xf32> to vector<16xf32>
      %swap3A_143 = vector.shape_cast %broadcast_in_dim3A_139 : vector<16xf32> to vector<1x16xf32>
      tpu.vector_store %arg9[%swap3A, %swap3A_140], %swap3A_143 {strides = array<i32>} : memref<136x16xf32, #tpu.memory_space<vmem>>, vector<1x16xf32>,
    }
    %scan3A_3 = arith.constant 136 : i32
    %scan3A_4 = arith.constant 0 : i32
    %scan3A_5 = arith.constant 46 : i32
    %scan3A_6 = arith.addi %scan3A_4, %scan3A_5 : i32
    %scan3A_7 = arith.constant 1 : i32
    scf.for %scan3A_134 = %scan3A_4 to %scan3A_6 step %scan3A_7  : i32 {
      %mul3A_135 = arith.constant 1 : i32
      %mul3A_136 = arith.muli %scan3A_134, %mul3A_135 : i32
      %add3A_137 = arith.constant 0 : i32
      %add3A_138 = arith.addi %add3A_137, %mul3A_136 : i32
      %mul3A_139 = arith.constant 6256 : i32
      %mul3A_140 = arith.muli %arg1, %mul3A_139 : i32
      %mul3A_141 = arith.constant 136 : i32
      %mul3A_142 = arith.muli %add3A_138, %mul3A_141 : i32
      %add3A_143 = arith.addi %mul3A_140, %mul3A_142 : i32
      "tpu.region"() ({
        %run_scoped3A = tpu.sem_alloc : memref<!tpu.dma_semaphore, #tpu.memory_space<semaphore_mem>>
        %dma_start3A = arith.constant 0 : i32
        %dma_start3A_144 = tpu.memref_slice %arg10[%add3A_143, %dma_start3A] : memref<100096x16xf32, #tpu.memory_space<vmem_shared>> -> memref<136x16xf32, #tpu.memory_space<vmem_shared>>
        %dma_start3A_145 = arith.constant 0 : i32
        %dma_start3A_146 = tpu.memref_slice %arg10[%add3A_143, %dma_start3A_145] : memref<100096x16xf32, #tpu.memory_space<vmem_shared>> -> memref<136x16xf32, #tpu.memory_space<vmem_shared>>
        tpu.enqueue_dma source(%arg9 : memref<136x16xf32, #tpu.memory_space<vmem>>) target(%dma_start3A_146 : memref<136x16xf32, #tpu.memory_space<vmem_shared>>) target_semaphore(%run_scoped3A : memref<!tpu.dma_semaphore, #tpu.memory_space<semaphore_mem>>)
        %dma_wait3A_147 = arith.constant 0 : i32
        %dma_wait3A_148 = tpu.memref_slice %arg10[%add3A_143, %dma_wait3A_147] : memref<100096x16xf32, #tpu.memory_space<vmem_shared>> -> memref<136x16xf32, #tpu.memory_space<vmem_shared>>
        %dma_wait3A_149 = arith.constant 0 : i32
        %dma_wait3A_150 = tpu.memref_slice %arg10[%add3A_143, %dma_wait3A_149] : memref<100096x16xf32, #tpu.memory_space<vmem_shared>> -> memref<136x16xf32, #tpu.memory_space<vmem_shared>>
        tpu.wait_dma2 semaphore(%run_scoped3A : memref<!tpu.dma_semaphore, #tpu.memory_space<semaphore_mem>>) src(%arg9 : memref<136x16xf32, #tpu.memory_space<vmem>>) dst(%dma_wait3A_150 : memref<136x16xf32, #tpu.memory_space<vmem_shared>>)
        tpu.yield
      }) : () -> ()
    }
    %scan3A_8 = arith.constant 46 : i32
    %barrier3A = arith.constant 0 : index
    tpu.barrier barrier_id(%barrier3A)
    %mul3A = arith.constant 16 : i32
    %mul3A_9 = arith.muli %arg0, %mul3A : i32
    %add3A = arith.addi %mul3A_9, %arg1 : i32
    %mul3A_10 = arith.constant 196 : i32
    %mul3A_11 = arith.muli %add3A, %mul3A_10 : i32
    %scan3A_12 = arith.constant 0 : i32
    %scan3A_13 = arith.constant 98 : i32
    %scan3A_14 = arith.addi %scan3A_12, %scan3A_13 : i32
    %scan3A_15 = arith.constant 1 : i32
    scf.for %scan3A_134 = %scan3A_12 to %scan3A_14 step %scan3A_15  : i32 {
      %mul3A_135 = arith.constant 1 : i32
      %mul3A_136 = arith.muli %scan3A_134, %mul3A_135 : i32
      %add3A_137 = arith.constant 0 : i32
      %add3A_138 = arith.addi %add3A_137, %mul3A_136 : i32
      %gt3A = arith.constant 0 : i32
      %gt3A_139 = arith.cmpi sgt, %add3A_138, %gt3A : i32
      %convert_element_type3A = arith.extui %gt3A_139 : i1 to i32
      %cond3A = arith.constant 0 : i32
      %cond3A_140 = arith.cmpi ne, %convert_element_type3A, %cond3A : i32
      scf.if %cond3A_140 {
        %dma_wait3A_496 = arith.constant 0 : i32
        %dma_wait3A_497 = arith.constant 0 : i32
        %dma_wait3A_498 = arith.constant 0 : i32
        %dma_wait3A_499 = arith.constant 0 : i32
        %dma_wait3A_500 = arith.constant 0 : i32
        %dma_wait3A_501 = arith.constant 0 : i32
        %dma_wait3A_502 = tpu.memref_slice %arg8[%dma_wait3A_496, %dma_wait3A_497, %dma_wait3A_500, %dma_wait3A_501] : memref<2x4x128x16xf32, #tpu.memory_space<vmem>> -> memref<1x1x128x16xf32, #tpu.memory_space<vmem>>
        %dma_wait3A_503 = tpu.memref_squeeze %dma_wait3A_502 : memref<1x1x128x16xf32, #tpu.memory_space<vmem>> -> memref<128x16xf32, #tpu.memory_space<vmem>>
        %dma_wait3A_504 = arith.constant 0 : i32
        %dma_wait3A_505 = tpu.memref_slice %arg7[%dma_wait3A_498, %dma_wait3A_499, %dma_wait3A_504] : memref<2x4x128xi32, #tpu.memory_space<vmem>> -> memref<1x1x128xi32, #tpu.memory_space<vmem>>
        %dma_wait3A_506 = tpu.memref_squeeze %dma_wait3A_505 : memref<1x1x128xi32, #tpu.memory_space<vmem>> -> memref<128xi32, #tpu.memory_space<vmem>>
        %dma_wait3A_507 = arith.constant 0 : i32
        %dma_wait3A_508 = arith.constant 0 : i32
        %dma_wait3A_509 = tpu.memref_slice %arg10[%dma_wait3A_507, %dma_wait3A_508] : memref<100096x16xf32, #tpu.memory_space<vmem_shared>> -> memref<100096x16xf32, #tpu.memory_space<vmem_shared>>
        tpu.wait_indirect_dma semaphore(%arg13 : memref<!tpu.dma_semaphore, #tpu.memory_space<semaphore_mem>>) src(%dma_wait3A_503 : memref<128x16xf32, #tpu.memory_space<vmem>>) dst(%dma_wait3A_509 : memref<100096x16xf32, #tpu.memory_space<vmem_shared>>)
        %dma_wait3A_510 = arith.constant 0 : i32
        %dma_wait3A_511 = arith.constant 1 : i32
        %dma_wait3A_512 = arith.constant 0 : i32
        %dma_wait3A_513 = arith.constant 1 : i32
        %dma_wait3A_514 = arith.constant 0 : i32
        %dma_wait3A_515 = arith.constant 0 : i32
        %dma_wait3A_516 = tpu.memref_slice %arg8[%dma_wait3A_510, %dma_wait3A_511, %dma_wait3A_514, %dma_wait3A_515] : memref<2x4x128x16xf32, #tpu.memory_space<vmem>> -> memref<1x1x128x16xf32, #tpu.memory_space<vmem>>
        %dma_wait3A_517 = tpu.memref_squeeze %dma_wait3A_516 : memref<1x1x128x16xf32, #tpu.memory_space<vmem>> -> memref<128x16xf32, #tpu.memory_space<vmem>>
        %dma_wait3A_518 = arith.constant 0 : i32
        %dma_wait3A_519 = tpu.memref_slice %arg7[%dma_wait3A_512, %dma_wait3A_513, %dma_wait3A_518] : memref<2x4x128xi32, #tpu.memory_space<vmem>> -> memref<1x1x128xi32, #tpu.memory_space<vmem>>
        %dma_wait3A_520 = tpu.memref_squeeze %dma_wait3A_519 : memref<1x1x128xi32, #tpu.memory_space<vmem>> -> memref<128xi32, #tpu.memory_space<vmem>>
        %dma_wait3A_521 = arith.constant 0 : i32
        %dma_wait3A_522 = arith.constant 0 : i32
        %dma_wait3A_523 = tpu.memref_slice %arg10[%dma_wait3A_521, %dma_wait3A_522] : memref<100096x16xf32, #tpu.memory_space<vmem_shared>> -> memref<100096x16xf32, #tpu.memory_space<vmem_shared>>
        tpu.wait_indirect_dma semaphore(%arg13 : memref<!tpu.dma_semaphore, #tpu.memory_space<semaphore_mem>>) src(%dma_wait3A_517 : memref<128x16xf32, #tpu.memory_space<vmem>>) dst(%dma_wait3A_523 : memref<100096x16xf32, #tpu.memory_space<vmem_shared>>)
        %dma_wait3A_524 = arith.constant 0 : i32
        %dma_wait3A_525 = arith.constant 2 : i32
        %dma_wait3A_526 = arith.constant 0 : i32
        %dma_wait3A_527 = arith.constant 2 : i32
        %dma_wait3A_528 = arith.constant 0 : i32
        %dma_wait3A_529 = arith.constant 0 : i32
        %dma_wait3A_530 = tpu.memref_slice %arg8[%dma_wait3A_524, %dma_wait3A_525, %dma_wait3A_528, %dma_wait3A_529] : memref<2x4x128x16xf32, #tpu.memory_space<vmem>> -> memref<1x1x128x16xf32, #tpu.memory_space<vmem>>
        %dma_wait3A_531 = tpu.memref_squeeze %dma_wait3A_530 : memref<1x1x128x16xf32, #tpu.memory_space<vmem>> -> memref<128x16xf32, #tpu.memory_space<vmem>>
        %dma_wait3A_532 = arith.constant 0 : i32
        %dma_wait3A_533 = tpu.memref_slice %arg7[%dma_wait3A_526, %dma_wait3A_527, %dma_wait3A_532] : memref<2x4x128xi32, #tpu.memory_space<vmem>> -> memref<1x1x128xi32, #tpu.memory_space<vmem>>
        %dma_wait3A_534 = tpu.memref_squeeze %dma_wait3A_533 : memref<1x1x128xi32, #tpu.memory_space<vmem>> -> memref<128xi32, #tpu.memory_space<vmem>>
        %dma_wait3A_535 = arith.constant 0 : i32
        %dma_wait3A_536 = arith.constant 0 : i32
        %dma_wait3A_537 = tpu.memref_slice %arg10[%dma_wait3A_535, %dma_wait3A_536] : memref<100096x16xf32, #tpu.memory_space<vmem_shared>> -> memref<100096x16xf32, #tpu.memory_space<vmem_shared>>
        tpu.wait_indirect_dma semaphore(%arg13 : memref<!tpu.dma_semaphore, #tpu.memory_space<semaphore_mem>>) src(%dma_wait3A_531 : memref<128x16xf32, #tpu.memory_space<vmem>>) dst(%dma_wait3A_537 : memref<100096x16xf32, #tpu.memory_space<vmem_shared>>)
        %dma_wait3A_538 = arith.constant 0 : i32
        %dma_wait3A_539 = arith.constant 3 : i32
        %dma_wait3A_540 = arith.constant 0 : i32
        %dma_wait3A_541 = arith.constant 3 : i32
        %dma_wait3A_542 = arith.constant 0 : i32
        %dma_wait3A_543 = arith.constant 0 : i32
        %dma_wait3A_544 = tpu.memref_slice %arg8[%dma_wait3A_538, %dma_wait3A_539, %dma_wait3A_542, %dma_wait3A_543] : memref<2x4x128x16xf32, #tpu.memory_space<vmem>> -> memref<1x1x128x16xf32, #tpu.memory_space<vmem>>
        %dma_wait3A_545 = tpu.memref_squeeze %dma_wait3A_544 : memref<1x1x128x16xf32, #tpu.memory_space<vmem>> -> memref<128x16xf32, #tpu.memory_space<vmem>>
        %dma_wait3A_546 = arith.constant 0 : i32
        %dma_wait3A_547 = tpu.memref_slice %arg7[%dma_wait3A_540, %dma_wait3A_541, %dma_wait3A_546] : memref<2x4x128xi32, #tpu.memory_space<vmem>> -> memref<1x1x128xi32, #tpu.memory_space<vmem>>
        %dma_wait3A_548 = tpu.memref_squeeze %dma_wait3A_547 : memref<1x1x128xi32, #tpu.memory_space<vmem>> -> memref<128xi32, #tpu.memory_space<vmem>>
        %dma_wait3A_549 = arith.constant 0 : i32
        %dma_wait3A_550 = arith.constant 0 : i32
        %dma_wait3A_551 = tpu.memref_slice %arg10[%dma_wait3A_549, %dma_wait3A_550] : memref<100096x16xf32, #tpu.memory_space<vmem_shared>> -> memref<100096x16xf32, #tpu.memory_space<vmem_shared>>
        tpu.wait_indirect_dma semaphore(%arg13 : memref<!tpu.dma_semaphore, #tpu.memory_space<semaphore_mem>>) src(%dma_wait3A_545 : memref<128x16xf32, #tpu.memory_space<vmem>>) dst(%dma_wait3A_551 : memref<100096x16xf32, #tpu.memory_space<vmem_shared>>)
      } else {
      }
      %mul3A_141 = arith.constant 2 : i32
      %mul3A_142 = arith.muli %mul3A_141, %add3A_138 : i32
      %add3A_143 = arith.addi %mul3A_11, %mul3A_142 : i32
      %run_scoped3A = arith.constant 0 : i32
      %run_scoped3A_144 = arith.constant 0 : i32
      "tpu.region"() ({
        %run_scoped3A_496 = tpu.sem_alloc : memref<!tpu.dma_semaphore, #tpu.memory_space<semaphore_mem>>
        %dma_start3A_497 = arith.constant 0 : i32
        %dma_start3A_498 = arith.constant 0 : i32
        %dma_start3A_499 = tpu.memref_slice %arg6[%run_scoped3A_144, %dma_start3A_497, %dma_start3A_498] : memref<2x4x128xi32, #tpu.memory_space<vmem>> -> memref<1x4x128xi32, #tpu.memory_space<vmem>>
        %dma_start3A_500 = tpu.memref_squeeze %dma_start3A_499 : memref<1x4x128xi32, #tpu.memory_space<vmem>> -> memref<4x128xi32, #tpu.memory_space<vmem>>
        %dma_start3A_501 = arith.constant 0 : i32
        %dma_start3A_502 = arith.constant 0 : i32
        %dma_start3A_503 = tpu.memref_slice %arg3[%run_scoped3A, %add3A_143, %dma_start3A_501, %dma_start3A_502] : memref<2x6272x4x128xi32, #tpu.memory_space<hbm>> -> memref<1x1x4x128xi32, #tpu.memory_space<hbm>>
        %dma_start3A_504 = tpu.memref_squeeze %dma_start3A_503 : memref<1x1x4x128xi32, #tpu.memory_space<hbm>> -> memref<4x128xi32, #tpu.memory_space<hbm>>
        %dma_start3A_505 = arith.constant 0 : i32
        %dma_start3A_506 = arith.constant 0 : i32
        %dma_start3A_507 = tpu.memref_slice %arg6[%run_scoped3A_144, %dma_start3A_505, %dma_start3A_506] : memref<2x4x128xi32, #tpu.memory_space<vmem>> -> memref<1x4x128xi32, #tpu.memory_space<vmem>>
        %dma_start3A_508 = tpu.memref_squeeze %dma_start3A_507 : memref<1x4x128xi32, #tpu.memory_space<vmem>> -> memref<4x128xi32, #tpu.memory_space<vmem>>
        %dma_start3A_509 = arith.constant 0 : i32
        %dma_start3A_510 = arith.constant 0 : i32
        %dma_start3A_511 = tpu.memref_slice %arg3[%run_scoped3A, %add3A_143, %dma_start3A_509, %dma_start3A_510] : memref<2x6272x4x128xi32, #tpu.memory_space<hbm>> -> memref<1x1x4x128xi32, #tpu.memory_space<hbm>>
        %dma_start3A_512 = tpu.memref_squeeze %dma_start3A_511 : memref<1x1x4x128xi32, #tpu.memory_space<hbm>> -> memref<4x128xi32, #tpu.memory_space<hbm>>
        tpu.enqueue_dma source(%dma_start3A_512 : memref<4x128xi32, #tpu.memory_space<hbm>>) target(%dma_start3A_508 : memref<4x128xi32, #tpu.memory_space<vmem>>) target_semaphore(%run_scoped3A_496 : memref<!tpu.dma_semaphore, #tpu.memory_space<semaphore_mem>>)
        %dma_wait3A_513 = arith.constant 0 : i32
        %dma_wait3A_514 = arith.constant 0 : i32
        %dma_wait3A_515 = tpu.memref_slice %arg6[%run_scoped3A_144, %dma_wait3A_513, %dma_wait3A_514] : memref<2x4x128xi32, #tpu.memory_space<vmem>> -> memref<1x4x128xi32, #tpu.memory_space<vmem>>
        %dma_wait3A_516 = tpu.memref_squeeze %dma_wait3A_515 : memref<1x4x128xi32, #tpu.memory_space<vmem>> -> memref<4x128xi32, #tpu.memory_space<vmem>>
        %dma_wait3A_517 = arith.constant 0 : i32
        %dma_wait3A_518 = arith.constant 0 : i32
        %dma_wait3A_519 = tpu.memref_slice %arg3[%run_scoped3A, %add3A_143, %dma_wait3A_517, %dma_wait3A_518] : memref<2x6272x4x128xi32, #tpu.memory_space<hbm>> -> memref<1x1x4x128xi32, #tpu.memory_space<hbm>>
        %dma_wait3A_520 = tpu.memref_squeeze %dma_wait3A_519 : memref<1x1x4x128xi32, #tpu.memory_space<hbm>> -> memref<4x128xi32, #tpu.memory_space<hbm>>
        %dma_wait3A_521 = arith.constant 0 : i32
        %dma_wait3A_522 = arith.constant 0 : i32
        %dma_wait3A_523 = tpu.memref_slice %arg6[%run_scoped3A_144, %dma_wait3A_521, %dma_wait3A_522] : memref<2x4x128xi32, #tpu.memory_space<vmem>> -> memref<1x4x128xi32, #tpu.memory_space<vmem>>
        %dma_wait3A_524 = tpu.memref_squeeze %dma_wait3A_523 : memref<1x4x128xi32, #tpu.memory_space<vmem>> -> memref<4x128xi32, #tpu.memory_space<vmem>>
        %dma_wait3A_525 = arith.constant 0 : i32
        %dma_wait3A_526 = arith.constant 0 : i32
        %dma_wait3A_527 = tpu.memref_slice %arg3[%run_scoped3A, %add3A_143, %dma_wait3A_525, %dma_wait3A_526] : memref<2x6272x4x128xi32, #tpu.memory_space<hbm>> -> memref<1x1x4x128xi32, #tpu.memory_space<hbm>>
        %dma_wait3A_528 = tpu.memref_squeeze %dma_wait3A_527 : memref<1x1x4x128xi32, #tpu.memory_space<hbm>> -> memref<4x128xi32, #tpu.memory_space<hbm>>
        tpu.wait_dma2 semaphore(%run_scoped3A_496 : memref<!tpu.dma_semaphore, #tpu.memory_space<semaphore_mem>>) src(%dma_wait3A_528 : memref<4x128xi32, #tpu.memory_space<hbm>>) dst(%dma_wait3A_524 : memref<4x128xi32, #tpu.memory_space<vmem>>)
        tpu.yield
      }) : () -> ()
      %add3A_145 = arith.addi %mul3A_11, %mul3A_142 : i32
      %run_scoped3A_146 = arith.constant 0 : i32
      "tpu.region"() ({
        %run_scoped3A_496 = tpu.sem_alloc : memref<!tpu.dma_semaphore, #tpu.memory_space<semaphore_mem>>
        %dma_start3A_497 = arith.constant 0 : i32
        %dma_start3A_498 = arith.constant 0 : i32
        %dma_start3A_499 = tpu.memref_slice %arg7[%run_scoped3A_146, %dma_start3A_497, %dma_start3A_498] : memref<2x4x128xi32, #tpu.memory_space<vmem>> -> memref<1x4x128xi32, #tpu.memory_space<vmem>>
        %dma_start3A_500 = tpu.memref_squeeze %dma_start3A_499 : memref<1x4x128xi32, #tpu.memory_space<vmem>> -> memref<4x128xi32, #tpu.memory_space<vmem>>
        %dma_start3A_501 = arith.constant 0 : i32
        %dma_start3A_502 = arith.constant 0 : i32
        %dma_start3A_503 = tpu.memref_slice %arg4[%add3A_145, %dma_start3A_501, %dma_start3A_502] : memref<6272x4x128xi32, #tpu.memory_space<hbm>> -> memref<1x4x128xi32, #tpu.memory_space<hbm>>
        %dma_start3A_504 = tpu.memref_squeeze %dma_start3A_503 : memref<1x4x128xi32, #tpu.memory_space<hbm>> -> memref<4x128xi32, #tpu.memory_space<hbm>>
        %dma_start3A_505 = arith.constant 0 : i32
        %dma_start3A_506 = arith.constant 0 : i32
        %dma_start3A_507 = tpu.memref_slice %arg7[%run_scoped3A_146, %dma_start3A_505, %dma_start3A_506] : memref<2x4x128xi32, #tpu.memory_space<vmem>> -> memref<1x4x128xi32, #tpu.memory_space<vmem>>
        %dma_start3A_508 = tpu.memref_squeeze %dma_start3A_507 : memref<1x4x128xi32, #tpu.memory_space<vmem>> -> memref<4x128xi32, #tpu.memory_space<vmem>>
        %dma_start3A_509 = arith.constant 0 : i32
        %dma_start3A_510 = arith.constant 0 : i32
        %dma_start3A_511 = tpu.memref_slice %arg4[%add3A_145, %dma_start3A_509, %dma_start3A_510] : memref<6272x4x128xi32, #tpu.memory_space<hbm>> -> memref<1x4x128xi32, #tpu.memory_space<hbm>>
        %dma_start3A_512 = tpu.memref_squeeze %dma_start3A_511 : memref<1x4x128xi32, #tpu.memory_space<hbm>> -> memref<4x128xi32, #tpu.memory_space<hbm>>
        tpu.enqueue_dma source(%dma_start3A_512 : memref<4x128xi32, #tpu.memory_space<hbm>>) target(%dma_start3A_508 : memref<4x128xi32, #tpu.memory_space<vmem>>) target_semaphore(%run_scoped3A_496 : memref<!tpu.dma_semaphore, #tpu.memory_space<semaphore_mem>>)
        %dma_wait3A_513 = arith.constant 0 : i32
        %dma_wait3A_514 = arith.constant 0 : i32
        %dma_wait3A_515 = tpu.memref_slice %arg7[%run_scoped3A_146, %dma_wait3A_513, %dma_wait3A_514] : memref<2x4x128xi32, #tpu.memory_space<vmem>> -> memref<1x4x128xi32, #tpu.memory_space<vmem>>
        %dma_wait3A_516 = tpu.memref_squeeze %dma_wait3A_515 : memref<1x4x128xi32, #tpu.memory_space<vmem>> -> memref<4x128xi32, #tpu.memory_space<vmem>>
        %dma_wait3A_517 = arith.constant 0 : i32
        %dma_wait3A_518 = arith.constant 0 : i32
        %dma_wait3A_519 = tpu.memref_slice %arg4[%add3A_145, %dma_wait3A_517, %dma_wait3A_518] : memref<6272x4x128xi32, #tpu.memory_space<hbm>> -> memref<1x4x128xi32, #tpu.memory_space<hbm>>
        %dma_wait3A_520 = tpu.memref_squeeze %dma_wait3A_519 : memref<1x4x128xi32, #tpu.memory_space<hbm>> -> memref<4x128xi32, #tpu.memory_space<hbm>>
        %dma_wait3A_521 = arith.constant 0 : i32
        %dma_wait3A_522 = arith.constant 0 : i32
        %dma_wait3A_523 = tpu.memref_slice %arg7[%run_scoped3A_146, %dma_wait3A_521, %dma_wait3A_522] : memref<2x4x128xi32, #tpu.memory_space<vmem>> -> memref<1x4x128xi32, #tpu.memory_space<vmem>>
        %dma_wait3A_524 = tpu.memref_squeeze %dma_wait3A_523 : memref<1x4x128xi32, #tpu.memory_space<vmem>> -> memref<4x128xi32, #tpu.memory_space<vmem>>
        %dma_wait3A_525 = arith.constant 0 : i32
        %dma_wait3A_526 = arith.constant 0 : i32
        %dma_wait3A_527 = tpu.memref_slice %arg4[%add3A_145, %dma_wait3A_525, %dma_wait3A_526] : memref<6272x4x128xi32, #tpu.memory_space<hbm>> -> memref<1x4x128xi32, #tpu.memory_space<hbm>>
        %dma_wait3A_528 = tpu.memref_squeeze %dma_wait3A_527 : memref<1x4x128xi32, #tpu.memory_space<hbm>> -> memref<4x128xi32, #tpu.memory_space<hbm>>
        tpu.wait_dma2 semaphore(%run_scoped3A_496 : memref<!tpu.dma_semaphore, #tpu.memory_space<semaphore_mem>>) src(%dma_wait3A_528 : memref<4x128xi32, #tpu.memory_space<hbm>>) dst(%dma_wait3A_524 : memref<4x128xi32, #tpu.memory_space<vmem>>)
        tpu.yield
      }) : () -> ()
      %dma_start3A = arith.constant 0 : i32
      %dma_start3A_147 = arith.constant 0 : i32
      %dma_start3A_148 = arith.constant 0 : i32
      %dma_start3A_149 = arith.constant 0 : i32
      %dma_start3A_150 = arith.constant 0 : i32
      %dma_start3A_151 = arith.constant 0 : i32
      %dma_start3A_152 = tpu.memref_slice %arg8[%dma_start3A_148, %dma_start3A_149, %dma_start3A_150, %dma_start3A_151] : memref<2x4x128x16xf32, #tpu.memory_space<vmem>> -> memref<1x1x128x16xf32, #tpu.memory_space<vmem>>
      %dma_start3A_153 = tpu.memref_squeeze %dma_start3A_152 : memref<1x1x128x16xf32, #tpu.memory_space<vmem>> -> memref<128x16xf32, #tpu.memory_space<vmem>>
      %dma_start3A_154 = arith.constant 0 : i32
      %dma_start3A_155 = tpu.memref_slice %arg6[%dma_start3A, %dma_start3A_147, %dma_start3A_154] : memref<2x4x128xi32, #tpu.memory_space<vmem>> -> memref<1x1x128xi32, #tpu.memory_space<vmem>>
      %dma_start3A_156 = tpu.memref_squeeze %dma_start3A_155 : memref<1x1x128xi32, #tpu.memory_space<vmem>> -> memref<128xi32, #tpu.memory_space<vmem>>
      %dma_start3A_157 = arith.constant 0 : i32
      %dma_start3A_158 = arith.constant 0 : i32
      %dma_start3A_159 = tpu.memref_slice %arg2[%dma_start3A_157, %dma_start3A_158] : memref<100096x16xf32, #tpu.memory_space<hbm>> -> memref<100096x16xf32, #tpu.memory_space<hbm>>
      tpu.enqueue_indirect_dma source(%dma_start3A_159 : memref<100096x16xf32, #tpu.memory_space<hbm>>) target(%dma_start3A_153 : memref<128x16xf32, #tpu.memory_space<vmem>>) offsets(%dma_start3A_156 : memref<128xi32, #tpu.memory_space<vmem>>) semaphore(%arg11 : memref<!tpu.dma_semaphore, #tpu.memory_space<semaphore_mem>>)
      %dma_start3A_160 = arith.constant 0 : i32
      %dma_start3A_161 = arith.constant 1 : i32
      %dma_start3A_162 = arith.constant 0 : i32
      %dma_start3A_163 = arith.constant 1 : i32
      %dma_start3A_164 = arith.constant 0 : i32
      %dma_start3A_165 = arith.constant 0 : i32
      %dma_start3A_166 = tpu.memref_slice %arg8[%dma_start3A_162, %dma_start3A_163, %dma_start3A_164, %dma_start3A_165] : memref<2x4x128x16xf32, #tpu.memory_space<vmem>> -> memref<1x1x128x16xf32, #tpu.memory_space<vmem>>
      %dma_start3A_167 = tpu.memref_squeeze %dma_start3A_166 : memref<1x1x128x16xf32, #tpu.memory_space<vmem>> -> memref<128x16xf32, #tpu.memory_space<vmem>>
      %dma_start3A_168 = arith.constant 0 : i32
      %dma_start3A_169 = tpu.memref_slice %arg6[%dma_start3A_160, %dma_start3A_161, %dma_start3A_168] : memref<2x4x128xi32, #tpu.memory_space<vmem>> -> memref<1x1x128xi32, #tpu.memory_space<vmem>>
      %dma_start3A_170 = tpu.memref_squeeze %dma_start3A_169 : memref<1x1x128xi32, #tpu.memory_space<vmem>> -> memref<128xi32, #tpu.memory_space<vmem>>
      %dma_start3A_171 = arith.constant 0 : i32
      %dma_start3A_172 = arith.constant 0 : i32
      %dma_start3A_173 = tpu.memref_slice %arg2[%dma_start3A_171, %dma_start3A_172] : memref<100096x16xf32, #tpu.memory_space<hbm>> -> memref<100096x16xf32, #tpu.memory_space<hbm>>
      tpu.enqueue_indirect_dma source(%dma_start3A_173 : memref<100096x16xf32, #tpu.memory_space<hbm>>) target(%dma_start3A_167 : memref<128x16xf32, #tpu.memory_space<vmem>>) offsets(%dma_start3A_170 : memref<128xi32, #tpu.memory_space<vmem>>) semaphore(%arg11 : memref<!tpu.dma_semaphore, #tpu.memory_space<semaphore_mem>>)
      %dma_start3A_174 = arith.constant 0 : i32
      %dma_start3A_175 = arith.constant 2 : i32
      %dma_start3A_176 = arith.constant 0 : i32
      %dma_start3A_177 = arith.constant 2 : i32
      %dma_start3A_178 = arith.constant 0 : i32
      %dma_start3A_179 = arith.constant 0 : i32
      %dma_start3A_180 = tpu.memref_slice %arg8[%dma_start3A_176, %dma_start3A_177, %dma_start3A_178, %dma_start3A_179] : memref<2x4x128x16xf32, #tpu.memory_space<vmem>> -> memref<1x1x128x16xf32, #tpu.memory_space<vmem>>
      %dma_start3A_181 = tpu.memref_squeeze %dma_start3A_180 : memref<1x1x128x16xf32, #tpu.memory_space<vmem>> -> memref<128x16xf32, #tpu.memory_space<vmem>>
      %dma_start3A_182 = arith.constant 0 : i32
      %dma_start3A_183 = tpu.memref_slice %arg6[%dma_start3A_174, %dma_start3A_175, %dma_start3A_182] : memref<2x4x128xi32, #tpu.memory_space<vmem>> -> memref<1x1x128xi32, #tpu.memory_space<vmem>>
      %dma_start3A_184 = tpu.memref_squeeze %dma_start3A_183 : memref<1x1x128xi32, #tpu.memory_space<vmem>> -> memref<128xi32, #tpu.memory_space<vmem>>
      %dma_start3A_185 = arith.constant 0 : i32
      %dma_start3A_186 = arith.constant 0 : i32
      %dma_start3A_187 = tpu.memref_slice %arg2[%dma_start3A_185, %dma_start3A_186] : memref<100096x16xf32, #tpu.memory_space<hbm>> -> memref<100096x16xf32, #tpu.memory_space<hbm>>
      tpu.enqueue_indirect_dma source(%dma_start3A_187 : memref<100096x16xf32, #tpu.memory_space<hbm>>) target(%dma_start3A_181 : memref<128x16xf32, #tpu.memory_space<vmem>>) offsets(%dma_start3A_184 : memref<128xi32, #tpu.memory_space<vmem>>) semaphore(%arg11 : memref<!tpu.dma_semaphore, #tpu.memory_space<semaphore_mem>>)
      %dma_start3A_188 = arith.constant 0 : i32
      %dma_start3A_189 = arith.constant 3 : i32
      %dma_start3A_190 = arith.constant 0 : i32
      %dma_start3A_191 = arith.constant 3 : i32
      %dma_start3A_192 = arith.constant 0 : i32
      %dma_start3A_193 = arith.constant 0 : i32
      %dma_start3A_194 = tpu.memref_slice %arg8[%dma_start3A_190, %dma_start3A_191, %dma_start3A_192, %dma_start3A_193] : memref<2x4x128x16xf32, #tpu.memory_space<vmem>> -> memref<1x1x128x16xf32, #tpu.memory_space<vmem>>
      %dma_start3A_195 = tpu.memref_squeeze %dma_start3A_194 : memref<1x1x128x16xf32, #tpu.memory_space<vmem>> -> memref<128x16xf32, #tpu.memory_space<vmem>>
      %dma_start3A_196 = arith.constant 0 : i32
      %dma_start3A_197 = tpu.memref_slice %arg6[%dma_start3A_188, %dma_start3A_189, %dma_start3A_196] : memref<2x4x128xi32, #tpu.memory_space<vmem>> -> memref<1x1x128xi32, #tpu.memory_space<vmem>>
      %dma_start3A_198 = tpu.memref_squeeze %dma_start3A_197 : memref<1x1x128xi32, #tpu.memory_space<vmem>> -> memref<128xi32, #tpu.memory_space<vmem>>
      %dma_start3A_199 = arith.constant 0 : i32
      %dma_start3A_200 = arith.constant 0 : i32
      %dma_start3A_201 = tpu.memref_slice %arg2[%dma_start3A_199, %dma_start3A_200] : memref<100096x16xf32, #tpu.memory_space<hbm>> -> memref<100096x16xf32, #tpu.memory_space<hbm>>
      tpu.enqueue_indirect_dma source(%dma_start3A_201 : memref<100096x16xf32, #tpu.memory_space<hbm>>) target(%dma_start3A_195 : memref<128x16xf32, #tpu.memory_space<vmem>>) offsets(%dma_start3A_198 : memref<128xi32, #tpu.memory_space<vmem>>) semaphore(%arg11 : memref<!tpu.dma_semaphore, #tpu.memory_space<semaphore_mem>>)
      %gt3A_202 = arith.constant 0 : i32
      %gt3A_203 = arith.cmpi sgt, %add3A_138, %gt3A_202 : i32
      %convert_element_type3A_204 = arith.extui %gt3A_203 : i1 to i32
      %cond3A_205 = arith.constant 0 : i32
      %cond3A_206 = arith.cmpi ne, %convert_element_type3A_204, %cond3A_205 : i32
      scf.if %cond3A_206 {
        %dma_wait3A_496 = arith.constant 1 : i32
        %dma_wait3A_497 = arith.constant 0 : i32
        %dma_wait3A_498 = arith.constant 1 : i32
        %dma_wait3A_499 = arith.constant 0 : i32
        %dma_wait3A_500 = arith.constant 0 : i32
        %dma_wait3A_501 = arith.constant 0 : i32
        %dma_wait3A_502 = tpu.memref_slice %arg8[%dma_wait3A_496, %dma_wait3A_497, %dma_wait3A_500, %dma_wait3A_501] : memref<2x4x128x16xf32, #tpu.memory_space<vmem>> -> memref<1x1x128x16xf32, #tpu.memory_space<vmem>>
        %dma_wait3A_503 = tpu.memref_squeeze %dma_wait3A_502 : memref<1x1x128x16xf32, #tpu.memory_space<vmem>> -> memref<128x16xf32, #tpu.memory_space<vmem>>
        %dma_wait3A_504 = arith.constant 0 : i32
        %dma_wait3A_505 = tpu.memref_slice %arg7[%dma_wait3A_498, %dma_wait3A_499, %dma_wait3A_504] : memref<2x4x128xi32, #tpu.memory_space<vmem>> -> memref<1x1x128xi32, #tpu.memory_space<vmem>>
        %dma_wait3A_506 = tpu.memref_squeeze %dma_wait3A_505 : memref<1x1x128xi32, #tpu.memory_space<vmem>> -> memref<128xi32, #tpu.memory_space<vmem>>
        %dma_wait3A_507 = arith.constant 0 : i32
        %dma_wait3A_508 = arith.constant 0 : i32
        %dma_wait3A_509 = tpu.memref_slice %arg10[%dma_wait3A_507, %dma_wait3A_508] : memref<100096x16xf32, #tpu.memory_space<vmem_shared>> -> memref<100096x16xf32, #tpu.memory_space<vmem_shared>>
        tpu.wait_indirect_dma semaphore(%arg14 : memref<!tpu.dma_semaphore, #tpu.memory_space<semaphore_mem>>) src(%dma_wait3A_503 : memref<128x16xf32, #tpu.memory_space<vmem>>) dst(%dma_wait3A_509 : memref<100096x16xf32, #tpu.memory_space<vmem_shared>>)
        %dma_wait3A_510 = arith.constant 1 : i32
        %dma_wait3A_511 = arith.constant 1 : i32
        %dma_wait3A_512 = arith.constant 1 : i32
        %dma_wait3A_513 = arith.constant 1 : i32
        %dma_wait3A_514 = arith.constant 0 : i32
        %dma_wait3A_515 = arith.constant 0 : i32
        %dma_wait3A_516 = tpu.memref_slice %arg8[%dma_wait3A_510, %dma_wait3A_511, %dma_wait3A_514, %dma_wait3A_515] : memref<2x4x128x16xf32, #tpu.memory_space<vmem>> -> memref<1x1x128x16xf32, #tpu.memory_space<vmem>>
        %dma_wait3A_517 = tpu.memref_squeeze %dma_wait3A_516 : memref<1x1x128x16xf32, #tpu.memory_space<vmem>> -> memref<128x16xf32, #tpu.memory_space<vmem>>
        %dma_wait3A_518 = arith.constant 0 : i32
        %dma_wait3A_519 = tpu.memref_slice %arg7[%dma_wait3A_512, %dma_wait3A_513, %dma_wait3A_518] : memref<2x4x128xi32, #tpu.memory_space<vmem>> -> memref<1x1x128xi32, #tpu.memory_space<vmem>>
        %dma_wait3A_520 = tpu.memref_squeeze %dma_wait3A_519 : memref<1x1x128xi32, #tpu.memory_space<vmem>> -> memref<128xi32, #tpu.memory_space<vmem>>
        %dma_wait3A_521 = arith.constant 0 : i32
        %dma_wait3A_522 = arith.constant 0 : i32
        %dma_wait3A_523 = tpu.memref_slice %arg10[%dma_wait3A_521, %dma_wait3A_522] : memref<100096x16xf32, #tpu.memory_space<vmem_shared>> -> memref<100096x16xf32, #tpu.memory_space<vmem_shared>>
        tpu.wait_indirect_dma semaphore(%arg14 : memref<!tpu.dma_semaphore, #tpu.memory_space<semaphore_mem>>) src(%dma_wait3A_517 : memref<128x16xf32, #tpu.memory_space<vmem>>) dst(%dma_wait3A_523 : memref<100096x16xf32, #tpu.memory_space<vmem_shared>>)
        %dma_wait3A_524 = arith.constant 1 : i32
        %dma_wait3A_525 = arith.constant 2 : i32
        %dma_wait3A_526 = arith.constant 1 : i32
        %dma_wait3A_527 = arith.constant 2 : i32
        %dma_wait3A_528 = arith.constant 0 : i32
        %dma_wait3A_529 = arith.constant 0 : i32
        %dma_wait3A_530 = tpu.memref_slice %arg8[%dma_wait3A_524, %dma_wait3A_525, %dma_wait3A_528, %dma_wait3A_529] : memref<2x4x128x16xf32, #tpu.memory_space<vmem>> -> memref<1x1x128x16xf32, #tpu.memory_space<vmem>>
        %dma_wait3A_531 = tpu.memref_squeeze %dma_wait3A_530 : memref<1x1x128x16xf32, #tpu.memory_space<vmem>> -> memref<128x16xf32, #tpu.memory_space<vmem>>
        %dma_wait3A_532 = arith.constant 0 : i32
        %dma_wait3A_533 = tpu.memref_slice %arg7[%dma_wait3A_526, %dma_wait3A_527, %dma_wait3A_532] : memref<2x4x128xi32, #tpu.memory_space<vmem>> -> memref<1x1x128xi32, #tpu.memory_space<vmem>>
        %dma_wait3A_534 = tpu.memref_squeeze %dma_wait3A_533 : memref<1x1x128xi32, #tpu.memory_space<vmem>> -> memref<128xi32, #tpu.memory_space<vmem>>
        %dma_wait3A_535 = arith.constant 0 : i32
        %dma_wait3A_536 = arith.constant 0 : i32
        %dma_wait3A_537 = tpu.memref_slice %arg10[%dma_wait3A_535, %dma_wait3A_536] : memref<100096x16xf32, #tpu.memory_space<vmem_shared>> -> memref<100096x16xf32, #tpu.memory_space<vmem_shared>>
        tpu.wait_indirect_dma semaphore(%arg14 : memref<!tpu.dma_semaphore, #tpu.memory_space<semaphore_mem>>) src(%dma_wait3A_531 : memref<128x16xf32, #tpu.memory_space<vmem>>) dst(%dma_wait3A_537 : memref<100096x16xf32, #tpu.memory_space<vmem_shared>>)
        %dma_wait3A_538 = arith.constant 1 : i32
        %dma_wait3A_539 = arith.constant 3 : i32
        %dma_wait3A_540 = arith.constant 1 : i32
        %dma_wait3A_541 = arith.constant 3 : i32
        %dma_wait3A_542 = arith.constant 0 : i32
        %dma_wait3A_543 = arith.constant 0 : i32
        %dma_wait3A_544 = tpu.memref_slice %arg8[%dma_wait3A_538, %dma_wait3A_539, %dma_wait3A_542, %dma_wait3A_543] : memref<2x4x128x16xf32, #tpu.memory_space<vmem>> -> memref<1x1x128x16xf32, #tpu.memory_space<vmem>>
        %dma_wait3A_545 = tpu.memref_squeeze %dma_wait3A_544 : memref<1x1x128x16xf32, #tpu.memory_space<vmem>> -> memref<128x16xf32, #tpu.memory_space<vmem>>
        %dma_wait3A_546 = arith.constant 0 : i32
        %dma_wait3A_547 = tpu.memref_slice %arg7[%dma_wait3A_540, %dma_wait3A_541, %dma_wait3A_546] : memref<2x4x128xi32, #tpu.memory_space<vmem>> -> memref<1x1x128xi32, #tpu.memory_space<vmem>>
        %dma_wait3A_548 = tpu.memref_squeeze %dma_wait3A_547 : memref<1x1x128xi32, #tpu.memory_space<vmem>> -> memref<128xi32, #tpu.memory_space<vmem>>
        %dma_wait3A_549 = arith.constant 0 : i32
        %dma_wait3A_550 = arith.constant 0 : i32
        %dma_wait3A_551 = tpu.memref_slice %arg10[%dma_wait3A_549, %dma_wait3A_550] : memref<100096x16xf32, #tpu.memory_space<vmem_shared>> -> memref<100096x16xf32, #tpu.memory_space<vmem_shared>>
        tpu.wait_indirect_dma semaphore(%arg14 : memref<!tpu.dma_semaphore, #tpu.memory_space<semaphore_mem>>) src(%dma_wait3A_545 : memref<128x16xf32, #tpu.memory_space<vmem>>) dst(%dma_wait3A_551 : memref<100096x16xf32, #tpu.memory_space<vmem_shared>>)
      } else {
      }
      %mul3A_207 = arith.constant 2 : i32
      %mul3A_208 = arith.muli %mul3A_207, %add3A_138 : i32
      %add3A_209 = arith.constant 1 : i32
      %add3A_210 = arith.addi %mul3A_208, %add3A_209 : i32
      %add3A_211 = arith.addi %mul3A_11, %add3A_210 : i32
      %run_scoped3A_212 = arith.constant 0 : i32
      %run_scoped3A_213 = arith.constant 1 : i32
      "tpu.region"() ({
        %run_scoped3A_496 = tpu.sem_alloc : memref<!tpu.dma_semaphore, #tpu.memory_space<semaphore_mem>>
        %dma_start3A_497 = arith.constant 0 : i32
        %dma_start3A_498 = arith.constant 0 : i32
        %dma_start3A_499 = tpu.memref_slice %arg6[%run_scoped3A_213, %dma_start3A_497, %dma_start3A_498] : memref<2x4x128xi32, #tpu.memory_space<vmem>> -> memref<1x4x128xi32, #tpu.memory_space<vmem>>
        %dma_start3A_500 = tpu.memref_squeeze %dma_start3A_499 : memref<1x4x128xi32, #tpu.memory_space<vmem>> -> memref<4x128xi32, #tpu.memory_space<vmem>>
        %dma_start3A_501 = arith.constant 0 : i32
        %dma_start3A_502 = arith.constant 0 : i32
        %dma_start3A_503 = tpu.memref_slice %arg3[%run_scoped3A_212, %add3A_211, %dma_start3A_501, %dma_start3A_502] : memref<2x6272x4x128xi32, #tpu.memory_space<hbm>> -> memref<1x1x4x128xi32, #tpu.memory_space<hbm>>
        %dma_start3A_504 = tpu.memref_squeeze %dma_start3A_503 : memref<1x1x4x128xi32, #tpu.memory_space<hbm>> -> memref<4x128xi32, #tpu.memory_space<hbm>>
        %dma_start3A_505 = arith.constant 0 : i32
        %dma_start3A_506 = arith.constant 0 : i32
        %dma_start3A_507 = tpu.memref_slice %arg6[%run_scoped3A_213, %dma_start3A_505, %dma_start3A_506] : memref<2x4x128xi32, #tpu.memory_space<vmem>> -> memref<1x4x128xi32, #tpu.memory_space<vmem>>
        %dma_start3A_508 = tpu.memref_squeeze %dma_start3A_507 : memref<1x4x128xi32, #tpu.memory_space<vmem>> -> memref<4x128xi32, #tpu.memory_space<vmem>>
        %dma_start3A_509 = arith.constant 0 : i32
        %dma_start3A_510 = arith.constant 0 : i32
        %dma_start3A_511 = tpu.memref_slice %arg3[%run_scoped3A_212, %add3A_211, %dma_start3A_509, %dma_start3A_510] : memref<2x6272x4x128xi32, #tpu.memory_space<hbm>> -> memref<1x1x4x128xi32, #tpu.memory_space<hbm>>
        %dma_start3A_512 = tpu.memref_squeeze %dma_start3A_511 : memref<1x1x4x128xi32, #tpu.memory_space<hbm>> -> memref<4x128xi32, #tpu.memory_space<hbm>>
        tpu.enqueue_dma source(%dma_start3A_512 : memref<4x128xi32, #tpu.memory_space<hbm>>) target(%dma_start3A_508 : memref<4x128xi32, #tpu.memory_space<vmem>>) target_semaphore(%run_scoped3A_496 : memref<!tpu.dma_semaphore, #tpu.memory_space<semaphore_mem>>)
        %dma_wait3A_513 = arith.constant 0 : i32
        %dma_wait3A_514 = arith.constant 0 : i32
        %dma_wait3A_515 = tpu.memref_slice %arg6[%run_scoped3A_213, %dma_wait3A_513, %dma_wait3A_514] : memref<2x4x128xi32, #tpu.memory_space<vmem>> -> memref<1x4x128xi32, #tpu.memory_space<vmem>>
        %dma_wait3A_516 = tpu.memref_squeeze %dma_wait3A_515 : memref<1x4x128xi32, #tpu.memory_space<vmem>> -> memref<4x128xi32, #tpu.memory_space<vmem>>
        %dma_wait3A_517 = arith.constant 0 : i32
        %dma_wait3A_518 = arith.constant 0 : i32
        %dma_wait3A_519 = tpu.memref_slice %arg3[%run_scoped3A_212, %add3A_211, %dma_wait3A_517, %dma_wait3A_518] : memref<2x6272x4x128xi32, #tpu.memory_space<hbm>> -> memref<1x1x4x128xi32, #tpu.memory_space<hbm>>
        %dma_wait3A_520 = tpu.memref_squeeze %dma_wait3A_519 : memref<1x1x4x128xi32, #tpu.memory_space<hbm>> -> memref<4x128xi32, #tpu.memory_space<hbm>>
        %dma_wait3A_521 = arith.constant 0 : i32
        %dma_wait3A_522 = arith.constant 0 : i32
        %dma_wait3A_523 = tpu.memref_slice %arg6[%run_scoped3A_213, %dma_wait3A_521, %dma_wait3A_522] : memref<2x4x128xi32, #tpu.memory_space<vmem>> -> memref<1x4x128xi32, #tpu.memory_space<vmem>>
        %dma_wait3A_524 = tpu.memref_squeeze %dma_wait3A_523 : memref<1x4x128xi32, #tpu.memory_space<vmem>> -> memref<4x128xi32, #tpu.memory_space<vmem>>
        %dma_wait3A_525 = arith.constant 0 : i32
        %dma_wait3A_526 = arith.constant 0 : i32
        %dma_wait3A_527 = tpu.memref_slice %arg3[%run_scoped3A_212, %add3A_211, %dma_wait3A_525, %dma_wait3A_526] : memref<2x6272x4x128xi32, #tpu.memory_space<hbm>> -> memref<1x1x4x128xi32, #tpu.memory_space<hbm>>
        %dma_wait3A_528 = tpu.memref_squeeze %dma_wait3A_527 : memref<1x1x4x128xi32, #tpu.memory_space<hbm>> -> memref<4x128xi32, #tpu.memory_space<hbm>>
        tpu.wait_dma2 semaphore(%run_scoped3A_496 : memref<!tpu.dma_semaphore, #tpu.memory_space<semaphore_mem>>) src(%dma_wait3A_528 : memref<4x128xi32, #tpu.memory_space<hbm>>) dst(%dma_wait3A_524 : memref<4x128xi32, #tpu.memory_space<vmem>>)
        tpu.yield
      }) : () -> ()
      %add3A_214 = arith.addi %mul3A_11, %add3A_210 : i32
      %run_scoped3A_215 = arith.constant 1 : i32
      "tpu.region"() ({
        %run_scoped3A_496 = tpu.sem_alloc : memref<!tpu.dma_semaphore, #tpu.memory_space<semaphore_mem>>
        %dma_start3A_497 = arith.constant 0 : i32
        %dma_start3A_498 = arith.constant 0 : i32
        %dma_start3A_499 = tpu.memref_slice %arg7[%run_scoped3A_215, %dma_start3A_497, %dma_start3A_498] : memref<2x4x128xi32, #tpu.memory_space<vmem>> -> memref<1x4x128xi32, #tpu.memory_space<vmem>>
        %dma_start3A_500 = tpu.memref_squeeze %dma_start3A_499 : memref<1x4x128xi32, #tpu.memory_space<vmem>> -> memref<4x128xi32, #tpu.memory_space<vmem>>
        %dma_start3A_501 = arith.constant 0 : i32
        %dma_start3A_502 = arith.constant 0 : i32
        %dma_start3A_503 = tpu.memref_slice %arg4[%add3A_214, %dma_start3A_501, %dma_start3A_502] : memref<6272x4x128xi32, #tpu.memory_space<hbm>> -> memref<1x4x128xi32, #tpu.memory_space<hbm>>
        %dma_start3A_504 = tpu.memref_squeeze %dma_start3A_503 : memref<1x4x128xi32, #tpu.memory_space<hbm>> -> memref<4x128xi32, #tpu.memory_space<hbm>>
        %dma_start3A_505 = arith.constant 0 : i32
        %dma_start3A_506 = arith.constant 0 : i32
        %dma_start3A_507 = tpu.memref_slice %arg7[%run_scoped3A_215, %dma_start3A_505, %dma_start3A_506] : memref<2x4x128xi32, #tpu.memory_space<vmem>> -> memref<1x4x128xi32, #tpu.memory_space<vmem>>
        %dma_start3A_508 = tpu.memref_squeeze %dma_start3A_507 : memref<1x4x128xi32, #tpu.memory_space<vmem>> -> memref<4x128xi32, #tpu.memory_space<vmem>>
        %dma_start3A_509 = arith.constant 0 : i32
        %dma_start3A_510 = arith.constant 0 : i32
        %dma_start3A_511 = tpu.memref_slice %arg4[%add3A_214, %dma_start3A_509, %dma_start3A_510] : memref<6272x4x128xi32, #tpu.memory_space<hbm>> -> memref<1x4x128xi32, #tpu.memory_space<hbm>>
        %dma_start3A_512 = tpu.memref_squeeze %dma_start3A_511 : memref<1x4x128xi32, #tpu.memory_space<hbm>> -> memref<4x128xi32, #tpu.memory_space<hbm>>
        tpu.enqueue_dma source(%dma_start3A_512 : memref<4x128xi32, #tpu.memory_space<hbm>>) target(%dma_start3A_508 : memref<4x128xi32, #tpu.memory_space<vmem>>) target_semaphore(%run_scoped3A_496 : memref<!tpu.dma_semaphore, #tpu.memory_space<semaphore_mem>>)
        %dma_wait3A_513 = arith.constant 0 : i32
        %dma_wait3A_514 = arith.constant 0 : i32
        %dma_wait3A_515 = tpu.memref_slice %arg7[%run_scoped3A_215, %dma_wait3A_513, %dma_wait3A_514] : memref<2x4x128xi32, #tpu.memory_space<vmem>> -> memref<1x4x128xi32, #tpu.memory_space<vmem>>
        %dma_wait3A_516 = tpu.memref_squeeze %dma_wait3A_515 : memref<1x4x128xi32, #tpu.memory_space<vmem>> -> memref<4x128xi32, #tpu.memory_space<vmem>>
        %dma_wait3A_517 = arith.constant 0 : i32
        %dma_wait3A_518 = arith.constant 0 : i32
        %dma_wait3A_519 = tpu.memref_slice %arg4[%add3A_214, %dma_wait3A_517, %dma_wait3A_518] : memref<6272x4x128xi32, #tpu.memory_space<hbm>> -> memref<1x4x128xi32, #tpu.memory_space<hbm>>
        %dma_wait3A_520 = tpu.memref_squeeze %dma_wait3A_519 : memref<1x4x128xi32, #tpu.memory_space<hbm>> -> memref<4x128xi32, #tpu.memory_space<hbm>>
        %dma_wait3A_521 = arith.constant 0 : i32
        %dma_wait3A_522 = arith.constant 0 : i32
        %dma_wait3A_523 = tpu.memref_slice %arg7[%run_scoped3A_215, %dma_wait3A_521, %dma_wait3A_522] : memref<2x4x128xi32, #tpu.memory_space<vmem>> -> memref<1x4x128xi32, #tpu.memory_space<vmem>>
        %dma_wait3A_524 = tpu.memref_squeeze %dma_wait3A_523 : memref<1x4x128xi32, #tpu.memory_space<vmem>> -> memref<4x128xi32, #tpu.memory_space<vmem>>
        %dma_wait3A_525 = arith.constant 0 : i32
        %dma_wait3A_526 = arith.constant 0 : i32
        %dma_wait3A_527 = tpu.memref_slice %arg4[%add3A_214, %dma_wait3A_525, %dma_wait3A_526] : memref<6272x4x128xi32, #tpu.memory_space<hbm>> -> memref<1x4x128xi32, #tpu.memory_space<hbm>>
        %dma_wait3A_528 = tpu.memref_squeeze %dma_wait3A_527 : memref<1x4x128xi32, #tpu.memory_space<hbm>> -> memref<4x128xi32, #tpu.memory_space<hbm>>
        tpu.wait_dma2 semaphore(%run_scoped3A_496 : memref<!tpu.dma_semaphore, #tpu.memory_space<semaphore_mem>>) src(%dma_wait3A_528 : memref<4x128xi32, #tpu.memory_space<hbm>>) dst(%dma_wait3A_524 : memref<4x128xi32, #tpu.memory_space<vmem>>)
        tpu.yield
      }) : () -> ()
      %dma_start3A_216 = arith.constant 1 : i32
      %dma_start3A_217 = arith.constant 0 : i32
      %dma_start3A_218 = arith.constant 1 : i32
      %dma_start3A_219 = arith.constant 0 : i32
      %dma_start3A_220 = arith.constant 0 : i32
      %dma_start3A_221 = arith.constant 0 : i32
      %dma_start3A_222 = tpu.memref_slice %arg8[%dma_start3A_218, %dma_start3A_219, %dma_start3A_220, %dma_start3A_221] : memref<2x4x128x16xf32, #tpu.memory_space<vmem>> -> memref<1x1x128x16xf32, #tpu.memory_space<vmem>>
      %dma_start3A_223 = tpu.memref_squeeze %dma_start3A_222 : memref<1x1x128x16xf32, #tpu.memory_space<vmem>> -> memref<128x16xf32, #tpu.memory_space<vmem>>
      %dma_start3A_224 = arith.constant 0 : i32
      %dma_start3A_225 = tpu.memref_slice %arg6[%dma_start3A_216, %dma_start3A_217, %dma_start3A_224] : memref<2x4x128xi32, #tpu.memory_space<vmem>> -> memref<1x1x128xi32, #tpu.memory_space<vmem>>
      %dma_start3A_226 = tpu.memref_squeeze %dma_start3A_225 : memref<1x1x128xi32, #tpu.memory_space<vmem>> -> memref<128xi32, #tpu.memory_space<vmem>>
      %dma_start3A_227 = arith.constant 0 : i32
      %dma_start3A_228 = arith.constant 0 : i32
      %dma_start3A_229 = tpu.memref_slice %arg2[%dma_start3A_227, %dma_start3A_228] : memref<100096x16xf32, #tpu.memory_space<hbm>> -> memref<100096x16xf32, #tpu.memory_space<hbm>>
      tpu.enqueue_indirect_dma source(%dma_start3A_229 : memref<100096x16xf32, #tpu.memory_space<hbm>>) target(%dma_start3A_223 : memref<128x16xf32, #tpu.memory_space<vmem>>) offsets(%dma_start3A_226 : memref<128xi32, #tpu.memory_space<vmem>>) semaphore(%arg12 : memref<!tpu.dma_semaphore, #tpu.memory_space<semaphore_mem>>)
      %dma_start3A_230 = arith.constant 1 : i32
      %dma_start3A_231 = arith.constant 1 : i32
      %dma_start3A_232 = arith.constant 1 : i32
      %dma_start3A_233 = arith.constant 1 : i32
      %dma_start3A_234 = arith.constant 0 : i32
      %dma_start3A_235 = arith.constant 0 : i32
      %dma_start3A_236 = tpu.memref_slice %arg8[%dma_start3A_232, %dma_start3A_233, %dma_start3A_234, %dma_start3A_235] : memref<2x4x128x16xf32, #tpu.memory_space<vmem>> -> memref<1x1x128x16xf32, #tpu.memory_space<vmem>>
      %dma_start3A_237 = tpu.memref_squeeze %dma_start3A_236 : memref<1x1x128x16xf32, #tpu.memory_space<vmem>> -> memref<128x16xf32, #tpu.memory_space<vmem>>
      %dma_start3A_238 = arith.constant 0 : i32
      %dma_start3A_239 = tpu.memref_slice %arg6[%dma_start3A_230, %dma_start3A_231, %dma_start3A_238] : memref<2x4x128xi32, #tpu.memory_space<vmem>> -> memref<1x1x128xi32, #tpu.memory_space<vmem>>
      %dma_start3A_240 = tpu.memref_squeeze %dma_start3A_239 : memref<1x1x128xi32, #tpu.memory_space<vmem>> -> memref<128xi32, #tpu.memory_space<vmem>>
      %dma_start3A_241 = arith.constant 0 : i32
      %dma_start3A_242 = arith.constant 0 : i32
      %dma_start3A_243 = tpu.memref_slice %arg2[%dma_start3A_241, %dma_start3A_242] : memref<100096x16xf32, #tpu.memory_space<hbm>> -> memref<100096x16xf32, #tpu.memory_space<hbm>>
      tpu.enqueue_indirect_dma source(%dma_start3A_243 : memref<100096x16xf32, #tpu.memory_space<hbm>>) target(%dma_start3A_237 : memref<128x16xf32, #tpu.memory_space<vmem>>) offsets(%dma_start3A_240 : memref<128xi32, #tpu.memory_space<vmem>>) semaphore(%arg12 : memref<!tpu.dma_semaphore, #tpu.memory_space<semaphore_mem>>)
      %dma_start3A_244 = arith.constant 1 : i32
      %dma_start3A_245 = arith.constant 2 : i32
      %dma_start3A_246 = arith.constant 1 : i32
      %dma_start3A_247 = arith.constant 2 : i32
      %dma_start3A_248 = arith.constant 0 : i32
      %dma_start3A_249 = arith.constant 0 : i32
      %dma_start3A_250 = tpu.memref_slice %arg8[%dma_start3A_246, %dma_start3A_247, %dma_start3A_248, %dma_start3A_249] : memref<2x4x128x16xf32, #tpu.memory_space<vmem>> -> memref<1x1x128x16xf32, #tpu.memory_space<vmem>>
      %dma_start3A_251 = tpu.memref_squeeze %dma_start3A_250 : memref<1x1x128x16xf32, #tpu.memory_space<vmem>> -> memref<128x16xf32, #tpu.memory_space<vmem>>
      %dma_start3A_252 = arith.constant 0 : i32
      %dma_start3A_253 = tpu.memref_slice %arg6[%dma_start3A_244, %dma_start3A_245, %dma_start3A_252] : memref<2x4x128xi32, #tpu.memory_space<vmem>> -> memref<1x1x128xi32, #tpu.memory_space<vmem>>
      %dma_start3A_254 = tpu.memref_squeeze %dma_start3A_253 : memref<1x1x128xi32, #tpu.memory_space<vmem>> -> memref<128xi32, #tpu.memory_space<vmem>>
      %dma_start3A_255 = arith.constant 0 : i32
      %dma_start3A_256 = arith.constant 0 : i32
      %dma_start3A_257 = tpu.memref_slice %arg2[%dma_start3A_255, %dma_start3A_256] : memref<100096x16xf32, #tpu.memory_space<hbm>> -> memref<100096x16xf32, #tpu.memory_space<hbm>>
      tpu.enqueue_indirect_dma source(%dma_start3A_257 : memref<100096x16xf32, #tpu.memory_space<hbm>>) target(%dma_start3A_251 : memref<128x16xf32, #tpu.memory_space<vmem>>) offsets(%dma_start3A_254 : memref<128xi32, #tpu.memory_space<vmem>>) semaphore(%arg12 : memref<!tpu.dma_semaphore, #tpu.memory_space<semaphore_mem>>)
      %dma_start3A_258 = arith.constant 1 : i32
      %dma_start3A_259 = arith.constant 3 : i32
      %dma_start3A_260 = arith.constant 1 : i32
      %dma_start3A_261 = arith.constant 3 : i32
      %dma_start3A_262 = arith.constant 0 : i32
      %dma_start3A_263 = arith.constant 0 : i32
      %dma_start3A_264 = tpu.memref_slice %arg8[%dma_start3A_260, %dma_start3A_261, %dma_start3A_262, %dma_start3A_263] : memref<2x4x128x16xf32, #tpu.memory_space<vmem>> -> memref<1x1x128x16xf32, #tpu.memory_space<vmem>>
      %dma_start3A_265 = tpu.memref_squeeze %dma_start3A_264 : memref<1x1x128x16xf32, #tpu.memory_space<vmem>> -> memref<128x16xf32, #tpu.memory_space<vmem>>
      %dma_start3A_266 = arith.constant 0 : i32
      %dma_start3A_267 = tpu.memref_slice %arg6[%dma_start3A_258, %dma_start3A_259, %dma_start3A_266] : memref<2x4x128xi32, #tpu.memory_space<vmem>> -> memref<1x1x128xi32, #tpu.memory_space<vmem>>
      %dma_start3A_268 = tpu.memref_squeeze %dma_start3A_267 : memref<1x1x128xi32, #tpu.memory_space<vmem>> -> memref<128xi32, #tpu.memory_space<vmem>>
      %dma_start3A_269 = arith.constant 0 : i32
      %dma_start3A_270 = arith.constant 0 : i32
      %dma_start3A_271 = tpu.memref_slice %arg2[%dma_start3A_269, %dma_start3A_270] : memref<100096x16xf32, #tpu.memory_space<hbm>> -> memref<100096x16xf32, #tpu.memory_space<hbm>>
      tpu.enqueue_indirect_dma source(%dma_start3A_271 : memref<100096x16xf32, #tpu.memory_space<hbm>>) target(%dma_start3A_265 : memref<128x16xf32, #tpu.memory_space<vmem>>) offsets(%dma_start3A_268 : memref<128xi32, #tpu.memory_space<vmem>>) semaphore(%arg12 : memref<!tpu.dma_semaphore, #tpu.memory_space<semaphore_mem>>)
      %dma_wait3A_272 = arith.constant 0 : i32
      %dma_wait3A_273 = arith.constant 0 : i32
      %dma_wait3A_274 = arith.constant 0 : i32
      %dma_wait3A_275 = arith.constant 0 : i32
      %dma_wait3A_276 = arith.constant 0 : i32
      %dma_wait3A_277 = arith.constant 0 : i32
      %dma_wait3A_278 = tpu.memref_slice %arg8[%dma_wait3A_274, %dma_wait3A_275, %dma_wait3A_276, %dma_wait3A_277] : memref<2x4x128x16xf32, #tpu.memory_space<vmem>> -> memref<1x1x128x16xf32, #tpu.memory_space<vmem>>
      %dma_wait3A_279 = tpu.memref_squeeze %dma_wait3A_278 : memref<1x1x128x16xf32, #tpu.memory_space<vmem>> -> memref<128x16xf32, #tpu.memory_space<vmem>>
      %dma_wait3A_280 = arith.constant 0 : i32
      %dma_wait3A_281 = tpu.memref_slice %arg6[%dma_wait3A_272, %dma_wait3A_273, %dma_wait3A_280] : memref<2x4x128xi32, #tpu.memory_space<vmem>> -> memref<1x1x128xi32, #tpu.memory_space<vmem>>
      %dma_wait3A_282 = tpu.memref_squeeze %dma_wait3A_281 : memref<1x1x128xi32, #tpu.memory_space<vmem>> -> memref<128xi32, #tpu.memory_space<vmem>>
      %dma_wait3A_283 = arith.constant 0 : i32
      %dma_wait3A_284 = arith.constant 0 : i32
      %dma_wait3A_285 = tpu.memref_slice %arg2[%dma_wait3A_283, %dma_wait3A_284] : memref<100096x16xf32, #tpu.memory_space<hbm>> -> memref<100096x16xf32, #tpu.memory_space<hbm>>
      tpu.wait_indirect_dma semaphore(%arg11 : memref<!tpu.dma_semaphore, #tpu.memory_space<semaphore_mem>>) src(%dma_wait3A_285 : memref<100096x16xf32, #tpu.memory_space<hbm>>) dst(%dma_wait3A_279 : memref<128x16xf32, #tpu.memory_space<vmem>>)
      %dma_wait3A_286 = arith.constant 0 : i32
      %dma_wait3A_287 = arith.constant 1 : i32
      %dma_wait3A_288 = arith.constant 0 : i32
      %dma_wait3A_289 = arith.constant 1 : i32
      %dma_wait3A_290 = arith.constant 0 : i32
      %dma_wait3A_291 = arith.constant 0 : i32
      %dma_wait3A_292 = tpu.memref_slice %arg8[%dma_wait3A_288, %dma_wait3A_289, %dma_wait3A_290, %dma_wait3A_291] : memref<2x4x128x16xf32, #tpu.memory_space<vmem>> -> memref<1x1x128x16xf32, #tpu.memory_space<vmem>>
      %dma_wait3A_293 = tpu.memref_squeeze %dma_wait3A_292 : memref<1x1x128x16xf32, #tpu.memory_space<vmem>> -> memref<128x16xf32, #tpu.memory_space<vmem>>
      %dma_wait3A_294 = arith.constant 0 : i32
      %dma_wait3A_295 = tpu.memref_slice %arg6[%dma_wait3A_286, %dma_wait3A_287, %dma_wait3A_294] : memref<2x4x128xi32, #tpu.memory_space<vmem>> -> memref<1x1x128xi32, #tpu.memory_space<vmem>>
      %dma_wait3A_296 = tpu.memref_squeeze %dma_wait3A_295 : memref<1x1x128xi32, #tpu.memory_space<vmem>> -> memref<128xi32, #tpu.memory_space<vmem>>
      %dma_wait3A_297 = arith.constant 0 : i32
      %dma_wait3A_298 = arith.constant 0 : i32
      %dma_wait3A_299 = tpu.memref_slice %arg2[%dma_wait3A_297, %dma_wait3A_298] : memref<100096x16xf32, #tpu.memory_space<hbm>> -> memref<100096x16xf32, #tpu.memory_space<hbm>>
      tpu.wait_indirect_dma semaphore(%arg11 : memref<!tpu.dma_semaphore, #tpu.memory_space<semaphore_mem>>) src(%dma_wait3A_299 : memref<100096x16xf32, #tpu.memory_space<hbm>>) dst(%dma_wait3A_293 : memref<128x16xf32, #tpu.memory_space<vmem>>)
      %dma_wait3A_300 = arith.constant 0 : i32
      %dma_wait3A_301 = arith.constant 2 : i32
      %dma_wait3A_302 = arith.constant 0 : i32
      %dma_wait3A_303 = arith.constant 2 : i32
      %dma_wait3A_304 = arith.constant 0 : i32
      %dma_wait3A_305 = arith.constant 0 : i32
      %dma_wait3A_306 = tpu.memref_slice %arg8[%dma_wait3A_302, %dma_wait3A_303, %dma_wait3A_304, %dma_wait3A_305] : memref<2x4x128x16xf32, #tpu.memory_space<vmem>> -> memref<1x1x128x16xf32, #tpu.memory_space<vmem>>
      %dma_wait3A_307 = tpu.memref_squeeze %dma_wait3A_306 : memref<1x1x128x16xf32, #tpu.memory_space<vmem>> -> memref<128x16xf32, #tpu.memory_space<vmem>>
      %dma_wait3A_308 = arith.constant 0 : i32
      %dma_wait3A_309 = tpu.memref_slice %arg6[%dma_wait3A_300, %dma_wait3A_301, %dma_wait3A_308] : memref<2x4x128xi32, #tpu.memory_space<vmem>> -> memref<1x1x128xi32, #tpu.memory_space<vmem>>
      %dma_wait3A_310 = tpu.memref_squeeze %dma_wait3A_309 : memref<1x1x128xi32, #tpu.memory_space<vmem>> -> memref<128xi32, #tpu.memory_space<vmem>>
      %dma_wait3A_311 = arith.constant 0 : i32
      %dma_wait3A_312 = arith.constant 0 : i32
      %dma_wait3A_313 = tpu.memref_slice %arg2[%dma_wait3A_311, %dma_wait3A_312] : memref<100096x16xf32, #tpu.memory_space<hbm>> -> memref<100096x16xf32, #tpu.memory_space<hbm>>
      tpu.wait_indirect_dma semaphore(%arg11 : memref<!tpu.dma_semaphore, #tpu.memory_space<semaphore_mem>>) src(%dma_wait3A_313 : memref<100096x16xf32, #tpu.memory_space<hbm>>) dst(%dma_wait3A_307 : memref<128x16xf32, #tpu.memory_space<vmem>>)
      %dma_wait3A_314 = arith.constant 0 : i32
      %dma_wait3A_315 = arith.constant 3 : i32
      %dma_wait3A_316 = arith.constant 0 : i32
      %dma_wait3A_317 = arith.constant 3 : i32
      %dma_wait3A_318 = arith.constant 0 : i32
      %dma_wait3A_319 = arith.constant 0 : i32
      %dma_wait3A_320 = tpu.memref_slice %arg8[%dma_wait3A_316, %dma_wait3A_317, %dma_wait3A_318, %dma_wait3A_319] : memref<2x4x128x16xf32, #tpu.memory_space<vmem>> -> memref<1x1x128x16xf32, #tpu.memory_space<vmem>>
      %dma_wait3A_321 = tpu.memref_squeeze %dma_wait3A_320 : memref<1x1x128x16xf32, #tpu.memory_space<vmem>> -> memref<128x16xf32, #tpu.memory_space<vmem>>
      %dma_wait3A_322 = arith.constant 0 : i32
      %dma_wait3A_323 = tpu.memref_slice %arg6[%dma_wait3A_314, %dma_wait3A_315, %dma_wait3A_322] : memref<2x4x128xi32, #tpu.memory_space<vmem>> -> memref<1x1x128xi32, #tpu.memory_space<vmem>>
      %dma_wait3A_324 = tpu.memref_squeeze %dma_wait3A_323 : memref<1x1x128xi32, #tpu.memory_space<vmem>> -> memref<128xi32, #tpu.memory_space<vmem>>
      %dma_wait3A_325 = arith.constant 0 : i32
      %dma_wait3A_326 = arith.constant 0 : i32
      %dma_wait3A_327 = tpu.memref_slice %arg2[%dma_wait3A_325, %dma_wait3A_326] : memref<100096x16xf32, #tpu.memory_space<hbm>> -> memref<100096x16xf32, #tpu.memory_space<hbm>>
      tpu.wait_indirect_dma semaphore(%arg11 : memref<!tpu.dma_semaphore, #tpu.memory_space<semaphore_mem>>) src(%dma_wait3A_327 : memref<100096x16xf32, #tpu.memory_space<hbm>>) dst(%dma_wait3A_321 : memref<128x16xf32, #tpu.memory_space<vmem>>)
      %dma_start3A_328 = arith.constant 0 : i32
      %dma_start3A_329 = arith.constant 0 : i32
      %dma_start3A_330 = arith.constant 0 : i32
      %dma_start3A_331 = arith.constant 0 : i32
      %dma_start3A_332 = arith.constant 0 : i32
      %dma_start3A_333 = arith.constant 0 : i32
      %dma_start3A_334 = tpu.memref_slice %arg8[%dma_start3A_328, %dma_start3A_329, %dma_start3A_332, %dma_start3A_333] : memref<2x4x128x16xf32, #tpu.memory_space<vmem>> -> memref<1x1x128x16xf32, #tpu.memory_space<vmem>>
      %dma_start3A_335 = tpu.memref_squeeze %dma_start3A_334 : memref<1x1x128x16xf32, #tpu.memory_space<vmem>> -> memref<128x16xf32, #tpu.memory_space<vmem>>
      %dma_start3A_336 = arith.constant 0 : i32
      %dma_start3A_337 = tpu.memref_slice %arg7[%dma_start3A_330, %dma_start3A_331, %dma_start3A_336] : memref<2x4x128xi32, #tpu.memory_space<vmem>> -> memref<1x1x128xi32, #tpu.memory_space<vmem>>
      %dma_start3A_338 = tpu.memref_squeeze %dma_start3A_337 : memref<1x1x128xi32, #tpu.memory_space<vmem>> -> memref<128xi32, #tpu.memory_space<vmem>>
      %dma_start3A_339 = arith.constant 0 : i32
      %dma_start3A_340 = arith.constant 0 : i32
      %dma_start3A_341 = tpu.memref_slice %arg10[%dma_start3A_339, %dma_start3A_340] : memref<100096x16xf32, #tpu.memory_space<vmem_shared>> -> memref<100096x16xf32, #tpu.memory_space<vmem_shared>>
      tpu.enqueue_indirect_dma source(%dma_start3A_335 : memref<128x16xf32, #tpu.memory_space<vmem>>) target(%dma_start3A_341 : memref<100096x16xf32, #tpu.memory_space<vmem_shared>>) offsets(%dma_start3A_338 : memref<128xi32, #tpu.memory_space<vmem>>) semaphore(%arg13 : memref<!tpu.dma_semaphore, #tpu.memory_space<semaphore_mem>>) {add = true}
      %dma_start3A_342 = arith.constant 0 : i32
      %dma_start3A_343 = arith.constant 1 : i32
      %dma_start3A_344 = arith.constant 0 : i32
      %dma_start3A_345 = arith.constant 1 : i32
      %dma_start3A_346 = arith.constant 0 : i32
      %dma_start3A_347 = arith.constant 0 : i32
      %dma_start3A_348 = tpu.memref_slice %arg8[%dma_start3A_342, %dma_start3A_343, %dma_start3A_346, %dma_start3A_347] : memref<2x4x128x16xf32, #tpu.memory_space<vmem>> -> memref<1x1x128x16xf32, #tpu.memory_space<vmem>>
      %dma_start3A_349 = tpu.memref_squeeze %dma_start3A_348 : memref<1x1x128x16xf32, #tpu.memory_space<vmem>> -> memref<128x16xf32, #tpu.memory_space<vmem>>
      %dma_start3A_350 = arith.constant 0 : i32
      %dma_start3A_351 = tpu.memref_slice %arg7[%dma_start3A_344, %dma_start3A_345, %dma_start3A_350] : memref<2x4x128xi32, #tpu.memory_space<vmem>> -> memref<1x1x128xi32, #tpu.memory_space<vmem>>
      %dma_start3A_352 = tpu.memref_squeeze %dma_start3A_351 : memref<1x1x128xi32, #tpu.memory_space<vmem>> -> memref<128xi32, #tpu.memory_space<vmem>>
      %dma_start3A_353 = arith.constant 0 : i32
      %dma_start3A_354 = arith.constant 0 : i32
      %dma_start3A_355 = tpu.memref_slice %arg10[%dma_start3A_353, %dma_start3A_354] : memref<100096x16xf32, #tpu.memory_space<vmem_shared>> -> memref<100096x16xf32, #tpu.memory_space<vmem_shared>>
      tpu.enqueue_indirect_dma source(%dma_start3A_349 : memref<128x16xf32, #tpu.memory_space<vmem>>) target(%dma_start3A_355 : memref<100096x16xf32, #tpu.memory_space<vmem_shared>>) offsets(%dma_start3A_352 : memref<128xi32, #tpu.memory_space<vmem>>) semaphore(%arg13 : memref<!tpu.dma_semaphore, #tpu.memory_space<semaphore_mem>>) {add = true}
      %dma_start3A_356 = arith.constant 0 : i32
      %dma_start3A_357 = arith.constant 2 : i32
      %dma_start3A_358 = arith.constant 0 : i32
      %dma_start3A_359 = arith.constant 2 : i32
      %dma_start3A_360 = arith.constant 0 : i32
      %dma_start3A_361 = arith.constant 0 : i32
      %dma_start3A_362 = tpu.memref_slice %arg8[%dma_start3A_356, %dma_start3A_357, %dma_start3A_360, %dma_start3A_361] : memref<2x4x128x16xf32, #tpu.memory_space<vmem>> -> memref<1x1x128x16xf32, #tpu.memory_space<vmem>>
      %dma_start3A_363 = tpu.memref_squeeze %dma_start3A_362 : memref<1x1x128x16xf32, #tpu.memory_space<vmem>> -> memref<128x16xf32, #tpu.memory_space<vmem>>
      %dma_start3A_364 = arith.constant 0 : i32
      %dma_start3A_365 = tpu.memref_slice %arg7[%dma_start3A_358, %dma_start3A_359, %dma_start3A_364] : memref<2x4x128xi32, #tpu.memory_space<vmem>> -> memref<1x1x128xi32, #tpu.memory_space<vmem>>
      %dma_start3A_366 = tpu.memref_squeeze %dma_start3A_365 : memref<1x1x128xi32, #tpu.memory_space<vmem>> -> memref<128xi32, #tpu.memory_space<vmem>>
      %dma_start3A_367 = arith.constant 0 : i32
      %dma_start3A_368 = arith.constant 0 : i32
      %dma_start3A_369 = tpu.memref_slice %arg10[%dma_start3A_367, %dma_start3A_368] : memref<100096x16xf32, #tpu.memory_space<vmem_shared>> -> memref<100096x16xf32, #tpu.memory_space<vmem_shared>>
      tpu.enqueue_indirect_dma source(%dma_start3A_363 : memref<128x16xf32, #tpu.memory_space<vmem>>) target(%dma_start3A_369 : memref<100096x16xf32, #tpu.memory_space<vmem_shared>>) offsets(%dma_start3A_366 : memref<128xi32, #tpu.memory_space<vmem>>) semaphore(%arg13 : memref<!tpu.dma_semaphore, #tpu.memory_space<semaphore_mem>>) {add = true}
      %dma_start3A_370 = arith.constant 0 : i32
      %dma_start3A_371 = arith.constant 3 : i32
      %dma_start3A_372 = arith.constant 0 : i32
      %dma_start3A_373 = arith.constant 3 : i32
      %dma_start3A_374 = arith.constant 0 : i32
      %dma_start3A_375 = arith.constant 0 : i32
      %dma_start3A_376 = tpu.memref_slice %arg8[%dma_start3A_370, %dma_start3A_371, %dma_start3A_374, %dma_start3A_375] : memref<2x4x128x16xf32, #tpu.memory_space<vmem>> -> memref<1x1x128x16xf32, #tpu.memory_space<vmem>>
      %dma_start3A_377 = tpu.memref_squeeze %dma_start3A_376 : memref<1x1x128x16xf32, #tpu.memory_space<vmem>> -> memref<128x16xf32, #tpu.memory_space<vmem>>
      %dma_start3A_378 = arith.constant 0 : i32
      %dma_start3A_379 = tpu.memref_slice %arg7[%dma_start3A_372, %dma_start3A_373, %dma_start3A_378] : memref<2x4x128xi32, #tpu.memory_space<vmem>> -> memref<1x1x128xi32, #tpu.memory_space<vmem>>
      %dma_start3A_380 = tpu.memref_squeeze %dma_start3A_379 : memref<1x1x128xi32, #tpu.memory_space<vmem>> -> memref<128xi32, #tpu.memory_space<vmem>>
      %dma_start3A_381 = arith.constant 0 : i32
      %dma_start3A_382 = arith.constant 0 : i32
      %dma_start3A_383 = tpu.memref_slice %arg10[%dma_start3A_381, %dma_start3A_382] : memref<100096x16xf32, #tpu.memory_space<vmem_shared>> -> memref<100096x16xf32, #tpu.memory_space<vmem_shared>>
      tpu.enqueue_indirect_dma source(%dma_start3A_377 : memref<128x16xf32, #tpu.memory_space<vmem>>) target(%dma_start3A_383 : memref<100096x16xf32, #tpu.memory_space<vmem_shared>>) offsets(%dma_start3A_380 : memref<128xi32, #tpu.memory_space<vmem>>) semaphore(%arg13 : memref<!tpu.dma_semaphore, #tpu.memory_space<semaphore_mem>>) {add = true}
      %dma_wait3A_384 = arith.constant 1 : i32
      %dma_wait3A_385 = arith.constant 0 : i32
      %dma_wait3A_386 = arith.constant 1 : i32
      %dma_wait3A_387 = arith.constant 0 : i32
      %dma_wait3A_388 = arith.constant 0 : i32
      %dma_wait3A_389 = arith.constant 0 : i32
      %dma_wait3A_390 = tpu.memref_slice %arg8[%dma_wait3A_386, %dma_wait3A_387, %dma_wait3A_388, %dma_wait3A_389] : memref<2x4x128x16xf32, #tpu.memory_space<vmem>> -> memref<1x1x128x16xf32, #tpu.memory_space<vmem>>
      %dma_wait3A_391 = tpu.memref_squeeze %dma_wait3A_390 : memref<1x1x128x16xf32, #tpu.memory_space<vmem>> -> memref<128x16xf32, #tpu.memory_space<vmem>>
      %dma_wait3A_392 = arith.constant 0 : i32
      %dma_wait3A_393 = tpu.memref_slice %arg6[%dma_wait3A_384, %dma_wait3A_385, %dma_wait3A_392] : memref<2x4x128xi32, #tpu.memory_space<vmem>> -> memref<1x1x128xi32, #tpu.memory_space<vmem>>
      %dma_wait3A_394 = tpu.memref_squeeze %dma_wait3A_393 : memref<1x1x128xi32, #tpu.memory_space<vmem>> -> memref<128xi32, #tpu.memory_space<vmem>>
      %dma_wait3A_395 = arith.constant 0 : i32
      %dma_wait3A_396 = arith.constant 0 : i32
      %dma_wait3A_397 = tpu.memref_slice %arg2[%dma_wait3A_395, %dma_wait3A_396] : memref<100096x16xf32, #tpu.memory_space<hbm>> -> memref<100096x16xf32, #tpu.memory_space<hbm>>
      tpu.wait_indirect_dma semaphore(%arg12 : memref<!tpu.dma_semaphore, #tpu.memory_space<semaphore_mem>>) src(%dma_wait3A_397 : memref<100096x16xf32, #tpu.memory_space<hbm>>) dst(%dma_wait3A_391 : memref<128x16xf32, #tpu.memory_space<vmem>>)
      %dma_wait3A_398 = arith.constant 1 : i32
      %dma_wait3A_399 = arith.constant 1 : i32
      %dma_wait3A_400 = arith.constant 1 : i32
      %dma_wait3A_401 = arith.constant 1 : i32
      %dma_wait3A_402 = arith.constant 0 : i32
      %dma_wait3A_403 = arith.constant 0 : i32
      %dma_wait3A_404 = tpu.memref_slice %arg8[%dma_wait3A_400, %dma_wait3A_401, %dma_wait3A_402, %dma_wait3A_403] : memref<2x4x128x16xf32, #tpu.memory_space<vmem>> -> memref<1x1x128x16xf32, #tpu.memory_space<vmem>>
      %dma_wait3A_405 = tpu.memref_squeeze %dma_wait3A_404 : memref<1x1x128x16xf32, #tpu.memory_space<vmem>> -> memref<128x16xf32, #tpu.memory_space<vmem>>
      %dma_wait3A_406 = arith.constant 0 : i32
      %dma_wait3A_407 = tpu.memref_slice %arg6[%dma_wait3A_398, %dma_wait3A_399, %dma_wait3A_406] : memref<2x4x128xi32, #tpu.memory_space<vmem>> -> memref<1x1x128xi32, #tpu.memory_space<vmem>>
      %dma_wait3A_408 = tpu.memref_squeeze %dma_wait3A_407 : memref<1x1x128xi32, #tpu.memory_space<vmem>> -> memref<128xi32, #tpu.memory_space<vmem>>
      %dma_wait3A_409 = arith.constant 0 : i32
      %dma_wait3A_410 = arith.constant 0 : i32
      %dma_wait3A_411 = tpu.memref_slice %arg2[%dma_wait3A_409, %dma_wait3A_410] : memref<100096x16xf32, #tpu.memory_space<hbm>> -> memref<100096x16xf32, #tpu.memory_space<hbm>>
      tpu.wait_indirect_dma semaphore(%arg12 : memref<!tpu.dma_semaphore, #tpu.memory_space<semaphore_mem>>) src(%dma_wait3A_411 : memref<100096x16xf32, #tpu.memory_space<hbm>>) dst(%dma_wait3A_405 : memref<128x16xf32, #tpu.memory_space<vmem>>)
      %dma_wait3A_412 = arith.constant 1 : i32
      %dma_wait3A_413 = arith.constant 2 : i32
      %dma_wait3A_414 = arith.constant 1 : i32
      %dma_wait3A_415 = arith.constant 2 : i32
      %dma_wait3A_416 = arith.constant 0 : i32
      %dma_wait3A_417 = arith.constant 0 : i32
      %dma_wait3A_418 = tpu.memref_slice %arg8[%dma_wait3A_414, %dma_wait3A_415, %dma_wait3A_416, %dma_wait3A_417] : memref<2x4x128x16xf32, #tpu.memory_space<vmem>> -> memref<1x1x128x16xf32, #tpu.memory_space<vmem>>
      %dma_wait3A_419 = tpu.memref_squeeze %dma_wait3A_418 : memref<1x1x128x16xf32, #tpu.memory_space<vmem>> -> memref<128x16xf32, #tpu.memory_space<vmem>>
      %dma_wait3A_420 = arith.constant 0 : i32
      %dma_wait3A_421 = tpu.memref_slice %arg6[%dma_wait3A_412, %dma_wait3A_413, %dma_wait3A_420] : memref<2x4x128xi32, #tpu.memory_space<vmem>> -> memref<1x1x128xi32, #tpu.memory_space<vmem>>
      %dma_wait3A_422 = tpu.memref_squeeze %dma_wait3A_421 : memref<1x1x128xi32, #tpu.memory_space<vmem>> -> memref<128xi32, #tpu.memory_space<vmem>>
      %dma_wait3A_423 = arith.constant 0 : i32
      %dma_wait3A_424 = arith.constant 0 : i32
      %dma_wait3A_425 = tpu.memref_slice %arg2[%dma_wait3A_423, %dma_wait3A_424] : memref<100096x16xf32, #tpu.memory_space<hbm>> -> memref<100096x16xf32, #tpu.memory_space<hbm>>
      tpu.wait_indirect_dma semaphore(%arg12 : memref<!tpu.dma_semaphore, #tpu.memory_space<semaphore_mem>>) src(%dma_wait3A_425 : memref<100096x16xf32, #tpu.memory_space<hbm>>) dst(%dma_wait3A_419 : memref<128x16xf32, #tpu.memory_space<vmem>>)
      %dma_wait3A_426 = arith.constant 1 : i32
      %dma_wait3A_427 = arith.constant 3 : i32
      %dma_wait3A_428 = arith.constant 1 : i32
      %dma_wait3A_429 = arith.constant 3 : i32
      %dma_wait3A_430 = arith.constant 0 : i32
      %dma_wait3A_431 = arith.constant 0 : i32
      %dma_wait3A_432 = tpu.memref_slice %arg8[%dma_wait3A_428, %dma_wait3A_429, %dma_wait3A_430, %dma_wait3A_431] : memref<2x4x128x16xf32, #tpu.memory_space<vmem>> -> memref<1x1x128x16xf32, #tpu.memory_space<vmem>>
      %dma_wait3A_433 = tpu.memref_squeeze %dma_wait3A_432 : memref<1x1x128x16xf32, #tpu.memory_space<vmem>> -> memref<128x16xf32, #tpu.memory_space<vmem>>
      %dma_wait3A_434 = arith.constant 0 : i32
      %dma_wait3A_435 = tpu.memref_slice %arg6[%dma_wait3A_426, %dma_wait3A_427, %dma_wait3A_434] : memref<2x4x128xi32, #tpu.memory_space<vmem>> -> memref<1x1x128xi32, #tpu.memory_space<vmem>>
      %dma_wait3A_436 = tpu.memref_squeeze %dma_wait3A_435 : memref<1x1x128xi32, #tpu.memory_space<vmem>> -> memref<128xi32, #tpu.memory_space<vmem>>
      %dma_wait3A_437 = arith.constant 0 : i32
      %dma_wait3A_438 = arith.constant 0 : i32
      %dma_wait3A_439 = tpu.memref_slice %arg2[%dma_wait3A_437, %dma_wait3A_438] : memref<100096x16xf32, #tpu.memory_space<hbm>> -> memref<100096x16xf32, #tpu.memory_space<hbm>>
      tpu.wait_indirect_dma semaphore(%arg12 : memref<!tpu.dma_semaphore, #tpu.memory_space<semaphore_mem>>) src(%dma_wait3A_439 : memref<100096x16xf32, #tpu.memory_space<hbm>>) dst(%dma_wait3A_433 : memref<128x16xf32, #tpu.memory_space<vmem>>)
      %dma_start3A_440 = arith.constant 1 : i32
      %dma_start3A_441 = arith.constant 0 : i32
      %dma_start3A_442 = arith.constant 1 : i32
      %dma_start3A_443 = arith.constant 0 : i32
      %dma_start3A_444 = arith.constant 0 : i32
      %dma_start3A_445 = arith.constant 0 : i32
      %dma_start3A_446 = tpu.memref_slice %arg8[%dma_start3A_440, %dma_start3A_441, %dma_start3A_444, %dma_start3A_445] : memref<2x4x128x16xf32, #tpu.memory_space<vmem>> -> memref<1x1x128x16xf32, #tpu.memory_space<vmem>>
      %dma_start3A_447 = tpu.memref_squeeze %dma_start3A_446 : memref<1x1x128x16xf32, #tpu.memory_space<vmem>> -> memref<128x16xf32, #tpu.memory_space<vmem>>
      %dma_start3A_448 = arith.constant 0 : i32
      %dma_start3A_449 = tpu.memref_slice %arg7[%dma_start3A_442, %dma_start3A_443, %dma_start3A_448] : memref<2x4x128xi32, #tpu.memory_space<vmem>> -> memref<1x1x128xi32, #tpu.memory_space<vmem>>
      %dma_start3A_450 = tpu.memref_squeeze %dma_start3A_449 : memref<1x1x128xi32, #tpu.memory_space<vmem>> -> memref<128xi32, #tpu.memory_space<vmem>>
      %dma_start3A_451 = arith.constant 0 : i32
      %dma_start3A_452 = arith.constant 0 : i32
      %dma_start3A_453 = tpu.memref_slice %arg10[%dma_start3A_451, %dma_start3A_452] : memref<100096x16xf32, #tpu.memory_space<vmem_shared>> -> memref<100096x16xf32, #tpu.memory_space<vmem_shared>>
      tpu.enqueue_indirect_dma source(%dma_start3A_447 : memref<128x16xf32, #tpu.memory_space<vmem>>) target(%dma_start3A_453 : memref<100096x16xf32, #tpu.memory_space<vmem_shared>>) offsets(%dma_start3A_450 : memref<128xi32, #tpu.memory_space<vmem>>) semaphore(%arg14 : memref<!tpu.dma_semaphore, #tpu.memory_space<semaphore_mem>>) {add = true}
      %dma_start3A_454 = arith.constant 1 : i32
      %dma_start3A_455 = arith.constant 1 : i32
      %dma_start3A_456 = arith.constant 1 : i32
      %dma_start3A_457 = arith.constant 1 : i32
      %dma_start3A_458 = arith.constant 0 : i32
      %dma_start3A_459 = arith.constant 0 : i32
      %dma_start3A_460 = tpu.memref_slice %arg8[%dma_start3A_454, %dma_start3A_455, %dma_start3A_458, %dma_start3A_459] : memref<2x4x128x16xf32, #tpu.memory_space<vmem>> -> memref<1x1x128x16xf32, #tpu.memory_space<vmem>>
      %dma_start3A_461 = tpu.memref_squeeze %dma_start3A_460 : memref<1x1x128x16xf32, #tpu.memory_space<vmem>> -> memref<128x16xf32, #tpu.memory_space<vmem>>
      %dma_start3A_462 = arith.constant 0 : i32
      %dma_start3A_463 = tpu.memref_slice %arg7[%dma_start3A_456, %dma_start3A_457, %dma_start3A_462] : memref<2x4x128xi32, #tpu.memory_space<vmem>> -> memref<1x1x128xi32, #tpu.memory_space<vmem>>
      %dma_start3A_464 = tpu.memref_squeeze %dma_start3A_463 : memref<1x1x128xi32, #tpu.memory_space<vmem>> -> memref<128xi32, #tpu.memory_space<vmem>>
      %dma_start3A_465 = arith.constant 0 : i32
      %dma_start3A_466 = arith.constant 0 : i32
      %dma_start3A_467 = tpu.memref_slice %arg10[%dma_start3A_465, %dma_start3A_466] : memref<100096x16xf32, #tpu.memory_space<vmem_shared>> -> memref<100096x16xf32, #tpu.memory_space<vmem_shared>>
      tpu.enqueue_indirect_dma source(%dma_start3A_461 : memref<128x16xf32, #tpu.memory_space<vmem>>) target(%dma_start3A_467 : memref<100096x16xf32, #tpu.memory_space<vmem_shared>>) offsets(%dma_start3A_464 : memref<128xi32, #tpu.memory_space<vmem>>) semaphore(%arg14 : memref<!tpu.dma_semaphore, #tpu.memory_space<semaphore_mem>>) {add = true}
      %dma_start3A_468 = arith.constant 1 : i32
      %dma_start3A_469 = arith.constant 2 : i32
      %dma_start3A_470 = arith.constant 1 : i32
      %dma_start3A_471 = arith.constant 2 : i32
      %dma_start3A_472 = arith.constant 0 : i32
      %dma_start3A_473 = arith.constant 0 : i32
      %dma_start3A_474 = tpu.memref_slice %arg8[%dma_start3A_468, %dma_start3A_469, %dma_start3A_472, %dma_start3A_473] : memref<2x4x128x16xf32, #tpu.memory_space<vmem>> -> memref<1x1x128x16xf32, #tpu.memory_space<vmem>>
      %dma_start3A_475 = tpu.memref_squeeze %dma_start3A_474 : memref<1x1x128x16xf32, #tpu.memory_space<vmem>> -> memref<128x16xf32, #tpu.memory_space<vmem>>
      %dma_start3A_476 = arith.constant 0 : i32
      %dma_start3A_477 = tpu.memref_slice %arg7[%dma_start3A_470, %dma_start3A_471, %dma_start3A_476] : memref<2x4x128xi32, #tpu.memory_space<vmem>> -> memref<1x1x128xi32, #tpu.memory_space<vmem>>
      %dma_start3A_478 = tpu.memref_squeeze %dma_start3A_477 : memref<1x1x128xi32, #tpu.memory_space<vmem>> -> memref<128xi32, #tpu.memory_space<vmem>>
      %dma_start3A_479 = arith.constant 0 : i32
      %dma_start3A_480 = arith.constant 0 : i32
      %dma_start3A_481 = tpu.memref_slice %arg10[%dma_start3A_479, %dma_start3A_480] : memref<100096x16xf32, #tpu.memory_space<vmem_shared>> -> memref<100096x16xf32, #tpu.memory_space<vmem_shared>>
      tpu.enqueue_indirect_dma source(%dma_start3A_475 : memref<128x16xf32, #tpu.memory_space<vmem>>) target(%dma_start3A_481 : memref<100096x16xf32, #tpu.memory_space<vmem_shared>>) offsets(%dma_start3A_478 : memref<128xi32, #tpu.memory_space<vmem>>) semaphore(%arg14 : memref<!tpu.dma_semaphore, #tpu.memory_space<semaphore_mem>>) {add = true}
      %dma_start3A_482 = arith.constant 1 : i32
      %dma_start3A_483 = arith.constant 3 : i32
      %dma_start3A_484 = arith.constant 1 : i32
      %dma_start3A_485 = arith.constant 3 : i32
      %dma_start3A_486 = arith.constant 0 : i32
      %dma_start3A_487 = arith.constant 0 : i32
      %dma_start3A_488 = tpu.memref_slice %arg8[%dma_start3A_482, %dma_start3A_483, %dma_start3A_486, %dma_start3A_487] : memref<2x4x128x16xf32, #tpu.memory_space<vmem>> -> memref<1x1x128x16xf32, #tpu.memory_space<vmem>>
      %dma_start3A_489 = tpu.memref_squeeze %dma_start3A_488 : memref<1x1x128x16xf32, #tpu.memory_space<vmem>> -> memref<128x16xf32, #tpu.memory_space<vmem>>
      %dma_start3A_490 = arith.constant 0 : i32
      %dma_start3A_491 = tpu.memref_slice %arg7[%dma_start3A_484, %dma_start3A_485, %dma_start3A_490] : memref<2x4x128xi32, #tpu.memory_space<vmem>> -> memref<1x1x128xi32, #tpu.memory_space<vmem>>
      %dma_start3A_492 = tpu.memref_squeeze %dma_start3A_491 : memref<1x1x128xi32, #tpu.memory_space<vmem>> -> memref<128xi32, #tpu.memory_space<vmem>>
      %dma_start3A_493 = arith.constant 0 : i32
      %dma_start3A_494 = arith.constant 0 : i32
      %dma_start3A_495 = tpu.memref_slice %arg10[%dma_start3A_493, %dma_start3A_494] : memref<100096x16xf32, #tpu.memory_space<vmem_shared>> -> memref<100096x16xf32, #tpu.memory_space<vmem_shared>>
      tpu.enqueue_indirect_dma source(%dma_start3A_489 : memref<128x16xf32, #tpu.memory_space<vmem>>) target(%dma_start3A_495 : memref<100096x16xf32, #tpu.memory_space<vmem_shared>>) offsets(%dma_start3A_492 : memref<128xi32, #tpu.memory_space<vmem>>) semaphore(%arg14 : memref<!tpu.dma_semaphore, #tpu.memory_space<semaphore_mem>>) {add = true}
    }
    %scan3A_16 = arith.constant 98 : i32
    %dma_wait3A = arith.constant 0 : i32
    %dma_wait3A_17 = arith.constant 0 : i32
    %dma_wait3A_18 = arith.constant 0 : i32
    %dma_wait3A_19 = arith.constant 0 : i32
    %dma_wait3A_20 = arith.constant 0 : i32
    %dma_wait3A_21 = arith.constant 0 : i32
    %dma_wait3A_22 = tpu.memref_slice %arg8[%dma_wait3A, %dma_wait3A_17, %dma_wait3A_20, %dma_wait3A_21] : memref<2x4x128x16xf32, #tpu.memory_space<vmem>> -> memref<1x1x128x16xf32, #tpu.memory_space<vmem>>
    %dma_wait3A_23 = tpu.memref_squeeze %dma_wait3A_22 : memref<1x1x128x16xf32, #tpu.memory_space<vmem>> -> memref<128x16xf32, #tpu.memory_space<vmem>>
    %dma_wait3A_24 = arith.constant 0 : i32
    %dma_wait3A_25 = tpu.memref_slice %arg7[%dma_wait3A_18, %dma_wait3A_19, %dma_wait3A_24] : memref<2x4x128xi32, #tpu.memory_space<vmem>> -> memref<1x1x128xi32, #tpu.memory_space<vmem>>
    %dma_wait3A_26 = tpu.memref_squeeze %dma_wait3A_25 : memref<1x1x128xi32, #tpu.memory_space<vmem>> -> memref<128xi32, #tpu.memory_space<vmem>>
    %dma_wait3A_27 = arith.constant 0 : i32
    %dma_wait3A_28 = arith.constant 0 : i32
    %dma_wait3A_29 = tpu.memref_slice %arg10[%dma_wait3A_27, %dma_wait3A_28] : memref<100096x16xf32, #tpu.memory_space<vmem_shared>> -> memref<100096x16xf32, #tpu.memory_space<vmem_shared>>
    tpu.wait_indirect_dma semaphore(%arg13 : memref<!tpu.dma_semaphore, #tpu.memory_space<semaphore_mem>>) src(%dma_wait3A_23 : memref<128x16xf32, #tpu.memory_space<vmem>>) dst(%dma_wait3A_29 : memref<100096x16xf32, #tpu.memory_space<vmem_shared>>)
    %dma_wait3A_30 = arith.constant 0 : i32
    %dma_wait3A_31 = arith.constant 1 : i32
    %dma_wait3A_32 = arith.constant 0 : i32
    %dma_wait3A_33 = arith.constant 1 : i32
    %dma_wait3A_34 = arith.constant 0 : i32
    %dma_wait3A_35 = arith.constant 0 : i32
    %dma_wait3A_36 = tpu.memref_slice %arg8[%dma_wait3A_30, %dma_wait3A_31, %dma_wait3A_34, %dma_wait3A_35] : memref<2x4x128x16xf32, #tpu.memory_space<vmem>> -> memref<1x1x128x16xf32, #tpu.memory_space<vmem>>
    %dma_wait3A_37 = tpu.memref_squeeze %dma_wait3A_36 : memref<1x1x128x16xf32, #tpu.memory_space<vmem>> -> memref<128x16xf32, #tpu.memory_space<vmem>>
    %dma_wait3A_38 = arith.constant 0 : i32
    %dma_wait3A_39 = tpu.memref_slice %arg7[%dma_wait3A_32, %dma_wait3A_33, %dma_wait3A_38] : memref<2x4x128xi32, #tpu.memory_space<vmem>> -> memref<1x1x128xi32, #tpu.memory_space<vmem>>
    %dma_wait3A_40 = tpu.memref_squeeze %dma_wait3A_39 : memref<1x1x128xi32, #tpu.memory_space<vmem>> -> memref<128xi32, #tpu.memory_space<vmem>>
    %dma_wait3A_41 = arith.constant 0 : i32
    %dma_wait3A_42 = arith.constant 0 : i32
    %dma_wait3A_43 = tpu.memref_slice %arg10[%dma_wait3A_41, %dma_wait3A_42] : memref<100096x16xf32, #tpu.memory_space<vmem_shared>> -> memref<100096x16xf32, #tpu.memory_space<vmem_shared>>
    tpu.wait_indirect_dma semaphore(%arg13 : memref<!tpu.dma_semaphore, #tpu.memory_space<semaphore_mem>>) src(%dma_wait3A_37 : memref<128x16xf32, #tpu.memory_space<vmem>>) dst(%dma_wait3A_43 : memref<100096x16xf32, #tpu.memory_space<vmem_shared>>)
    %dma_wait3A_44 = arith.constant 0 : i32
    %dma_wait3A_45 = arith.constant 2 : i32
    %dma_wait3A_46 = arith.constant 0 : i32
    %dma_wait3A_47 = arith.constant 2 : i32
    %dma_wait3A_48 = arith.constant 0 : i32
    %dma_wait3A_49 = arith.constant 0 : i32
    %dma_wait3A_50 = tpu.memref_slice %arg8[%dma_wait3A_44, %dma_wait3A_45, %dma_wait3A_48, %dma_wait3A_49] : memref<2x4x128x16xf32, #tpu.memory_space<vmem>> -> memref<1x1x128x16xf32, #tpu.memory_space<vmem>>
    %dma_wait3A_51 = tpu.memref_squeeze %dma_wait3A_50 : memref<1x1x128x16xf32, #tpu.memory_space<vmem>> -> memref<128x16xf32, #tpu.memory_space<vmem>>
    %dma_wait3A_52 = arith.constant 0 : i32
    %dma_wait3A_53 = tpu.memref_slice %arg7[%dma_wait3A_46, %dma_wait3A_47, %dma_wait3A_52] : memref<2x4x128xi32, #tpu.memory_space<vmem>> -> memref<1x1x128xi32, #tpu.memory_space<vmem>>
    %dma_wait3A_54 = tpu.memref_squeeze %dma_wait3A_53 : memref<1x1x128xi32, #tpu.memory_space<vmem>> -> memref<128xi32, #tpu.memory_space<vmem>>
    %dma_wait3A_55 = arith.constant 0 : i32
    %dma_wait3A_56 = arith.constant 0 : i32
    %dma_wait3A_57 = tpu.memref_slice %arg10[%dma_wait3A_55, %dma_wait3A_56] : memref<100096x16xf32, #tpu.memory_space<vmem_shared>> -> memref<100096x16xf32, #tpu.memory_space<vmem_shared>>
    tpu.wait_indirect_dma semaphore(%arg13 : memref<!tpu.dma_semaphore, #tpu.memory_space<semaphore_mem>>) src(%dma_wait3A_51 : memref<128x16xf32, #tpu.memory_space<vmem>>) dst(%dma_wait3A_57 : memref<100096x16xf32, #tpu.memory_space<vmem_shared>>)
    %dma_wait3A_58 = arith.constant 0 : i32
    %dma_wait3A_59 = arith.constant 3 : i32
    %dma_wait3A_60 = arith.constant 0 : i32
    %dma_wait3A_61 = arith.constant 3 : i32
    %dma_wait3A_62 = arith.constant 0 : i32
    %dma_wait3A_63 = arith.constant 0 : i32
    %dma_wait3A_64 = tpu.memref_slice %arg8[%dma_wait3A_58, %dma_wait3A_59, %dma_wait3A_62, %dma_wait3A_63] : memref<2x4x128x16xf32, #tpu.memory_space<vmem>> -> memref<1x1x128x16xf32, #tpu.memory_space<vmem>>
    %dma_wait3A_65 = tpu.memref_squeeze %dma_wait3A_64 : memref<1x1x128x16xf32, #tpu.memory_space<vmem>> -> memref<128x16xf32, #tpu.memory_space<vmem>>
    %dma_wait3A_66 = arith.constant 0 : i32
    %dma_wait3A_67 = tpu.memref_slice %arg7[%dma_wait3A_60, %dma_wait3A_61, %dma_wait3A_66] : memref<2x4x128xi32, #tpu.memory_space<vmem>> -> memref<1x1x128xi32, #tpu.memory_space<vmem>>
    %dma_wait3A_68 = tpu.memref_squeeze %dma_wait3A_67 : memref<1x1x128xi32, #tpu.memory_space<vmem>> -> memref<128xi32, #tpu.memory_space<vmem>>
    %dma_wait3A_69 = arith.constant 0 : i32
    %dma_wait3A_70 = arith.constant 0 : i32
    %dma_wait3A_71 = tpu.memref_slice %arg10[%dma_wait3A_69, %dma_wait3A_70] : memref<100096x16xf32, #tpu.memory_space<vmem_shared>> -> memref<100096x16xf32, #tpu.memory_space<vmem_shared>>
    tpu.wait_indirect_dma semaphore(%arg13 : memref<!tpu.dma_semaphore, #tpu.memory_space<semaphore_mem>>) src(%dma_wait3A_65 : memref<128x16xf32, #tpu.memory_space<vmem>>) dst(%dma_wait3A_71 : memref<100096x16xf32, #tpu.memory_space<vmem_shared>>)
    %dma_wait3A_72 = arith.constant 1 : i32
    %dma_wait3A_73 = arith.constant 0 : i32
    %dma_wait3A_74 = arith.constant 1 : i32
    %dma_wait3A_75 = arith.constant 0 : i32
    %dma_wait3A_76 = arith.constant 0 : i32
    %dma_wait3A_77 = arith.constant 0 : i32
    %dma_wait3A_78 = tpu.memref_slice %arg8[%dma_wait3A_72, %dma_wait3A_73, %dma_wait3A_76, %dma_wait3A_77] : memref<2x4x128x16xf32, #tpu.memory_space<vmem>> -> memref<1x1x128x16xf32, #tpu.memory_space<vmem>>
    %dma_wait3A_79 = tpu.memref_squeeze %dma_wait3A_78 : memref<1x1x128x16xf32, #tpu.memory_space<vmem>> -> memref<128x16xf32, #tpu.memory_space<vmem>>
    %dma_wait3A_80 = arith.constant 0 : i32
    %dma_wait3A_81 = tpu.memref_slice %arg7[%dma_wait3A_74, %dma_wait3A_75, %dma_wait3A_80] : memref<2x4x128xi32, #tpu.memory_space<vmem>> -> memref<1x1x128xi32, #tpu.memory_space<vmem>>
    %dma_wait3A_82 = tpu.memref_squeeze %dma_wait3A_81 : memref<1x1x128xi32, #tpu.memory_space<vmem>> -> memref<128xi32, #tpu.memory_space<vmem>>
    %dma_wait3A_83 = arith.constant 0 : i32
    %dma_wait3A_84 = arith.constant 0 : i32
    %dma_wait3A_85 = tpu.memref_slice %arg10[%dma_wait3A_83, %dma_wait3A_84] : memref<100096x16xf32, #tpu.memory_space<vmem_shared>> -> memref<100096x16xf32, #tpu.memory_space<vmem_shared>>
    tpu.wait_indirect_dma semaphore(%arg14 : memref<!tpu.dma_semaphore, #tpu.memory_space<semaphore_mem>>) src(%dma_wait3A_79 : memref<128x16xf32, #tpu.memory_space<vmem>>) dst(%dma_wait3A_85 : memref<100096x16xf32, #tpu.memory_space<vmem_shared>>)
    %dma_wait3A_86 = arith.constant 1 : i32
    %dma_wait3A_87 = arith.constant 1 : i32
    %dma_wait3A_88 = arith.constant 1 : i32
    %dma_wait3A_89 = arith.constant 1 : i32
    %dma_wait3A_90 = arith.constant 0 : i32
    %dma_wait3A_91 = arith.constant 0 : i32
    %dma_wait3A_92 = tpu.memref_slice %arg8[%dma_wait3A_86, %dma_wait3A_87, %dma_wait3A_90, %dma_wait3A_91] : memref<2x4x128x16xf32, #tpu.memory_space<vmem>> -> memref<1x1x128x16xf32, #tpu.memory_space<vmem>>
    %dma_wait3A_93 = tpu.memref_squeeze %dma_wait3A_92 : memref<1x1x128x16xf32, #tpu.memory_space<vmem>> -> memref<128x16xf32, #tpu.memory_space<vmem>>
    %dma_wait3A_94 = arith.constant 0 : i32
    %dma_wait3A_95 = tpu.memref_slice %arg7[%dma_wait3A_88, %dma_wait3A_89, %dma_wait3A_94] : memref<2x4x128xi32, #tpu.memory_space<vmem>> -> memref<1x1x128xi32, #tpu.memory_space<vmem>>
    %dma_wait3A_96 = tpu.memref_squeeze %dma_wait3A_95 : memref<1x1x128xi32, #tpu.memory_space<vmem>> -> memref<128xi32, #tpu.memory_space<vmem>>
    %dma_wait3A_97 = arith.constant 0 : i32
    %dma_wait3A_98 = arith.constant 0 : i32
    %dma_wait3A_99 = tpu.memref_slice %arg10[%dma_wait3A_97, %dma_wait3A_98] : memref<100096x16xf32, #tpu.memory_space<vmem_shared>> -> memref<100096x16xf32, #tpu.memory_space<vmem_shared>>
    tpu.wait_indirect_dma semaphore(%arg14 : memref<!tpu.dma_semaphore, #tpu.memory_space<semaphore_mem>>) src(%dma_wait3A_93 : memref<128x16xf32, #tpu.memory_space<vmem>>) dst(%dma_wait3A_99 : memref<100096x16xf32, #tpu.memory_space<vmem_shared>>)
    %dma_wait3A_100 = arith.constant 1 : i32
    %dma_wait3A_101 = arith.constant 2 : i32
    %dma_wait3A_102 = arith.constant 1 : i32
    %dma_wait3A_103 = arith.constant 2 : i32
    %dma_wait3A_104 = arith.constant 0 : i32
    %dma_wait3A_105 = arith.constant 0 : i32
    %dma_wait3A_106 = tpu.memref_slice %arg8[%dma_wait3A_100, %dma_wait3A_101, %dma_wait3A_104, %dma_wait3A_105] : memref<2x4x128x16xf32, #tpu.memory_space<vmem>> -> memref<1x1x128x16xf32, #tpu.memory_space<vmem>>
    %dma_wait3A_107 = tpu.memref_squeeze %dma_wait3A_106 : memref<1x1x128x16xf32, #tpu.memory_space<vmem>> -> memref<128x16xf32, #tpu.memory_space<vmem>>
    %dma_wait3A_108 = arith.constant 0 : i32
    %dma_wait3A_109 = tpu.memref_slice %arg7[%dma_wait3A_102, %dma_wait3A_103, %dma_wait3A_108] : memref<2x4x128xi32, #tpu.memory_space<vmem>> -> memref<1x1x128xi32, #tpu.memory_space<vmem>>
    %dma_wait3A_110 = tpu.memref_squeeze %dma_wait3A_109 : memref<1x1x128xi32, #tpu.memory_space<vmem>> -> memref<128xi32, #tpu.memory_space<vmem>>
    %dma_wait3A_111 = arith.constant 0 : i32
    %dma_wait3A_112 = arith.constant 0 : i32
    %dma_wait3A_113 = tpu.memref_slice %arg10[%dma_wait3A_111, %dma_wait3A_112] : memref<100096x16xf32, #tpu.memory_space<vmem_shared>> -> memref<100096x16xf32, #tpu.memory_space<vmem_shared>>
    tpu.wait_indirect_dma semaphore(%arg14 : memref<!tpu.dma_semaphore, #tpu.memory_space<semaphore_mem>>) src(%dma_wait3A_107 : memref<128x16xf32, #tpu.memory_space<vmem>>) dst(%dma_wait3A_113 : memref<100096x16xf32, #tpu.memory_space<vmem_shared>>)
    %dma_wait3A_114 = arith.constant 1 : i32
    %dma_wait3A_115 = arith.constant 3 : i32
    %dma_wait3A_116 = arith.constant 1 : i32
    %dma_wait3A_117 = arith.constant 3 : i32
    %dma_wait3A_118 = arith.constant 0 : i32
    %dma_wait3A_119 = arith.constant 0 : i32
    %dma_wait3A_120 = tpu.memref_slice %arg8[%dma_wait3A_114, %dma_wait3A_115, %dma_wait3A_118, %dma_wait3A_119] : memref<2x4x128x16xf32, #tpu.memory_space<vmem>> -> memref<1x1x128x16xf32, #tpu.memory_space<vmem>>
    %dma_wait3A_121 = tpu.memref_squeeze %dma_wait3A_120 : memref<1x1x128x16xf32, #tpu.memory_space<vmem>> -> memref<128x16xf32, #tpu.memory_space<vmem>>
    %dma_wait3A_122 = arith.constant 0 : i32
    %dma_wait3A_123 = tpu.memref_slice %arg7[%dma_wait3A_116, %dma_wait3A_117, %dma_wait3A_122] : memref<2x4x128xi32, #tpu.memory_space<vmem>> -> memref<1x1x128xi32, #tpu.memory_space<vmem>>
    %dma_wait3A_124 = tpu.memref_squeeze %dma_wait3A_123 : memref<1x1x128xi32, #tpu.memory_space<vmem>> -> memref<128xi32, #tpu.memory_space<vmem>>
    %dma_wait3A_125 = arith.constant 0 : i32
    %dma_wait3A_126 = arith.constant 0 : i32
    %dma_wait3A_127 = tpu.memref_slice %arg10[%dma_wait3A_125, %dma_wait3A_126] : memref<100096x16xf32, #tpu.memory_space<vmem_shared>> -> memref<100096x16xf32, #tpu.memory_space<vmem_shared>>
    tpu.wait_indirect_dma semaphore(%arg14 : memref<!tpu.dma_semaphore, #tpu.memory_space<semaphore_mem>>) src(%dma_wait3A_121 : memref<128x16xf32, #tpu.memory_space<vmem>>) dst(%dma_wait3A_127 : memref<100096x16xf32, #tpu.memory_space<vmem_shared>>)
    %barrier3A_128 = arith.constant 0 : index
    tpu.barrier barrier_id(%barrier3A_128)
    %scan3A_129 = arith.constant 0 : i32
    %scan3A_130 = arith.constant 46 : i32
    %scan3A_131 = arith.addi %scan3A_129, %scan3A_130 : i32
    %scan3A_132 = arith.constant 1 : i32
    scf.for %scan3A_134 = %scan3A_129 to %scan3A_131 step %scan3A_132  : i32 {
      %mul3A_135 = arith.constant 1 : i32
      %mul3A_136 = arith.muli %scan3A_134, %mul3A_135 : i32
      %add3A_137 = arith.constant 0 : i32
      %add3A_138 = arith.addi %add3A_137, %mul3A_136 : i32
      %mul3A_139 = arith.constant 6256 : i32
      %mul3A_140 = arith.muli %arg1, %mul3A_139 : i32
      %mul3A_141 = arith.constant 136 : i32
      %mul3A_142 = arith.muli %add3A_138, %mul3A_141 : i32
      %add3A_143 = arith.addi %mul3A_140, %mul3A_142 : i32
      "tpu.region"() ({
        %run_scoped3A = tpu.sem_alloc : memref<!tpu.dma_semaphore, #tpu.memory_space<semaphore_mem>>
        %dma_start3A = arith.constant 0 : i32
        %dma_start3A_144 = tpu.memref_slice %arg10[%add3A_143, %dma_start3A] : memref<100096x16xf32, #tpu.memory_space<vmem_shared>> -> memref<136x16xf32, #tpu.memory_space<vmem_shared>>
        %dma_start3A_145 = arith.constant 0 : i32
        %dma_start3A_146 = tpu.memref_slice %arg10[%add3A_143, %dma_start3A_145] : memref<100096x16xf32, #tpu.memory_space<vmem_shared>> -> memref<136x16xf32, #tpu.memory_space<vmem_shared>>
        tpu.enqueue_dma source(%dma_start3A_146 : memref<136x16xf32, #tpu.memory_space<vmem_shared>>) target(%arg9 : memref<136x16xf32, #tpu.memory_space<vmem>>) target_semaphore(%run_scoped3A : memref<!tpu.dma_semaphore, #tpu.memory_space<semaphore_mem>>)
        %dma_wait3A_147 = arith.constant 0 : i32
        %dma_wait3A_148 = tpu.memref_slice %arg10[%add3A_143, %dma_wait3A_147] : memref<100096x16xf32, #tpu.memory_space<vmem_shared>> -> memref<136x16xf32, #tpu.memory_space<vmem_shared>>
        %dma_wait3A_149 = arith.constant 0 : i32
        %dma_wait3A_150 = tpu.memref_slice %arg10[%add3A_143, %dma_wait3A_149] : memref<100096x16xf32, #tpu.memory_space<vmem_shared>> -> memref<136x16xf32, #tpu.memory_space<vmem_shared>>
        tpu.wait_dma2 semaphore(%run_scoped3A : memref<!tpu.dma_semaphore, #tpu.memory_space<semaphore_mem>>) src(%dma_wait3A_150 : memref<136x16xf32, #tpu.memory_space<vmem_shared>>) dst(%arg9 : memref<136x16xf32, #tpu.memory_space<vmem>>)
        tpu.yield
      }) : () -> ()
      "tpu.region"() ({
        %run_scoped3A = tpu.sem_alloc : memref<!tpu.dma_semaphore, #tpu.memory_space<semaphore_mem>>
        %dma_start3A = arith.constant 0 : i32
        %dma_start3A_144 = tpu.memref_slice %arg5[%arg0, %add3A_143, %dma_start3A] : memref<2x100096x16xf32, #tpu.memory_space<hbm>> -> memref<1x136x16xf32, #tpu.memory_space<hbm>>
        %dma_start3A_145 = tpu.memref_squeeze %dma_start3A_144 : memref<1x136x16xf32, #tpu.memory_space<hbm>> -> memref<136x16xf32, #tpu.memory_space<hbm>>
        %dma_start3A_146 = arith.constant 0 : i32
        %dma_start3A_147 = tpu.memref_slice %arg5[%arg0, %add3A_143, %dma_start3A_146] : memref<2x100096x16xf32, #tpu.memory_space<hbm>> -> memref<1x136x16xf32, #tpu.memory_space<hbm>>
        %dma_start3A_148 = tpu.memref_squeeze %dma_start3A_147 : memref<1x136x16xf32, #tpu.memory_space<hbm>> -> memref<136x16xf32, #tpu.memory_space<hbm>>
        tpu.enqueue_dma source(%arg9 : memref<136x16xf32, #tpu.memory_space<vmem>>) target(%dma_start3A_148 : memref<136x16xf32, #tpu.memory_space<hbm>>) target_semaphore(%run_scoped3A : memref<!tpu.dma_semaphore, #tpu.memory_space<semaphore_mem>>)
        %dma_wait3A_149 = arith.constant 0 : i32
        %dma_wait3A_150 = tpu.memref_slice %arg5[%arg0, %add3A_143, %dma_wait3A_149] : memref<2x100096x16xf32, #tpu.memory_space<hbm>> -> memref<1x136x16xf32, #tpu.memory_space<hbm>>
        %dma_wait3A_151 = tpu.memref_squeeze %dma_wait3A_150 : memref<1x136x16xf32, #tpu.memory_space<hbm>> -> memref<136x16xf32, #tpu.memory_space<hbm>>
        %dma_wait3A_152 = arith.constant 0 : i32
        %dma_wait3A_153 = tpu.memref_slice %arg5[%arg0, %add3A_143, %dma_wait3A_152] : memref<2x100096x16xf32, #tpu.memory_space<hbm>> -> memref<1x136x16xf32, #tpu.memory_space<hbm>>
        %dma_wait3A_154 = tpu.memref_squeeze %dma_wait3A_153 : memref<1x136x16xf32, #tpu.memory_space<hbm>> -> memref<136x16xf32, #tpu.memory_space<hbm>>
        tpu.wait_dma2 semaphore(%run_scoped3A : memref<!tpu.dma_semaphore, #tpu.memory_space<semaphore_mem>>) src(%arg9 : memref<136x16xf32, #tpu.memory_space<vmem>>) dst(%dma_wait3A_154 : memref<136x16xf32, #tpu.memory_space<hbm>>)
        tpu.yield
      }) : () -> ()
    }
    %scan3A_133 = arith.constant 46 : i32
    return
  }
}

#map = affine_map<(d0, d1) -> (0, 0)>
#map1 = affine_map<(d0, d1) -> (0, 0, 0, 0)>
#map2 = affine_map<(d0, d1) -> (0, 0, 0)>
module attributes {stable_mosaic.version = 14 : i64} {
  func.func @conv(%arg0: i32, %arg1: i32, %arg2: memref<200192x16xf32, #tpu.memory_space<hbm>>, %arg3: memref<2x6272x4x128xi32, #tpu.memory_space<hbm>>, %arg4: memref<6272x4x128xi32, #tpu.memory_space<hbm>>, %arg5: memref<2x100096x16xf32, #tpu.memory_space<hbm>>, %arg6: memref<2x4x128xi32, #tpu.memory_space<vmem>>, %arg7: memref<2x4x128xi32, #tpu.memory_space<vmem>>, %arg8: memref<2x4x128x16xf32, #tpu.memory_space<vmem>>, %arg9: memref<136x16xf32, #tpu.memory_space<vmem>>, %arg10: memref<100096x16xf32, #tpu.memory_space<vmem_shared>>, %arg11: memref<!tpu.dma_semaphore, #tpu.memory_space<semaphore_mem>>, %arg12: memref<!tpu.dma_semaphore, #tpu.memory_space<semaphore_mem>>, %arg13: memref<!tpu.dma_semaphore, #tpu.memory_space<semaphore_mem>>, %arg14: memref<!tpu.dma_semaphore, #tpu.memory_space<semaphore_mem>>) attributes {dimension_semantics = [#tpu.dimension_semantics<core_parallel>, #tpu.dimension_semantics<subcore_parallel>], iteration_bounds = array<i64: 2, 16>, scalar_prefetch = 0 : i64, scratch_operands = 9 : i64, tpu.core_type = #tpu.core_type<sc_vector_subcore>, window_params = [{transform_indices = #map}, {transform_indices = #map1}, {transform_indices = #map2}, {transform_indices = #map2}]} {
    %scan3A = arith.constant 0 : i32
    %scan3A_0 = arith.constant 136 : i32
    %scan3A_1 = arith.addi %scan3A, %scan3A_0 : i32
    %scan3A_2 = arith.constant 1 : i32
    scf.for %scan3A_132 = %scan3A to %scan3A_1 step %scan3A_2  : i32 {
      %mul3A_133 = arith.constant 1 : i32
      %mul3A_134 = arith.muli %scan3A_132, %mul3A_133 : i32
      %add3A = arith.constant 0 : i32
      %add3A_135 = arith.addi %add3A, %mul3A_134 : i32
      %broadcast_in_dim3A = arith.constant 0.000000e+00 : f32
      %broadcast_in_dim3A_136 = vector.broadcast %broadcast_in_dim3A : f32 to vector<16xf32>
      %swap3A = arith.index_cast %add3A_135 : i32 to index
      %swap3A_137 = arith.constant 0 : index
      %swap3A_138 = tpu.vector_load %arg9[%swap3A, %swap3A_137] {strides = array<i32>} : memref<136x16xf32, #tpu.memory_space<vmem>>, vector<1x16xf32>,
      %swap3A_139 = vector.shape_cast %swap3A_138 : vector<1x16xf32> to vector<16xf32>
      %swap3A_140 = vector.shape_cast %broadcast_in_dim3A_136 : vector<16xf32> to vector<1x16xf32>
      tpu.vector_store %arg9[%swap3A, %swap3A_137], %swap3A_140 {strides = array<i32>} : memref<136x16xf32, #tpu.memory_space<vmem>>, vector<1x16xf32>,
    }
    %scan3A_3 = arith.constant 136 : i32
    %scan3A_4 = arith.constant 0 : i32
    %scan3A_5 = arith.constant 46 : i32
    %scan3A_6 = arith.addi %scan3A_4, %scan3A_5 : i32
    %scan3A_7 = arith.constant 1 : i32
    scf.for %scan3A_132 = %scan3A_4 to %scan3A_6 step %scan3A_7  : i32 {
      %mul3A_133 = arith.constant 1 : i32
      %mul3A_134 = arith.muli %scan3A_132, %mul3A_133 : i32
      %add3A = arith.constant 0 : i32
      %add3A_135 = arith.addi %add3A, %mul3A_134 : i32
      %mul3A_136 = arith.constant 6256 : i32
      %mul3A_137 = arith.muli %arg1, %mul3A_136 : i32
      %mul3A_138 = arith.constant 136 : i32
      %mul3A_139 = arith.muli %add3A_135, %mul3A_138 : i32
      %add3A_140 = arith.addi %mul3A_137, %mul3A_139 : i32
      "tpu.region"() ({
        %run_scoped3A = tpu.sem_alloc : memref<!tpu.dma_semaphore, #tpu.memory_space<semaphore_mem>>
        %dma_start3A = arith.constant 0 : i32
        %dma_start3A_141 = tpu.memref_slice %arg10[%add3A_140, %dma_start3A] : memref<100096x16xf32, #tpu.memory_space<vmem_shared>> -> memref<136x16xf32, #tpu.memory_space<vmem_shared>>
        %dma_start3A_142 = arith.constant 0 : i32
        %dma_start3A_143 = tpu.memref_slice %arg10[%add3A_140, %dma_start3A_142] : memref<100096x16xf32, #tpu.memory_space<vmem_shared>> -> memref<136x16xf32, #tpu.memory_space<vmem_shared>>
        tpu.enqueue_dma source(%arg9 : memref<136x16xf32, #tpu.memory_space<vmem>>) target(%dma_start3A_143 : memref<136x16xf32, #tpu.memory_space<vmem_shared>>) target_semaphore(%run_scoped3A : memref<!tpu.dma_semaphore, #tpu.memory_space<semaphore_mem>>)
        %dma_wait3A_144 = arith.constant 0 : i32
        %dma_wait3A_145 = tpu.memref_slice %arg10[%add3A_140, %dma_wait3A_144] : memref<100096x16xf32, #tpu.memory_space<vmem_shared>> -> memref<136x16xf32, #tpu.memory_space<vmem_shared>>
        %dma_wait3A_146 = arith.constant 0 : i32
        %dma_wait3A_147 = tpu.memref_slice %arg10[%add3A_140, %dma_wait3A_146] : memref<100096x16xf32, #tpu.memory_space<vmem_shared>> -> memref<136x16xf32, #tpu.memory_space<vmem_shared>>
        tpu.wait_dma2 semaphore(%run_scoped3A : memref<!tpu.dma_semaphore, #tpu.memory_space<semaphore_mem>>) src(%arg9 : memref<136x16xf32, #tpu.memory_space<vmem>>) dst(%dma_wait3A_147 : memref<136x16xf32, #tpu.memory_space<vmem_shared>>)
        tpu.yield
      }) : () -> ()
    }
    %scan3A_8 = arith.constant 46 : i32
    %barrier3A = arith.constant 0 : index
    tpu.barrier barrier_id(%barrier3A)
    %mul3A = arith.constant 392 : i32
    %mul3A_9 = arith.muli %arg1, %mul3A : i32
    %scan3A_10 = arith.constant 0 : i32
    %scan3A_11 = arith.constant 196 : i32
    %scan3A_12 = arith.addi %scan3A_10, %scan3A_11 : i32
    %scan3A_13 = arith.constant 1 : i32
    scf.for %scan3A_132 = %scan3A_10 to %scan3A_12 step %scan3A_13  : i32 {
      %mul3A_133 = arith.constant 1 : i32
      %mul3A_134 = arith.muli %scan3A_132, %mul3A_133 : i32
      %add3A = arith.constant 0 : i32
      %add3A_135 = arith.addi %add3A, %mul3A_134 : i32
      %gt3A = arith.constant 0 : i32
      %gt3A_136 = arith.cmpi sgt, %add3A_135, %gt3A : i32
      %convert_element_type3A = arith.extui %gt3A_136 : i1 to i32
      %cond3A = arith.constant 0 : i32
      %cond3A_137 = arith.cmpi ne, %convert_element_type3A, %cond3A : i32
      scf.if %cond3A_137 {
        %dma_wait3A_491 = arith.constant 0 : i32
        %dma_wait3A_492 = arith.constant 0 : i32
        %dma_wait3A_493 = arith.constant 0 : i32
        %dma_wait3A_494 = arith.constant 0 : i32
        %dma_wait3A_495 = arith.constant 0 : i32
        %dma_wait3A_496 = arith.constant 0 : i32
        %dma_wait3A_497 = tpu.memref_slice %arg8[%dma_wait3A_491, %dma_wait3A_492, %dma_wait3A_495, %dma_wait3A_496] : memref<2x4x128x16xf32, #tpu.memory_space<vmem>> -> memref<1x1x128x16xf32, #tpu.memory_space<vmem>>
        %dma_wait3A_498 = tpu.memref_squeeze %dma_wait3A_497 : memref<1x1x128x16xf32, #tpu.memory_space<vmem>> -> memref<128x16xf32, #tpu.memory_space<vmem>>
        %dma_wait3A_499 = arith.constant 0 : i32
        %dma_wait3A_500 = tpu.memref_slice %arg7[%dma_wait3A_493, %dma_wait3A_494, %dma_wait3A_499] : memref<2x4x128xi32, #tpu.memory_space<vmem>> -> memref<1x1x128xi32, #tpu.memory_space<vmem>>
        %dma_wait3A_501 = tpu.memref_squeeze %dma_wait3A_500 : memref<1x1x128xi32, #tpu.memory_space<vmem>> -> memref<128xi32, #tpu.memory_space<vmem>>
        %dma_wait3A_502 = arith.constant 0 : i32
        %dma_wait3A_503 = arith.constant 0 : i32
        %dma_wait3A_504 = tpu.memref_slice %arg10[%dma_wait3A_502, %dma_wait3A_503] : memref<100096x16xf32, #tpu.memory_space<vmem_shared>> -> memref<100096x16xf32, #tpu.memory_space<vmem_shared>>
        tpu.wait_indirect_dma semaphore(%arg13 : memref<!tpu.dma_semaphore, #tpu.memory_space<semaphore_mem>>) src(%dma_wait3A_498 : memref<128x16xf32, #tpu.memory_space<vmem>>) dst(%dma_wait3A_504 : memref<100096x16xf32, #tpu.memory_space<vmem_shared>>)
        %dma_wait3A_505 = arith.constant 0 : i32
        %dma_wait3A_506 = arith.constant 1 : i32
        %dma_wait3A_507 = arith.constant 0 : i32
        %dma_wait3A_508 = arith.constant 1 : i32
        %dma_wait3A_509 = arith.constant 0 : i32
        %dma_wait3A_510 = arith.constant 0 : i32
        %dma_wait3A_511 = tpu.memref_slice %arg8[%dma_wait3A_505, %dma_wait3A_506, %dma_wait3A_509, %dma_wait3A_510] : memref<2x4x128x16xf32, #tpu.memory_space<vmem>> -> memref<1x1x128x16xf32, #tpu.memory_space<vmem>>
        %dma_wait3A_512 = tpu.memref_squeeze %dma_wait3A_511 : memref<1x1x128x16xf32, #tpu.memory_space<vmem>> -> memref<128x16xf32, #tpu.memory_space<vmem>>
        %dma_wait3A_513 = arith.constant 0 : i32
        %dma_wait3A_514 = tpu.memref_slice %arg7[%dma_wait3A_507, %dma_wait3A_508, %dma_wait3A_513] : memref<2x4x128xi32, #tpu.memory_space<vmem>> -> memref<1x1x128xi32, #tpu.memory_space<vmem>>
        %dma_wait3A_515 = tpu.memref_squeeze %dma_wait3A_514 : memref<1x1x128xi32, #tpu.memory_space<vmem>> -> memref<128xi32, #tpu.memory_space<vmem>>
        %dma_wait3A_516 = arith.constant 0 : i32
        %dma_wait3A_517 = arith.constant 0 : i32
        %dma_wait3A_518 = tpu.memref_slice %arg10[%dma_wait3A_516, %dma_wait3A_517] : memref<100096x16xf32, #tpu.memory_space<vmem_shared>> -> memref<100096x16xf32, #tpu.memory_space<vmem_shared>>
        tpu.wait_indirect_dma semaphore(%arg13 : memref<!tpu.dma_semaphore, #tpu.memory_space<semaphore_mem>>) src(%dma_wait3A_512 : memref<128x16xf32, #tpu.memory_space<vmem>>) dst(%dma_wait3A_518 : memref<100096x16xf32, #tpu.memory_space<vmem_shared>>)
        %dma_wait3A_519 = arith.constant 0 : i32
        %dma_wait3A_520 = arith.constant 2 : i32
        %dma_wait3A_521 = arith.constant 0 : i32
        %dma_wait3A_522 = arith.constant 2 : i32
        %dma_wait3A_523 = arith.constant 0 : i32
        %dma_wait3A_524 = arith.constant 0 : i32
        %dma_wait3A_525 = tpu.memref_slice %arg8[%dma_wait3A_519, %dma_wait3A_520, %dma_wait3A_523, %dma_wait3A_524] : memref<2x4x128x16xf32, #tpu.memory_space<vmem>> -> memref<1x1x128x16xf32, #tpu.memory_space<vmem>>
        %dma_wait3A_526 = tpu.memref_squeeze %dma_wait3A_525 : memref<1x1x128x16xf32, #tpu.memory_space<vmem>> -> memref<128x16xf32, #tpu.memory_space<vmem>>
        %dma_wait3A_527 = arith.constant 0 : i32
        %dma_wait3A_528 = tpu.memref_slice %arg7[%dma_wait3A_521, %dma_wait3A_522, %dma_wait3A_527] : memref<2x4x128xi32, #tpu.memory_space<vmem>> -> memref<1x1x128xi32, #tpu.memory_space<vmem>>
        %dma_wait3A_529 = tpu.memref_squeeze %dma_wait3A_528 : memref<1x1x128xi32, #tpu.memory_space<vmem>> -> memref<128xi32, #tpu.memory_space<vmem>>
        %dma_wait3A_530 = arith.constant 0 : i32
        %dma_wait3A_531 = arith.constant 0 : i32
        %dma_wait3A_532 = tpu.memref_slice %arg10[%dma_wait3A_530, %dma_wait3A_531] : memref<100096x16xf32, #tpu.memory_space<vmem_shared>> -> memref<100096x16xf32, #tpu.memory_space<vmem_shared>>
        tpu.wait_indirect_dma semaphore(%arg13 : memref<!tpu.dma_semaphore, #tpu.memory_space<semaphore_mem>>) src(%dma_wait3A_526 : memref<128x16xf32, #tpu.memory_space<vmem>>) dst(%dma_wait3A_532 : memref<100096x16xf32, #tpu.memory_space<vmem_shared>>)
        %dma_wait3A_533 = arith.constant 0 : i32
        %dma_wait3A_534 = arith.constant 3 : i32
        %dma_wait3A_535 = arith.constant 0 : i32
        %dma_wait3A_536 = arith.constant 3 : i32
        %dma_wait3A_537 = arith.constant 0 : i32
        %dma_wait3A_538 = arith.constant 0 : i32
        %dma_wait3A_539 = tpu.memref_slice %arg8[%dma_wait3A_533, %dma_wait3A_534, %dma_wait3A_537, %dma_wait3A_538] : memref<2x4x128x16xf32, #tpu.memory_space<vmem>> -> memref<1x1x128x16xf32, #tpu.memory_space<vmem>>
        %dma_wait3A_540 = tpu.memref_squeeze %dma_wait3A_539 : memref<1x1x128x16xf32, #tpu.memory_space<vmem>> -> memref<128x16xf32, #tpu.memory_space<vmem>>
        %dma_wait3A_541 = arith.constant 0 : i32
        %dma_wait3A_542 = tpu.memref_slice %arg7[%dma_wait3A_535, %dma_wait3A_536, %dma_wait3A_541] : memref<2x4x128xi32, #tpu.memory_space<vmem>> -> memref<1x1x128xi32, #tpu.memory_space<vmem>>
        %dma_wait3A_543 = tpu.memref_squeeze %dma_wait3A_542 : memref<1x1x128xi32, #tpu.memory_space<vmem>> -> memref<128xi32, #tpu.memory_space<vmem>>
        %dma_wait3A_544 = arith.constant 0 : i32
        %dma_wait3A_545 = arith.constant 0 : i32
        %dma_wait3A_546 = tpu.memref_slice %arg10[%dma_wait3A_544, %dma_wait3A_545] : memref<100096x16xf32, #tpu.memory_space<vmem_shared>> -> memref<100096x16xf32, #tpu.memory_space<vmem_shared>>
        tpu.wait_indirect_dma semaphore(%arg13 : memref<!tpu.dma_semaphore, #tpu.memory_space<semaphore_mem>>) src(%dma_wait3A_540 : memref<128x16xf32, #tpu.memory_space<vmem>>) dst(%dma_wait3A_546 : memref<100096x16xf32, #tpu.memory_space<vmem_shared>>)
      } else {
      }
      %mul3A_138 = arith.constant 2 : i32
      %mul3A_139 = arith.muli %mul3A_138, %add3A_135 : i32
      %add3A_140 = arith.addi %mul3A_9, %mul3A_139 : i32
      %run_scoped3A = arith.constant 0 : i32
      "tpu.region"() ({
        %run_scoped3A_491 = tpu.sem_alloc : memref<!tpu.dma_semaphore, #tpu.memory_space<semaphore_mem>>
        %dma_start3A_492 = arith.constant 0 : i32
        %dma_start3A_493 = arith.constant 0 : i32
        %dma_start3A_494 = tpu.memref_slice %arg6[%run_scoped3A, %dma_start3A_492, %dma_start3A_493] : memref<2x4x128xi32, #tpu.memory_space<vmem>> -> memref<1x4x128xi32, #tpu.memory_space<vmem>>
        %dma_start3A_495 = tpu.memref_squeeze %dma_start3A_494 : memref<1x4x128xi32, #tpu.memory_space<vmem>> -> memref<4x128xi32, #tpu.memory_space<vmem>>
        %dma_start3A_496 = arith.constant 0 : i32
        %dma_start3A_497 = arith.constant 0 : i32
        %dma_start3A_498 = tpu.memref_slice %arg3[%arg0, %add3A_140, %dma_start3A_496, %dma_start3A_497] : memref<2x6272x4x128xi32, #tpu.memory_space<hbm>> -> memref<1x1x4x128xi32, #tpu.memory_space<hbm>>
        %dma_start3A_499 = tpu.memref_squeeze %dma_start3A_498 : memref<1x1x4x128xi32, #tpu.memory_space<hbm>> -> memref<4x128xi32, #tpu.memory_space<hbm>>
        %dma_start3A_500 = arith.constant 0 : i32
        %dma_start3A_501 = arith.constant 0 : i32
        %dma_start3A_502 = tpu.memref_slice %arg6[%run_scoped3A, %dma_start3A_500, %dma_start3A_501] : memref<2x4x128xi32, #tpu.memory_space<vmem>> -> memref<1x4x128xi32, #tpu.memory_space<vmem>>
        %dma_start3A_503 = tpu.memref_squeeze %dma_start3A_502 : memref<1x4x128xi32, #tpu.memory_space<vmem>> -> memref<4x128xi32, #tpu.memory_space<vmem>>
        %dma_start3A_504 = arith.constant 0 : i32
        %dma_start3A_505 = arith.constant 0 : i32
        %dma_start3A_506 = tpu.memref_slice %arg3[%arg0, %add3A_140, %dma_start3A_504, %dma_start3A_505] : memref<2x6272x4x128xi32, #tpu.memory_space<hbm>> -> memref<1x1x4x128xi32, #tpu.memory_space<hbm>>
        %dma_start3A_507 = tpu.memref_squeeze %dma_start3A_506 : memref<1x1x4x128xi32, #tpu.memory_space<hbm>> -> memref<4x128xi32, #tpu.memory_space<hbm>>
        tpu.enqueue_dma source(%dma_start3A_507 : memref<4x128xi32, #tpu.memory_space<hbm>>) target(%dma_start3A_503 : memref<4x128xi32, #tpu.memory_space<vmem>>) target_semaphore(%run_scoped3A_491 : memref<!tpu.dma_semaphore, #tpu.memory_space<semaphore_mem>>)
        %dma_wait3A_508 = arith.constant 0 : i32
        %dma_wait3A_509 = arith.constant 0 : i32
        %dma_wait3A_510 = tpu.memref_slice %arg6[%run_scoped3A, %dma_wait3A_508, %dma_wait3A_509] : memref<2x4x128xi32, #tpu.memory_space<vmem>> -> memref<1x4x128xi32, #tpu.memory_space<vmem>>
        %dma_wait3A_511 = tpu.memref_squeeze %dma_wait3A_510 : memref<1x4x128xi32, #tpu.memory_space<vmem>> -> memref<4x128xi32, #tpu.memory_space<vmem>>
        %dma_wait3A_512 = arith.constant 0 : i32
        %dma_wait3A_513 = arith.constant 0 : i32
        %dma_wait3A_514 = tpu.memref_slice %arg3[%arg0, %add3A_140, %dma_wait3A_512, %dma_wait3A_513] : memref<2x6272x4x128xi32, #tpu.memory_space<hbm>> -> memref<1x1x4x128xi32, #tpu.memory_space<hbm>>
        %dma_wait3A_515 = tpu.memref_squeeze %dma_wait3A_514 : memref<1x1x4x128xi32, #tpu.memory_space<hbm>> -> memref<4x128xi32, #tpu.memory_space<hbm>>
        %dma_wait3A_516 = arith.constant 0 : i32
        %dma_wait3A_517 = arith.constant 0 : i32
        %dma_wait3A_518 = tpu.memref_slice %arg6[%run_scoped3A, %dma_wait3A_516, %dma_wait3A_517] : memref<2x4x128xi32, #tpu.memory_space<vmem>> -> memref<1x4x128xi32, #tpu.memory_space<vmem>>
        %dma_wait3A_519 = tpu.memref_squeeze %dma_wait3A_518 : memref<1x4x128xi32, #tpu.memory_space<vmem>> -> memref<4x128xi32, #tpu.memory_space<vmem>>
        %dma_wait3A_520 = arith.constant 0 : i32
        %dma_wait3A_521 = arith.constant 0 : i32
        %dma_wait3A_522 = tpu.memref_slice %arg3[%arg0, %add3A_140, %dma_wait3A_520, %dma_wait3A_521] : memref<2x6272x4x128xi32, #tpu.memory_space<hbm>> -> memref<1x1x4x128xi32, #tpu.memory_space<hbm>>
        %dma_wait3A_523 = tpu.memref_squeeze %dma_wait3A_522 : memref<1x1x4x128xi32, #tpu.memory_space<hbm>> -> memref<4x128xi32, #tpu.memory_space<hbm>>
        tpu.wait_dma2 semaphore(%run_scoped3A_491 : memref<!tpu.dma_semaphore, #tpu.memory_space<semaphore_mem>>) src(%dma_wait3A_523 : memref<4x128xi32, #tpu.memory_space<hbm>>) dst(%dma_wait3A_519 : memref<4x128xi32, #tpu.memory_space<vmem>>)
        tpu.yield
      }) : () -> ()
      %add3A_141 = arith.addi %mul3A_9, %mul3A_139 : i32
      %run_scoped3A_142 = arith.constant 0 : i32
      "tpu.region"() ({
        %run_scoped3A_491 = tpu.sem_alloc : memref<!tpu.dma_semaphore, #tpu.memory_space<semaphore_mem>>
        %dma_start3A_492 = arith.constant 0 : i32
        %dma_start3A_493 = arith.constant 0 : i32
        %dma_start3A_494 = tpu.memref_slice %arg7[%run_scoped3A_142, %dma_start3A_492, %dma_start3A_493] : memref<2x4x128xi32, #tpu.memory_space<vmem>> -> memref<1x4x128xi32, #tpu.memory_space<vmem>>
        %dma_start3A_495 = tpu.memref_squeeze %dma_start3A_494 : memref<1x4x128xi32, #tpu.memory_space<vmem>> -> memref<4x128xi32, #tpu.memory_space<vmem>>
        %dma_start3A_496 = arith.constant 0 : i32
        %dma_start3A_497 = arith.constant 0 : i32
        %dma_start3A_498 = tpu.memref_slice %arg4[%add3A_141, %dma_start3A_496, %dma_start3A_497] : memref<6272x4x128xi32, #tpu.memory_space<hbm>> -> memref<1x4x128xi32, #tpu.memory_space<hbm>>
        %dma_start3A_499 = tpu.memref_squeeze %dma_start3A_498 : memref<1x4x128xi32, #tpu.memory_space<hbm>> -> memref<4x128xi32, #tpu.memory_space<hbm>>
        %dma_start3A_500 = arith.constant 0 : i32
        %dma_start3A_501 = arith.constant 0 : i32
        %dma_start3A_502 = tpu.memref_slice %arg7[%run_scoped3A_142, %dma_start3A_500, %dma_start3A_501] : memref<2x4x128xi32, #tpu.memory_space<vmem>> -> memref<1x4x128xi32, #tpu.memory_space<vmem>>
        %dma_start3A_503 = tpu.memref_squeeze %dma_start3A_502 : memref<1x4x128xi32, #tpu.memory_space<vmem>> -> memref<4x128xi32, #tpu.memory_space<vmem>>
        %dma_start3A_504 = arith.constant 0 : i32
        %dma_start3A_505 = arith.constant 0 : i32
        %dma_start3A_506 = tpu.memref_slice %arg4[%add3A_141, %dma_start3A_504, %dma_start3A_505] : memref<6272x4x128xi32, #tpu.memory_space<hbm>> -> memref<1x4x128xi32, #tpu.memory_space<hbm>>
        %dma_start3A_507 = tpu.memref_squeeze %dma_start3A_506 : memref<1x4x128xi32, #tpu.memory_space<hbm>> -> memref<4x128xi32, #tpu.memory_space<hbm>>
        tpu.enqueue_dma source(%dma_start3A_507 : memref<4x128xi32, #tpu.memory_space<hbm>>) target(%dma_start3A_503 : memref<4x128xi32, #tpu.memory_space<vmem>>) target_semaphore(%run_scoped3A_491 : memref<!tpu.dma_semaphore, #tpu.memory_space<semaphore_mem>>)
        %dma_wait3A_508 = arith.constant 0 : i32
        %dma_wait3A_509 = arith.constant 0 : i32
        %dma_wait3A_510 = tpu.memref_slice %arg7[%run_scoped3A_142, %dma_wait3A_508, %dma_wait3A_509] : memref<2x4x128xi32, #tpu.memory_space<vmem>> -> memref<1x4x128xi32, #tpu.memory_space<vmem>>
        %dma_wait3A_511 = tpu.memref_squeeze %dma_wait3A_510 : memref<1x4x128xi32, #tpu.memory_space<vmem>> -> memref<4x128xi32, #tpu.memory_space<vmem>>
        %dma_wait3A_512 = arith.constant 0 : i32
        %dma_wait3A_513 = arith.constant 0 : i32
        %dma_wait3A_514 = tpu.memref_slice %arg4[%add3A_141, %dma_wait3A_512, %dma_wait3A_513] : memref<6272x4x128xi32, #tpu.memory_space<hbm>> -> memref<1x4x128xi32, #tpu.memory_space<hbm>>
        %dma_wait3A_515 = tpu.memref_squeeze %dma_wait3A_514 : memref<1x4x128xi32, #tpu.memory_space<hbm>> -> memref<4x128xi32, #tpu.memory_space<hbm>>
        %dma_wait3A_516 = arith.constant 0 : i32
        %dma_wait3A_517 = arith.constant 0 : i32
        %dma_wait3A_518 = tpu.memref_slice %arg7[%run_scoped3A_142, %dma_wait3A_516, %dma_wait3A_517] : memref<2x4x128xi32, #tpu.memory_space<vmem>> -> memref<1x4x128xi32, #tpu.memory_space<vmem>>
        %dma_wait3A_519 = tpu.memref_squeeze %dma_wait3A_518 : memref<1x4x128xi32, #tpu.memory_space<vmem>> -> memref<4x128xi32, #tpu.memory_space<vmem>>
        %dma_wait3A_520 = arith.constant 0 : i32
        %dma_wait3A_521 = arith.constant 0 : i32
        %dma_wait3A_522 = tpu.memref_slice %arg4[%add3A_141, %dma_wait3A_520, %dma_wait3A_521] : memref<6272x4x128xi32, #tpu.memory_space<hbm>> -> memref<1x4x128xi32, #tpu.memory_space<hbm>>
        %dma_wait3A_523 = tpu.memref_squeeze %dma_wait3A_522 : memref<1x4x128xi32, #tpu.memory_space<hbm>> -> memref<4x128xi32, #tpu.memory_space<hbm>>
        tpu.wait_dma2 semaphore(%run_scoped3A_491 : memref<!tpu.dma_semaphore, #tpu.memory_space<semaphore_mem>>) src(%dma_wait3A_523 : memref<4x128xi32, #tpu.memory_space<hbm>>) dst(%dma_wait3A_519 : memref<4x128xi32, #tpu.memory_space<vmem>>)
        tpu.yield
      }) : () -> ()
      %dma_start3A = arith.constant 0 : i32
      %dma_start3A_143 = arith.constant 0 : i32
      %dma_start3A_144 = arith.constant 0 : i32
      %dma_start3A_145 = arith.constant 0 : i32
      %dma_start3A_146 = arith.constant 0 : i32
      %dma_start3A_147 = arith.constant 0 : i32
      %dma_start3A_148 = tpu.memref_slice %arg8[%dma_start3A_144, %dma_start3A_145, %dma_start3A_146, %dma_start3A_147] : memref<2x4x128x16xf32, #tpu.memory_space<vmem>> -> memref<1x1x128x16xf32, #tpu.memory_space<vmem>>
      %dma_start3A_149 = tpu.memref_squeeze %dma_start3A_148 : memref<1x1x128x16xf32, #tpu.memory_space<vmem>> -> memref<128x16xf32, #tpu.memory_space<vmem>>
      %dma_start3A_150 = arith.constant 0 : i32
      %dma_start3A_151 = tpu.memref_slice %arg6[%dma_start3A, %dma_start3A_143, %dma_start3A_150] : memref<2x4x128xi32, #tpu.memory_space<vmem>> -> memref<1x1x128xi32, #tpu.memory_space<vmem>>
      %dma_start3A_152 = tpu.memref_squeeze %dma_start3A_151 : memref<1x1x128xi32, #tpu.memory_space<vmem>> -> memref<128xi32, #tpu.memory_space<vmem>>
      %dma_start3A_153 = arith.constant 0 : i32
      %dma_start3A_154 = arith.constant 0 : i32
      %dma_start3A_155 = tpu.memref_slice %arg2[%dma_start3A_153, %dma_start3A_154] : memref<200192x16xf32, #tpu.memory_space<hbm>> -> memref<200192x16xf32, #tpu.memory_space<hbm>>
      tpu.enqueue_indirect_dma source(%dma_start3A_155 : memref<200192x16xf32, #tpu.memory_space<hbm>>) target(%dma_start3A_149 : memref<128x16xf32, #tpu.memory_space<vmem>>) offsets(%dma_start3A_152 : memref<128xi32, #tpu.memory_space<vmem>>) semaphore(%arg11 : memref<!tpu.dma_semaphore, #tpu.memory_space<semaphore_mem>>)
      %dma_start3A_156 = arith.constant 0 : i32
      %dma_start3A_157 = arith.constant 1 : i32
      %dma_start3A_158 = arith.constant 0 : i32
      %dma_start3A_159 = arith.constant 1 : i32
      %dma_start3A_160 = arith.constant 0 : i32
      %dma_start3A_161 = arith.constant 0 : i32
      %dma_start3A_162 = tpu.memref_slice %arg8[%dma_start3A_158, %dma_start3A_159, %dma_start3A_160, %dma_start3A_161] : memref<2x4x128x16xf32, #tpu.memory_space<vmem>> -> memref<1x1x128x16xf32, #tpu.memory_space<vmem>>
      %dma_start3A_163 = tpu.memref_squeeze %dma_start3A_162 : memref<1x1x128x16xf32, #tpu.memory_space<vmem>> -> memref<128x16xf32, #tpu.memory_space<vmem>>
      %dma_start3A_164 = arith.constant 0 : i32
      %dma_start3A_165 = tpu.memref_slice %arg6[%dma_start3A_156, %dma_start3A_157, %dma_start3A_164] : memref<2x4x128xi32, #tpu.memory_space<vmem>> -> memref<1x1x128xi32, #tpu.memory_space<vmem>>
      %dma_start3A_166 = tpu.memref_squeeze %dma_start3A_165 : memref<1x1x128xi32, #tpu.memory_space<vmem>> -> memref<128xi32, #tpu.memory_space<vmem>>
      %dma_start3A_167 = arith.constant 0 : i32
      %dma_start3A_168 = arith.constant 0 : i32
      %dma_start3A_169 = tpu.memref_slice %arg2[%dma_start3A_167, %dma_start3A_168] : memref<200192x16xf32, #tpu.memory_space<hbm>> -> memref<200192x16xf32, #tpu.memory_space<hbm>>
      tpu.enqueue_indirect_dma source(%dma_start3A_169 : memref<200192x16xf32, #tpu.memory_space<hbm>>) target(%dma_start3A_163 : memref<128x16xf32, #tpu.memory_space<vmem>>) offsets(%dma_start3A_166 : memref<128xi32, #tpu.memory_space<vmem>>) semaphore(%arg11 : memref<!tpu.dma_semaphore, #tpu.memory_space<semaphore_mem>>)
      %dma_start3A_170 = arith.constant 0 : i32
      %dma_start3A_171 = arith.constant 2 : i32
      %dma_start3A_172 = arith.constant 0 : i32
      %dma_start3A_173 = arith.constant 2 : i32
      %dma_start3A_174 = arith.constant 0 : i32
      %dma_start3A_175 = arith.constant 0 : i32
      %dma_start3A_176 = tpu.memref_slice %arg8[%dma_start3A_172, %dma_start3A_173, %dma_start3A_174, %dma_start3A_175] : memref<2x4x128x16xf32, #tpu.memory_space<vmem>> -> memref<1x1x128x16xf32, #tpu.memory_space<vmem>>
      %dma_start3A_177 = tpu.memref_squeeze %dma_start3A_176 : memref<1x1x128x16xf32, #tpu.memory_space<vmem>> -> memref<128x16xf32, #tpu.memory_space<vmem>>
      %dma_start3A_178 = arith.constant 0 : i32
      %dma_start3A_179 = tpu.memref_slice %arg6[%dma_start3A_170, %dma_start3A_171, %dma_start3A_178] : memref<2x4x128xi32, #tpu.memory_space<vmem>> -> memref<1x1x128xi32, #tpu.memory_space<vmem>>
      %dma_start3A_180 = tpu.memref_squeeze %dma_start3A_179 : memref<1x1x128xi32, #tpu.memory_space<vmem>> -> memref<128xi32, #tpu.memory_space<vmem>>
      %dma_start3A_181 = arith.constant 0 : i32
      %dma_start3A_182 = arith.constant 0 : i32
      %dma_start3A_183 = tpu.memref_slice %arg2[%dma_start3A_181, %dma_start3A_182] : memref<200192x16xf32, #tpu.memory_space<hbm>> -> memref<200192x16xf32, #tpu.memory_space<hbm>>
      tpu.enqueue_indirect_dma source(%dma_start3A_183 : memref<200192x16xf32, #tpu.memory_space<hbm>>) target(%dma_start3A_177 : memref<128x16xf32, #tpu.memory_space<vmem>>) offsets(%dma_start3A_180 : memref<128xi32, #tpu.memory_space<vmem>>) semaphore(%arg11 : memref<!tpu.dma_semaphore, #tpu.memory_space<semaphore_mem>>)
      %dma_start3A_184 = arith.constant 0 : i32
      %dma_start3A_185 = arith.constant 3 : i32
      %dma_start3A_186 = arith.constant 0 : i32
      %dma_start3A_187 = arith.constant 3 : i32
      %dma_start3A_188 = arith.constant 0 : i32
      %dma_start3A_189 = arith.constant 0 : i32
      %dma_start3A_190 = tpu.memref_slice %arg8[%dma_start3A_186, %dma_start3A_187, %dma_start3A_188, %dma_start3A_189] : memref<2x4x128x16xf32, #tpu.memory_space<vmem>> -> memref<1x1x128x16xf32, #tpu.memory_space<vmem>>
      %dma_start3A_191 = tpu.memref_squeeze %dma_start3A_190 : memref<1x1x128x16xf32, #tpu.memory_space<vmem>> -> memref<128x16xf32, #tpu.memory_space<vmem>>
      %dma_start3A_192 = arith.constant 0 : i32
      %dma_start3A_193 = tpu.memref_slice %arg6[%dma_start3A_184, %dma_start3A_185, %dma_start3A_192] : memref<2x4x128xi32, #tpu.memory_space<vmem>> -> memref<1x1x128xi32, #tpu.memory_space<vmem>>
      %dma_start3A_194 = tpu.memref_squeeze %dma_start3A_193 : memref<1x1x128xi32, #tpu.memory_space<vmem>> -> memref<128xi32, #tpu.memory_space<vmem>>
      %dma_start3A_195 = arith.constant 0 : i32
      %dma_start3A_196 = arith.constant 0 : i32
      %dma_start3A_197 = tpu.memref_slice %arg2[%dma_start3A_195, %dma_start3A_196] : memref<200192x16xf32, #tpu.memory_space<hbm>> -> memref<200192x16xf32, #tpu.memory_space<hbm>>
      tpu.enqueue_indirect_dma source(%dma_start3A_197 : memref<200192x16xf32, #tpu.memory_space<hbm>>) target(%dma_start3A_191 : memref<128x16xf32, #tpu.memory_space<vmem>>) offsets(%dma_start3A_194 : memref<128xi32, #tpu.memory_space<vmem>>) semaphore(%arg11 : memref<!tpu.dma_semaphore, #tpu.memory_space<semaphore_mem>>)
      %gt3A_198 = arith.constant 0 : i32
      %gt3A_199 = arith.cmpi sgt, %add3A_135, %gt3A_198 : i32
      %convert_element_type3A_200 = arith.extui %gt3A_199 : i1 to i32
      %cond3A_201 = arith.constant 0 : i32
      %cond3A_202 = arith.cmpi ne, %convert_element_type3A_200, %cond3A_201 : i32
      scf.if %cond3A_202 {
        %dma_wait3A_491 = arith.constant 1 : i32
        %dma_wait3A_492 = arith.constant 0 : i32
        %dma_wait3A_493 = arith.constant 1 : i32
        %dma_wait3A_494 = arith.constant 0 : i32
        %dma_wait3A_495 = arith.constant 0 : i32
        %dma_wait3A_496 = arith.constant 0 : i32
        %dma_wait3A_497 = tpu.memref_slice %arg8[%dma_wait3A_491, %dma_wait3A_492, %dma_wait3A_495, %dma_wait3A_496] : memref<2x4x128x16xf32, #tpu.memory_space<vmem>> -> memref<1x1x128x16xf32, #tpu.memory_space<vmem>>
        %dma_wait3A_498 = tpu.memref_squeeze %dma_wait3A_497 : memref<1x1x128x16xf32, #tpu.memory_space<vmem>> -> memref<128x16xf32, #tpu.memory_space<vmem>>
        %dma_wait3A_499 = arith.constant 0 : i32
        %dma_wait3A_500 = tpu.memref_slice %arg7[%dma_wait3A_493, %dma_wait3A_494, %dma_wait3A_499] : memref<2x4x128xi32, #tpu.memory_space<vmem>> -> memref<1x1x128xi32, #tpu.memory_space<vmem>>
        %dma_wait3A_501 = tpu.memref_squeeze %dma_wait3A_500 : memref<1x1x128xi32, #tpu.memory_space<vmem>> -> memref<128xi32, #tpu.memory_space<vmem>>
        %dma_wait3A_502 = arith.constant 0 : i32
        %dma_wait3A_503 = arith.constant 0 : i32
        %dma_wait3A_504 = tpu.memref_slice %arg10[%dma_wait3A_502, %dma_wait3A_503] : memref<100096x16xf32, #tpu.memory_space<vmem_shared>> -> memref<100096x16xf32, #tpu.memory_space<vmem_shared>>
        tpu.wait_indirect_dma semaphore(%arg14 : memref<!tpu.dma_semaphore, #tpu.memory_space<semaphore_mem>>) src(%dma_wait3A_498 : memref<128x16xf32, #tpu.memory_space<vmem>>) dst(%dma_wait3A_504 : memref<100096x16xf32, #tpu.memory_space<vmem_shared>>)
        %dma_wait3A_505 = arith.constant 1 : i32
        %dma_wait3A_506 = arith.constant 1 : i32
        %dma_wait3A_507 = arith.constant 1 : i32
        %dma_wait3A_508 = arith.constant 1 : i32
        %dma_wait3A_509 = arith.constant 0 : i32
        %dma_wait3A_510 = arith.constant 0 : i32
        %dma_wait3A_511 = tpu.memref_slice %arg8[%dma_wait3A_505, %dma_wait3A_506, %dma_wait3A_509, %dma_wait3A_510] : memref<2x4x128x16xf32, #tpu.memory_space<vmem>> -> memref<1x1x128x16xf32, #tpu.memory_space<vmem>>
        %dma_wait3A_512 = tpu.memref_squeeze %dma_wait3A_511 : memref<1x1x128x16xf32, #tpu.memory_space<vmem>> -> memref<128x16xf32, #tpu.memory_space<vmem>>
        %dma_wait3A_513 = arith.constant 0 : i32
        %dma_wait3A_514 = tpu.memref_slice %arg7[%dma_wait3A_507, %dma_wait3A_508, %dma_wait3A_513] : memref<2x4x128xi32, #tpu.memory_space<vmem>> -> memref<1x1x128xi32, #tpu.memory_space<vmem>>
        %dma_wait3A_515 = tpu.memref_squeeze %dma_wait3A_514 : memref<1x1x128xi32, #tpu.memory_space<vmem>> -> memref<128xi32, #tpu.memory_space<vmem>>
        %dma_wait3A_516 = arith.constant 0 : i32
        %dma_wait3A_517 = arith.constant 0 : i32
        %dma_wait3A_518 = tpu.memref_slice %arg10[%dma_wait3A_516, %dma_wait3A_517] : memref<100096x16xf32, #tpu.memory_space<vmem_shared>> -> memref<100096x16xf32, #tpu.memory_space<vmem_shared>>
        tpu.wait_indirect_dma semaphore(%arg14 : memref<!tpu.dma_semaphore, #tpu.memory_space<semaphore_mem>>) src(%dma_wait3A_512 : memref<128x16xf32, #tpu.memory_space<vmem>>) dst(%dma_wait3A_518 : memref<100096x16xf32, #tpu.memory_space<vmem_shared>>)
        %dma_wait3A_519 = arith.constant 1 : i32
        %dma_wait3A_520 = arith.constant 2 : i32
        %dma_wait3A_521 = arith.constant 1 : i32
        %dma_wait3A_522 = arith.constant 2 : i32
        %dma_wait3A_523 = arith.constant 0 : i32
        %dma_wait3A_524 = arith.constant 0 : i32
        %dma_wait3A_525 = tpu.memref_slice %arg8[%dma_wait3A_519, %dma_wait3A_520, %dma_wait3A_523, %dma_wait3A_524] : memref<2x4x128x16xf32, #tpu.memory_space<vmem>> -> memref<1x1x128x16xf32, #tpu.memory_space<vmem>>
        %dma_wait3A_526 = tpu.memref_squeeze %dma_wait3A_525 : memref<1x1x128x16xf32, #tpu.memory_space<vmem>> -> memref<128x16xf32, #tpu.memory_space<vmem>>
        %dma_wait3A_527 = arith.constant 0 : i32
        %dma_wait3A_528 = tpu.memref_slice %arg7[%dma_wait3A_521, %dma_wait3A_522, %dma_wait3A_527] : memref<2x4x128xi32, #tpu.memory_space<vmem>> -> memref<1x1x128xi32, #tpu.memory_space<vmem>>
        %dma_wait3A_529 = tpu.memref_squeeze %dma_wait3A_528 : memref<1x1x128xi32, #tpu.memory_space<vmem>> -> memref<128xi32, #tpu.memory_space<vmem>>
        %dma_wait3A_530 = arith.constant 0 : i32
        %dma_wait3A_531 = arith.constant 0 : i32
        %dma_wait3A_532 = tpu.memref_slice %arg10[%dma_wait3A_530, %dma_wait3A_531] : memref<100096x16xf32, #tpu.memory_space<vmem_shared>> -> memref<100096x16xf32, #tpu.memory_space<vmem_shared>>
        tpu.wait_indirect_dma semaphore(%arg14 : memref<!tpu.dma_semaphore, #tpu.memory_space<semaphore_mem>>) src(%dma_wait3A_526 : memref<128x16xf32, #tpu.memory_space<vmem>>) dst(%dma_wait3A_532 : memref<100096x16xf32, #tpu.memory_space<vmem_shared>>)
        %dma_wait3A_533 = arith.constant 1 : i32
        %dma_wait3A_534 = arith.constant 3 : i32
        %dma_wait3A_535 = arith.constant 1 : i32
        %dma_wait3A_536 = arith.constant 3 : i32
        %dma_wait3A_537 = arith.constant 0 : i32
        %dma_wait3A_538 = arith.constant 0 : i32
        %dma_wait3A_539 = tpu.memref_slice %arg8[%dma_wait3A_533, %dma_wait3A_534, %dma_wait3A_537, %dma_wait3A_538] : memref<2x4x128x16xf32, #tpu.memory_space<vmem>> -> memref<1x1x128x16xf32, #tpu.memory_space<vmem>>
        %dma_wait3A_540 = tpu.memref_squeeze %dma_wait3A_539 : memref<1x1x128x16xf32, #tpu.memory_space<vmem>> -> memref<128x16xf32, #tpu.memory_space<vmem>>
        %dma_wait3A_541 = arith.constant 0 : i32
        %dma_wait3A_542 = tpu.memref_slice %arg7[%dma_wait3A_535, %dma_wait3A_536, %dma_wait3A_541] : memref<2x4x128xi32, #tpu.memory_space<vmem>> -> memref<1x1x128xi32, #tpu.memory_space<vmem>>
        %dma_wait3A_543 = tpu.memref_squeeze %dma_wait3A_542 : memref<1x1x128xi32, #tpu.memory_space<vmem>> -> memref<128xi32, #tpu.memory_space<vmem>>
        %dma_wait3A_544 = arith.constant 0 : i32
        %dma_wait3A_545 = arith.constant 0 : i32
        %dma_wait3A_546 = tpu.memref_slice %arg10[%dma_wait3A_544, %dma_wait3A_545] : memref<100096x16xf32, #tpu.memory_space<vmem_shared>> -> memref<100096x16xf32, #tpu.memory_space<vmem_shared>>
        tpu.wait_indirect_dma semaphore(%arg14 : memref<!tpu.dma_semaphore, #tpu.memory_space<semaphore_mem>>) src(%dma_wait3A_540 : memref<128x16xf32, #tpu.memory_space<vmem>>) dst(%dma_wait3A_546 : memref<100096x16xf32, #tpu.memory_space<vmem_shared>>)
      } else {
      }
      %mul3A_203 = arith.constant 2 : i32
      %mul3A_204 = arith.muli %mul3A_203, %add3A_135 : i32
      %add3A_205 = arith.constant 1 : i32
      %add3A_206 = arith.addi %mul3A_204, %add3A_205 : i32
      %add3A_207 = arith.addi %mul3A_9, %add3A_206 : i32
      %run_scoped3A_208 = arith.constant 1 : i32
      "tpu.region"() ({
        %run_scoped3A_491 = tpu.sem_alloc : memref<!tpu.dma_semaphore, #tpu.memory_space<semaphore_mem>>
        %dma_start3A_492 = arith.constant 0 : i32
        %dma_start3A_493 = arith.constant 0 : i32
        %dma_start3A_494 = tpu.memref_slice %arg6[%run_scoped3A_208, %dma_start3A_492, %dma_start3A_493] : memref<2x4x128xi32, #tpu.memory_space<vmem>> -> memref<1x4x128xi32, #tpu.memory_space<vmem>>
        %dma_start3A_495 = tpu.memref_squeeze %dma_start3A_494 : memref<1x4x128xi32, #tpu.memory_space<vmem>> -> memref<4x128xi32, #tpu.memory_space<vmem>>
        %dma_start3A_496 = arith.constant 0 : i32
        %dma_start3A_497 = arith.constant 0 : i32
        %dma_start3A_498 = tpu.memref_slice %arg3[%arg0, %add3A_207, %dma_start3A_496, %dma_start3A_497] : memref<2x6272x4x128xi32, #tpu.memory_space<hbm>> -> memref<1x1x4x128xi32, #tpu.memory_space<hbm>>
        %dma_start3A_499 = tpu.memref_squeeze %dma_start3A_498 : memref<1x1x4x128xi32, #tpu.memory_space<hbm>> -> memref<4x128xi32, #tpu.memory_space<hbm>>
        %dma_start3A_500 = arith.constant 0 : i32
        %dma_start3A_501 = arith.constant 0 : i32
        %dma_start3A_502 = tpu.memref_slice %arg6[%run_scoped3A_208, %dma_start3A_500, %dma_start3A_501] : memref<2x4x128xi32, #tpu.memory_space<vmem>> -> memref<1x4x128xi32, #tpu.memory_space<vmem>>
        %dma_start3A_503 = tpu.memref_squeeze %dma_start3A_502 : memref<1x4x128xi32, #tpu.memory_space<vmem>> -> memref<4x128xi32, #tpu.memory_space<vmem>>
        %dma_start3A_504 = arith.constant 0 : i32
        %dma_start3A_505 = arith.constant 0 : i32
        %dma_start3A_506 = tpu.memref_slice %arg3[%arg0, %add3A_207, %dma_start3A_504, %dma_start3A_505] : memref<2x6272x4x128xi32, #tpu.memory_space<hbm>> -> memref<1x1x4x128xi32, #tpu.memory_space<hbm>>
        %dma_start3A_507 = tpu.memref_squeeze %dma_start3A_506 : memref<1x1x4x128xi32, #tpu.memory_space<hbm>> -> memref<4x128xi32, #tpu.memory_space<hbm>>
        tpu.enqueue_dma source(%dma_start3A_507 : memref<4x128xi32, #tpu.memory_space<hbm>>) target(%dma_start3A_503 : memref<4x128xi32, #tpu.memory_space<vmem>>) target_semaphore(%run_scoped3A_491 : memref<!tpu.dma_semaphore, #tpu.memory_space<semaphore_mem>>)
        %dma_wait3A_508 = arith.constant 0 : i32
        %dma_wait3A_509 = arith.constant 0 : i32
        %dma_wait3A_510 = tpu.memref_slice %arg6[%run_scoped3A_208, %dma_wait3A_508, %dma_wait3A_509] : memref<2x4x128xi32, #tpu.memory_space<vmem>> -> memref<1x4x128xi32, #tpu.memory_space<vmem>>
        %dma_wait3A_511 = tpu.memref_squeeze %dma_wait3A_510 : memref<1x4x128xi32, #tpu.memory_space<vmem>> -> memref<4x128xi32, #tpu.memory_space<vmem>>
        %dma_wait3A_512 = arith.constant 0 : i32
        %dma_wait3A_513 = arith.constant 0 : i32
        %dma_wait3A_514 = tpu.memref_slice %arg3[%arg0, %add3A_207, %dma_wait3A_512, %dma_wait3A_513] : memref<2x6272x4x128xi32, #tpu.memory_space<hbm>> -> memref<1x1x4x128xi32, #tpu.memory_space<hbm>>
        %dma_wait3A_515 = tpu.memref_squeeze %dma_wait3A_514 : memref<1x1x4x128xi32, #tpu.memory_space<hbm>> -> memref<4x128xi32, #tpu.memory_space<hbm>>
        %dma_wait3A_516 = arith.constant 0 : i32
        %dma_wait3A_517 = arith.constant 0 : i32
        %dma_wait3A_518 = tpu.memref_slice %arg6[%run_scoped3A_208, %dma_wait3A_516, %dma_wait3A_517] : memref<2x4x128xi32, #tpu.memory_space<vmem>> -> memref<1x4x128xi32, #tpu.memory_space<vmem>>
        %dma_wait3A_519 = tpu.memref_squeeze %dma_wait3A_518 : memref<1x4x128xi32, #tpu.memory_space<vmem>> -> memref<4x128xi32, #tpu.memory_space<vmem>>
        %dma_wait3A_520 = arith.constant 0 : i32
        %dma_wait3A_521 = arith.constant 0 : i32
        %dma_wait3A_522 = tpu.memref_slice %arg3[%arg0, %add3A_207, %dma_wait3A_520, %dma_wait3A_521] : memref<2x6272x4x128xi32, #tpu.memory_space<hbm>> -> memref<1x1x4x128xi32, #tpu.memory_space<hbm>>
        %dma_wait3A_523 = tpu.memref_squeeze %dma_wait3A_522 : memref<1x1x4x128xi32, #tpu.memory_space<hbm>> -> memref<4x128xi32, #tpu.memory_space<hbm>>
        tpu.wait_dma2 semaphore(%run_scoped3A_491 : memref<!tpu.dma_semaphore, #tpu.memory_space<semaphore_mem>>) src(%dma_wait3A_523 : memref<4x128xi32, #tpu.memory_space<hbm>>) dst(%dma_wait3A_519 : memref<4x128xi32, #tpu.memory_space<vmem>>)
        tpu.yield
      }) : () -> ()
      %add3A_209 = arith.addi %mul3A_9, %add3A_206 : i32
      %run_scoped3A_210 = arith.constant 1 : i32
      "tpu.region"() ({
        %run_scoped3A_491 = tpu.sem_alloc : memref<!tpu.dma_semaphore, #tpu.memory_space<semaphore_mem>>
        %dma_start3A_492 = arith.constant 0 : i32
        %dma_start3A_493 = arith.constant 0 : i32
        %dma_start3A_494 = tpu.memref_slice %arg7[%run_scoped3A_210, %dma_start3A_492, %dma_start3A_493] : memref<2x4x128xi32, #tpu.memory_space<vmem>> -> memref<1x4x128xi32, #tpu.memory_space<vmem>>
        %dma_start3A_495 = tpu.memref_squeeze %dma_start3A_494 : memref<1x4x128xi32, #tpu.memory_space<vmem>> -> memref<4x128xi32, #tpu.memory_space<vmem>>
        %dma_start3A_496 = arith.constant 0 : i32
        %dma_start3A_497 = arith.constant 0 : i32
        %dma_start3A_498 = tpu.memref_slice %arg4[%add3A_209, %dma_start3A_496, %dma_start3A_497] : memref<6272x4x128xi32, #tpu.memory_space<hbm>> -> memref<1x4x128xi32, #tpu.memory_space<hbm>>
        %dma_start3A_499 = tpu.memref_squeeze %dma_start3A_498 : memref<1x4x128xi32, #tpu.memory_space<hbm>> -> memref<4x128xi32, #tpu.memory_space<hbm>>
        %dma_start3A_500 = arith.constant 0 : i32
        %dma_start3A_501 = arith.constant 0 : i32
        %dma_start3A_502 = tpu.memref_slice %arg7[%run_scoped3A_210, %dma_start3A_500, %dma_start3A_501] : memref<2x4x128xi32, #tpu.memory_space<vmem>> -> memref<1x4x128xi32, #tpu.memory_space<vmem>>
        %dma_start3A_503 = tpu.memref_squeeze %dma_start3A_502 : memref<1x4x128xi32, #tpu.memory_space<vmem>> -> memref<4x128xi32, #tpu.memory_space<vmem>>
        %dma_start3A_504 = arith.constant 0 : i32
        %dma_start3A_505 = arith.constant 0 : i32
        %dma_start3A_506 = tpu.memref_slice %arg4[%add3A_209, %dma_start3A_504, %dma_start3A_505] : memref<6272x4x128xi32, #tpu.memory_space<hbm>> -> memref<1x4x128xi32, #tpu.memory_space<hbm>>
        %dma_start3A_507 = tpu.memref_squeeze %dma_start3A_506 : memref<1x4x128xi32, #tpu.memory_space<hbm>> -> memref<4x128xi32, #tpu.memory_space<hbm>>
        tpu.enqueue_dma source(%dma_start3A_507 : memref<4x128xi32, #tpu.memory_space<hbm>>) target(%dma_start3A_503 : memref<4x128xi32, #tpu.memory_space<vmem>>) target_semaphore(%run_scoped3A_491 : memref<!tpu.dma_semaphore, #tpu.memory_space<semaphore_mem>>)
        %dma_wait3A_508 = arith.constant 0 : i32
        %dma_wait3A_509 = arith.constant 0 : i32
        %dma_wait3A_510 = tpu.memref_slice %arg7[%run_scoped3A_210, %dma_wait3A_508, %dma_wait3A_509] : memref<2x4x128xi32, #tpu.memory_space<vmem>> -> memref<1x4x128xi32, #tpu.memory_space<vmem>>
        %dma_wait3A_511 = tpu.memref_squeeze %dma_wait3A_510 : memref<1x4x128xi32, #tpu.memory_space<vmem>> -> memref<4x128xi32, #tpu.memory_space<vmem>>
        %dma_wait3A_512 = arith.constant 0 : i32
        %dma_wait3A_513 = arith.constant 0 : i32
        %dma_wait3A_514 = tpu.memref_slice %arg4[%add3A_209, %dma_wait3A_512, %dma_wait3A_513] : memref<6272x4x128xi32, #tpu.memory_space<hbm>> -> memref<1x4x128xi32, #tpu.memory_space<hbm>>
        %dma_wait3A_515 = tpu.memref_squeeze %dma_wait3A_514 : memref<1x4x128xi32, #tpu.memory_space<hbm>> -> memref<4x128xi32, #tpu.memory_space<hbm>>
        %dma_wait3A_516 = arith.constant 0 : i32
        %dma_wait3A_517 = arith.constant 0 : i32
        %dma_wait3A_518 = tpu.memref_slice %arg7[%run_scoped3A_210, %dma_wait3A_516, %dma_wait3A_517] : memref<2x4x128xi32, #tpu.memory_space<vmem>> -> memref<1x4x128xi32, #tpu.memory_space<vmem>>
        %dma_wait3A_519 = tpu.memref_squeeze %dma_wait3A_518 : memref<1x4x128xi32, #tpu.memory_space<vmem>> -> memref<4x128xi32, #tpu.memory_space<vmem>>
        %dma_wait3A_520 = arith.constant 0 : i32
        %dma_wait3A_521 = arith.constant 0 : i32
        %dma_wait3A_522 = tpu.memref_slice %arg4[%add3A_209, %dma_wait3A_520, %dma_wait3A_521] : memref<6272x4x128xi32, #tpu.memory_space<hbm>> -> memref<1x4x128xi32, #tpu.memory_space<hbm>>
        %dma_wait3A_523 = tpu.memref_squeeze %dma_wait3A_522 : memref<1x4x128xi32, #tpu.memory_space<hbm>> -> memref<4x128xi32, #tpu.memory_space<hbm>>
        tpu.wait_dma2 semaphore(%run_scoped3A_491 : memref<!tpu.dma_semaphore, #tpu.memory_space<semaphore_mem>>) src(%dma_wait3A_523 : memref<4x128xi32, #tpu.memory_space<hbm>>) dst(%dma_wait3A_519 : memref<4x128xi32, #tpu.memory_space<vmem>>)
        tpu.yield
      }) : () -> ()
      %dma_start3A_211 = arith.constant 1 : i32
      %dma_start3A_212 = arith.constant 0 : i32
      %dma_start3A_213 = arith.constant 1 : i32
      %dma_start3A_214 = arith.constant 0 : i32
      %dma_start3A_215 = arith.constant 0 : i32
      %dma_start3A_216 = arith.constant 0 : i32
      %dma_start3A_217 = tpu.memref_slice %arg8[%dma_start3A_213, %dma_start3A_214, %dma_start3A_215, %dma_start3A_216] : memref<2x4x128x16xf32, #tpu.memory_space<vmem>> -> memref<1x1x128x16xf32, #tpu.memory_space<vmem>>
      %dma_start3A_218 = tpu.memref_squeeze %dma_start3A_217 : memref<1x1x128x16xf32, #tpu.memory_space<vmem>> -> memref<128x16xf32, #tpu.memory_space<vmem>>
      %dma_start3A_219 = arith.constant 0 : i32
      %dma_start3A_220 = tpu.memref_slice %arg6[%dma_start3A_211, %dma_start3A_212, %dma_start3A_219] : memref<2x4x128xi32, #tpu.memory_space<vmem>> -> memref<1x1x128xi32, #tpu.memory_space<vmem>>
      %dma_start3A_221 = tpu.memref_squeeze %dma_start3A_220 : memref<1x1x128xi32, #tpu.memory_space<vmem>> -> memref<128xi32, #tpu.memory_space<vmem>>
      %dma_start3A_222 = arith.constant 0 : i32
      %dma_start3A_223 = arith.constant 0 : i32
      %dma_start3A_224 = tpu.memref_slice %arg2[%dma_start3A_222, %dma_start3A_223] : memref<200192x16xf32, #tpu.memory_space<hbm>> -> memref<200192x16xf32, #tpu.memory_space<hbm>>
      tpu.enqueue_indirect_dma source(%dma_start3A_224 : memref<200192x16xf32, #tpu.memory_space<hbm>>) target(%dma_start3A_218 : memref<128x16xf32, #tpu.memory_space<vmem>>) offsets(%dma_start3A_221 : memref<128xi32, #tpu.memory_space<vmem>>) semaphore(%arg12 : memref<!tpu.dma_semaphore, #tpu.memory_space<semaphore_mem>>)
      %dma_start3A_225 = arith.constant 1 : i32
      %dma_start3A_226 = arith.constant 1 : i32
      %dma_start3A_227 = arith.constant 1 : i32
      %dma_start3A_228 = arith.constant 1 : i32
      %dma_start3A_229 = arith.constant 0 : i32
      %dma_start3A_230 = arith.constant 0 : i32
      %dma_start3A_231 = tpu.memref_slice %arg8[%dma_start3A_227, %dma_start3A_228, %dma_start3A_229, %dma_start3A_230] : memref<2x4x128x16xf32, #tpu.memory_space<vmem>> -> memref<1x1x128x16xf32, #tpu.memory_space<vmem>>
      %dma_start3A_232 = tpu.memref_squeeze %dma_start3A_231 : memref<1x1x128x16xf32, #tpu.memory_space<vmem>> -> memref<128x16xf32, #tpu.memory_space<vmem>>
      %dma_start3A_233 = arith.constant 0 : i32
      %dma_start3A_234 = tpu.memref_slice %arg6[%dma_start3A_225, %dma_start3A_226, %dma_start3A_233] : memref<2x4x128xi32, #tpu.memory_space<vmem>> -> memref<1x1x128xi32, #tpu.memory_space<vmem>>
      %dma_start3A_235 = tpu.memref_squeeze %dma_start3A_234 : memref<1x1x128xi32, #tpu.memory_space<vmem>> -> memref<128xi32, #tpu.memory_space<vmem>>
      %dma_start3A_236 = arith.constant 0 : i32
      %dma_start3A_237 = arith.constant 0 : i32
      %dma_start3A_238 = tpu.memref_slice %arg2[%dma_start3A_236, %dma_start3A_237] : memref<200192x16xf32, #tpu.memory_space<hbm>> -> memref<200192x16xf32, #tpu.memory_space<hbm>>
      tpu.enqueue_indirect_dma source(%dma_start3A_238 : memref<200192x16xf32, #tpu.memory_space<hbm>>) target(%dma_start3A_232 : memref<128x16xf32, #tpu.memory_space<vmem>>) offsets(%dma_start3A_235 : memref<128xi32, #tpu.memory_space<vmem>>) semaphore(%arg12 : memref<!tpu.dma_semaphore, #tpu.memory_space<semaphore_mem>>)
      %dma_start3A_239 = arith.constant 1 : i32
      %dma_start3A_240 = arith.constant 2 : i32
      %dma_start3A_241 = arith.constant 1 : i32
      %dma_start3A_242 = arith.constant 2 : i32
      %dma_start3A_243 = arith.constant 0 : i32
      %dma_start3A_244 = arith.constant 0 : i32
      %dma_start3A_245 = tpu.memref_slice %arg8[%dma_start3A_241, %dma_start3A_242, %dma_start3A_243, %dma_start3A_244] : memref<2x4x128x16xf32, #tpu.memory_space<vmem>> -> memref<1x1x128x16xf32, #tpu.memory_space<vmem>>
      %dma_start3A_246 = tpu.memref_squeeze %dma_start3A_245 : memref<1x1x128x16xf32, #tpu.memory_space<vmem>> -> memref<128x16xf32, #tpu.memory_space<vmem>>
      %dma_start3A_247 = arith.constant 0 : i32
      %dma_start3A_248 = tpu.memref_slice %arg6[%dma_start3A_239, %dma_start3A_240, %dma_start3A_247] : memref<2x4x128xi32, #tpu.memory_space<vmem>> -> memref<1x1x128xi32, #tpu.memory_space<vmem>>
      %dma_start3A_249 = tpu.memref_squeeze %dma_start3A_248 : memref<1x1x128xi32, #tpu.memory_space<vmem>> -> memref<128xi32, #tpu.memory_space<vmem>>
      %dma_start3A_250 = arith.constant 0 : i32
      %dma_start3A_251 = arith.constant 0 : i32
      %dma_start3A_252 = tpu.memref_slice %arg2[%dma_start3A_250, %dma_start3A_251] : memref<200192x16xf32, #tpu.memory_space<hbm>> -> memref<200192x16xf32, #tpu.memory_space<hbm>>
      tpu.enqueue_indirect_dma source(%dma_start3A_252 : memref<200192x16xf32, #tpu.memory_space<hbm>>) target(%dma_start3A_246 : memref<128x16xf32, #tpu.memory_space<vmem>>) offsets(%dma_start3A_249 : memref<128xi32, #tpu.memory_space<vmem>>) semaphore(%arg12 : memref<!tpu.dma_semaphore, #tpu.memory_space<semaphore_mem>>)
      %dma_start3A_253 = arith.constant 1 : i32
      %dma_start3A_254 = arith.constant 3 : i32
      %dma_start3A_255 = arith.constant 1 : i32
      %dma_start3A_256 = arith.constant 3 : i32
      %dma_start3A_257 = arith.constant 0 : i32
      %dma_start3A_258 = arith.constant 0 : i32
      %dma_start3A_259 = tpu.memref_slice %arg8[%dma_start3A_255, %dma_start3A_256, %dma_start3A_257, %dma_start3A_258] : memref<2x4x128x16xf32, #tpu.memory_space<vmem>> -> memref<1x1x128x16xf32, #tpu.memory_space<vmem>>
      %dma_start3A_260 = tpu.memref_squeeze %dma_start3A_259 : memref<1x1x128x16xf32, #tpu.memory_space<vmem>> -> memref<128x16xf32, #tpu.memory_space<vmem>>
      %dma_start3A_261 = arith.constant 0 : i32
      %dma_start3A_262 = tpu.memref_slice %arg6[%dma_start3A_253, %dma_start3A_254, %dma_start3A_261] : memref<2x4x128xi32, #tpu.memory_space<vmem>> -> memref<1x1x128xi32, #tpu.memory_space<vmem>>
      %dma_start3A_263 = tpu.memref_squeeze %dma_start3A_262 : memref<1x1x128xi32, #tpu.memory_space<vmem>> -> memref<128xi32, #tpu.memory_space<vmem>>
      %dma_start3A_264 = arith.constant 0 : i32
      %dma_start3A_265 = arith.constant 0 : i32
      %dma_start3A_266 = tpu.memref_slice %arg2[%dma_start3A_264, %dma_start3A_265] : memref<200192x16xf32, #tpu.memory_space<hbm>> -> memref<200192x16xf32, #tpu.memory_space<hbm>>
      tpu.enqueue_indirect_dma source(%dma_start3A_266 : memref<200192x16xf32, #tpu.memory_space<hbm>>) target(%dma_start3A_260 : memref<128x16xf32, #tpu.memory_space<vmem>>) offsets(%dma_start3A_263 : memref<128xi32, #tpu.memory_space<vmem>>) semaphore(%arg12 : memref<!tpu.dma_semaphore, #tpu.memory_space<semaphore_mem>>)
      %dma_wait3A_267 = arith.constant 0 : i32
      %dma_wait3A_268 = arith.constant 0 : i32
      %dma_wait3A_269 = arith.constant 0 : i32
      %dma_wait3A_270 = arith.constant 0 : i32
      %dma_wait3A_271 = arith.constant 0 : i32
      %dma_wait3A_272 = arith.constant 0 : i32
      %dma_wait3A_273 = tpu.memref_slice %arg8[%dma_wait3A_269, %dma_wait3A_270, %dma_wait3A_271, %dma_wait3A_272] : memref<2x4x128x16xf32, #tpu.memory_space<vmem>> -> memref<1x1x128x16xf32, #tpu.memory_space<vmem>>
      %dma_wait3A_274 = tpu.memref_squeeze %dma_wait3A_273 : memref<1x1x128x16xf32, #tpu.memory_space<vmem>> -> memref<128x16xf32, #tpu.memory_space<vmem>>
      %dma_wait3A_275 = arith.constant 0 : i32
      %dma_wait3A_276 = tpu.memref_slice %arg6[%dma_wait3A_267, %dma_wait3A_268, %dma_wait3A_275] : memref<2x4x128xi32, #tpu.memory_space<vmem>> -> memref<1x1x128xi32, #tpu.memory_space<vmem>>
      %dma_wait3A_277 = tpu.memref_squeeze %dma_wait3A_276 : memref<1x1x128xi32, #tpu.memory_space<vmem>> -> memref<128xi32, #tpu.memory_space<vmem>>
      %dma_wait3A_278 = arith.constant 0 : i32
      %dma_wait3A_279 = arith.constant 0 : i32
      %dma_wait3A_280 = tpu.memref_slice %arg2[%dma_wait3A_278, %dma_wait3A_279] : memref<200192x16xf32, #tpu.memory_space<hbm>> -> memref<200192x16xf32, #tpu.memory_space<hbm>>
      tpu.wait_indirect_dma semaphore(%arg11 : memref<!tpu.dma_semaphore, #tpu.memory_space<semaphore_mem>>) src(%dma_wait3A_280 : memref<200192x16xf32, #tpu.memory_space<hbm>>) dst(%dma_wait3A_274 : memref<128x16xf32, #tpu.memory_space<vmem>>)
      %dma_wait3A_281 = arith.constant 0 : i32
      %dma_wait3A_282 = arith.constant 1 : i32
      %dma_wait3A_283 = arith.constant 0 : i32
      %dma_wait3A_284 = arith.constant 1 : i32
      %dma_wait3A_285 = arith.constant 0 : i32
      %dma_wait3A_286 = arith.constant 0 : i32
      %dma_wait3A_287 = tpu.memref_slice %arg8[%dma_wait3A_283, %dma_wait3A_284, %dma_wait3A_285, %dma_wait3A_286] : memref<2x4x128x16xf32, #tpu.memory_space<vmem>> -> memref<1x1x128x16xf32, #tpu.memory_space<vmem>>
      %dma_wait3A_288 = tpu.memref_squeeze %dma_wait3A_287 : memref<1x1x128x16xf32, #tpu.memory_space<vmem>> -> memref<128x16xf32, #tpu.memory_space<vmem>>
      %dma_wait3A_289 = arith.constant 0 : i32
      %dma_wait3A_290 = tpu.memref_slice %arg6[%dma_wait3A_281, %dma_wait3A_282, %dma_wait3A_289] : memref<2x4x128xi32, #tpu.memory_space<vmem>> -> memref<1x1x128xi32, #tpu.memory_space<vmem>>
      %dma_wait3A_291 = tpu.memref_squeeze %dma_wait3A_290 : memref<1x1x128xi32, #tpu.memory_space<vmem>> -> memref<128xi32, #tpu.memory_space<vmem>>
      %dma_wait3A_292 = arith.constant 0 : i32
      %dma_wait3A_293 = arith.constant 0 : i32
      %dma_wait3A_294 = tpu.memref_slice %arg2[%dma_wait3A_292, %dma_wait3A_293] : memref<200192x16xf32, #tpu.memory_space<hbm>> -> memref<200192x16xf32, #tpu.memory_space<hbm>>
      tpu.wait_indirect_dma semaphore(%arg11 : memref<!tpu.dma_semaphore, #tpu.memory_space<semaphore_mem>>) src(%dma_wait3A_294 : memref<200192x16xf32, #tpu.memory_space<hbm>>) dst(%dma_wait3A_288 : memref<128x16xf32, #tpu.memory_space<vmem>>)
      %dma_wait3A_295 = arith.constant 0 : i32
      %dma_wait3A_296 = arith.constant 2 : i32
      %dma_wait3A_297 = arith.constant 0 : i32
      %dma_wait3A_298 = arith.constant 2 : i32
      %dma_wait3A_299 = arith.constant 0 : i32
      %dma_wait3A_300 = arith.constant 0 : i32
      %dma_wait3A_301 = tpu.memref_slice %arg8[%dma_wait3A_297, %dma_wait3A_298, %dma_wait3A_299, %dma_wait3A_300] : memref<2x4x128x16xf32, #tpu.memory_space<vmem>> -> memref<1x1x128x16xf32, #tpu.memory_space<vmem>>
      %dma_wait3A_302 = tpu.memref_squeeze %dma_wait3A_301 : memref<1x1x128x16xf32, #tpu.memory_space<vmem>> -> memref<128x16xf32, #tpu.memory_space<vmem>>
      %dma_wait3A_303 = arith.constant 0 : i32
      %dma_wait3A_304 = tpu.memref_slice %arg6[%dma_wait3A_295, %dma_wait3A_296, %dma_wait3A_303] : memref<2x4x128xi32, #tpu.memory_space<vmem>> -> memref<1x1x128xi32, #tpu.memory_space<vmem>>
      %dma_wait3A_305 = tpu.memref_squeeze %dma_wait3A_304 : memref<1x1x128xi32, #tpu.memory_space<vmem>> -> memref<128xi32, #tpu.memory_space<vmem>>
      %dma_wait3A_306 = arith.constant 0 : i32
      %dma_wait3A_307 = arith.constant 0 : i32
      %dma_wait3A_308 = tpu.memref_slice %arg2[%dma_wait3A_306, %dma_wait3A_307] : memref<200192x16xf32, #tpu.memory_space<hbm>> -> memref<200192x16xf32, #tpu.memory_space<hbm>>
      tpu.wait_indirect_dma semaphore(%arg11 : memref<!tpu.dma_semaphore, #tpu.memory_space<semaphore_mem>>) src(%dma_wait3A_308 : memref<200192x16xf32, #tpu.memory_space<hbm>>) dst(%dma_wait3A_302 : memref<128x16xf32, #tpu.memory_space<vmem>>)
      %dma_wait3A_309 = arith.constant 0 : i32
      %dma_wait3A_310 = arith.constant 3 : i32
      %dma_wait3A_311 = arith.constant 0 : i32
      %dma_wait3A_312 = arith.constant 3 : i32
      %dma_wait3A_313 = arith.constant 0 : i32
      %dma_wait3A_314 = arith.constant 0 : i32
      %dma_wait3A_315 = tpu.memref_slice %arg8[%dma_wait3A_311, %dma_wait3A_312, %dma_wait3A_313, %dma_wait3A_314] : memref<2x4x128x16xf32, #tpu.memory_space<vmem>> -> memref<1x1x128x16xf32, #tpu.memory_space<vmem>>
      %dma_wait3A_316 = tpu.memref_squeeze %dma_wait3A_315 : memref<1x1x128x16xf32, #tpu.memory_space<vmem>> -> memref<128x16xf32, #tpu.memory_space<vmem>>
      %dma_wait3A_317 = arith.constant 0 : i32
      %dma_wait3A_318 = tpu.memref_slice %arg6[%dma_wait3A_309, %dma_wait3A_310, %dma_wait3A_317] : memref<2x4x128xi32, #tpu.memory_space<vmem>> -> memref<1x1x128xi32, #tpu.memory_space<vmem>>
      %dma_wait3A_319 = tpu.memref_squeeze %dma_wait3A_318 : memref<1x1x128xi32, #tpu.memory_space<vmem>> -> memref<128xi32, #tpu.memory_space<vmem>>
      %dma_wait3A_320 = arith.constant 0 : i32
      %dma_wait3A_321 = arith.constant 0 : i32
      %dma_wait3A_322 = tpu.memref_slice %arg2[%dma_wait3A_320, %dma_wait3A_321] : memref<200192x16xf32, #tpu.memory_space<hbm>> -> memref<200192x16xf32, #tpu.memory_space<hbm>>
      tpu.wait_indirect_dma semaphore(%arg11 : memref<!tpu.dma_semaphore, #tpu.memory_space<semaphore_mem>>) src(%dma_wait3A_322 : memref<200192x16xf32, #tpu.memory_space<hbm>>) dst(%dma_wait3A_316 : memref<128x16xf32, #tpu.memory_space<vmem>>)
      %dma_start3A_323 = arith.constant 0 : i32
      %dma_start3A_324 = arith.constant 0 : i32
      %dma_start3A_325 = arith.constant 0 : i32
      %dma_start3A_326 = arith.constant 0 : i32
      %dma_start3A_327 = arith.constant 0 : i32
      %dma_start3A_328 = arith.constant 0 : i32
      %dma_start3A_329 = tpu.memref_slice %arg8[%dma_start3A_323, %dma_start3A_324, %dma_start3A_327, %dma_start3A_328] : memref<2x4x128x16xf32, #tpu.memory_space<vmem>> -> memref<1x1x128x16xf32, #tpu.memory_space<vmem>>
      %dma_start3A_330 = tpu.memref_squeeze %dma_start3A_329 : memref<1x1x128x16xf32, #tpu.memory_space<vmem>> -> memref<128x16xf32, #tpu.memory_space<vmem>>
      %dma_start3A_331 = arith.constant 0 : i32
      %dma_start3A_332 = tpu.memref_slice %arg7[%dma_start3A_325, %dma_start3A_326, %dma_start3A_331] : memref<2x4x128xi32, #tpu.memory_space<vmem>> -> memref<1x1x128xi32, #tpu.memory_space<vmem>>
      %dma_start3A_333 = tpu.memref_squeeze %dma_start3A_332 : memref<1x1x128xi32, #tpu.memory_space<vmem>> -> memref<128xi32, #tpu.memory_space<vmem>>
      %dma_start3A_334 = arith.constant 0 : i32
      %dma_start3A_335 = arith.constant 0 : i32
      %dma_start3A_336 = tpu.memref_slice %arg10[%dma_start3A_334, %dma_start3A_335] : memref<100096x16xf32, #tpu.memory_space<vmem_shared>> -> memref<100096x16xf32, #tpu.memory_space<vmem_shared>>
      tpu.enqueue_indirect_dma source(%dma_start3A_330 : memref<128x16xf32, #tpu.memory_space<vmem>>) target(%dma_start3A_336 : memref<100096x16xf32, #tpu.memory_space<vmem_shared>>) offsets(%dma_start3A_333 : memref<128xi32, #tpu.memory_space<vmem>>) semaphore(%arg13 : memref<!tpu.dma_semaphore, #tpu.memory_space<semaphore_mem>>) {add = true}
      %dma_start3A_337 = arith.constant 0 : i32
      %dma_start3A_338 = arith.constant 1 : i32
      %dma_start3A_339 = arith.constant 0 : i32
      %dma_start3A_340 = arith.constant 1 : i32
      %dma_start3A_341 = arith.constant 0 : i32
      %dma_start3A_342 = arith.constant 0 : i32
      %dma_start3A_343 = tpu.memref_slice %arg8[%dma_start3A_337, %dma_start3A_338, %dma_start3A_341, %dma_start3A_342] : memref<2x4x128x16xf32, #tpu.memory_space<vmem>> -> memref<1x1x128x16xf32, #tpu.memory_space<vmem>>
      %dma_start3A_344 = tpu.memref_squeeze %dma_start3A_343 : memref<1x1x128x16xf32, #tpu.memory_space<vmem>> -> memref<128x16xf32, #tpu.memory_space<vmem>>
      %dma_start3A_345 = arith.constant 0 : i32
      %dma_start3A_346 = tpu.memref_slice %arg7[%dma_start3A_339, %dma_start3A_340, %dma_start3A_345] : memref<2x4x128xi32, #tpu.memory_space<vmem>> -> memref<1x1x128xi32, #tpu.memory_space<vmem>>
      %dma_start3A_347 = tpu.memref_squeeze %dma_start3A_346 : memref<1x1x128xi32, #tpu.memory_space<vmem>> -> memref<128xi32, #tpu.memory_space<vmem>>
      %dma_start3A_348 = arith.constant 0 : i32
      %dma_start3A_349 = arith.constant 0 : i32
      %dma_start3A_350 = tpu.memref_slice %arg10[%dma_start3A_348, %dma_start3A_349] : memref<100096x16xf32, #tpu.memory_space<vmem_shared>> -> memref<100096x16xf32, #tpu.memory_space<vmem_shared>>
      tpu.enqueue_indirect_dma source(%dma_start3A_344 : memref<128x16xf32, #tpu.memory_space<vmem>>) target(%dma_start3A_350 : memref<100096x16xf32, #tpu.memory_space<vmem_shared>>) offsets(%dma_start3A_347 : memref<128xi32, #tpu.memory_space<vmem>>) semaphore(%arg13 : memref<!tpu.dma_semaphore, #tpu.memory_space<semaphore_mem>>) {add = true}
      %dma_start3A_351 = arith.constant 0 : i32
      %dma_start3A_352 = arith.constant 2 : i32
      %dma_start3A_353 = arith.constant 0 : i32
      %dma_start3A_354 = arith.constant 2 : i32
      %dma_start3A_355 = arith.constant 0 : i32
      %dma_start3A_356 = arith.constant 0 : i32
      %dma_start3A_357 = tpu.memref_slice %arg8[%dma_start3A_351, %dma_start3A_352, %dma_start3A_355, %dma_start3A_356] : memref<2x4x128x16xf32, #tpu.memory_space<vmem>> -> memref<1x1x128x16xf32, #tpu.memory_space<vmem>>
      %dma_start3A_358 = tpu.memref_squeeze %dma_start3A_357 : memref<1x1x128x16xf32, #tpu.memory_space<vmem>> -> memref<128x16xf32, #tpu.memory_space<vmem>>
      %dma_start3A_359 = arith.constant 0 : i32
      %dma_start3A_360 = tpu.memref_slice %arg7[%dma_start3A_353, %dma_start3A_354, %dma_start3A_359] : memref<2x4x128xi32, #tpu.memory_space<vmem>> -> memref<1x1x128xi32, #tpu.memory_space<vmem>>
      %dma_start3A_361 = tpu.memref_squeeze %dma_start3A_360 : memref<1x1x128xi32, #tpu.memory_space<vmem>> -> memref<128xi32, #tpu.memory_space<vmem>>
      %dma_start3A_362 = arith.constant 0 : i32
      %dma_start3A_363 = arith.constant 0 : i32
      %dma_start3A_364 = tpu.memref_slice %arg10[%dma_start3A_362, %dma_start3A_363] : memref<100096x16xf32, #tpu.memory_space<vmem_shared>> -> memref<100096x16xf32, #tpu.memory_space<vmem_shared>>
      tpu.enqueue_indirect_dma source(%dma_start3A_358 : memref<128x16xf32, #tpu.memory_space<vmem>>) target(%dma_start3A_364 : memref<100096x16xf32, #tpu.memory_space<vmem_shared>>) offsets(%dma_start3A_361 : memref<128xi32, #tpu.memory_space<vmem>>) semaphore(%arg13 : memref<!tpu.dma_semaphore, #tpu.memory_space<semaphore_mem>>) {add = true}
      %dma_start3A_365 = arith.constant 0 : i32
      %dma_start3A_366 = arith.constant 3 : i32
      %dma_start3A_367 = arith.constant 0 : i32
      %dma_start3A_368 = arith.constant 3 : i32
      %dma_start3A_369 = arith.constant 0 : i32
      %dma_start3A_370 = arith.constant 0 : i32
      %dma_start3A_371 = tpu.memref_slice %arg8[%dma_start3A_365, %dma_start3A_366, %dma_start3A_369, %dma_start3A_370] : memref<2x4x128x16xf32, #tpu.memory_space<vmem>> -> memref<1x1x128x16xf32, #tpu.memory_space<vmem>>
      %dma_start3A_372 = tpu.memref_squeeze %dma_start3A_371 : memref<1x1x128x16xf32, #tpu.memory_space<vmem>> -> memref<128x16xf32, #tpu.memory_space<vmem>>
      %dma_start3A_373 = arith.constant 0 : i32
      %dma_start3A_374 = tpu.memref_slice %arg7[%dma_start3A_367, %dma_start3A_368, %dma_start3A_373] : memref<2x4x128xi32, #tpu.memory_space<vmem>> -> memref<1x1x128xi32, #tpu.memory_space<vmem>>
      %dma_start3A_375 = tpu.memref_squeeze %dma_start3A_374 : memref<1x1x128xi32, #tpu.memory_space<vmem>> -> memref<128xi32, #tpu.memory_space<vmem>>
      %dma_start3A_376 = arith.constant 0 : i32
      %dma_start3A_377 = arith.constant 0 : i32
      %dma_start3A_378 = tpu.memref_slice %arg10[%dma_start3A_376, %dma_start3A_377] : memref<100096x16xf32, #tpu.memory_space<vmem_shared>> -> memref<100096x16xf32, #tpu.memory_space<vmem_shared>>
      tpu.enqueue_indirect_dma source(%dma_start3A_372 : memref<128x16xf32, #tpu.memory_space<vmem>>) target(%dma_start3A_378 : memref<100096x16xf32, #tpu.memory_space<vmem_shared>>) offsets(%dma_start3A_375 : memref<128xi32, #tpu.memory_space<vmem>>) semaphore(%arg13 : memref<!tpu.dma_semaphore, #tpu.memory_space<semaphore_mem>>) {add = true}
      %dma_wait3A_379 = arith.constant 1 : i32
      %dma_wait3A_380 = arith.constant 0 : i32
      %dma_wait3A_381 = arith.constant 1 : i32
      %dma_wait3A_382 = arith.constant 0 : i32
      %dma_wait3A_383 = arith.constant 0 : i32
      %dma_wait3A_384 = arith.constant 0 : i32
      %dma_wait3A_385 = tpu.memref_slice %arg8[%dma_wait3A_381, %dma_wait3A_382, %dma_wait3A_383, %dma_wait3A_384] : memref<2x4x128x16xf32, #tpu.memory_space<vmem>> -> memref<1x1x128x16xf32, #tpu.memory_space<vmem>>
      %dma_wait3A_386 = tpu.memref_squeeze %dma_wait3A_385 : memref<1x1x128x16xf32, #tpu.memory_space<vmem>> -> memref<128x16xf32, #tpu.memory_space<vmem>>
      %dma_wait3A_387 = arith.constant 0 : i32
      %dma_wait3A_388 = tpu.memref_slice %arg6[%dma_wait3A_379, %dma_wait3A_380, %dma_wait3A_387] : memref<2x4x128xi32, #tpu.memory_space<vmem>> -> memref<1x1x128xi32, #tpu.memory_space<vmem>>
      %dma_wait3A_389 = tpu.memref_squeeze %dma_wait3A_388 : memref<1x1x128xi32, #tpu.memory_space<vmem>> -> memref<128xi32, #tpu.memory_space<vmem>>
      %dma_wait3A_390 = arith.constant 0 : i32
      %dma_wait3A_391 = arith.constant 0 : i32
      %dma_wait3A_392 = tpu.memref_slice %arg2[%dma_wait3A_390, %dma_wait3A_391] : memref<200192x16xf32, #tpu.memory_space<hbm>> -> memref<200192x16xf32, #tpu.memory_space<hbm>>
      tpu.wait_indirect_dma semaphore(%arg12 : memref<!tpu.dma_semaphore, #tpu.memory_space<semaphore_mem>>) src(%dma_wait3A_392 : memref<200192x16xf32, #tpu.memory_space<hbm>>) dst(%dma_wait3A_386 : memref<128x16xf32, #tpu.memory_space<vmem>>)
      %dma_wait3A_393 = arith.constant 1 : i32
      %dma_wait3A_394 = arith.constant 1 : i32
      %dma_wait3A_395 = arith.constant 1 : i32
      %dma_wait3A_396 = arith.constant 1 : i32
      %dma_wait3A_397 = arith.constant 0 : i32
      %dma_wait3A_398 = arith.constant 0 : i32
      %dma_wait3A_399 = tpu.memref_slice %arg8[%dma_wait3A_395, %dma_wait3A_396, %dma_wait3A_397, %dma_wait3A_398] : memref<2x4x128x16xf32, #tpu.memory_space<vmem>> -> memref<1x1x128x16xf32, #tpu.memory_space<vmem>>
      %dma_wait3A_400 = tpu.memref_squeeze %dma_wait3A_399 : memref<1x1x128x16xf32, #tpu.memory_space<vmem>> -> memref<128x16xf32, #tpu.memory_space<vmem>>
      %dma_wait3A_401 = arith.constant 0 : i32
      %dma_wait3A_402 = tpu.memref_slice %arg6[%dma_wait3A_393, %dma_wait3A_394, %dma_wait3A_401] : memref<2x4x128xi32, #tpu.memory_space<vmem>> -> memref<1x1x128xi32, #tpu.memory_space<vmem>>
      %dma_wait3A_403 = tpu.memref_squeeze %dma_wait3A_402 : memref<1x1x128xi32, #tpu.memory_space<vmem>> -> memref<128xi32, #tpu.memory_space<vmem>>
      %dma_wait3A_404 = arith.constant 0 : i32
      %dma_wait3A_405 = arith.constant 0 : i32
      %dma_wait3A_406 = tpu.memref_slice %arg2[%dma_wait3A_404, %dma_wait3A_405] : memref<200192x16xf32, #tpu.memory_space<hbm>> -> memref<200192x16xf32, #tpu.memory_space<hbm>>
      tpu.wait_indirect_dma semaphore(%arg12 : memref<!tpu.dma_semaphore, #tpu.memory_space<semaphore_mem>>) src(%dma_wait3A_406 : memref<200192x16xf32, #tpu.memory_space<hbm>>) dst(%dma_wait3A_400 : memref<128x16xf32, #tpu.memory_space<vmem>>)
      %dma_wait3A_407 = arith.constant 1 : i32
      %dma_wait3A_408 = arith.constant 2 : i32
      %dma_wait3A_409 = arith.constant 1 : i32
      %dma_wait3A_410 = arith.constant 2 : i32
      %dma_wait3A_411 = arith.constant 0 : i32
      %dma_wait3A_412 = arith.constant 0 : i32
      %dma_wait3A_413 = tpu.memref_slice %arg8[%dma_wait3A_409, %dma_wait3A_410, %dma_wait3A_411, %dma_wait3A_412] : memref<2x4x128x16xf32, #tpu.memory_space<vmem>> -> memref<1x1x128x16xf32, #tpu.memory_space<vmem>>
      %dma_wait3A_414 = tpu.memref_squeeze %dma_wait3A_413 : memref<1x1x128x16xf32, #tpu.memory_space<vmem>> -> memref<128x16xf32, #tpu.memory_space<vmem>>
      %dma_wait3A_415 = arith.constant 0 : i32
      %dma_wait3A_416 = tpu.memref_slice %arg6[%dma_wait3A_407, %dma_wait3A_408, %dma_wait3A_415] : memref<2x4x128xi32, #tpu.memory_space<vmem>> -> memref<1x1x128xi32, #tpu.memory_space<vmem>>
      %dma_wait3A_417 = tpu.memref_squeeze %dma_wait3A_416 : memref<1x1x128xi32, #tpu.memory_space<vmem>> -> memref<128xi32, #tpu.memory_space<vmem>>
      %dma_wait3A_418 = arith.constant 0 : i32
      %dma_wait3A_419 = arith.constant 0 : i32
      %dma_wait3A_420 = tpu.memref_slice %arg2[%dma_wait3A_418, %dma_wait3A_419] : memref<200192x16xf32, #tpu.memory_space<hbm>> -> memref<200192x16xf32, #tpu.memory_space<hbm>>
      tpu.wait_indirect_dma semaphore(%arg12 : memref<!tpu.dma_semaphore, #tpu.memory_space<semaphore_mem>>) src(%dma_wait3A_420 : memref<200192x16xf32, #tpu.memory_space<hbm>>) dst(%dma_wait3A_414 : memref<128x16xf32, #tpu.memory_space<vmem>>)
      %dma_wait3A_421 = arith.constant 1 : i32
      %dma_wait3A_422 = arith.constant 3 : i32
      %dma_wait3A_423 = arith.constant 1 : i32
      %dma_wait3A_424 = arith.constant 3 : i32
      %dma_wait3A_425 = arith.constant 0 : i32
      %dma_wait3A_426 = arith.constant 0 : i32
      %dma_wait3A_427 = tpu.memref_slice %arg8[%dma_wait3A_423, %dma_wait3A_424, %dma_wait3A_425, %dma_wait3A_426] : memref<2x4x128x16xf32, #tpu.memory_space<vmem>> -> memref<1x1x128x16xf32, #tpu.memory_space<vmem>>
      %dma_wait3A_428 = tpu.memref_squeeze %dma_wait3A_427 : memref<1x1x128x16xf32, #tpu.memory_space<vmem>> -> memref<128x16xf32, #tpu.memory_space<vmem>>
      %dma_wait3A_429 = arith.constant 0 : i32
      %dma_wait3A_430 = tpu.memref_slice %arg6[%dma_wait3A_421, %dma_wait3A_422, %dma_wait3A_429] : memref<2x4x128xi32, #tpu.memory_space<vmem>> -> memref<1x1x128xi32, #tpu.memory_space<vmem>>
      %dma_wait3A_431 = tpu.memref_squeeze %dma_wait3A_430 : memref<1x1x128xi32, #tpu.memory_space<vmem>> -> memref<128xi32, #tpu.memory_space<vmem>>
      %dma_wait3A_432 = arith.constant 0 : i32
      %dma_wait3A_433 = arith.constant 0 : i32
      %dma_wait3A_434 = tpu.memref_slice %arg2[%dma_wait3A_432, %dma_wait3A_433] : memref<200192x16xf32, #tpu.memory_space<hbm>> -> memref<200192x16xf32, #tpu.memory_space<hbm>>
      tpu.wait_indirect_dma semaphore(%arg12 : memref<!tpu.dma_semaphore, #tpu.memory_space<semaphore_mem>>) src(%dma_wait3A_434 : memref<200192x16xf32, #tpu.memory_space<hbm>>) dst(%dma_wait3A_428 : memref<128x16xf32, #tpu.memory_space<vmem>>)
      %dma_start3A_435 = arith.constant 1 : i32
      %dma_start3A_436 = arith.constant 0 : i32
      %dma_start3A_437 = arith.constant 1 : i32
      %dma_start3A_438 = arith.constant 0 : i32
      %dma_start3A_439 = arith.constant 0 : i32
      %dma_start3A_440 = arith.constant 0 : i32
      %dma_start3A_441 = tpu.memref_slice %arg8[%dma_start3A_435, %dma_start3A_436, %dma_start3A_439, %dma_start3A_440] : memref<2x4x128x16xf32, #tpu.memory_space<vmem>> -> memref<1x1x128x16xf32, #tpu.memory_space<vmem>>
      %dma_start3A_442 = tpu.memref_squeeze %dma_start3A_441 : memref<1x1x128x16xf32, #tpu.memory_space<vmem>> -> memref<128x16xf32, #tpu.memory_space<vmem>>
      %dma_start3A_443 = arith.constant 0 : i32
      %dma_start3A_444 = tpu.memref_slice %arg7[%dma_start3A_437, %dma_start3A_438, %dma_start3A_443] : memref<2x4x128xi32, #tpu.memory_space<vmem>> -> memref<1x1x128xi32, #tpu.memory_space<vmem>>
      %dma_start3A_445 = tpu.memref_squeeze %dma_start3A_444 : memref<1x1x128xi32, #tpu.memory_space<vmem>> -> memref<128xi32, #tpu.memory_space<vmem>>
      %dma_start3A_446 = arith.constant 0 : i32
      %dma_start3A_447 = arith.constant 0 : i32
      %dma_start3A_448 = tpu.memref_slice %arg10[%dma_start3A_446, %dma_start3A_447] : memref<100096x16xf32, #tpu.memory_space<vmem_shared>> -> memref<100096x16xf32, #tpu.memory_space<vmem_shared>>
      tpu.enqueue_indirect_dma source(%dma_start3A_442 : memref<128x16xf32, #tpu.memory_space<vmem>>) target(%dma_start3A_448 : memref<100096x16xf32, #tpu.memory_space<vmem_shared>>) offsets(%dma_start3A_445 : memref<128xi32, #tpu.memory_space<vmem>>) semaphore(%arg14 : memref<!tpu.dma_semaphore, #tpu.memory_space<semaphore_mem>>) {add = true}
      %dma_start3A_449 = arith.constant 1 : i32
      %dma_start3A_450 = arith.constant 1 : i32
      %dma_start3A_451 = arith.constant 1 : i32
      %dma_start3A_452 = arith.constant 1 : i32
      %dma_start3A_453 = arith.constant 0 : i32
      %dma_start3A_454 = arith.constant 0 : i32
      %dma_start3A_455 = tpu.memref_slice %arg8[%dma_start3A_449, %dma_start3A_450, %dma_start3A_453, %dma_start3A_454] : memref<2x4x128x16xf32, #tpu.memory_space<vmem>> -> memref<1x1x128x16xf32, #tpu.memory_space<vmem>>
      %dma_start3A_456 = tpu.memref_squeeze %dma_start3A_455 : memref<1x1x128x16xf32, #tpu.memory_space<vmem>> -> memref<128x16xf32, #tpu.memory_space<vmem>>
      %dma_start3A_457 = arith.constant 0 : i32
      %dma_start3A_458 = tpu.memref_slice %arg7[%dma_start3A_451, %dma_start3A_452, %dma_start3A_457] : memref<2x4x128xi32, #tpu.memory_space<vmem>> -> memref<1x1x128xi32, #tpu.memory_space<vmem>>
      %dma_start3A_459 = tpu.memref_squeeze %dma_start3A_458 : memref<1x1x128xi32, #tpu.memory_space<vmem>> -> memref<128xi32, #tpu.memory_space<vmem>>
      %dma_start3A_460 = arith.constant 0 : i32
      %dma_start3A_461 = arith.constant 0 : i32
      %dma_start3A_462 = tpu.memref_slice %arg10[%dma_start3A_460, %dma_start3A_461] : memref<100096x16xf32, #tpu.memory_space<vmem_shared>> -> memref<100096x16xf32, #tpu.memory_space<vmem_shared>>
      tpu.enqueue_indirect_dma source(%dma_start3A_456 : memref<128x16xf32, #tpu.memory_space<vmem>>) target(%dma_start3A_462 : memref<100096x16xf32, #tpu.memory_space<vmem_shared>>) offsets(%dma_start3A_459 : memref<128xi32, #tpu.memory_space<vmem>>) semaphore(%arg14 : memref<!tpu.dma_semaphore, #tpu.memory_space<semaphore_mem>>) {add = true}
      %dma_start3A_463 = arith.constant 1 : i32
      %dma_start3A_464 = arith.constant 2 : i32
      %dma_start3A_465 = arith.constant 1 : i32
      %dma_start3A_466 = arith.constant 2 : i32
      %dma_start3A_467 = arith.constant 0 : i32
      %dma_start3A_468 = arith.constant 0 : i32
      %dma_start3A_469 = tpu.memref_slice %arg8[%dma_start3A_463, %dma_start3A_464, %dma_start3A_467, %dma_start3A_468] : memref<2x4x128x16xf32, #tpu.memory_space<vmem>> -> memref<1x1x128x16xf32, #tpu.memory_space<vmem>>
      %dma_start3A_470 = tpu.memref_squeeze %dma_start3A_469 : memref<1x1x128x16xf32, #tpu.memory_space<vmem>> -> memref<128x16xf32, #tpu.memory_space<vmem>>
      %dma_start3A_471 = arith.constant 0 : i32
      %dma_start3A_472 = tpu.memref_slice %arg7[%dma_start3A_465, %dma_start3A_466, %dma_start3A_471] : memref<2x4x128xi32, #tpu.memory_space<vmem>> -> memref<1x1x128xi32, #tpu.memory_space<vmem>>
      %dma_start3A_473 = tpu.memref_squeeze %dma_start3A_472 : memref<1x1x128xi32, #tpu.memory_space<vmem>> -> memref<128xi32, #tpu.memory_space<vmem>>
      %dma_start3A_474 = arith.constant 0 : i32
      %dma_start3A_475 = arith.constant 0 : i32
      %dma_start3A_476 = tpu.memref_slice %arg10[%dma_start3A_474, %dma_start3A_475] : memref<100096x16xf32, #tpu.memory_space<vmem_shared>> -> memref<100096x16xf32, #tpu.memory_space<vmem_shared>>
      tpu.enqueue_indirect_dma source(%dma_start3A_470 : memref<128x16xf32, #tpu.memory_space<vmem>>) target(%dma_start3A_476 : memref<100096x16xf32, #tpu.memory_space<vmem_shared>>) offsets(%dma_start3A_473 : memref<128xi32, #tpu.memory_space<vmem>>) semaphore(%arg14 : memref<!tpu.dma_semaphore, #tpu.memory_space<semaphore_mem>>) {add = true}
      %dma_start3A_477 = arith.constant 1 : i32
      %dma_start3A_478 = arith.constant 3 : i32
      %dma_start3A_479 = arith.constant 1 : i32
      %dma_start3A_480 = arith.constant 3 : i32
      %dma_start3A_481 = arith.constant 0 : i32
      %dma_start3A_482 = arith.constant 0 : i32
      %dma_start3A_483 = tpu.memref_slice %arg8[%dma_start3A_477, %dma_start3A_478, %dma_start3A_481, %dma_start3A_482] : memref<2x4x128x16xf32, #tpu.memory_space<vmem>> -> memref<1x1x128x16xf32, #tpu.memory_space<vmem>>
      %dma_start3A_484 = tpu.memref_squeeze %dma_start3A_483 : memref<1x1x128x16xf32, #tpu.memory_space<vmem>> -> memref<128x16xf32, #tpu.memory_space<vmem>>
      %dma_start3A_485 = arith.constant 0 : i32
      %dma_start3A_486 = tpu.memref_slice %arg7[%dma_start3A_479, %dma_start3A_480, %dma_start3A_485] : memref<2x4x128xi32, #tpu.memory_space<vmem>> -> memref<1x1x128xi32, #tpu.memory_space<vmem>>
      %dma_start3A_487 = tpu.memref_squeeze %dma_start3A_486 : memref<1x1x128xi32, #tpu.memory_space<vmem>> -> memref<128xi32, #tpu.memory_space<vmem>>
      %dma_start3A_488 = arith.constant 0 : i32
      %dma_start3A_489 = arith.constant 0 : i32
      %dma_start3A_490 = tpu.memref_slice %arg10[%dma_start3A_488, %dma_start3A_489] : memref<100096x16xf32, #tpu.memory_space<vmem_shared>> -> memref<100096x16xf32, #tpu.memory_space<vmem_shared>>
      tpu.enqueue_indirect_dma source(%dma_start3A_484 : memref<128x16xf32, #tpu.memory_space<vmem>>) target(%dma_start3A_490 : memref<100096x16xf32, #tpu.memory_space<vmem_shared>>) offsets(%dma_start3A_487 : memref<128xi32, #tpu.memory_space<vmem>>) semaphore(%arg14 : memref<!tpu.dma_semaphore, #tpu.memory_space<semaphore_mem>>) {add = true}
    }
    %scan3A_14 = arith.constant 196 : i32
    %dma_wait3A = arith.constant 0 : i32
    %dma_wait3A_15 = arith.constant 0 : i32
    %dma_wait3A_16 = arith.constant 0 : i32
    %dma_wait3A_17 = arith.constant 0 : i32
    %dma_wait3A_18 = arith.constant 0 : i32
    %dma_wait3A_19 = arith.constant 0 : i32
    %dma_wait3A_20 = tpu.memref_slice %arg8[%dma_wait3A, %dma_wait3A_15, %dma_wait3A_18, %dma_wait3A_19] : memref<2x4x128x16xf32, #tpu.memory_space<vmem>> -> memref<1x1x128x16xf32, #tpu.memory_space<vmem>>
    %dma_wait3A_21 = tpu.memref_squeeze %dma_wait3A_20 : memref<1x1x128x16xf32, #tpu.memory_space<vmem>> -> memref<128x16xf32, #tpu.memory_space<vmem>>
    %dma_wait3A_22 = arith.constant 0 : i32
    %dma_wait3A_23 = tpu.memref_slice %arg7[%dma_wait3A_16, %dma_wait3A_17, %dma_wait3A_22] : memref<2x4x128xi32, #tpu.memory_space<vmem>> -> memref<1x1x128xi32, #tpu.memory_space<vmem>>
    %dma_wait3A_24 = tpu.memref_squeeze %dma_wait3A_23 : memref<1x1x128xi32, #tpu.memory_space<vmem>> -> memref<128xi32, #tpu.memory_space<vmem>>
    %dma_wait3A_25 = arith.constant 0 : i32
    %dma_wait3A_26 = arith.constant 0 : i32
    %dma_wait3A_27 = tpu.memref_slice %arg10[%dma_wait3A_25, %dma_wait3A_26] : memref<100096x16xf32, #tpu.memory_space<vmem_shared>> -> memref<100096x16xf32, #tpu.memory_space<vmem_shared>>
    tpu.wait_indirect_dma semaphore(%arg13 : memref<!tpu.dma_semaphore, #tpu.memory_space<semaphore_mem>>) src(%dma_wait3A_21 : memref<128x16xf32, #tpu.memory_space<vmem>>) dst(%dma_wait3A_27 : memref<100096x16xf32, #tpu.memory_space<vmem_shared>>)
    %dma_wait3A_28 = arith.constant 0 : i32
    %dma_wait3A_29 = arith.constant 1 : i32
    %dma_wait3A_30 = arith.constant 0 : i32
    %dma_wait3A_31 = arith.constant 1 : i32
    %dma_wait3A_32 = arith.constant 0 : i32
    %dma_wait3A_33 = arith.constant 0 : i32
    %dma_wait3A_34 = tpu.memref_slice %arg8[%dma_wait3A_28, %dma_wait3A_29, %dma_wait3A_32, %dma_wait3A_33] : memref<2x4x128x16xf32, #tpu.memory_space<vmem>> -> memref<1x1x128x16xf32, #tpu.memory_space<vmem>>
    %dma_wait3A_35 = tpu.memref_squeeze %dma_wait3A_34 : memref<1x1x128x16xf32, #tpu.memory_space<vmem>> -> memref<128x16xf32, #tpu.memory_space<vmem>>
    %dma_wait3A_36 = arith.constant 0 : i32
    %dma_wait3A_37 = tpu.memref_slice %arg7[%dma_wait3A_30, %dma_wait3A_31, %dma_wait3A_36] : memref<2x4x128xi32, #tpu.memory_space<vmem>> -> memref<1x1x128xi32, #tpu.memory_space<vmem>>
    %dma_wait3A_38 = tpu.memref_squeeze %dma_wait3A_37 : memref<1x1x128xi32, #tpu.memory_space<vmem>> -> memref<128xi32, #tpu.memory_space<vmem>>
    %dma_wait3A_39 = arith.constant 0 : i32
    %dma_wait3A_40 = arith.constant 0 : i32
    %dma_wait3A_41 = tpu.memref_slice %arg10[%dma_wait3A_39, %dma_wait3A_40] : memref<100096x16xf32, #tpu.memory_space<vmem_shared>> -> memref<100096x16xf32, #tpu.memory_space<vmem_shared>>
    tpu.wait_indirect_dma semaphore(%arg13 : memref<!tpu.dma_semaphore, #tpu.memory_space<semaphore_mem>>) src(%dma_wait3A_35 : memref<128x16xf32, #tpu.memory_space<vmem>>) dst(%dma_wait3A_41 : memref<100096x16xf32, #tpu.memory_space<vmem_shared>>)
    %dma_wait3A_42 = arith.constant 0 : i32
    %dma_wait3A_43 = arith.constant 2 : i32
    %dma_wait3A_44 = arith.constant 0 : i32
    %dma_wait3A_45 = arith.constant 2 : i32
    %dma_wait3A_46 = arith.constant 0 : i32
    %dma_wait3A_47 = arith.constant 0 : i32
    %dma_wait3A_48 = tpu.memref_slice %arg8[%dma_wait3A_42, %dma_wait3A_43, %dma_wait3A_46, %dma_wait3A_47] : memref<2x4x128x16xf32, #tpu.memory_space<vmem>> -> memref<1x1x128x16xf32, #tpu.memory_space<vmem>>
    %dma_wait3A_49 = tpu.memref_squeeze %dma_wait3A_48 : memref<1x1x128x16xf32, #tpu.memory_space<vmem>> -> memref<128x16xf32, #tpu.memory_space<vmem>>
    %dma_wait3A_50 = arith.constant 0 : i32
    %dma_wait3A_51 = tpu.memref_slice %arg7[%dma_wait3A_44, %dma_wait3A_45, %dma_wait3A_50] : memref<2x4x128xi32, #tpu.memory_space<vmem>> -> memref<1x1x128xi32, #tpu.memory_space<vmem>>
    %dma_wait3A_52 = tpu.memref_squeeze %dma_wait3A_51 : memref<1x1x128xi32, #tpu.memory_space<vmem>> -> memref<128xi32, #tpu.memory_space<vmem>>
    %dma_wait3A_53 = arith.constant 0 : i32
    %dma_wait3A_54 = arith.constant 0 : i32
    %dma_wait3A_55 = tpu.memref_slice %arg10[%dma_wait3A_53, %dma_wait3A_54] : memref<100096x16xf32, #tpu.memory_space<vmem_shared>> -> memref<100096x16xf32, #tpu.memory_space<vmem_shared>>
    tpu.wait_indirect_dma semaphore(%arg13 : memref<!tpu.dma_semaphore, #tpu.memory_space<semaphore_mem>>) src(%dma_wait3A_49 : memref<128x16xf32, #tpu.memory_space<vmem>>) dst(%dma_wait3A_55 : memref<100096x16xf32, #tpu.memory_space<vmem_shared>>)
    %dma_wait3A_56 = arith.constant 0 : i32
    %dma_wait3A_57 = arith.constant 3 : i32
    %dma_wait3A_58 = arith.constant 0 : i32
    %dma_wait3A_59 = arith.constant 3 : i32
    %dma_wait3A_60 = arith.constant 0 : i32
    %dma_wait3A_61 = arith.constant 0 : i32
    %dma_wait3A_62 = tpu.memref_slice %arg8[%dma_wait3A_56, %dma_wait3A_57, %dma_wait3A_60, %dma_wait3A_61] : memref<2x4x128x16xf32, #tpu.memory_space<vmem>> -> memref<1x1x128x16xf32, #tpu.memory_space<vmem>>
    %dma_wait3A_63 = tpu.memref_squeeze %dma_wait3A_62 : memref<1x1x128x16xf32, #tpu.memory_space<vmem>> -> memref<128x16xf32, #tpu.memory_space<vmem>>
    %dma_wait3A_64 = arith.constant 0 : i32
    %dma_wait3A_65 = tpu.memref_slice %arg7[%dma_wait3A_58, %dma_wait3A_59, %dma_wait3A_64] : memref<2x4x128xi32, #tpu.memory_space<vmem>> -> memref<1x1x128xi32, #tpu.memory_space<vmem>>
    %dma_wait3A_66 = tpu.memref_squeeze %dma_wait3A_65 : memref<1x1x128xi32, #tpu.memory_space<vmem>> -> memref<128xi32, #tpu.memory_space<vmem>>
    %dma_wait3A_67 = arith.constant 0 : i32
    %dma_wait3A_68 = arith.constant 0 : i32
    %dma_wait3A_69 = tpu.memref_slice %arg10[%dma_wait3A_67, %dma_wait3A_68] : memref<100096x16xf32, #tpu.memory_space<vmem_shared>> -> memref<100096x16xf32, #tpu.memory_space<vmem_shared>>
    tpu.wait_indirect_dma semaphore(%arg13 : memref<!tpu.dma_semaphore, #tpu.memory_space<semaphore_mem>>) src(%dma_wait3A_63 : memref<128x16xf32, #tpu.memory_space<vmem>>) dst(%dma_wait3A_69 : memref<100096x16xf32, #tpu.memory_space<vmem_shared>>)
    %dma_wait3A_70 = arith.constant 1 : i32
    %dma_wait3A_71 = arith.constant 0 : i32
    %dma_wait3A_72 = arith.constant 1 : i32
    %dma_wait3A_73 = arith.constant 0 : i32
    %dma_wait3A_74 = arith.constant 0 : i32
    %dma_wait3A_75 = arith.constant 0 : i32
    %dma_wait3A_76 = tpu.memref_slice %arg8[%dma_wait3A_70, %dma_wait3A_71, %dma_wait3A_74, %dma_wait3A_75] : memref<2x4x128x16xf32, #tpu.memory_space<vmem>> -> memref<1x1x128x16xf32, #tpu.memory_space<vmem>>
    %dma_wait3A_77 = tpu.memref_squeeze %dma_wait3A_76 : memref<1x1x128x16xf32, #tpu.memory_space<vmem>> -> memref<128x16xf32, #tpu.memory_space<vmem>>
    %dma_wait3A_78 = arith.constant 0 : i32
    %dma_wait3A_79 = tpu.memref_slice %arg7[%dma_wait3A_72, %dma_wait3A_73, %dma_wait3A_78] : memref<2x4x128xi32, #tpu.memory_space<vmem>> -> memref<1x1x128xi32, #tpu.memory_space<vmem>>
    %dma_wait3A_80 = tpu.memref_squeeze %dma_wait3A_79 : memref<1x1x128xi32, #tpu.memory_space<vmem>> -> memref<128xi32, #tpu.memory_space<vmem>>
    %dma_wait3A_81 = arith.constant 0 : i32
    %dma_wait3A_82 = arith.constant 0 : i32
    %dma_wait3A_83 = tpu.memref_slice %arg10[%dma_wait3A_81, %dma_wait3A_82] : memref<100096x16xf32, #tpu.memory_space<vmem_shared>> -> memref<100096x16xf32, #tpu.memory_space<vmem_shared>>
    tpu.wait_indirect_dma semaphore(%arg14 : memref<!tpu.dma_semaphore, #tpu.memory_space<semaphore_mem>>) src(%dma_wait3A_77 : memref<128x16xf32, #tpu.memory_space<vmem>>) dst(%dma_wait3A_83 : memref<100096x16xf32, #tpu.memory_space<vmem_shared>>)
    %dma_wait3A_84 = arith.constant 1 : i32
    %dma_wait3A_85 = arith.constant 1 : i32
    %dma_wait3A_86 = arith.constant 1 : i32
    %dma_wait3A_87 = arith.constant 1 : i32
    %dma_wait3A_88 = arith.constant 0 : i32
    %dma_wait3A_89 = arith.constant 0 : i32
    %dma_wait3A_90 = tpu.memref_slice %arg8[%dma_wait3A_84, %dma_wait3A_85, %dma_wait3A_88, %dma_wait3A_89] : memref<2x4x128x16xf32, #tpu.memory_space<vmem>> -> memref<1x1x128x16xf32, #tpu.memory_space<vmem>>
    %dma_wait3A_91 = tpu.memref_squeeze %dma_wait3A_90 : memref<1x1x128x16xf32, #tpu.memory_space<vmem>> -> memref<128x16xf32, #tpu.memory_space<vmem>>
    %dma_wait3A_92 = arith.constant 0 : i32
    %dma_wait3A_93 = tpu.memref_slice %arg7[%dma_wait3A_86, %dma_wait3A_87, %dma_wait3A_92] : memref<2x4x128xi32, #tpu.memory_space<vmem>> -> memref<1x1x128xi32, #tpu.memory_space<vmem>>
    %dma_wait3A_94 = tpu.memref_squeeze %dma_wait3A_93 : memref<1x1x128xi32, #tpu.memory_space<vmem>> -> memref<128xi32, #tpu.memory_space<vmem>>
    %dma_wait3A_95 = arith.constant 0 : i32
    %dma_wait3A_96 = arith.constant 0 : i32
    %dma_wait3A_97 = tpu.memref_slice %arg10[%dma_wait3A_95, %dma_wait3A_96] : memref<100096x16xf32, #tpu.memory_space<vmem_shared>> -> memref<100096x16xf32, #tpu.memory_space<vmem_shared>>
    tpu.wait_indirect_dma semaphore(%arg14 : memref<!tpu.dma_semaphore, #tpu.memory_space<semaphore_mem>>) src(%dma_wait3A_91 : memref<128x16xf32, #tpu.memory_space<vmem>>) dst(%dma_wait3A_97 : memref<100096x16xf32, #tpu.memory_space<vmem_shared>>)
    %dma_wait3A_98 = arith.constant 1 : i32
    %dma_wait3A_99 = arith.constant 2 : i32
    %dma_wait3A_100 = arith.constant 1 : i32
    %dma_wait3A_101 = arith.constant 2 : i32
    %dma_wait3A_102 = arith.constant 0 : i32
    %dma_wait3A_103 = arith.constant 0 : i32
    %dma_wait3A_104 = tpu.memref_slice %arg8[%dma_wait3A_98, %dma_wait3A_99, %dma_wait3A_102, %dma_wait3A_103] : memref<2x4x128x16xf32, #tpu.memory_space<vmem>> -> memref<1x1x128x16xf32, #tpu.memory_space<vmem>>
    %dma_wait3A_105 = tpu.memref_squeeze %dma_wait3A_104 : memref<1x1x128x16xf32, #tpu.memory_space<vmem>> -> memref<128x16xf32, #tpu.memory_space<vmem>>
    %dma_wait3A_106 = arith.constant 0 : i32
    %dma_wait3A_107 = tpu.memref_slice %arg7[%dma_wait3A_100, %dma_wait3A_101, %dma_wait3A_106] : memref<2x4x128xi32, #tpu.memory_space<vmem>> -> memref<1x1x128xi32, #tpu.memory_space<vmem>>
    %dma_wait3A_108 = tpu.memref_squeeze %dma_wait3A_107 : memref<1x1x128xi32, #tpu.memory_space<vmem>> -> memref<128xi32, #tpu.memory_space<vmem>>
    %dma_wait3A_109 = arith.constant 0 : i32
    %dma_wait3A_110 = arith.constant 0 : i32
    %dma_wait3A_111 = tpu.memref_slice %arg10[%dma_wait3A_109, %dma_wait3A_110] : memref<100096x16xf32, #tpu.memory_space<vmem_shared>> -> memref<100096x16xf32, #tpu.memory_space<vmem_shared>>
    tpu.wait_indirect_dma semaphore(%arg14 : memref<!tpu.dma_semaphore, #tpu.memory_space<semaphore_mem>>) src(%dma_wait3A_105 : memref<128x16xf32, #tpu.memory_space<vmem>>) dst(%dma_wait3A_111 : memref<100096x16xf32, #tpu.memory_space<vmem_shared>>)
    %dma_wait3A_112 = arith.constant 1 : i32
    %dma_wait3A_113 = arith.constant 3 : i32
    %dma_wait3A_114 = arith.constant 1 : i32
    %dma_wait3A_115 = arith.constant 3 : i32
    %dma_wait3A_116 = arith.constant 0 : i32
    %dma_wait3A_117 = arith.constant 0 : i32
    %dma_wait3A_118 = tpu.memref_slice %arg8[%dma_wait3A_112, %dma_wait3A_113, %dma_wait3A_116, %dma_wait3A_117] : memref<2x4x128x16xf32, #tpu.memory_space<vmem>> -> memref<1x1x128x16xf32, #tpu.memory_space<vmem>>
    %dma_wait3A_119 = tpu.memref_squeeze %dma_wait3A_118 : memref<1x1x128x16xf32, #tpu.memory_space<vmem>> -> memref<128x16xf32, #tpu.memory_space<vmem>>
    %dma_wait3A_120 = arith.constant 0 : i32
    %dma_wait3A_121 = tpu.memref_slice %arg7[%dma_wait3A_114, %dma_wait3A_115, %dma_wait3A_120] : memref<2x4x128xi32, #tpu.memory_space<vmem>> -> memref<1x1x128xi32, #tpu.memory_space<vmem>>
    %dma_wait3A_122 = tpu.memref_squeeze %dma_wait3A_121 : memref<1x1x128xi32, #tpu.memory_space<vmem>> -> memref<128xi32, #tpu.memory_space<vmem>>
    %dma_wait3A_123 = arith.constant 0 : i32
    %dma_wait3A_124 = arith.constant 0 : i32
    %dma_wait3A_125 = tpu.memref_slice %arg10[%dma_wait3A_123, %dma_wait3A_124] : memref<100096x16xf32, #tpu.memory_space<vmem_shared>> -> memref<100096x16xf32, #tpu.memory_space<vmem_shared>>
    tpu.wait_indirect_dma semaphore(%arg14 : memref<!tpu.dma_semaphore, #tpu.memory_space<semaphore_mem>>) src(%dma_wait3A_119 : memref<128x16xf32, #tpu.memory_space<vmem>>) dst(%dma_wait3A_125 : memref<100096x16xf32, #tpu.memory_space<vmem_shared>>)
    %barrier3A_126 = arith.constant 0 : index
    tpu.barrier barrier_id(%barrier3A_126)
    %scan3A_127 = arith.constant 0 : i32
    %scan3A_128 = arith.constant 46 : i32
    %scan3A_129 = arith.addi %scan3A_127, %scan3A_128 : i32
    %scan3A_130 = arith.constant 1 : i32
    scf.for %scan3A_132 = %scan3A_127 to %scan3A_129 step %scan3A_130  : i32 {
      %mul3A_133 = arith.constant 1 : i32
      %mul3A_134 = arith.muli %scan3A_132, %mul3A_133 : i32
      %add3A = arith.constant 0 : i32
      %add3A_135 = arith.addi %add3A, %mul3A_134 : i32
      %mul3A_136 = arith.constant 6256 : i32
      %mul3A_137 = arith.muli %arg1, %mul3A_136 : i32
      %mul3A_138 = arith.constant 136 : i32
      %mul3A_139 = arith.muli %add3A_135, %mul3A_138 : i32
      %add3A_140 = arith.addi %mul3A_137, %mul3A_139 : i32
      "tpu.region"() ({
        %run_scoped3A = tpu.sem_alloc : memref<!tpu.dma_semaphore, #tpu.memory_space<semaphore_mem>>
        %dma_start3A = arith.constant 0 : i32
        %dma_start3A_141 = tpu.memref_slice %arg10[%add3A_140, %dma_start3A] : memref<100096x16xf32, #tpu.memory_space<vmem_shared>> -> memref<136x16xf32, #tpu.memory_space<vmem_shared>>
        %dma_start3A_142 = arith.constant 0 : i32
        %dma_start3A_143 = tpu.memref_slice %arg10[%add3A_140, %dma_start3A_142] : memref<100096x16xf32, #tpu.memory_space<vmem_shared>> -> memref<136x16xf32, #tpu.memory_space<vmem_shared>>
        tpu.enqueue_dma source(%dma_start3A_143 : memref<136x16xf32, #tpu.memory_space<vmem_shared>>) target(%arg9 : memref<136x16xf32, #tpu.memory_space<vmem>>) target_semaphore(%run_scoped3A : memref<!tpu.dma_semaphore, #tpu.memory_space<semaphore_mem>>)
        %dma_wait3A_144 = arith.constant 0 : i32
        %dma_wait3A_145 = tpu.memref_slice %arg10[%add3A_140, %dma_wait3A_144] : memref<100096x16xf32, #tpu.memory_space<vmem_shared>> -> memref<136x16xf32, #tpu.memory_space<vmem_shared>>
        %dma_wait3A_146 = arith.constant 0 : i32
        %dma_wait3A_147 = tpu.memref_slice %arg10[%add3A_140, %dma_wait3A_146] : memref<100096x16xf32, #tpu.memory_space<vmem_shared>> -> memref<136x16xf32, #tpu.memory_space<vmem_shared>>
        tpu.wait_dma2 semaphore(%run_scoped3A : memref<!tpu.dma_semaphore, #tpu.memory_space<semaphore_mem>>) src(%dma_wait3A_147 : memref<136x16xf32, #tpu.memory_space<vmem_shared>>) dst(%arg9 : memref<136x16xf32, #tpu.memory_space<vmem>>)
        tpu.yield
      }) : () -> ()
      "tpu.region"() ({
        %run_scoped3A = tpu.sem_alloc : memref<!tpu.dma_semaphore, #tpu.memory_space<semaphore_mem>>
        %dma_start3A = arith.constant 0 : i32
        %dma_start3A_141 = tpu.memref_slice %arg5[%arg0, %add3A_140, %dma_start3A] : memref<2x100096x16xf32, #tpu.memory_space<hbm>> -> memref<1x136x16xf32, #tpu.memory_space<hbm>>
        %dma_start3A_142 = tpu.memref_squeeze %dma_start3A_141 : memref<1x136x16xf32, #tpu.memory_space<hbm>> -> memref<136x16xf32, #tpu.memory_space<hbm>>
        %dma_start3A_143 = arith.constant 0 : i32
        %dma_start3A_144 = tpu.memref_slice %arg5[%arg0, %add3A_140, %dma_start3A_143] : memref<2x100096x16xf32, #tpu.memory_space<hbm>> -> memref<1x136x16xf32, #tpu.memory_space<hbm>>
        %dma_start3A_145 = tpu.memref_squeeze %dma_start3A_144 : memref<1x136x16xf32, #tpu.memory_space<hbm>> -> memref<136x16xf32, #tpu.memory_space<hbm>>
        tpu.enqueue_dma source(%arg9 : memref<136x16xf32, #tpu.memory_space<vmem>>) target(%dma_start3A_145 : memref<136x16xf32, #tpu.memory_space<hbm>>) target_semaphore(%run_scoped3A : memref<!tpu.dma_semaphore, #tpu.memory_space<semaphore_mem>>)
        %dma_wait3A_146 = arith.constant 0 : i32
        %dma_wait3A_147 = tpu.memref_slice %arg5[%arg0, %add3A_140, %dma_wait3A_146] : memref<2x100096x16xf32, #tpu.memory_space<hbm>> -> memref<1x136x16xf32, #tpu.memory_space<hbm>>
        %dma_wait3A_148 = tpu.memref_squeeze %dma_wait3A_147 : memref<1x136x16xf32, #tpu.memory_space<hbm>> -> memref<136x16xf32, #tpu.memory_space<hbm>>
        %dma_wait3A_149 = arith.constant 0 : i32
        %dma_wait3A_150 = tpu.memref_slice %arg5[%arg0, %add3A_140, %dma_wait3A_149] : memref<2x100096x16xf32, #tpu.memory_space<hbm>> -> memref<1x136x16xf32, #tpu.memory_space<hbm>>
        %dma_wait3A_151 = tpu.memref_squeeze %dma_wait3A_150 : memref<1x136x16xf32, #tpu.memory_space<hbm>> -> memref<136x16xf32, #tpu.memory_space<hbm>>
        tpu.wait_dma2 semaphore(%run_scoped3A : memref<!tpu.dma_semaphore, #tpu.memory_space<semaphore_mem>>) src(%arg9 : memref<136x16xf32, #tpu.memory_space<vmem>>) dst(%dma_wait3A_151 : memref<136x16xf32, #tpu.memory_space<hbm>>)
        tpu.yield
      }) : () -> ()
    }
    %scan3A_131 = arith.constant 46 : i32
    return
  }
}

#map = affine_map<(d0, d1) -> (0, 0, 0)>
#map1 = affine_map<(d0, d1) -> (0)>
module attributes {stable_mosaic.version = 14 : i64} {
  func.func @_deg_kernel(%arg0: i32, %arg1: i32, %arg2: memref<6272x4x128xi32, #tpu.memory_space<hbm>>, %arg3: memref<200192xf32, #tpu.memory_space<hbm>>, %arg4: memref<2x4x128xi32, #tpu.memory_space<vmem>>, %arg5: memref<128xf32, #tpu.memory_space<vmem>>, %arg6: memref<6256xf32, #tpu.memory_space<vmem>>, %arg7: memref<100096xf32, #tpu.memory_space<vmem_shared>>, %arg8: memref<!tpu.dma_semaphore, #tpu.memory_space<semaphore_mem>>, %arg9: memref<!tpu.dma_semaphore, #tpu.memory_space<semaphore_mem>>) attributes {dimension_semantics = [#tpu.dimension_semantics<core_parallel>, #tpu.dimension_semantics<subcore_parallel>], iteration_bounds = array<i64: 2, 16>, scalar_prefetch = 0 : i64, scratch_operands = 6 : i64, tpu.core_type = #tpu.core_type<sc_vector_subcore>, window_params = [{transform_indices = #map}, {transform_indices = #map1}]} {
    %scan3A = arith.constant 0 : i32
    %scan3A_0 = arith.constant 8 : i32
    %scan3A_1 = arith.addi %scan3A, %scan3A_0 : i32
    %scan3A_2 = arith.constant 1 : i32
    scf.for %scan3A_82 = %scan3A to %scan3A_1 step %scan3A_2  : i32 {
      %mul3A_83 = arith.constant 16 : i32
      %mul3A_84 = arith.muli %scan3A_82, %mul3A_83 : i32
      %add3A_85 = arith.constant 0 : i32
      %add3A_86 = arith.addi %add3A_85, %mul3A_84 : i32
      %broadcast_in_dim3A = arith.constant 1.000000e+00 : f32
      %broadcast_in_dim3A_87 = vector.broadcast %broadcast_in_dim3A : f32 to vector<16xf32>
      %swap3A = arith.index_cast %add3A_86 : i32 to index
      %swap3A_88 = tpu.vector_load %arg5[%swap3A] {strides = array<i32>} : memref<128xf32, #tpu.memory_space<vmem>>, vector<16xf32>,
      %swap3A_89 = vector.shape_cast %swap3A_88 : vector<16xf32> to vector<16xf32>
      %swap3A_90 = vector.shape_cast %broadcast_in_dim3A_87 : vector<16xf32> to vector<16xf32>
      tpu.vector_store %arg5[%swap3A], %swap3A_90 {strides = array<i32>} : memref<128xf32, #tpu.memory_space<vmem>>, vector<16xf32>,
    }
    %scan3A_3 = arith.constant 8 : i32
    %scan3A_4 = arith.constant 0 : i32
    %scan3A_5 = arith.constant 391 : i32
    %scan3A_6 = arith.addi %scan3A_4, %scan3A_5 : i32
    %scan3A_7 = arith.constant 1 : i32
    scf.for %scan3A_82 = %scan3A_4 to %scan3A_6 step %scan3A_7  : i32 {
      %mul3A_83 = arith.constant 16 : i32
      %mul3A_84 = arith.muli %scan3A_82, %mul3A_83 : i32
      %add3A_85 = arith.constant 0 : i32
      %add3A_86 = arith.addi %add3A_85, %mul3A_84 : i32
      %broadcast_in_dim3A = arith.constant 0.000000e+00 : f32
      %broadcast_in_dim3A_87 = vector.broadcast %broadcast_in_dim3A : f32 to vector<16xf32>
      %swap3A = arith.index_cast %add3A_86 : i32 to index
      %swap3A_88 = tpu.vector_load %arg6[%swap3A] {strides = array<i32>} : memref<6256xf32, #tpu.memory_space<vmem>>, vector<16xf32>,
      %swap3A_89 = vector.shape_cast %swap3A_88 : vector<16xf32> to vector<16xf32>
      %swap3A_90 = vector.shape_cast %broadcast_in_dim3A_87 : vector<16xf32> to vector<16xf32>
      tpu.vector_store %arg6[%swap3A], %swap3A_90 {strides = array<i32>} : memref<6256xf32, #tpu.memory_space<vmem>>, vector<16xf32>,
    }
    %scan3A_8 = arith.constant 391 : i32
    %mul3A = arith.constant 6256 : i32
    %mul3A_9 = arith.muli %arg1, %mul3A : i32
    "tpu.region"() ({
      %run_scoped3A = tpu.sem_alloc : memref<!tpu.dma_semaphore, #tpu.memory_space<semaphore_mem>>
      %dma_start3A = tpu.memref_slice %arg7[%mul3A_9] : memref<100096xf32, #tpu.memory_space<vmem_shared>> -> memref<6256xf32, #tpu.memory_space<vmem_shared>>
      %dma_start3A_82 = tpu.memref_slice %arg7[%mul3A_9] : memref<100096xf32, #tpu.memory_space<vmem_shared>> -> memref<6256xf32, #tpu.memory_space<vmem_shared>>
      tpu.enqueue_dma source(%arg6 : memref<6256xf32, #tpu.memory_space<vmem>>) target(%dma_start3A_82 : memref<6256xf32, #tpu.memory_space<vmem_shared>>) target_semaphore(%run_scoped3A : memref<!tpu.dma_semaphore, #tpu.memory_space<semaphore_mem>>)
      %dma_wait3A_83 = tpu.memref_slice %arg7[%mul3A_9] : memref<100096xf32, #tpu.memory_space<vmem_shared>> -> memref<6256xf32, #tpu.memory_space<vmem_shared>>
      %dma_wait3A_84 = tpu.memref_slice %arg7[%mul3A_9] : memref<100096xf32, #tpu.memory_space<vmem_shared>> -> memref<6256xf32, #tpu.memory_space<vmem_shared>>
      tpu.wait_dma2 semaphore(%run_scoped3A : memref<!tpu.dma_semaphore, #tpu.memory_space<semaphore_mem>>) src(%arg6 : memref<6256xf32, #tpu.memory_space<vmem>>) dst(%dma_wait3A_84 : memref<6256xf32, #tpu.memory_space<vmem_shared>>)
      tpu.yield
    }) : () -> ()
    %barrier3A = arith.constant 0 : index
    tpu.barrier barrier_id(%barrier3A)
    %mul3A_10 = arith.constant 16 : i32
    %mul3A_11 = arith.muli %arg0, %mul3A_10 : i32
    %add3A = arith.addi %mul3A_11, %arg1 : i32
    %mul3A_12 = arith.constant 196 : i32
    %mul3A_13 = arith.muli %add3A, %mul3A_12 : i32
    %scan3A_14 = arith.constant 0 : i32
    %scan3A_15 = arith.constant 98 : i32
    %scan3A_16 = arith.addi %scan3A_14, %scan3A_15 : i32
    %scan3A_17 = arith.constant 1 : i32
    scf.for %scan3A_82 = %scan3A_14 to %scan3A_16 step %scan3A_17  : i32 {
      %mul3A_83 = arith.constant 1 : i32
      %mul3A_84 = arith.muli %scan3A_82, %mul3A_83 : i32
      %add3A_85 = arith.constant 0 : i32
      %add3A_86 = arith.addi %add3A_85, %mul3A_84 : i32
      %gt3A = arith.constant 0 : i32
      %gt3A_87 = arith.cmpi sgt, %add3A_86, %gt3A : i32
      %convert_element_type3A = arith.extui %gt3A_87 : i1 to i32
      %cond3A = arith.constant 0 : i32
      %cond3A_88 = arith.cmpi ne, %convert_element_type3A, %cond3A : i32
      scf.if %cond3A_88 {
        %dma_wait3A_158 = arith.constant 0 : i32
        %dma_wait3A_159 = arith.constant 0 : i32
        %dma_wait3A_160 = arith.constant 0 : i32
        %dma_wait3A_161 = tpu.memref_slice %arg4[%dma_wait3A_158, %dma_wait3A_159, %dma_wait3A_160] : memref<2x4x128xi32, #tpu.memory_space<vmem>> -> memref<1x1x128xi32, #tpu.memory_space<vmem>>
        %dma_wait3A_162 = tpu.memref_squeeze %dma_wait3A_161 : memref<1x1x128xi32, #tpu.memory_space<vmem>> -> memref<128xi32, #tpu.memory_space<vmem>>
        %dma_wait3A_163 = arith.constant 0 : i32
        %dma_wait3A_164 = tpu.memref_slice %arg7[%dma_wait3A_163] : memref<100096xf32, #tpu.memory_space<vmem_shared>> -> memref<100096xf32, #tpu.memory_space<vmem_shared>>
        tpu.wait_indirect_dma semaphore(%arg8 : memref<!tpu.dma_semaphore, #tpu.memory_space<semaphore_mem>>) src(%arg5 : memref<128xf32, #tpu.memory_space<vmem>>) dst(%dma_wait3A_164 : memref<100096xf32, #tpu.memory_space<vmem_shared>>)
        %dma_wait3A_165 = arith.constant 0 : i32
        %dma_wait3A_166 = arith.constant 1 : i32
        %dma_wait3A_167 = arith.constant 0 : i32
        %dma_wait3A_168 = tpu.memref_slice %arg4[%dma_wait3A_165, %dma_wait3A_166, %dma_wait3A_167] : memref<2x4x128xi32, #tpu.memory_space<vmem>> -> memref<1x1x128xi32, #tpu.memory_space<vmem>>
        %dma_wait3A_169 = tpu.memref_squeeze %dma_wait3A_168 : memref<1x1x128xi32, #tpu.memory_space<vmem>> -> memref<128xi32, #tpu.memory_space<vmem>>
        %dma_wait3A_170 = arith.constant 0 : i32
        %dma_wait3A_171 = tpu.memref_slice %arg7[%dma_wait3A_170] : memref<100096xf32, #tpu.memory_space<vmem_shared>> -> memref<100096xf32, #tpu.memory_space<vmem_shared>>
        tpu.wait_indirect_dma semaphore(%arg8 : memref<!tpu.dma_semaphore, #tpu.memory_space<semaphore_mem>>) src(%arg5 : memref<128xf32, #tpu.memory_space<vmem>>) dst(%dma_wait3A_171 : memref<100096xf32, #tpu.memory_space<vmem_shared>>)
        %dma_wait3A_172 = arith.constant 0 : i32
        %dma_wait3A_173 = arith.constant 2 : i32
        %dma_wait3A_174 = arith.constant 0 : i32
        %dma_wait3A_175 = tpu.memref_slice %arg4[%dma_wait3A_172, %dma_wait3A_173, %dma_wait3A_174] : memref<2x4x128xi32, #tpu.memory_space<vmem>> -> memref<1x1x128xi32, #tpu.memory_space<vmem>>
        %dma_wait3A_176 = tpu.memref_squeeze %dma_wait3A_175 : memref<1x1x128xi32, #tpu.memory_space<vmem>> -> memref<128xi32, #tpu.memory_space<vmem>>
        %dma_wait3A_177 = arith.constant 0 : i32
        %dma_wait3A_178 = tpu.memref_slice %arg7[%dma_wait3A_177] : memref<100096xf32, #tpu.memory_space<vmem_shared>> -> memref<100096xf32, #tpu.memory_space<vmem_shared>>
        tpu.wait_indirect_dma semaphore(%arg8 : memref<!tpu.dma_semaphore, #tpu.memory_space<semaphore_mem>>) src(%arg5 : memref<128xf32, #tpu.memory_space<vmem>>) dst(%dma_wait3A_178 : memref<100096xf32, #tpu.memory_space<vmem_shared>>)
        %dma_wait3A_179 = arith.constant 0 : i32
        %dma_wait3A_180 = arith.constant 3 : i32
        %dma_wait3A_181 = arith.constant 0 : i32
        %dma_wait3A_182 = tpu.memref_slice %arg4[%dma_wait3A_179, %dma_wait3A_180, %dma_wait3A_181] : memref<2x4x128xi32, #tpu.memory_space<vmem>> -> memref<1x1x128xi32, #tpu.memory_space<vmem>>
        %dma_wait3A_183 = tpu.memref_squeeze %dma_wait3A_182 : memref<1x1x128xi32, #tpu.memory_space<vmem>> -> memref<128xi32, #tpu.memory_space<vmem>>
        %dma_wait3A_184 = arith.constant 0 : i32
        %dma_wait3A_185 = tpu.memref_slice %arg7[%dma_wait3A_184] : memref<100096xf32, #tpu.memory_space<vmem_shared>> -> memref<100096xf32, #tpu.memory_space<vmem_shared>>
        tpu.wait_indirect_dma semaphore(%arg8 : memref<!tpu.dma_semaphore, #tpu.memory_space<semaphore_mem>>) src(%arg5 : memref<128xf32, #tpu.memory_space<vmem>>) dst(%dma_wait3A_185 : memref<100096xf32, #tpu.memory_space<vmem_shared>>)
      } else {
      }
      %mul3A_89 = arith.constant 2 : i32
      %mul3A_90 = arith.muli %mul3A_89, %add3A_86 : i32
      %add3A_91 = arith.addi %mul3A_13, %mul3A_90 : i32
      %run_scoped3A = arith.constant 0 : i32
      "tpu.region"() ({
        %run_scoped3A_158 = tpu.sem_alloc : memref<!tpu.dma_semaphore, #tpu.memory_space<semaphore_mem>>
        %dma_start3A_159 = arith.constant 0 : i32
        %dma_start3A_160 = arith.constant 0 : i32
        %dma_start3A_161 = tpu.memref_slice %arg4[%run_scoped3A, %dma_start3A_159, %dma_start3A_160] : memref<2x4x128xi32, #tpu.memory_space<vmem>> -> memref<1x4x128xi32, #tpu.memory_space<vmem>>
        %dma_start3A_162 = tpu.memref_squeeze %dma_start3A_161 : memref<1x4x128xi32, #tpu.memory_space<vmem>> -> memref<4x128xi32, #tpu.memory_space<vmem>>
        %dma_start3A_163 = arith.constant 0 : i32
        %dma_start3A_164 = arith.constant 0 : i32
        %dma_start3A_165 = tpu.memref_slice %arg2[%add3A_91, %dma_start3A_163, %dma_start3A_164] : memref<6272x4x128xi32, #tpu.memory_space<hbm>> -> memref<1x4x128xi32, #tpu.memory_space<hbm>>
        %dma_start3A_166 = tpu.memref_squeeze %dma_start3A_165 : memref<1x4x128xi32, #tpu.memory_space<hbm>> -> memref<4x128xi32, #tpu.memory_space<hbm>>
        %dma_start3A_167 = arith.constant 0 : i32
        %dma_start3A_168 = arith.constant 0 : i32
        %dma_start3A_169 = tpu.memref_slice %arg4[%run_scoped3A, %dma_start3A_167, %dma_start3A_168] : memref<2x4x128xi32, #tpu.memory_space<vmem>> -> memref<1x4x128xi32, #tpu.memory_space<vmem>>
        %dma_start3A_170 = tpu.memref_squeeze %dma_start3A_169 : memref<1x4x128xi32, #tpu.memory_space<vmem>> -> memref<4x128xi32, #tpu.memory_space<vmem>>
        %dma_start3A_171 = arith.constant 0 : i32
        %dma_start3A_172 = arith.constant 0 : i32
        %dma_start3A_173 = tpu.memref_slice %arg2[%add3A_91, %dma_start3A_171, %dma_start3A_172] : memref<6272x4x128xi32, #tpu.memory_space<hbm>> -> memref<1x4x128xi32, #tpu.memory_space<hbm>>
        %dma_start3A_174 = tpu.memref_squeeze %dma_start3A_173 : memref<1x4x128xi32, #tpu.memory_space<hbm>> -> memref<4x128xi32, #tpu.memory_space<hbm>>
        tpu.enqueue_dma source(%dma_start3A_174 : memref<4x128xi32, #tpu.memory_space<hbm>>) target(%dma_start3A_170 : memref<4x128xi32, #tpu.memory_space<vmem>>) target_semaphore(%run_scoped3A_158 : memref<!tpu.dma_semaphore, #tpu.memory_space<semaphore_mem>>)
        %dma_wait3A_175 = arith.constant 0 : i32
        %dma_wait3A_176 = arith.constant 0 : i32
        %dma_wait3A_177 = tpu.memref_slice %arg4[%run_scoped3A, %dma_wait3A_175, %dma_wait3A_176] : memref<2x4x128xi32, #tpu.memory_space<vmem>> -> memref<1x4x128xi32, #tpu.memory_space<vmem>>
        %dma_wait3A_178 = tpu.memref_squeeze %dma_wait3A_177 : memref<1x4x128xi32, #tpu.memory_space<vmem>> -> memref<4x128xi32, #tpu.memory_space<vmem>>
        %dma_wait3A_179 = arith.constant 0 : i32
        %dma_wait3A_180 = arith.constant 0 : i32
        %dma_wait3A_181 = tpu.memref_slice %arg2[%add3A_91, %dma_wait3A_179, %dma_wait3A_180] : memref<6272x4x128xi32, #tpu.memory_space<hbm>> -> memref<1x4x128xi32, #tpu.memory_space<hbm>>
        %dma_wait3A_182 = tpu.memref_squeeze %dma_wait3A_181 : memref<1x4x128xi32, #tpu.memory_space<hbm>> -> memref<4x128xi32, #tpu.memory_space<hbm>>
        %dma_wait3A_183 = arith.constant 0 : i32
        %dma_wait3A_184 = arith.constant 0 : i32
        %dma_wait3A_185 = tpu.memref_slice %arg4[%run_scoped3A, %dma_wait3A_183, %dma_wait3A_184] : memref<2x4x128xi32, #tpu.memory_space<vmem>> -> memref<1x4x128xi32, #tpu.memory_space<vmem>>
        %dma_wait3A_186 = tpu.memref_squeeze %dma_wait3A_185 : memref<1x4x128xi32, #tpu.memory_space<vmem>> -> memref<4x128xi32, #tpu.memory_space<vmem>>
        %dma_wait3A_187 = arith.constant 0 : i32
        %dma_wait3A_188 = arith.constant 0 : i32
        %dma_wait3A_189 = tpu.memref_slice %arg2[%add3A_91, %dma_wait3A_187, %dma_wait3A_188] : memref<6272x4x128xi32, #tpu.memory_space<hbm>> -> memref<1x4x128xi32, #tpu.memory_space<hbm>>
        %dma_wait3A_190 = tpu.memref_squeeze %dma_wait3A_189 : memref<1x4x128xi32, #tpu.memory_space<hbm>> -> memref<4x128xi32, #tpu.memory_space<hbm>>
        tpu.wait_dma2 semaphore(%run_scoped3A_158 : memref<!tpu.dma_semaphore, #tpu.memory_space<semaphore_mem>>) src(%dma_wait3A_190 : memref<4x128xi32, #tpu.memory_space<hbm>>) dst(%dma_wait3A_186 : memref<4x128xi32, #tpu.memory_space<vmem>>)
        tpu.yield
      }) : () -> ()
      %dma_start3A = arith.constant 0 : i32
      %dma_start3A_92 = arith.constant 0 : i32
      %dma_start3A_93 = arith.constant 0 : i32
      %dma_start3A_94 = tpu.memref_slice %arg4[%dma_start3A, %dma_start3A_92, %dma_start3A_93] : memref<2x4x128xi32, #tpu.memory_space<vmem>> -> memref<1x1x128xi32, #tpu.memory_space<vmem>>
      %dma_start3A_95 = tpu.memref_squeeze %dma_start3A_94 : memref<1x1x128xi32, #tpu.memory_space<vmem>> -> memref<128xi32, #tpu.memory_space<vmem>>
      %dma_start3A_96 = arith.constant 0 : i32
      %dma_start3A_97 = tpu.memref_slice %arg7[%dma_start3A_96] : memref<100096xf32, #tpu.memory_space<vmem_shared>> -> memref<100096xf32, #tpu.memory_space<vmem_shared>>
      tpu.enqueue_indirect_dma source(%arg5 : memref<128xf32, #tpu.memory_space<vmem>>) target(%dma_start3A_97 : memref<100096xf32, #tpu.memory_space<vmem_shared>>) offsets(%dma_start3A_95 : memref<128xi32, #tpu.memory_space<vmem>>) semaphore(%arg8 : memref<!tpu.dma_semaphore, #tpu.memory_space<semaphore_mem>>) {add = true}
      %dma_start3A_98 = arith.constant 0 : i32
      %dma_start3A_99 = arith.constant 1 : i32
      %dma_start3A_100 = arith.constant 0 : i32
      %dma_start3A_101 = tpu.memref_slice %arg4[%dma_start3A_98, %dma_start3A_99, %dma_start3A_100] : memref<2x4x128xi32, #tpu.memory_space<vmem>> -> memref<1x1x128xi32, #tpu.memory_space<vmem>>
      %dma_start3A_102 = tpu.memref_squeeze %dma_start3A_101 : memref<1x1x128xi32, #tpu.memory_space<vmem>> -> memref<128xi32, #tpu.memory_space<vmem>>
      %dma_start3A_103 = arith.constant 0 : i32
      %dma_start3A_104 = tpu.memref_slice %arg7[%dma_start3A_103] : memref<100096xf32, #tpu.memory_space<vmem_shared>> -> memref<100096xf32, #tpu.memory_space<vmem_shared>>
      tpu.enqueue_indirect_dma source(%arg5 : memref<128xf32, #tpu.memory_space<vmem>>) target(%dma_start3A_104 : memref<100096xf32, #tpu.memory_space<vmem_shared>>) offsets(%dma_start3A_102 : memref<128xi32, #tpu.memory_space<vmem>>) semaphore(%arg8 : memref<!tpu.dma_semaphore, #tpu.memory_space<semaphore_mem>>) {add = true}
      %dma_start3A_105 = arith.constant 0 : i32
      %dma_start3A_106 = arith.constant 2 : i32
      %dma_start3A_107 = arith.constant 0 : i32
      %dma_start3A_108 = tpu.memref_slice %arg4[%dma_start3A_105, %dma_start3A_106, %dma_start3A_107] : memref<2x4x128xi32, #tpu.memory_space<vmem>> -> memref<1x1x128xi32, #tpu.memory_space<vmem>>
      %dma_start3A_109 = tpu.memref_squeeze %dma_start3A_108 : memref<1x1x128xi32, #tpu.memory_space<vmem>> -> memref<128xi32, #tpu.memory_space<vmem>>
      %dma_start3A_110 = arith.constant 0 : i32
      %dma_start3A_111 = tpu.memref_slice %arg7[%dma_start3A_110] : memref<100096xf32, #tpu.memory_space<vmem_shared>> -> memref<100096xf32, #tpu.memory_space<vmem_shared>>
      tpu.enqueue_indirect_dma source(%arg5 : memref<128xf32, #tpu.memory_space<vmem>>) target(%dma_start3A_111 : memref<100096xf32, #tpu.memory_space<vmem_shared>>) offsets(%dma_start3A_109 : memref<128xi32, #tpu.memory_space<vmem>>) semaphore(%arg8 : memref<!tpu.dma_semaphore, #tpu.memory_space<semaphore_mem>>) {add = true}
      %dma_start3A_112 = arith.constant 0 : i32
      %dma_start3A_113 = arith.constant 3 : i32
      %dma_start3A_114 = arith.constant 0 : i32
      %dma_start3A_115 = tpu.memref_slice %arg4[%dma_start3A_112, %dma_start3A_113, %dma_start3A_114] : memref<2x4x128xi32, #tpu.memory_space<vmem>> -> memref<1x1x128xi32, #tpu.memory_space<vmem>>
      %dma_start3A_116 = tpu.memref_squeeze %dma_start3A_115 : memref<1x1x128xi32, #tpu.memory_space<vmem>> -> memref<128xi32, #tpu.memory_space<vmem>>
      %dma_start3A_117 = arith.constant 0 : i32
      %dma_start3A_118 = tpu.memref_slice %arg7[%dma_start3A_117] : memref<100096xf32, #tpu.memory_space<vmem_shared>> -> memref<100096xf32, #tpu.memory_space<vmem_shared>>
      tpu.enqueue_indirect_dma source(%arg5 : memref<128xf32, #tpu.memory_space<vmem>>) target(%dma_start3A_118 : memref<100096xf32, #tpu.memory_space<vmem_shared>>) offsets(%dma_start3A_116 : memref<128xi32, #tpu.memory_space<vmem>>) semaphore(%arg8 : memref<!tpu.dma_semaphore, #tpu.memory_space<semaphore_mem>>) {add = true}
      %gt3A_119 = arith.constant 0 : i32
      %gt3A_120 = arith.cmpi sgt, %add3A_86, %gt3A_119 : i32
      %convert_element_type3A_121 = arith.extui %gt3A_120 : i1 to i32
      %cond3A_122 = arith.constant 0 : i32
      %cond3A_123 = arith.cmpi ne, %convert_element_type3A_121, %cond3A_122 : i32
      scf.if %cond3A_123 {
        %dma_wait3A_158 = arith.constant 1 : i32
        %dma_wait3A_159 = arith.constant 0 : i32
        %dma_wait3A_160 = arith.constant 0 : i32
        %dma_wait3A_161 = tpu.memref_slice %arg4[%dma_wait3A_158, %dma_wait3A_159, %dma_wait3A_160] : memref<2x4x128xi32, #tpu.memory_space<vmem>> -> memref<1x1x128xi32, #tpu.memory_space<vmem>>
        %dma_wait3A_162 = tpu.memref_squeeze %dma_wait3A_161 : memref<1x1x128xi32, #tpu.memory_space<vmem>> -> memref<128xi32, #tpu.memory_space<vmem>>
        %dma_wait3A_163 = arith.constant 0 : i32
        %dma_wait3A_164 = tpu.memref_slice %arg7[%dma_wait3A_163] : memref<100096xf32, #tpu.memory_space<vmem_shared>> -> memref<100096xf32, #tpu.memory_space<vmem_shared>>
        tpu.wait_indirect_dma semaphore(%arg9 : memref<!tpu.dma_semaphore, #tpu.memory_space<semaphore_mem>>) src(%arg5 : memref<128xf32, #tpu.memory_space<vmem>>) dst(%dma_wait3A_164 : memref<100096xf32, #tpu.memory_space<vmem_shared>>)
        %dma_wait3A_165 = arith.constant 1 : i32
        %dma_wait3A_166 = arith.constant 1 : i32
        %dma_wait3A_167 = arith.constant 0 : i32
        %dma_wait3A_168 = tpu.memref_slice %arg4[%dma_wait3A_165, %dma_wait3A_166, %dma_wait3A_167] : memref<2x4x128xi32, #tpu.memory_space<vmem>> -> memref<1x1x128xi32, #tpu.memory_space<vmem>>
        %dma_wait3A_169 = tpu.memref_squeeze %dma_wait3A_168 : memref<1x1x128xi32, #tpu.memory_space<vmem>> -> memref<128xi32, #tpu.memory_space<vmem>>
        %dma_wait3A_170 = arith.constant 0 : i32
        %dma_wait3A_171 = tpu.memref_slice %arg7[%dma_wait3A_170] : memref<100096xf32, #tpu.memory_space<vmem_shared>> -> memref<100096xf32, #tpu.memory_space<vmem_shared>>
        tpu.wait_indirect_dma semaphore(%arg9 : memref<!tpu.dma_semaphore, #tpu.memory_space<semaphore_mem>>) src(%arg5 : memref<128xf32, #tpu.memory_space<vmem>>) dst(%dma_wait3A_171 : memref<100096xf32, #tpu.memory_space<vmem_shared>>)
        %dma_wait3A_172 = arith.constant 1 : i32
        %dma_wait3A_173 = arith.constant 2 : i32
        %dma_wait3A_174 = arith.constant 0 : i32
        %dma_wait3A_175 = tpu.memref_slice %arg4[%dma_wait3A_172, %dma_wait3A_173, %dma_wait3A_174] : memref<2x4x128xi32, #tpu.memory_space<vmem>> -> memref<1x1x128xi32, #tpu.memory_space<vmem>>
        %dma_wait3A_176 = tpu.memref_squeeze %dma_wait3A_175 : memref<1x1x128xi32, #tpu.memory_space<vmem>> -> memref<128xi32, #tpu.memory_space<vmem>>
        %dma_wait3A_177 = arith.constant 0 : i32
        %dma_wait3A_178 = tpu.memref_slice %arg7[%dma_wait3A_177] : memref<100096xf32, #tpu.memory_space<vmem_shared>> -> memref<100096xf32, #tpu.memory_space<vmem_shared>>
        tpu.wait_indirect_dma semaphore(%arg9 : memref<!tpu.dma_semaphore, #tpu.memory_space<semaphore_mem>>) src(%arg5 : memref<128xf32, #tpu.memory_space<vmem>>) dst(%dma_wait3A_178 : memref<100096xf32, #tpu.memory_space<vmem_shared>>)
        %dma_wait3A_179 = arith.constant 1 : i32
        %dma_wait3A_180 = arith.constant 3 : i32
        %dma_wait3A_181 = arith.constant 0 : i32
        %dma_wait3A_182 = tpu.memref_slice %arg4[%dma_wait3A_179, %dma_wait3A_180, %dma_wait3A_181] : memref<2x4x128xi32, #tpu.memory_space<vmem>> -> memref<1x1x128xi32, #tpu.memory_space<vmem>>
        %dma_wait3A_183 = tpu.memref_squeeze %dma_wait3A_182 : memref<1x1x128xi32, #tpu.memory_space<vmem>> -> memref<128xi32, #tpu.memory_space<vmem>>
        %dma_wait3A_184 = arith.constant 0 : i32
        %dma_wait3A_185 = tpu.memref_slice %arg7[%dma_wait3A_184] : memref<100096xf32, #tpu.memory_space<vmem_shared>> -> memref<100096xf32, #tpu.memory_space<vmem_shared>>
        tpu.wait_indirect_dma semaphore(%arg9 : memref<!tpu.dma_semaphore, #tpu.memory_space<semaphore_mem>>) src(%arg5 : memref<128xf32, #tpu.memory_space<vmem>>) dst(%dma_wait3A_185 : memref<100096xf32, #tpu.memory_space<vmem_shared>>)
      } else {
      }
      %mul3A_124 = arith.constant 2 : i32
      %mul3A_125 = arith.muli %mul3A_124, %add3A_86 : i32
      %add3A_126 = arith.constant 1 : i32
      %add3A_127 = arith.addi %mul3A_125, %add3A_126 : i32
      %add3A_128 = arith.addi %mul3A_13, %add3A_127 : i32
      %run_scoped3A_129 = arith.constant 1 : i32
      "tpu.region"() ({
        %run_scoped3A_158 = tpu.sem_alloc : memref<!tpu.dma_semaphore, #tpu.memory_space<semaphore_mem>>
        %dma_start3A_159 = arith.constant 0 : i32
        %dma_start3A_160 = arith.constant 0 : i32
        %dma_start3A_161 = tpu.memref_slice %arg4[%run_scoped3A_129, %dma_start3A_159, %dma_start3A_160] : memref<2x4x128xi32, #tpu.memory_space<vmem>> -> memref<1x4x128xi32, #tpu.memory_space<vmem>>
        %dma_start3A_162 = tpu.memref_squeeze %dma_start3A_161 : memref<1x4x128xi32, #tpu.memory_space<vmem>> -> memref<4x128xi32, #tpu.memory_space<vmem>>
        %dma_start3A_163 = arith.constant 0 : i32
        %dma_start3A_164 = arith.constant 0 : i32
        %dma_start3A_165 = tpu.memref_slice %arg2[%add3A_128, %dma_start3A_163, %dma_start3A_164] : memref<6272x4x128xi32, #tpu.memory_space<hbm>> -> memref<1x4x128xi32, #tpu.memory_space<hbm>>
        %dma_start3A_166 = tpu.memref_squeeze %dma_start3A_165 : memref<1x4x128xi32, #tpu.memory_space<hbm>> -> memref<4x128xi32, #tpu.memory_space<hbm>>
        %dma_start3A_167 = arith.constant 0 : i32
        %dma_start3A_168 = arith.constant 0 : i32
        %dma_start3A_169 = tpu.memref_slice %arg4[%run_scoped3A_129, %dma_start3A_167, %dma_start3A_168] : memref<2x4x128xi32, #tpu.memory_space<vmem>> -> memref<1x4x128xi32, #tpu.memory_space<vmem>>
        %dma_start3A_170 = tpu.memref_squeeze %dma_start3A_169 : memref<1x4x128xi32, #tpu.memory_space<vmem>> -> memref<4x128xi32, #tpu.memory_space<vmem>>
        %dma_start3A_171 = arith.constant 0 : i32
        %dma_start3A_172 = arith.constant 0 : i32
        %dma_start3A_173 = tpu.memref_slice %arg2[%add3A_128, %dma_start3A_171, %dma_start3A_172] : memref<6272x4x128xi32, #tpu.memory_space<hbm>> -> memref<1x4x128xi32, #tpu.memory_space<hbm>>
        %dma_start3A_174 = tpu.memref_squeeze %dma_start3A_173 : memref<1x4x128xi32, #tpu.memory_space<hbm>> -> memref<4x128xi32, #tpu.memory_space<hbm>>
        tpu.enqueue_dma source(%dma_start3A_174 : memref<4x128xi32, #tpu.memory_space<hbm>>) target(%dma_start3A_170 : memref<4x128xi32, #tpu.memory_space<vmem>>) target_semaphore(%run_scoped3A_158 : memref<!tpu.dma_semaphore, #tpu.memory_space<semaphore_mem>>)
        %dma_wait3A_175 = arith.constant 0 : i32
        %dma_wait3A_176 = arith.constant 0 : i32
        %dma_wait3A_177 = tpu.memref_slice %arg4[%run_scoped3A_129, %dma_wait3A_175, %dma_wait3A_176] : memref<2x4x128xi32, #tpu.memory_space<vmem>> -> memref<1x4x128xi32, #tpu.memory_space<vmem>>
        %dma_wait3A_178 = tpu.memref_squeeze %dma_wait3A_177 : memref<1x4x128xi32, #tpu.memory_space<vmem>> -> memref<4x128xi32, #tpu.memory_space<vmem>>
        %dma_wait3A_179 = arith.constant 0 : i32
        %dma_wait3A_180 = arith.constant 0 : i32
        %dma_wait3A_181 = tpu.memref_slice %arg2[%add3A_128, %dma_wait3A_179, %dma_wait3A_180] : memref<6272x4x128xi32, #tpu.memory_space<hbm>> -> memref<1x4x128xi32, #tpu.memory_space<hbm>>
        %dma_wait3A_182 = tpu.memref_squeeze %dma_wait3A_181 : memref<1x4x128xi32, #tpu.memory_space<hbm>> -> memref<4x128xi32, #tpu.memory_space<hbm>>
        %dma_wait3A_183 = arith.constant 0 : i32
        %dma_wait3A_184 = arith.constant 0 : i32
        %dma_wait3A_185 = tpu.memref_slice %arg4[%run_scoped3A_129, %dma_wait3A_183, %dma_wait3A_184] : memref<2x4x128xi32, #tpu.memory_space<vmem>> -> memref<1x4x128xi32, #tpu.memory_space<vmem>>
        %dma_wait3A_186 = tpu.memref_squeeze %dma_wait3A_185 : memref<1x4x128xi32, #tpu.memory_space<vmem>> -> memref<4x128xi32, #tpu.memory_space<vmem>>
        %dma_wait3A_187 = arith.constant 0 : i32
        %dma_wait3A_188 = arith.constant 0 : i32
        %dma_wait3A_189 = tpu.memref_slice %arg2[%add3A_128, %dma_wait3A_187, %dma_wait3A_188] : memref<6272x4x128xi32, #tpu.memory_space<hbm>> -> memref<1x4x128xi32, #tpu.memory_space<hbm>>
        %dma_wait3A_190 = tpu.memref_squeeze %dma_wait3A_189 : memref<1x4x128xi32, #tpu.memory_space<hbm>> -> memref<4x128xi32, #tpu.memory_space<hbm>>
        tpu.wait_dma2 semaphore(%run_scoped3A_158 : memref<!tpu.dma_semaphore, #tpu.memory_space<semaphore_mem>>) src(%dma_wait3A_190 : memref<4x128xi32, #tpu.memory_space<hbm>>) dst(%dma_wait3A_186 : memref<4x128xi32, #tpu.memory_space<vmem>>)
        tpu.yield
      }) : () -> ()
      %dma_start3A_130 = arith.constant 1 : i32
      %dma_start3A_131 = arith.constant 0 : i32
      %dma_start3A_132 = arith.constant 0 : i32
      %dma_start3A_133 = tpu.memref_slice %arg4[%dma_start3A_130, %dma_start3A_131, %dma_start3A_132] : memref<2x4x128xi32, #tpu.memory_space<vmem>> -> memref<1x1x128xi32, #tpu.memory_space<vmem>>
      %dma_start3A_134 = tpu.memref_squeeze %dma_start3A_133 : memref<1x1x128xi32, #tpu.memory_space<vmem>> -> memref<128xi32, #tpu.memory_space<vmem>>
      %dma_start3A_135 = arith.constant 0 : i32
      %dma_start3A_136 = tpu.memref_slice %arg7[%dma_start3A_135] : memref<100096xf32, #tpu.memory_space<vmem_shared>> -> memref<100096xf32, #tpu.memory_space<vmem_shared>>
      tpu.enqueue_indirect_dma source(%arg5 : memref<128xf32, #tpu.memory_space<vmem>>) target(%dma_start3A_136 : memref<100096xf32, #tpu.memory_space<vmem_shared>>) offsets(%dma_start3A_134 : memref<128xi32, #tpu.memory_space<vmem>>) semaphore(%arg9 : memref<!tpu.dma_semaphore, #tpu.memory_space<semaphore_mem>>) {add = true}
      %dma_start3A_137 = arith.constant 1 : i32
      %dma_start3A_138 = arith.constant 1 : i32
      %dma_start3A_139 = arith.constant 0 : i32
      %dma_start3A_140 = tpu.memref_slice %arg4[%dma_start3A_137, %dma_start3A_138, %dma_start3A_139] : memref<2x4x128xi32, #tpu.memory_space<vmem>> -> memref<1x1x128xi32, #tpu.memory_space<vmem>>
      %dma_start3A_141 = tpu.memref_squeeze %dma_start3A_140 : memref<1x1x128xi32, #tpu.memory_space<vmem>> -> memref<128xi32, #tpu.memory_space<vmem>>
      %dma_start3A_142 = arith.constant 0 : i32
      %dma_start3A_143 = tpu.memref_slice %arg7[%dma_start3A_142] : memref<100096xf32, #tpu.memory_space<vmem_shared>> -> memref<100096xf32, #tpu.memory_space<vmem_shared>>
      tpu.enqueue_indirect_dma source(%arg5 : memref<128xf32, #tpu.memory_space<vmem>>) target(%dma_start3A_143 : memref<100096xf32, #tpu.memory_space<vmem_shared>>) offsets(%dma_start3A_141 : memref<128xi32, #tpu.memory_space<vmem>>) semaphore(%arg9 : memref<!tpu.dma_semaphore, #tpu.memory_space<semaphore_mem>>) {add = true}
      %dma_start3A_144 = arith.constant 1 : i32
      %dma_start3A_145 = arith.constant 2 : i32
      %dma_start3A_146 = arith.constant 0 : i32
      %dma_start3A_147 = tpu.memref_slice %arg4[%dma_start3A_144, %dma_start3A_145, %dma_start3A_146] : memref<2x4x128xi32, #tpu.memory_space<vmem>> -> memref<1x1x128xi32, #tpu.memory_space<vmem>>
      %dma_start3A_148 = tpu.memref_squeeze %dma_start3A_147 : memref<1x1x128xi32, #tpu.memory_space<vmem>> -> memref<128xi32, #tpu.memory_space<vmem>>
      %dma_start3A_149 = arith.constant 0 : i32
      %dma_start3A_150 = tpu.memref_slice %arg7[%dma_start3A_149] : memref<100096xf32, #tpu.memory_space<vmem_shared>> -> memref<100096xf32, #tpu.memory_space<vmem_shared>>
      tpu.enqueue_indirect_dma source(%arg5 : memref<128xf32, #tpu.memory_space<vmem>>) target(%dma_start3A_150 : memref<100096xf32, #tpu.memory_space<vmem_shared>>) offsets(%dma_start3A_148 : memref<128xi32, #tpu.memory_space<vmem>>) semaphore(%arg9 : memref<!tpu.dma_semaphore, #tpu.memory_space<semaphore_mem>>) {add = true}
      %dma_start3A_151 = arith.constant 1 : i32
      %dma_start3A_152 = arith.constant 3 : i32
      %dma_start3A_153 = arith.constant 0 : i32
      %dma_start3A_154 = tpu.memref_slice %arg4[%dma_start3A_151, %dma_start3A_152, %dma_start3A_153] : memref<2x4x128xi32, #tpu.memory_space<vmem>> -> memref<1x1x128xi32, #tpu.memory_space<vmem>>
      %dma_start3A_155 = tpu.memref_squeeze %dma_start3A_154 : memref<1x1x128xi32, #tpu.memory_space<vmem>> -> memref<128xi32, #tpu.memory_space<vmem>>
      %dma_start3A_156 = arith.constant 0 : i32
      %dma_start3A_157 = tpu.memref_slice %arg7[%dma_start3A_156] : memref<100096xf32, #tpu.memory_space<vmem_shared>> -> memref<100096xf32, #tpu.memory_space<vmem_shared>>
      tpu.enqueue_indirect_dma source(%arg5 : memref<128xf32, #tpu.memory_space<vmem>>) target(%dma_start3A_157 : memref<100096xf32, #tpu.memory_space<vmem_shared>>) offsets(%dma_start3A_155 : memref<128xi32, #tpu.memory_space<vmem>>) semaphore(%arg9 : memref<!tpu.dma_semaphore, #tpu.memory_space<semaphore_mem>>) {add = true}
    }
    %scan3A_18 = arith.constant 98 : i32
    %dma_wait3A = arith.constant 0 : i32
    %dma_wait3A_19 = arith.constant 0 : i32
    %dma_wait3A_20 = arith.constant 0 : i32
    %dma_wait3A_21 = tpu.memref_slice %arg4[%dma_wait3A, %dma_wait3A_19, %dma_wait3A_20] : memref<2x4x128xi32, #tpu.memory_space<vmem>> -> memref<1x1x128xi32, #tpu.memory_space<vmem>>
    %dma_wait3A_22 = tpu.memref_squeeze %dma_wait3A_21 : memref<1x1x128xi32, #tpu.memory_space<vmem>> -> memref<128xi32, #tpu.memory_space<vmem>>
    %dma_wait3A_23 = arith.constant 0 : i32
    %dma_wait3A_24 = tpu.memref_slice %arg7[%dma_wait3A_23] : memref<100096xf32, #tpu.memory_space<vmem_shared>> -> memref<100096xf32, #tpu.memory_space<vmem_shared>>
    tpu.wait_indirect_dma semaphore(%arg8 : memref<!tpu.dma_semaphore, #tpu.memory_space<semaphore_mem>>) src(%arg5 : memref<128xf32, #tpu.memory_space<vmem>>) dst(%dma_wait3A_24 : memref<100096xf32, #tpu.memory_space<vmem_shared>>)
    %dma_wait3A_25 = arith.constant 0 : i32
    %dma_wait3A_26 = arith.constant 1 : i32
    %dma_wait3A_27 = arith.constant 0 : i32
    %dma_wait3A_28 = tpu.memref_slice %arg4[%dma_wait3A_25, %dma_wait3A_26, %dma_wait3A_27] : memref<2x4x128xi32, #tpu.memory_space<vmem>> -> memref<1x1x128xi32, #tpu.memory_space<vmem>>
    %dma_wait3A_29 = tpu.memref_squeeze %dma_wait3A_28 : memref<1x1x128xi32, #tpu.memory_space<vmem>> -> memref<128xi32, #tpu.memory_space<vmem>>
    %dma_wait3A_30 = arith.constant 0 : i32
    %dma_wait3A_31 = tpu.memref_slice %arg7[%dma_wait3A_30] : memref<100096xf32, #tpu.memory_space<vmem_shared>> -> memref<100096xf32, #tpu.memory_space<vmem_shared>>
    tpu.wait_indirect_dma semaphore(%arg8 : memref<!tpu.dma_semaphore, #tpu.memory_space<semaphore_mem>>) src(%arg5 : memref<128xf32, #tpu.memory_space<vmem>>) dst(%dma_wait3A_31 : memref<100096xf32, #tpu.memory_space<vmem_shared>>)
    %dma_wait3A_32 = arith.constant 0 : i32
    %dma_wait3A_33 = arith.constant 2 : i32
    %dma_wait3A_34 = arith.constant 0 : i32
    %dma_wait3A_35 = tpu.memref_slice %arg4[%dma_wait3A_32, %dma_wait3A_33, %dma_wait3A_34] : memref<2x4x128xi32, #tpu.memory_space<vmem>> -> memref<1x1x128xi32, #tpu.memory_space<vmem>>
    %dma_wait3A_36 = tpu.memref_squeeze %dma_wait3A_35 : memref<1x1x128xi32, #tpu.memory_space<vmem>> -> memref<128xi32, #tpu.memory_space<vmem>>
    %dma_wait3A_37 = arith.constant 0 : i32
    %dma_wait3A_38 = tpu.memref_slice %arg7[%dma_wait3A_37] : memref<100096xf32, #tpu.memory_space<vmem_shared>> -> memref<100096xf32, #tpu.memory_space<vmem_shared>>
    tpu.wait_indirect_dma semaphore(%arg8 : memref<!tpu.dma_semaphore, #tpu.memory_space<semaphore_mem>>) src(%arg5 : memref<128xf32, #tpu.memory_space<vmem>>) dst(%dma_wait3A_38 : memref<100096xf32, #tpu.memory_space<vmem_shared>>)
    %dma_wait3A_39 = arith.constant 0 : i32
    %dma_wait3A_40 = arith.constant 3 : i32
    %dma_wait3A_41 = arith.constant 0 : i32
    %dma_wait3A_42 = tpu.memref_slice %arg4[%dma_wait3A_39, %dma_wait3A_40, %dma_wait3A_41] : memref<2x4x128xi32, #tpu.memory_space<vmem>> -> memref<1x1x128xi32, #tpu.memory_space<vmem>>
    %dma_wait3A_43 = tpu.memref_squeeze %dma_wait3A_42 : memref<1x1x128xi32, #tpu.memory_space<vmem>> -> memref<128xi32, #tpu.memory_space<vmem>>
    %dma_wait3A_44 = arith.constant 0 : i32
    %dma_wait3A_45 = tpu.memref_slice %arg7[%dma_wait3A_44] : memref<100096xf32, #tpu.memory_space<vmem_shared>> -> memref<100096xf32, #tpu.memory_space<vmem_shared>>
    tpu.wait_indirect_dma semaphore(%arg8 : memref<!tpu.dma_semaphore, #tpu.memory_space<semaphore_mem>>) src(%arg5 : memref<128xf32, #tpu.memory_space<vmem>>) dst(%dma_wait3A_45 : memref<100096xf32, #tpu.memory_space<vmem_shared>>)
    %dma_wait3A_46 = arith.constant 1 : i32
    %dma_wait3A_47 = arith.constant 0 : i32
    %dma_wait3A_48 = arith.constant 0 : i32
    %dma_wait3A_49 = tpu.memref_slice %arg4[%dma_wait3A_46, %dma_wait3A_47, %dma_wait3A_48] : memref<2x4x128xi32, #tpu.memory_space<vmem>> -> memref<1x1x128xi32, #tpu.memory_space<vmem>>
    %dma_wait3A_50 = tpu.memref_squeeze %dma_wait3A_49 : memref<1x1x128xi32, #tpu.memory_space<vmem>> -> memref<128xi32, #tpu.memory_space<vmem>>
    %dma_wait3A_51 = arith.constant 0 : i32
    %dma_wait3A_52 = tpu.memref_slice %arg7[%dma_wait3A_51] : memref<100096xf32, #tpu.memory_space<vmem_shared>> -> memref<100096xf32, #tpu.memory_space<vmem_shared>>
    tpu.wait_indirect_dma semaphore(%arg9 : memref<!tpu.dma_semaphore, #tpu.memory_space<semaphore_mem>>) src(%arg5 : memref<128xf32, #tpu.memory_space<vmem>>) dst(%dma_wait3A_52 : memref<100096xf32, #tpu.memory_space<vmem_shared>>)
    %dma_wait3A_53 = arith.constant 1 : i32
    %dma_wait3A_54 = arith.constant 1 : i32
    %dma_wait3A_55 = arith.constant 0 : i32
    %dma_wait3A_56 = tpu.memref_slice %arg4[%dma_wait3A_53, %dma_wait3A_54, %dma_wait3A_55] : memref<2x4x128xi32, #tpu.memory_space<vmem>> -> memref<1x1x128xi32, #tpu.memory_space<vmem>>
    %dma_wait3A_57 = tpu.memref_squeeze %dma_wait3A_56 : memref<1x1x128xi32, #tpu.memory_space<vmem>> -> memref<128xi32, #tpu.memory_space<vmem>>
    %dma_wait3A_58 = arith.constant 0 : i32
    %dma_wait3A_59 = tpu.memref_slice %arg7[%dma_wait3A_58] : memref<100096xf32, #tpu.memory_space<vmem_shared>> -> memref<100096xf32, #tpu.memory_space<vmem_shared>>
    tpu.wait_indirect_dma semaphore(%arg9 : memref<!tpu.dma_semaphore, #tpu.memory_space<semaphore_mem>>) src(%arg5 : memref<128xf32, #tpu.memory_space<vmem>>) dst(%dma_wait3A_59 : memref<100096xf32, #tpu.memory_space<vmem_shared>>)
    %dma_wait3A_60 = arith.constant 1 : i32
    %dma_wait3A_61 = arith.constant 2 : i32
    %dma_wait3A_62 = arith.constant 0 : i32
    %dma_wait3A_63 = tpu.memref_slice %arg4[%dma_wait3A_60, %dma_wait3A_61, %dma_wait3A_62] : memref<2x4x128xi32, #tpu.memory_space<vmem>> -> memref<1x1x128xi32, #tpu.memory_space<vmem>>
    %dma_wait3A_64 = tpu.memref_squeeze %dma_wait3A_63 : memref<1x1x128xi32, #tpu.memory_space<vmem>> -> memref<128xi32, #tpu.memory_space<vmem>>
    %dma_wait3A_65 = arith.constant 0 : i32
    %dma_wait3A_66 = tpu.memref_slice %arg7[%dma_wait3A_65] : memref<100096xf32, #tpu.memory_space<vmem_shared>> -> memref<100096xf32, #tpu.memory_space<vmem_shared>>
    tpu.wait_indirect_dma semaphore(%arg9 : memref<!tpu.dma_semaphore, #tpu.memory_space<semaphore_mem>>) src(%arg5 : memref<128xf32, #tpu.memory_space<vmem>>) dst(%dma_wait3A_66 : memref<100096xf32, #tpu.memory_space<vmem_shared>>)
    %dma_wait3A_67 = arith.constant 1 : i32
    %dma_wait3A_68 = arith.constant 3 : i32
    %dma_wait3A_69 = arith.constant 0 : i32
    %dma_wait3A_70 = tpu.memref_slice %arg4[%dma_wait3A_67, %dma_wait3A_68, %dma_wait3A_69] : memref<2x4x128xi32, #tpu.memory_space<vmem>> -> memref<1x1x128xi32, #tpu.memory_space<vmem>>
    %dma_wait3A_71 = tpu.memref_squeeze %dma_wait3A_70 : memref<1x1x128xi32, #tpu.memory_space<vmem>> -> memref<128xi32, #tpu.memory_space<vmem>>
    %dma_wait3A_72 = arith.constant 0 : i32
    %dma_wait3A_73 = tpu.memref_slice %arg7[%dma_wait3A_72] : memref<100096xf32, #tpu.memory_space<vmem_shared>> -> memref<100096xf32, #tpu.memory_space<vmem_shared>>
    tpu.wait_indirect_dma semaphore(%arg9 : memref<!tpu.dma_semaphore, #tpu.memory_space<semaphore_mem>>) src(%arg5 : memref<128xf32, #tpu.memory_space<vmem>>) dst(%dma_wait3A_73 : memref<100096xf32, #tpu.memory_space<vmem_shared>>)
    %barrier3A_74 = arith.constant 0 : index
    tpu.barrier barrier_id(%barrier3A_74)
    %mul3A_75 = arith.constant 6256 : i32
    %mul3A_76 = arith.muli %arg1, %mul3A_75 : i32
    "tpu.region"() ({
      %run_scoped3A = tpu.sem_alloc : memref<!tpu.dma_semaphore, #tpu.memory_space<semaphore_mem>>
      %dma_start3A = tpu.memref_slice %arg7[%mul3A_76] : memref<100096xf32, #tpu.memory_space<vmem_shared>> -> memref<6256xf32, #tpu.memory_space<vmem_shared>>
      %dma_start3A_82 = tpu.memref_slice %arg7[%mul3A_76] : memref<100096xf32, #tpu.memory_space<vmem_shared>> -> memref<6256xf32, #tpu.memory_space<vmem_shared>>
      tpu.enqueue_dma source(%dma_start3A_82 : memref<6256xf32, #tpu.memory_space<vmem_shared>>) target(%arg6 : memref<6256xf32, #tpu.memory_space<vmem>>) target_semaphore(%run_scoped3A : memref<!tpu.dma_semaphore, #tpu.memory_space<semaphore_mem>>)
      %dma_wait3A_83 = tpu.memref_slice %arg7[%mul3A_76] : memref<100096xf32, #tpu.memory_space<vmem_shared>> -> memref<6256xf32, #tpu.memory_space<vmem_shared>>
      %dma_wait3A_84 = tpu.memref_slice %arg7[%mul3A_76] : memref<100096xf32, #tpu.memory_space<vmem_shared>> -> memref<6256xf32, #tpu.memory_space<vmem_shared>>
      tpu.wait_dma2 semaphore(%run_scoped3A : memref<!tpu.dma_semaphore, #tpu.memory_space<semaphore_mem>>) src(%dma_wait3A_84 : memref<6256xf32, #tpu.memory_space<vmem_shared>>) dst(%arg6 : memref<6256xf32, #tpu.memory_space<vmem>>)
      tpu.yield
    }) : () -> ()
    %mul3A_77 = arith.constant 100096 : i32
    %mul3A_78 = arith.muli %arg0, %mul3A_77 : i32
    %mul3A_79 = arith.constant 6256 : i32
    %mul3A_80 = arith.muli %arg1, %mul3A_79 : i32
    %add3A_81 = arith.addi %mul3A_78, %mul3A_80 : i32
    "tpu.region"() ({
      %run_scoped3A = tpu.sem_alloc : memref<!tpu.dma_semaphore, #tpu.memory_space<semaphore_mem>>
      %dma_start3A = tpu.memref_slice %arg3[%add3A_81] : memref<200192xf32, #tpu.memory_space<hbm>> -> memref<6256xf32, #tpu.memory_space<hbm>>
      %dma_start3A_82 = tpu.memref_slice %arg3[%add3A_81] : memref<200192xf32, #tpu.memory_space<hbm>> -> memref<6256xf32, #tpu.memory_space<hbm>>
      tpu.enqueue_dma source(%arg6 : memref<6256xf32, #tpu.memory_space<vmem>>) target(%dma_start3A_82 : memref<6256xf32, #tpu.memory_space<hbm>>) target_semaphore(%run_scoped3A : memref<!tpu.dma_semaphore, #tpu.memory_space<semaphore_mem>>)
      %dma_wait3A_83 = tpu.memref_slice %arg3[%add3A_81] : memref<200192xf32, #tpu.memory_space<hbm>> -> memref<6256xf32, #tpu.memory_space<hbm>>
      %dma_wait3A_84 = tpu.memref_slice %arg3[%add3A_81] : memref<200192xf32, #tpu.memory_space<hbm>> -> memref<6256xf32, #tpu.memory_space<hbm>>
      tpu.wait_dma2 semaphore(%run_scoped3A : memref<!tpu.dma_semaphore, #tpu.memory_space<semaphore_mem>>) src(%arg6 : memref<6256xf32, #tpu.memory_space<vmem>>) dst(%dma_wait3A_84 : memref<6256xf32, #tpu.memory_space<hbm>>)
      tpu.yield
    }) : () -> ()
    return
  }
}

module attributes {stable_mosaic.version = 14 : i64} {
  func.func @body(%arg0: i32, %arg1: memref<2x782x128xf32, #tpu.memory_space<vmem>>, %arg2: memref<782x128xf32, #tpu.memory_space<vmem>>) attributes {dimension_semantics = [#tpu.dimension_semantics<arbitrary>], iteration_bounds = array<i64: 1>, scalar_prefetch = 0 : i64, scratch_operands = 0 : i64, tpu.core_type = #tpu.core_type<tc>, window_params = [{pipeline_mode = #tpu.pipeline_mode<synchronous>, transform_indices = @transform_0, window_bounds = array<i64: 2, 782, 128>}, {pipeline_mode = #tpu.pipeline_mode<synchronous>, transform_indices = @transform_1, window_bounds = array<i64: 782, 128>}]} {
    %get3A = arith.constant 0 : index
    %get3A_0 = arith.constant 0 : index
    %get3A_1 = arith.constant 0 : index
    %get3A_2 = vector.load %arg1[%get3A, %get3A_0, %get3A_1] : memref<2x782x128xf32, #tpu.memory_space<vmem>>, vector<1x782x128xf32>
    %get3A_3 = vector.shape_cast %get3A_2 : vector<1x782x128xf32> to vector<782x128xf32>
    %get3A_4 = arith.constant 1 : index
    %get3A_5 = arith.constant 0 : index
    %get3A_6 = arith.constant 0 : index
    %get3A_7 = vector.load %arg1[%get3A_4, %get3A_5, %get3A_6] : memref<2x782x128xf32, #tpu.memory_space<vmem>>, vector<1x782x128xf32>
    %get3A_8 = vector.shape_cast %get3A_7 : vector<1x782x128xf32> to vector<782x128xf32>
    %add3A = arith.addf %get3A_3, %get3A_8 : vector<782x128xf32>
    %add3A_9 = arith.constant 1.000000e+00 : f32
    %add3A_10 = vector.broadcast %add3A_9 : f32 to vector<782x128xf32>
    %add3A_11 = arith.addf %add3A, %add3A_10 : vector<782x128xf32>
    %rsqrt3A = math.rsqrt %add3A_11 : vector<782x128xf32>
    %swap3A = arith.constant 0 : index
    %swap3A_12 = arith.constant 0 : index
    %swap3A_13 = vector.load %arg2[%swap3A, %swap3A_12] : memref<782x128xf32, #tpu.memory_space<vmem>>, vector<782x128xf32>
    tpu.vector_store %arg2[%swap3A, %swap3A_12], %rsqrt3A {strides = array<i32>} : memref<782x128xf32, #tpu.memory_space<vmem>>, vector<782x128xf32>,
    return
  }
  func.func @transform_0(%arg0: i32) -> (i32, i32, i32) {
    %c0_i32 = arith.constant 0 : i32
    %c0_i32_0 = arith.constant 0 : i32
    %c0_i32_1 = arith.constant 0 : i32
    %c0_i32_2 = arith.constant 0 : i32
    return %c0_i32, %c0_i32_0, %c0_i32_1 : i32, i32, i32
  }
  func.func @transform_1(%arg0: i32) -> (i32, i32) {
    %c0_i32 = arith.constant 0 : i32
    %c0_i32_0 = arith.constant 0 : i32
    %c0_i32_1 = arith.constant 0 : i32
    return %c0_i32, %c0_i32_0 : i32, i32
  }
}

module attributes {stable_mosaic.version = 14 : i64} {
  func.func @body(%arg0: i32, %arg1: memref<3128x128xf32, #tpu.memory_space<vmem>>, %arg2: memref<3128x128xf32, #tpu.memory_space<vmem>>, %arg3: memref<3128x128xf32, #tpu.memory_space<vmem>>, %arg4: memref<1x128xf32, #tpu.memory_space<vmem>>, %arg5: memref<1x128xf32, #tpu.memory_space<vmem>>, %arg6: memref<3128x128xf32, #tpu.memory_space<vmem>>) attributes {dimension_semantics = [#tpu.dimension_semantics<arbitrary>], iteration_bounds = array<i64: 4>, scalar_prefetch = 0 : i64, scratch_operands = 0 : i64, tpu.core_type = #tpu.core_type<tc>, window_params = [{transform_indices = @transform_0, window_bounds = array<i64: 3128, 128>}, {transform_indices = @transform_1, window_bounds = array<i64: 3128, 128>}, {transform_indices = @transform_2, window_bounds = array<i64: 3128, 128>}, {pipeline_mode = #tpu.pipeline_mode<synchronous>, transform_indices = @transform_3, window_bounds = array<i64: 1, 128>}, {pipeline_mode = #tpu.pipeline_mode<synchronous>, transform_indices = @transform_4, window_bounds = array<i64: 1, 128>}, {transform_indices = @transform_5, window_bounds = array<i64: 3128, 128>}]} {
    %get3A = arith.constant 0 : index
    %get3A_0 = arith.constant 0 : index
    %get3A_1 = vector.load %arg1[%get3A, %get3A_0] : memref<3128x128xf32, #tpu.memory_space<vmem>>, vector<3128x128xf32>
    %get3A_2 = arith.constant 0 : index
    %get3A_3 = arith.constant 0 : index
    %get3A_4 = vector.load %arg4[%get3A_2, %get3A_3] : memref<1x128xf32, #tpu.memory_space<vmem>>, vector<1x128xf32>
    %mul3A = vector.broadcast %get3A_4 : vector<1x128xf32> to vector<3128x128xf32>
    %mul3A_5 = arith.mulf %get3A_1, %mul3A : vector<3128x128xf32>
    %get3A_6 = arith.constant 0 : index
    %get3A_7 = arith.constant 0 : index
    %get3A_8 = vector.load %arg2[%get3A_6, %get3A_7] : memref<3128x128xf32, #tpu.memory_space<vmem>>, vector<3128x128xf32>
    %get3A_9 = arith.constant 0 : index
    %get3A_10 = arith.constant 0 : index
    %get3A_11 = vector.load %arg5[%get3A_9, %get3A_10] : memref<1x128xf32, #tpu.memory_space<vmem>>, vector<1x128xf32>
    %mul3A_12 = vector.broadcast %get3A_11 : vector<1x128xf32> to vector<3128x128xf32>
    %mul3A_13 = arith.mulf %get3A_8, %mul3A_12 : vector<3128x128xf32>
    %add3A = arith.addf %mul3A_5, %mul3A_13 : vector<3128x128xf32>
    %get3A_14 = arith.constant 0 : index
    %get3A_15 = arith.constant 0 : index
    %get3A_16 = vector.load %arg3[%get3A_14, %get3A_15] : memref<3128x128xf32, #tpu.memory_space<vmem>>, vector<3128x128xf32>
    %mul3A_17 = arith.mulf %add3A, %get3A_16 : vector<3128x128xf32>
    %swap3A = arith.constant 0 : index
    %swap3A_18 = arith.constant 0 : index
    %swap3A_19 = vector.load %arg6[%swap3A, %swap3A_18] : memref<3128x128xf32, #tpu.memory_space<vmem>>, vector<3128x128xf32>
    tpu.vector_store %arg6[%swap3A, %swap3A_18], %mul3A_17 {strides = array<i32>} : memref<3128x128xf32, #tpu.memory_space<vmem>>, vector<3128x128xf32>,
    return
  }
  func.func @transform_0(%arg0: i32) -> (i32, i32) {
    %c0_i32 = arith.constant 0 : i32
    %c0_i32_0 = arith.constant 0 : i32
    return %arg0, %c0_i32 : i32, i32
  }
  func.func @transform_1(%arg0: i32) -> (i32, i32) {
    %c0_i32 = arith.constant 0 : i32
    %c0_i32_0 = arith.constant 0 : i32
    return %arg0, %c0_i32 : i32, i32
  }
  func.func @transform_2(%arg0: i32) -> (i32, i32) {
    %c0_i32 = arith.constant 0 : i32
    %c0_i32_0 = arith.constant 0 : i32
    return %arg0, %c0_i32 : i32, i32
  }
  func.func @transform_3(%arg0: i32) -> (i32, i32) {
    %c0_i32 = arith.constant 0 : i32
    %c0_i32_0 = arith.constant 0 : i32
    %c0_i32_1 = arith.constant 0 : i32
    return %c0_i32, %c0_i32_0 : i32, i32
  }
  func.func @transform_4(%arg0: i32) -> (i32, i32) {
    %c0_i32 = arith.constant 0 : i32
    %c0_i32_0 = arith.constant 0 : i32
    %c0_i32_1 = arith.constant 0 : i32
    return %c0_i32, %c0_i32_0 : i32, i32
  }
  func.func @transform_5(%arg0: i32) -> (i32, i32) {
    %c0_i32 = arith.constant 0 : i32
    %c0_i32_0 = arith.constant 0 : i32
    return %arg0, %c0_i32 : i32, i32
  }
}

module attributes {stable_mosaic.version = 14 : i64} {
  func.func @body(%arg0: i32, %arg1: memref<2x3128x128xf32, #tpu.memory_space<vmem>>, %arg2: memref<3128x128xf32, #tpu.memory_space<vmem>>, %arg3: memref<3128x128xf32, #tpu.memory_space<vmem>>, %arg4: memref<1x128xf32, #tpu.memory_space<vmem>>, %arg5: memref<128x128xf32, #tpu.memory_space<vmem>>, %arg6: memref<128x128xf32, #tpu.memory_space<vmem>>, %arg7: memref<2x3128x128xf32, #tpu.memory_space<vmem>>) attributes {dimension_semantics = [#tpu.dimension_semantics<arbitrary>], iteration_bounds = array<i64: 4>, scalar_prefetch = 0 : i64, scratch_operands = 0 : i64, tpu.core_type = #tpu.core_type<tc>, window_params = [{transform_indices = @transform_0, window_bounds = array<i64: 2, 3128, 128>}, {transform_indices = @transform_1, window_bounds = array<i64: 3128, 128>}, {transform_indices = @transform_2, window_bounds = array<i64: 3128, 128>}, {pipeline_mode = #tpu.pipeline_mode<synchronous>, transform_indices = @transform_3, window_bounds = array<i64: 1, 128>}, {pipeline_mode = #tpu.pipeline_mode<synchronous>, transform_indices = @transform_4, window_bounds = array<i64: 128, 128>}, {pipeline_mode = #tpu.pipeline_mode<synchronous>, transform_indices = @transform_5, window_bounds = array<i64: 128, 128>}, {transform_indices = @transform_6, window_bounds = array<i64: 2, 3128, 128>}]} {
    %get3A = arith.constant 0 : index
    %get3A_0 = arith.constant 0 : index
    %get3A_1 = vector.load %arg3[%get3A, %get3A_0] : memref<3128x128xf32, #tpu.memory_space<vmem>>, vector<3128x128xf32>
    %get3A_2 = arith.constant 0 : index
    %get3A_3 = arith.constant 0 : index
    %get3A_4 = arith.constant 0 : index
    %get3A_5 = vector.load %arg1[%get3A_2, %get3A_3, %get3A_4] : memref<2x3128x128xf32, #tpu.memory_space<vmem>>, vector<1x3128x128xf32>
    %get3A_6 = vector.shape_cast %get3A_5 : vector<1x3128x128xf32> to vector<3128x128xf32>
    %get3A_7 = arith.constant 1 : index
    %get3A_8 = arith.constant 0 : index
    %get3A_9 = arith.constant 0 : index
    %get3A_10 = vector.load %arg1[%get3A_7, %get3A_8, %get3A_9] : memref<2x3128x128xf32, #tpu.memory_space<vmem>>, vector<1x3128x128xf32>
    %get3A_11 = vector.shape_cast %get3A_10 : vector<1x3128x128xf32> to vector<3128x128xf32>
    %add3A = arith.addf %get3A_6, %get3A_11 : vector<3128x128xf32>
    %get3A_12 = arith.constant 0 : index
    %get3A_13 = arith.constant 0 : index
    %get3A_14 = vector.load %arg2[%get3A_12, %get3A_13] : memref<3128x128xf32, #tpu.memory_space<vmem>>, vector<3128x128xf32>
    %add3A_15 = arith.addf %add3A, %get3A_14 : vector<3128x128xf32>
    %mul3A = arith.mulf %get3A_1, %add3A_15 : vector<3128x128xf32>
    %get3A_16 = arith.constant 0 : index
    %get3A_17 = arith.constant 0 : index
    %get3A_18 = vector.load %arg4[%get3A_16, %get3A_17] : memref<1x128xf32, #tpu.memory_space<vmem>>, vector<1x128xf32>
    %add3A_19 = vector.broadcast %get3A_18 : vector<1x128xf32> to vector<3128x128xf32>
    %add3A_20 = arith.addf %mul3A, %add3A_19 : vector<3128x128xf32>
    %max3A = arith.constant 0.000000e+00 : f32
    %max3A_21 = vector.broadcast %max3A : f32 to vector<3128x128xf32>
    %max3A_22 = arith.maximumf %add3A_20, %max3A_21 : vector<3128x128xf32>
    %get3A_23 = arith.constant 0 : index
    %get3A_24 = arith.constant 0 : index
    %get3A_25 = vector.load %arg5[%get3A_23, %get3A_24] : memref<128x128xf32, #tpu.memory_space<vmem>>, vector<128x128xf32>
    %dot_general3A = arith.constant dense<0.000000e+00> : vector<3128x128xf32>
    %dot_general3A_26 = tpu.matmul %max3A_22, %get3A_25, %dot_general3A {dimension_numbers = #tpu.dot_dimension_numbers<[1], [0], [0], [1], [0, 0, 1, 1], [], []>, transpose_lhs_hint = false} : vector<3128x128xf32>, vector<128x128xf32>, vector<3128x128xf32> -> vector<3128x128xf32>
    %mul3A_27 = arith.mulf %dot_general3A_26, %get3A_1 : vector<3128x128xf32>
    %swap3A = arith.constant 0 : index
    %swap3A_28 = arith.constant 0 : index
    %swap3A_29 = arith.constant 0 : index
    %swap3A_30 = vector.load %arg7[%swap3A, %swap3A_28, %swap3A_29] : memref<2x3128x128xf32, #tpu.memory_space<vmem>>, vector<1x3128x128xf32>
    %swap3A_31 = vector.shape_cast %swap3A_30 : vector<1x3128x128xf32> to vector<3128x128xf32>
    %swap3A_32 = vector.shape_cast %mul3A_27 : vector<3128x128xf32> to vector<1x3128x128xf32>
    tpu.vector_store %arg7[%swap3A, %swap3A_28, %swap3A_29], %swap3A_32 {strides = array<i32>} : memref<2x3128x128xf32, #tpu.memory_space<vmem>>, vector<1x3128x128xf32>,
    %get3A_33 = arith.constant 0 : index
    %get3A_34 = arith.constant 0 : index
    %get3A_35 = vector.load %arg6[%get3A_33, %get3A_34] : memref<128x128xf32, #tpu.memory_space<vmem>>, vector<128x128xf32>
    %dot_general3A_36 = arith.constant dense<0.000000e+00> : vector<3128x128xf32>
    %dot_general3A_37 = tpu.matmul %max3A_22, %get3A_35, %dot_general3A_36 {dimension_numbers = #tpu.dot_dimension_numbers<[1], [0], [0], [1], [0, 0, 1, 1], [], []>, transpose_lhs_hint = false} : vector<3128x128xf32>, vector<128x128xf32>, vector<3128x128xf32> -> vector<3128x128xf32>
    %mul3A_38 = arith.mulf %dot_general3A_37, %get3A_1 : vector<3128x128xf32>
    %swap3A_39 = arith.constant 1 : index
    %swap3A_40 = arith.constant 0 : index
    %swap3A_41 = arith.constant 0 : index
    %swap3A_42 = vector.load %arg7[%swap3A_39, %swap3A_40, %swap3A_41] : memref<2x3128x128xf32, #tpu.memory_space<vmem>>, vector<1x3128x128xf32>
    %swap3A_43 = vector.shape_cast %swap3A_42 : vector<1x3128x128xf32> to vector<3128x128xf32>
    %swap3A_44 = vector.shape_cast %mul3A_38 : vector<3128x128xf32> to vector<1x3128x128xf32>
    tpu.vector_store %arg7[%swap3A_39, %swap3A_40, %swap3A_41], %swap3A_44 {strides = array<i32>} : memref<2x3128x128xf32, #tpu.memory_space<vmem>>, vector<1x3128x128xf32>,
    return
  }
  func.func @transform_0(%arg0: i32) -> (i32, i32, i32) {
    %c0_i32 = arith.constant 0 : i32
    %c0_i32_0 = arith.constant 0 : i32
    %c0_i32_1 = arith.constant 0 : i32
    return %c0_i32, %arg0, %c0_i32_0 : i32, i32, i32
  }
  func.func @transform_1(%arg0: i32) -> (i32, i32) {
    %c0_i32 = arith.constant 0 : i32
    %c0_i32_0 = arith.constant 0 : i32
    return %arg0, %c0_i32 : i32, i32
  }
  func.func @transform_2(%arg0: i32) -> (i32, i32) {
    %c0_i32 = arith.constant 0 : i32
    %c0_i32_0 = arith.constant 0 : i32
    return %arg0, %c0_i32 : i32, i32
  }
  func.func @transform_3(%arg0: i32) -> (i32, i32) {
    %c0_i32 = arith.constant 0 : i32
    %c0_i32_0 = arith.constant 0 : i32
    %c0_i32_1 = arith.constant 0 : i32
    return %c0_i32, %c0_i32_0 : i32, i32
  }
  func.func @transform_4(%arg0: i32) -> (i32, i32) {
    %c0_i32 = arith.constant 0 : i32
    %c0_i32_0 = arith.constant 0 : i32
    %c0_i32_1 = arith.constant 0 : i32
    return %c0_i32, %c0_i32_0 : i32, i32
  }
  func.func @transform_5(%arg0: i32) -> (i32, i32) {
    %c0_i32 = arith.constant 0 : i32
    %c0_i32_0 = arith.constant 0 : i32
    %c0_i32_1 = arith.constant 0 : i32
    return %c0_i32, %c0_i32_0 : i32, i32
  }
  func.func @transform_6(%arg0: i32) -> (i32, i32, i32) {
    %c0_i32 = arith.constant 0 : i32
    %c0_i32_0 = arith.constant 0 : i32
    %c0_i32_1 = arith.constant 0 : i32
    return %c0_i32, %arg0, %c0_i32_0 : i32, i32, i32
  }
}

module attributes {stable_mosaic.version = 14 : i64} {
  func.func @body(%arg0: i32, %arg1: memref<2x3128x128xf32, #tpu.memory_space<vmem>>, %arg2: memref<2x3128x128xf32, #tpu.memory_space<vmem>>, %arg3: memref<3128x128xf32, #tpu.memory_space<vmem>>, %arg4: memref<1x128xf32, #tpu.memory_space<vmem>>, %arg5: memref<1x128xf32, #tpu.memory_space<vmem>>, %arg6: memref<3128x8xi32, #tpu.memory_space<vmem>>, %arg7: memref<16x16xf32, #tpu.memory_space<vmem>>, %arg8: memref<16x16xf32, #tpu.memory_space<vmem>>, %arg9: memref<1x16xf32, #tpu.memory_space<vmem>>, %arg10: memref<16x1xf32, #tpu.memory_space<vmem>>, %arg11: memref<1x1xf32, #tpu.memory_space<vmem>>, %arg12: memref<64x1xf32, #tpu.memory_space<vmem>>, %arg13: memref<64x16xf32, #tpu.memory_space<vmem>>, %arg14: memref<64x16xf32, #tpu.memory_space<vmem>>, %arg15: memref<64x1xf32, #tpu.memory_space<vmem>>) attributes {dimension_semantics = [#tpu.dimension_semantics<arbitrary>], iteration_bounds = array<i64: 4>, scalar_prefetch = 0 : i64, scratch_operands = 3 : i64, tpu.core_type = #tpu.core_type<tc>, window_params = [{transform_indices = @transform_0, window_bounds = array<i64: 2, 3128, 128>}, {transform_indices = @transform_1, window_bounds = array<i64: 2, 3128, 128>}, {transform_indices = @transform_2, window_bounds = array<i64: 3128, 128>}, {pipeline_mode = #tpu.pipeline_mode<synchronous>, transform_indices = @transform_3, window_bounds = array<i64: 1, 128>}, {pipeline_mode = #tpu.pipeline_mode<synchronous>, transform_indices = @transform_4, window_bounds = array<i64: 1, 128>}, {transform_indices = @transform_5, window_bounds = array<i64: 3128, 8>}, {pipeline_mode = #tpu.pipeline_mode<synchronous>, transform_indices = @transform_6, window_bounds = array<i64: 16, 16>}, {pipeline_mode = #tpu.pipeline_mode<synchronous>, transform_indices = @transform_7, window_bounds = array<i64: 16, 16>}, {pipeline_mode = #tpu.pipeline_mode<synchronous>, transform_indices = @transform_8, window_bounds = array<i64: 1, 16>}, {pipeline_mode = #tpu.pipeline_mode<synchronous>, transform_indices = @transform_9, window_bounds = array<i64: 16, 1>}, {pipeline_mode = #tpu.pipeline_mode<synchronous>, transform_indices = @transform_10, window_bounds = array<i64: 1, 1>}, {pipeline_mode = #tpu.pipeline_mode<synchronous>, transform_indices = @transform_11, window_bounds = array<i64: 64, 1>}]} {
    %eq3A = arith.constant 0 : i32
    %eq3A_0 = arith.cmpi eq, %arg0, %eq3A : i32
    %convert_element_type3A = arith.extui %eq3A_0 : i1 to i32
    %cond3A = arith.constant 0 : i32
    %cond3A_1 = arith.cmpi ne, %convert_element_type3A, %cond3A : i32
    scf.if %cond3A_1 {
      %broadcast_in_dim3A_319 = arith.constant 0.000000e+00 : f32
      %broadcast_in_dim3A_320 = vector.broadcast %broadcast_in_dim3A_319 : f32 to vector<64x16xf32>
      %swap3A_321 = arith.constant 0 : index
      %swap3A_322 = arith.constant 0 : index
      %swap3A_323 = vector.load %arg13[%swap3A_321, %swap3A_322] : memref<64x16xf32, #tpu.memory_space<vmem>>, vector<64x16xf32>
      tpu.vector_store %arg13[%swap3A_321, %swap3A_322], %broadcast_in_dim3A_320 {strides = array<i32>} : memref<64x16xf32, #tpu.memory_space<vmem>>, vector<64x16xf32>,
      %broadcast_in_dim3A_324 = arith.constant 0.000000e+00 : f32
      %broadcast_in_dim3A_325 = vector.broadcast %broadcast_in_dim3A_324 : f32 to vector<64x16xf32>
      %swap3A_326 = arith.constant 0 : index
      %swap3A_327 = arith.constant 0 : index
      %swap3A_328 = vector.load %arg14[%swap3A_326, %swap3A_327] : memref<64x16xf32, #tpu.memory_space<vmem>>, vector<64x16xf32>
      tpu.vector_store %arg14[%swap3A_326, %swap3A_327], %broadcast_in_dim3A_325 {strides = array<i32>} : memref<64x16xf32, #tpu.memory_space<vmem>>, vector<64x16xf32>,
      %broadcast_in_dim3A_329 = arith.constant 0.000000e+00 : f32
      %broadcast_in_dim3A_330 = vector.broadcast %broadcast_in_dim3A_329 : f32 to vector<64x1xf32>
      %swap3A_331 = arith.constant 0 : index
      %swap3A_332 = arith.constant 0 : index
      %swap3A_333 = vector.load %arg15[%swap3A_331, %swap3A_332] : memref<64x1xf32, #tpu.memory_space<vmem>>, vector<64x1xf32>
      tpu.vector_store %arg15[%swap3A_331, %swap3A_332], %broadcast_in_dim3A_330 {strides = array<i32>} : memref<64x1xf32, #tpu.memory_space<vmem>>, vector<64x1xf32>,
    } else {
    }
    %get3A = arith.constant 0 : index
    %get3A_2 = arith.constant 0 : index
    %get3A_3 = vector.load %arg3[%get3A, %get3A_2] : memref<3128x128xf32, #tpu.memory_space<vmem>>, vector<3128x128xf32>
    %get3A_4 = arith.constant 0 : index
    %get3A_5 = arith.constant 0 : index
    %get3A_6 = arith.constant 0 : index
    %get3A_7 = vector.load %arg1[%get3A_4, %get3A_5, %get3A_6] : memref<2x3128x128xf32, #tpu.memory_space<vmem>>, vector<1x3128x128xf32>
    %get3A_8 = vector.shape_cast %get3A_7 : vector<1x3128x128xf32> to vector<3128x128xf32>
    %get3A_9 = arith.constant 0 : index
    %get3A_10 = arith.constant 0 : index
    %get3A_11 = arith.constant 0 : index
    %get3A_12 = vector.load %arg2[%get3A_9, %get3A_10, %get3A_11] : memref<2x3128x128xf32, #tpu.memory_space<vmem>>, vector<1x3128x128xf32>
    %get3A_13 = vector.shape_cast %get3A_12 : vector<1x3128x128xf32> to vector<3128x128xf32>
    %add3A = arith.addf %get3A_8, %get3A_13 : vector<3128x128xf32>
    %mul3A = arith.mulf %get3A_3, %add3A : vector<3128x128xf32>
    %get3A_14 = arith.constant 0 : index
    %get3A_15 = arith.constant 0 : index
    %get3A_16 = vector.load %arg4[%get3A_14, %get3A_15] : memref<1x128xf32, #tpu.memory_space<vmem>>, vector<1x128xf32>
    %add3A_17 = vector.broadcast %get3A_16 : vector<1x128xf32> to vector<3128x128xf32>
    %add3A_18 = arith.addf %mul3A, %add3A_17 : vector<3128x128xf32>
    %max3A = arith.constant 0.000000e+00 : f32
    %max3A_19 = vector.broadcast %max3A : f32 to vector<3128x128xf32>
    %max3A_20 = arith.maximumf %add3A_18, %max3A_19 : vector<3128x128xf32>
    %get3A_21 = arith.constant 1 : index
    %get3A_22 = arith.constant 0 : index
    %get3A_23 = arith.constant 0 : index
    %get3A_24 = vector.load %arg1[%get3A_21, %get3A_22, %get3A_23] : memref<2x3128x128xf32, #tpu.memory_space<vmem>>, vector<1x3128x128xf32>
    %get3A_25 = vector.shape_cast %get3A_24 : vector<1x3128x128xf32> to vector<3128x128xf32>
    %get3A_26 = arith.constant 1 : index
    %get3A_27 = arith.constant 0 : index
    %get3A_28 = arith.constant 0 : index
    %get3A_29 = vector.load %arg2[%get3A_26, %get3A_27, %get3A_28] : memref<2x3128x128xf32, #tpu.memory_space<vmem>>, vector<1x3128x128xf32>
    %get3A_30 = vector.shape_cast %get3A_29 : vector<1x3128x128xf32> to vector<3128x128xf32>
    %add3A_31 = arith.addf %get3A_25, %get3A_30 : vector<3128x128xf32>
    %mul3A_32 = arith.mulf %get3A_3, %add3A_31 : vector<3128x128xf32>
    %get3A_33 = arith.constant 0 : index
    %get3A_34 = arith.constant 0 : index
    %get3A_35 = vector.load %arg5[%get3A_33, %get3A_34] : memref<1x128xf32, #tpu.memory_space<vmem>>, vector<1x128xf32>
    %add3A_36 = vector.broadcast %get3A_35 : vector<1x128xf32> to vector<3128x128xf32>
    %add3A_37 = arith.addf %mul3A_32, %add3A_36 : vector<3128x128xf32>
    %max3A_38 = arith.constant 0.000000e+00 : f32
    %max3A_39 = vector.broadcast %max3A_38 : f32 to vector<3128x128xf32>
    %max3A_40 = arith.maximumf %add3A_37, %max3A_39 : vector<3128x128xf32>
    %iota3A = tpu.iota {dimensions = array<i32: 1>} : vector<3128x64xi32>
    %get3A_41 = arith.constant 0 : index
    %get3A_42 = arith.constant 0 : index
    %get3A_43 = vector.load %arg6[%get3A_41, %get3A_42] : memref<3128x8xi32, #tpu.memory_space<vmem>>, vector<3128x8xi32>
    %broadcast_in_dim3A = arith.constant 1.000000e+00 : f32
    %broadcast_in_dim3A_44 = vector.broadcast %broadcast_in_dim3A : f32 to vector<3128x1xf32>
    %slice3A = vector.extract_strided_slice %get3A_43 {offsets = [0, 0], sizes = [3128, 1], strides = [1, 1]} : vector<3128x8xi32> to vector<3128x1xi32>
    %eq3A_45 = vector.broadcast %slice3A : vector<3128x1xi32> to vector<3128x64xi32>
    %eq3A_46 = arith.cmpi eq, %eq3A_45, %iota3A : vector<3128x64xi32>
    %convert_element_type3A_47 = arith.extui %eq3A_46 : vector<3128x64xi1> to vector<3128x64xi32>
    %convert_element_type3A_48 = arith.sitofp %convert_element_type3A_47 : vector<3128x64xi32> to vector<3128x64xf32>
    %get3A_49 = arith.constant 0 : index
    %get3A_50 = arith.constant 0 : index
    %get3A_51 = vector.load %arg13[%get3A_49, %get3A_50] : memref<64x16xf32, #tpu.memory_space<vmem>>, vector<64x16xf32>
    %slice3A_52 = vector.extract_strided_slice %max3A_20 {offsets = [0, 0], sizes = [3128, 16], strides = [1, 1]} : vector<3128x128xf32> to vector<3128x16xf32>
    %dot_general3A = arith.constant dense<0.000000e+00> : vector<64x16xf32>
    %dot_general3A_53 = tpu.matmul %convert_element_type3A_48, %slice3A_52, %dot_general3A {dimension_numbers = #tpu.dot_dimension_numbers<[0], [0], [1], [1], [0, 1, 1, 1], [], []>, transpose_lhs_hint = false} : vector<3128x64xf32>, vector<3128x16xf32>, vector<64x16xf32> -> vector<64x16xf32>
    %add3A_54 = arith.addf %get3A_51, %dot_general3A_53 : vector<64x16xf32>
    %swap3A = arith.constant 0 : index
    %swap3A_55 = arith.constant 0 : index
    %swap3A_56 = vector.load %arg13[%swap3A, %swap3A_55] : memref<64x16xf32, #tpu.memory_space<vmem>>, vector<64x16xf32>
    tpu.vector_store %arg13[%swap3A, %swap3A_55], %add3A_54 {strides = array<i32>} : memref<64x16xf32, #tpu.memory_space<vmem>>, vector<64x16xf32>,
    %get3A_57 = arith.constant 0 : index
    %get3A_58 = arith.constant 0 : index
    %get3A_59 = vector.load %arg14[%get3A_57, %get3A_58] : memref<64x16xf32, #tpu.memory_space<vmem>>, vector<64x16xf32>
    %slice3A_60 = vector.extract_strided_slice %max3A_40 {offsets = [0, 0], sizes = [3128, 16], strides = [1, 1]} : vector<3128x128xf32> to vector<3128x16xf32>
    %dot_general3A_61 = arith.constant dense<0.000000e+00> : vector<64x16xf32>
    %dot_general3A_62 = tpu.matmul %convert_element_type3A_48, %slice3A_60, %dot_general3A_61 {dimension_numbers = #tpu.dot_dimension_numbers<[0], [0], [1], [1], [0, 1, 1, 1], [], []>, transpose_lhs_hint = false} : vector<3128x64xf32>, vector<3128x16xf32>, vector<64x16xf32> -> vector<64x16xf32>
    %add3A_63 = arith.addf %get3A_59, %dot_general3A_62 : vector<64x16xf32>
    %swap3A_64 = arith.constant 0 : index
    %swap3A_65 = arith.constant 0 : index
    %swap3A_66 = vector.load %arg14[%swap3A_64, %swap3A_65] : memref<64x16xf32, #tpu.memory_space<vmem>>, vector<64x16xf32>
    tpu.vector_store %arg14[%swap3A_64, %swap3A_65], %add3A_63 {strides = array<i32>} : memref<64x16xf32, #tpu.memory_space<vmem>>, vector<64x16xf32>,
    %get3A_67 = arith.constant 0 : index
    %get3A_68 = arith.constant 0 : index
    %get3A_69 = vector.load %arg15[%get3A_67, %get3A_68] : memref<64x1xf32, #tpu.memory_space<vmem>>, vector<64x1xf32>
    %dot_general3A_70 = arith.constant dense<0.000000e+00> : vector<64x1xf32>
    %dot_general3A_71 = tpu.matmul %convert_element_type3A_48, %broadcast_in_dim3A_44, %dot_general3A_70 {dimension_numbers = #tpu.dot_dimension_numbers<[0], [0], [1], [1], [0, 1, 1, 1], [], []>, transpose_lhs_hint = false} : vector<3128x64xf32>, vector<3128x1xf32>, vector<64x1xf32> -> vector<64x1xf32>
    %add3A_72 = arith.addf %get3A_69, %dot_general3A_71 : vector<64x1xf32>
    %swap3A_73 = arith.constant 0 : index
    %swap3A_74 = arith.constant 0 : index
    %swap3A_75 = vector.load %arg15[%swap3A_73, %swap3A_74] : memref<64x1xf32, #tpu.memory_space<vmem>>, vector<64x1xf32>
    tpu.vector_store %arg15[%swap3A_73, %swap3A_74], %add3A_72 {strides = array<i32>} : memref<64x1xf32, #tpu.memory_space<vmem>>, vector<64x1xf32>,
    %slice3A_76 = vector.extract_strided_slice %get3A_43 {offsets = [0, 1], sizes = [3128, 1], strides = [1, 1]} : vector<3128x8xi32> to vector<3128x1xi32>
    %eq3A_77 = vector.broadcast %slice3A_76 : vector<3128x1xi32> to vector<3128x64xi32>
    %eq3A_78 = arith.cmpi eq, %eq3A_77, %iota3A : vector<3128x64xi32>
    %convert_element_type3A_79 = arith.extui %eq3A_78 : vector<3128x64xi1> to vector<3128x64xi32>
    %convert_element_type3A_80 = arith.sitofp %convert_element_type3A_79 : vector<3128x64xi32> to vector<3128x64xf32>
    %get3A_81 = arith.constant 0 : index
    %get3A_82 = arith.constant 0 : index
    %get3A_83 = vector.load %arg13[%get3A_81, %get3A_82] : memref<64x16xf32, #tpu.memory_space<vmem>>, vector<64x16xf32>
    %slice3A_84 = vector.extract_strided_slice %max3A_20 {offsets = [0, 16], sizes = [3128, 16], strides = [1, 1]} : vector<3128x128xf32> to vector<3128x16xf32>
    %dot_general3A_85 = arith.constant dense<0.000000e+00> : vector<64x16xf32>
    %dot_general3A_86 = tpu.matmul %convert_element_type3A_80, %slice3A_84, %dot_general3A_85 {dimension_numbers = #tpu.dot_dimension_numbers<[0], [0], [1], [1], [0, 1, 1, 1], [], []>, transpose_lhs_hint = false} : vector<3128x64xf32>, vector<3128x16xf32>, vector<64x16xf32> -> vector<64x16xf32>
    %add3A_87 = arith.addf %get3A_83, %dot_general3A_86 : vector<64x16xf32>
    %swap3A_88 = arith.constant 0 : index
    %swap3A_89 = arith.constant 0 : index
    %swap3A_90 = vector.load %arg13[%swap3A_88, %swap3A_89] : memref<64x16xf32, #tpu.memory_space<vmem>>, vector<64x16xf32>
    tpu.vector_store %arg13[%swap3A_88, %swap3A_89], %add3A_87 {strides = array<i32>} : memref<64x16xf32, #tpu.memory_space<vmem>>, vector<64x16xf32>,
    %get3A_91 = arith.constant 0 : index
    %get3A_92 = arith.constant 0 : index
    %get3A_93 = vector.load %arg14[%get3A_91, %get3A_92] : memref<64x16xf32, #tpu.memory_space<vmem>>, vector<64x16xf32>
    %slice3A_94 = vector.extract_strided_slice %max3A_40 {offsets = [0, 16], sizes = [3128, 16], strides = [1, 1]} : vector<3128x128xf32> to vector<3128x16xf32>
    %dot_general3A_95 = arith.constant dense<0.000000e+00> : vector<64x16xf32>
    %dot_general3A_96 = tpu.matmul %convert_element_type3A_80, %slice3A_94, %dot_general3A_95 {dimension_numbers = #tpu.dot_dimension_numbers<[0], [0], [1], [1], [0, 1, 1, 1], [], []>, transpose_lhs_hint = false} : vector<3128x64xf32>, vector<3128x16xf32>, vector<64x16xf32> -> vector<64x16xf32>
    %add3A_97 = arith.addf %get3A_93, %dot_general3A_96 : vector<64x16xf32>
    %swap3A_98 = arith.constant 0 : index
    %swap3A_99 = arith.constant 0 : index
    %swap3A_100 = vector.load %arg14[%swap3A_98, %swap3A_99] : memref<64x16xf32, #tpu.memory_space<vmem>>, vector<64x16xf32>
    tpu.vector_store %arg14[%swap3A_98, %swap3A_99], %add3A_97 {strides = array<i32>} : memref<64x16xf32, #tpu.memory_space<vmem>>, vector<64x16xf32>,
    %get3A_101 = arith.constant 0 : index
    %get3A_102 = arith.constant 0 : index
    %get3A_103 = vector.load %arg15[%get3A_101, %get3A_102] : memref<64x1xf32, #tpu.memory_space<vmem>>, vector<64x1xf32>
    %dot_general3A_104 = arith.constant dense<0.000000e+00> : vector<64x1xf32>
    %dot_general3A_105 = tpu.matmul %convert_element_type3A_80, %broadcast_in_dim3A_44, %dot_general3A_104 {dimension_numbers = #tpu.dot_dimension_numbers<[0], [0], [1], [1], [0, 1, 1, 1], [], []>, transpose_lhs_hint = false} : vector<3128x64xf32>, vector<3128x1xf32>, vector<64x1xf32> -> vector<64x1xf32>
    %add3A_106 = arith.addf %get3A_103, %dot_general3A_105 : vector<64x1xf32>
    %swap3A_107 = arith.constant 0 : index
    %swap3A_108 = arith.constant 0 : index
    %swap3A_109 = vector.load %arg15[%swap3A_107, %swap3A_108] : memref<64x1xf32, #tpu.memory_space<vmem>>, vector<64x1xf32>
    tpu.vector_store %arg15[%swap3A_107, %swap3A_108], %add3A_106 {strides = array<i32>} : memref<64x1xf32, #tpu.memory_space<vmem>>, vector<64x1xf32>,
    %slice3A_110 = vector.extract_strided_slice %get3A_43 {offsets = [0, 2], sizes = [3128, 1], strides = [1, 1]} : vector<3128x8xi32> to vector<3128x1xi32>
    %eq3A_111 = vector.broadcast %slice3A_110 : vector<3128x1xi32> to vector<3128x64xi32>
    %eq3A_112 = arith.cmpi eq, %eq3A_111, %iota3A : vector<3128x64xi32>
    %convert_element_type3A_113 = arith.extui %eq3A_112 : vector<3128x64xi1> to vector<3128x64xi32>
    %convert_element_type3A_114 = arith.sitofp %convert_element_type3A_113 : vector<3128x64xi32> to vector<3128x64xf32>
    %get3A_115 = arith.constant 0 : index
    %get3A_116 = arith.constant 0 : index
    %get3A_117 = vector.load %arg13[%get3A_115, %get3A_116] : memref<64x16xf32, #tpu.memory_space<vmem>>, vector<64x16xf32>
    %slice3A_118 = vector.extract_strided_slice %max3A_20 {offsets = [0, 32], sizes = [3128, 16], strides = [1, 1]} : vector<3128x128xf32> to vector<3128x16xf32>
    %dot_general3A_119 = arith.constant dense<0.000000e+00> : vector<64x16xf32>
    %dot_general3A_120 = tpu.matmul %convert_element_type3A_114, %slice3A_118, %dot_general3A_119 {dimension_numbers = #tpu.dot_dimension_numbers<[0], [0], [1], [1], [0, 1, 1, 1], [], []>, transpose_lhs_hint = false} : vector<3128x64xf32>, vector<3128x16xf32>, vector<64x16xf32> -> vector<64x16xf32>
    %add3A_121 = arith.addf %get3A_117, %dot_general3A_120 : vector<64x16xf32>
    %swap3A_122 = arith.constant 0 : index
    %swap3A_123 = arith.constant 0 : index
    %swap3A_124 = vector.load %arg13[%swap3A_122, %swap3A_123] : memref<64x16xf32, #tpu.memory_space<vmem>>, vector<64x16xf32>
    tpu.vector_store %arg13[%swap3A_122, %swap3A_123], %add3A_121 {strides = array<i32>} : memref<64x16xf32, #tpu.memory_space<vmem>>, vector<64x16xf32>,
    %get3A_125 = arith.constant 0 : index
    %get3A_126 = arith.constant 0 : index
    %get3A_127 = vector.load %arg14[%get3A_125, %get3A_126] : memref<64x16xf32, #tpu.memory_space<vmem>>, vector<64x16xf32>
    %slice3A_128 = vector.extract_strided_slice %max3A_40 {offsets = [0, 32], sizes = [3128, 16], strides = [1, 1]} : vector<3128x128xf32> to vector<3128x16xf32>
    %dot_general3A_129 = arith.constant dense<0.000000e+00> : vector<64x16xf32>
    %dot_general3A_130 = tpu.matmul %convert_element_type3A_114, %slice3A_128, %dot_general3A_129 {dimension_numbers = #tpu.dot_dimension_numbers<[0], [0], [1], [1], [0, 1, 1, 1], [], []>, transpose_lhs_hint = false} : vector<3128x64xf32>, vector<3128x16xf32>, vector<64x16xf32> -> vector<64x16xf32>
    %add3A_131 = arith.addf %get3A_127, %dot_general3A_130 : vector<64x16xf32>
    %swap3A_132 = arith.constant 0 : index
    %swap3A_133 = arith.constant 0 : index
    %swap3A_134 = vector.load %arg14[%swap3A_132, %swap3A_133] : memref<64x16xf32, #tpu.memory_space<vmem>>, vector<64x16xf32>
    tpu.vector_store %arg14[%swap3A_132, %swap3A_133], %add3A_131 {strides = array<i32>} : memref<64x16xf32, #tpu.memory_space<vmem>>, vector<64x16xf32>,
    %get3A_135 = arith.constant 0 : index
    %get3A_136 = arith.constant 0 : index
    %get3A_137 = vector.load %arg15[%get3A_135, %get3A_136] : memref<64x1xf32, #tpu.memory_space<vmem>>, vector<64x1xf32>
    %dot_general3A_138 = arith.constant dense<0.000000e+00> : vector<64x1xf32>
    %dot_general3A_139 = tpu.matmul %convert_element_type3A_114, %broadcast_in_dim3A_44, %dot_general3A_138 {dimension_numbers = #tpu.dot_dimension_numbers<[0], [0], [1], [1], [0, 1, 1, 1], [], []>, transpose_lhs_hint = false} : vector<3128x64xf32>, vector<3128x1xf32>, vector<64x1xf32> -> vector<64x1xf32>
    %add3A_140 = arith.addf %get3A_137, %dot_general3A_139 : vector<64x1xf32>
    %swap3A_141 = arith.constant 0 : index
    %swap3A_142 = arith.constant 0 : index
    %swap3A_143 = vector.load %arg15[%swap3A_141, %swap3A_142] : memref<64x1xf32, #tpu.memory_space<vmem>>, vector<64x1xf32>
    tpu.vector_store %arg15[%swap3A_141, %swap3A_142], %add3A_140 {strides = array<i32>} : memref<64x1xf32, #tpu.memory_space<vmem>>, vector<64x1xf32>,
    %slice3A_144 = vector.extract_strided_slice %get3A_43 {offsets = [0, 3], sizes = [3128, 1], strides = [1, 1]} : vector<3128x8xi32> to vector<3128x1xi32>
    %eq3A_145 = vector.broadcast %slice3A_144 : vector<3128x1xi32> to vector<3128x64xi32>
    %eq3A_146 = arith.cmpi eq, %eq3A_145, %iota3A : vector<3128x64xi32>
    %convert_element_type3A_147 = arith.extui %eq3A_146 : vector<3128x64xi1> to vector<3128x64xi32>
    %convert_element_type3A_148 = arith.sitofp %convert_element_type3A_147 : vector<3128x64xi32> to vector<3128x64xf32>
    %get3A_149 = arith.constant 0 : index
    %get3A_150 = arith.constant 0 : index
    %get3A_151 = vector.load %arg13[%get3A_149, %get3A_150] : memref<64x16xf32, #tpu.memory_space<vmem>>, vector<64x16xf32>
    %slice3A_152 = vector.extract_strided_slice %max3A_20 {offsets = [0, 48], sizes = [3128, 16], strides = [1, 1]} : vector<3128x128xf32> to vector<3128x16xf32>
    %dot_general3A_153 = arith.constant dense<0.000000e+00> : vector<64x16xf32>
    %dot_general3A_154 = tpu.matmul %convert_element_type3A_148, %slice3A_152, %dot_general3A_153 {dimension_numbers = #tpu.dot_dimension_numbers<[0], [0], [1], [1], [0, 1, 1, 1], [], []>, transpose_lhs_hint = false} : vector<3128x64xf32>, vector<3128x16xf32>, vector<64x16xf32> -> vector<64x16xf32>
    %add3A_155 = arith.addf %get3A_151, %dot_general3A_154 : vector<64x16xf32>
    %swap3A_156 = arith.constant 0 : index
    %swap3A_157 = arith.constant 0 : index
    %swap3A_158 = vector.load %arg13[%swap3A_156, %swap3A_157] : memref<64x16xf32, #tpu.memory_space<vmem>>, vector<64x16xf32>
    tpu.vector_store %arg13[%swap3A_156, %swap3A_157], %add3A_155 {strides = array<i32>} : memref<64x16xf32, #tpu.memory_space<vmem>>, vector<64x16xf32>,
    %get3A_159 = arith.constant 0 : index
    %get3A_160 = arith.constant 0 : index
    %get3A_161 = vector.load %arg14[%get3A_159, %get3A_160] : memref<64x16xf32, #tpu.memory_space<vmem>>, vector<64x16xf32>
    %slice3A_162 = vector.extract_strided_slice %max3A_40 {offsets = [0, 48], sizes = [3128, 16], strides = [1, 1]} : vector<3128x128xf32> to vector<3128x16xf32>
    %dot_general3A_163 = arith.constant dense<0.000000e+00> : vector<64x16xf32>
    %dot_general3A_164 = tpu.matmul %convert_element_type3A_148, %slice3A_162, %dot_general3A_163 {dimension_numbers = #tpu.dot_dimension_numbers<[0], [0], [1], [1], [0, 1, 1, 1], [], []>, transpose_lhs_hint = false} : vector<3128x64xf32>, vector<3128x16xf32>, vector<64x16xf32> -> vector<64x16xf32>
    %add3A_165 = arith.addf %get3A_161, %dot_general3A_164 : vector<64x16xf32>
    %swap3A_166 = arith.constant 0 : index
    %swap3A_167 = arith.constant 0 : index
    %swap3A_168 = vector.load %arg14[%swap3A_166, %swap3A_167] : memref<64x16xf32, #tpu.memory_space<vmem>>, vector<64x16xf32>
    tpu.vector_store %arg14[%swap3A_166, %swap3A_167], %add3A_165 {strides = array<i32>} : memref<64x16xf32, #tpu.memory_space<vmem>>, vector<64x16xf32>,
    %get3A_169 = arith.constant 0 : index
    %get3A_170 = arith.constant 0 : index
    %get3A_171 = vector.load %arg15[%get3A_169, %get3A_170] : memref<64x1xf32, #tpu.memory_space<vmem>>, vector<64x1xf32>
    %dot_general3A_172 = arith.constant dense<0.000000e+00> : vector<64x1xf32>
    %dot_general3A_173 = tpu.matmul %convert_element_type3A_148, %broadcast_in_dim3A_44, %dot_general3A_172 {dimension_numbers = #tpu.dot_dimension_numbers<[0], [0], [1], [1], [0, 1, 1, 1], [], []>, transpose_lhs_hint = false} : vector<3128x64xf32>, vector<3128x1xf32>, vector<64x1xf32> -> vector<64x1xf32>
    %add3A_174 = arith.addf %get3A_171, %dot_general3A_173 : vector<64x1xf32>
    %swap3A_175 = arith.constant 0 : index
    %swap3A_176 = arith.constant 0 : index
    %swap3A_177 = vector.load %arg15[%swap3A_175, %swap3A_176] : memref<64x1xf32, #tpu.memory_space<vmem>>, vector<64x1xf32>
    tpu.vector_store %arg15[%swap3A_175, %swap3A_176], %add3A_174 {strides = array<i32>} : memref<64x1xf32, #tpu.memory_space<vmem>>, vector<64x1xf32>,
    %slice3A_178 = vector.extract_strided_slice %get3A_43 {offsets = [0, 4], sizes = [3128, 1], strides = [1, 1]} : vector<3128x8xi32> to vector<3128x1xi32>
    %eq3A_179 = vector.broadcast %slice3A_178 : vector<3128x1xi32> to vector<3128x64xi32>
    %eq3A_180 = arith.cmpi eq, %eq3A_179, %iota3A : vector<3128x64xi32>
    %convert_element_type3A_181 = arith.extui %eq3A_180 : vector<3128x64xi1> to vector<3128x64xi32>
    %convert_element_type3A_182 = arith.sitofp %convert_element_type3A_181 : vector<3128x64xi32> to vector<3128x64xf32>
    %get3A_183 = arith.constant 0 : index
    %get3A_184 = arith.constant 0 : index
    %get3A_185 = vector.load %arg13[%get3A_183, %get3A_184] : memref<64x16xf32, #tpu.memory_space<vmem>>, vector<64x16xf32>
    %slice3A_186 = vector.extract_strided_slice %max3A_20 {offsets = [0, 64], sizes = [3128, 16], strides = [1, 1]} : vector<3128x128xf32> to vector<3128x16xf32>
    %dot_general3A_187 = arith.constant dense<0.000000e+00> : vector<64x16xf32>
    %dot_general3A_188 = tpu.matmul %convert_element_type3A_182, %slice3A_186, %dot_general3A_187 {dimension_numbers = #tpu.dot_dimension_numbers<[0], [0], [1], [1], [0, 1, 1, 1], [], []>, transpose_lhs_hint = false} : vector<3128x64xf32>, vector<3128x16xf32>, vector<64x16xf32> -> vector<64x16xf32>
    %add3A_189 = arith.addf %get3A_185, %dot_general3A_188 : vector<64x16xf32>
    %swap3A_190 = arith.constant 0 : index
    %swap3A_191 = arith.constant 0 : index
    %swap3A_192 = vector.load %arg13[%swap3A_190, %swap3A_191] : memref<64x16xf32, #tpu.memory_space<vmem>>, vector<64x16xf32>
    tpu.vector_store %arg13[%swap3A_190, %swap3A_191], %add3A_189 {strides = array<i32>} : memref<64x16xf32, #tpu.memory_space<vmem>>, vector<64x16xf32>,
    %get3A_193 = arith.constant 0 : index
    %get3A_194 = arith.constant 0 : index
    %get3A_195 = vector.load %arg14[%get3A_193, %get3A_194] : memref<64x16xf32, #tpu.memory_space<vmem>>, vector<64x16xf32>
    %slice3A_196 = vector.extract_strided_slice %max3A_40 {offsets = [0, 64], sizes = [3128, 16], strides = [1, 1]} : vector<3128x128xf32> to vector<3128x16xf32>
    %dot_general3A_197 = arith.constant dense<0.000000e+00> : vector<64x16xf32>
    %dot_general3A_198 = tpu.matmul %convert_element_type3A_182, %slice3A_196, %dot_general3A_197 {dimension_numbers = #tpu.dot_dimension_numbers<[0], [0], [1], [1], [0, 1, 1, 1], [], []>, transpose_lhs_hint = false} : vector<3128x64xf32>, vector<3128x16xf32>, vector<64x16xf32> -> vector<64x16xf32>
    %add3A_199 = arith.addf %get3A_195, %dot_general3A_198 : vector<64x16xf32>
    %swap3A_200 = arith.constant 0 : index
    %swap3A_201 = arith.constant 0 : index
    %swap3A_202 = vector.load %arg14[%swap3A_200, %swap3A_201] : memref<64x16xf32, #tpu.memory_space<vmem>>, vector<64x16xf32>
    tpu.vector_store %arg14[%swap3A_200, %swap3A_201], %add3A_199 {strides = array<i32>} : memref<64x16xf32, #tpu.memory_space<vmem>>, vector<64x16xf32>,
    %get3A_203 = arith.constant 0 : index
    %get3A_204 = arith.constant 0 : index
    %get3A_205 = vector.load %arg15[%get3A_203, %get3A_204] : memref<64x1xf32, #tpu.memory_space<vmem>>, vector<64x1xf32>
    %dot_general3A_206 = arith.constant dense<0.000000e+00> : vector<64x1xf32>
    %dot_general3A_207 = tpu.matmul %convert_element_type3A_182, %broadcast_in_dim3A_44, %dot_general3A_206 {dimension_numbers = #tpu.dot_dimension_numbers<[0], [0], [1], [1], [0, 1, 1, 1], [], []>, transpose_lhs_hint = false} : vector<3128x64xf32>, vector<3128x1xf32>, vector<64x1xf32> -> vector<64x1xf32>
    %add3A_208 = arith.addf %get3A_205, %dot_general3A_207 : vector<64x1xf32>
    %swap3A_209 = arith.constant 0 : index
    %swap3A_210 = arith.constant 0 : index
    %swap3A_211 = vector.load %arg15[%swap3A_209, %swap3A_210] : memref<64x1xf32, #tpu.memory_space<vmem>>, vector<64x1xf32>
    tpu.vector_store %arg15[%swap3A_209, %swap3A_210], %add3A_208 {strides = array<i32>} : memref<64x1xf32, #tpu.memory_space<vmem>>, vector<64x1xf32>,
    %slice3A_212 = vector.extract_strided_slice %get3A_43 {offsets = [0, 5], sizes = [3128, 1], strides = [1, 1]} : vector<3128x8xi32> to vector<3128x1xi32>
    %eq3A_213 = vector.broadcast %slice3A_212 : vector<3128x1xi32> to vector<3128x64xi32>
    %eq3A_214 = arith.cmpi eq, %eq3A_213, %iota3A : vector<3128x64xi32>
    %convert_element_type3A_215 = arith.extui %eq3A_214 : vector<3128x64xi1> to vector<3128x64xi32>
    %convert_element_type3A_216 = arith.sitofp %convert_element_type3A_215 : vector<3128x64xi32> to vector<3128x64xf32>
    %get3A_217 = arith.constant 0 : index
    %get3A_218 = arith.constant 0 : index
    %get3A_219 = vector.load %arg13[%get3A_217, %get3A_218] : memref<64x16xf32, #tpu.memory_space<vmem>>, vector<64x16xf32>
    %slice3A_220 = vector.extract_strided_slice %max3A_20 {offsets = [0, 80], sizes = [3128, 16], strides = [1, 1]} : vector<3128x128xf32> to vector<3128x16xf32>
    %dot_general3A_221 = arith.constant dense<0.000000e+00> : vector<64x16xf32>
    %dot_general3A_222 = tpu.matmul %convert_element_type3A_216, %slice3A_220, %dot_general3A_221 {dimension_numbers = #tpu.dot_dimension_numbers<[0], [0], [1], [1], [0, 1, 1, 1], [], []>, transpose_lhs_hint = false} : vector<3128x64xf32>, vector<3128x16xf32>, vector<64x16xf32> -> vector<64x16xf32>
    %add3A_223 = arith.addf %get3A_219, %dot_general3A_222 : vector<64x16xf32>
    %swap3A_224 = arith.constant 0 : index
    %swap3A_225 = arith.constant 0 : index
    %swap3A_226 = vector.load %arg13[%swap3A_224, %swap3A_225] : memref<64x16xf32, #tpu.memory_space<vmem>>, vector<64x16xf32>
    tpu.vector_store %arg13[%swap3A_224, %swap3A_225], %add3A_223 {strides = array<i32>} : memref<64x16xf32, #tpu.memory_space<vmem>>, vector<64x16xf32>,
    %get3A_227 = arith.constant 0 : index
    %get3A_228 = arith.constant 0 : index
    %get3A_229 = vector.load %arg14[%get3A_227, %get3A_228] : memref<64x16xf32, #tpu.memory_space<vmem>>, vector<64x16xf32>
    %slice3A_230 = vector.extract_strided_slice %max3A_40 {offsets = [0, 80], sizes = [3128, 16], strides = [1, 1]} : vector<3128x128xf32> to vector<3128x16xf32>
    %dot_general3A_231 = arith.constant dense<0.000000e+00> : vector<64x16xf32>
    %dot_general3A_232 = tpu.matmul %convert_element_type3A_216, %slice3A_230, %dot_general3A_231 {dimension_numbers = #tpu.dot_dimension_numbers<[0], [0], [1], [1], [0, 1, 1, 1], [], []>, transpose_lhs_hint = false} : vector<3128x64xf32>, vector<3128x16xf32>, vector<64x16xf32> -> vector<64x16xf32>
    %add3A_233 = arith.addf %get3A_229, %dot_general3A_232 : vector<64x16xf32>
    %swap3A_234 = arith.constant 0 : index
    %swap3A_235 = arith.constant 0 : index
    %swap3A_236 = vector.load %arg14[%swap3A_234, %swap3A_235] : memref<64x16xf32, #tpu.memory_space<vmem>>, vector<64x16xf32>
    tpu.vector_store %arg14[%swap3A_234, %swap3A_235], %add3A_233 {strides = array<i32>} : memref<64x16xf32, #tpu.memory_space<vmem>>, vector<64x16xf32>,
    %get3A_237 = arith.constant 0 : index
    %get3A_238 = arith.constant 0 : index
    %get3A_239 = vector.load %arg15[%get3A_237, %get3A_238] : memref<64x1xf32, #tpu.memory_space<vmem>>, vector<64x1xf32>
    %dot_general3A_240 = arith.constant dense<0.000000e+00> : vector<64x1xf32>
    %dot_general3A_241 = tpu.matmul %convert_element_type3A_216, %broadcast_in_dim3A_44, %dot_general3A_240 {dimension_numbers = #tpu.dot_dimension_numbers<[0], [0], [1], [1], [0, 1, 1, 1], [], []>, transpose_lhs_hint = false} : vector<3128x64xf32>, vector<3128x1xf32>, vector<64x1xf32> -> vector<64x1xf32>
    %add3A_242 = arith.addf %get3A_239, %dot_general3A_241 : vector<64x1xf32>
    %swap3A_243 = arith.constant 0 : index
    %swap3A_244 = arith.constant 0 : index
    %swap3A_245 = vector.load %arg15[%swap3A_243, %swap3A_244] : memref<64x1xf32, #tpu.memory_space<vmem>>, vector<64x1xf32>
    tpu.vector_store %arg15[%swap3A_243, %swap3A_244], %add3A_242 {strides = array<i32>} : memref<64x1xf32, #tpu.memory_space<vmem>>, vector<64x1xf32>,
    %slice3A_246 = vector.extract_strided_slice %get3A_43 {offsets = [0, 6], sizes = [3128, 1], strides = [1, 1]} : vector<3128x8xi32> to vector<3128x1xi32>
    %eq3A_247 = vector.broadcast %slice3A_246 : vector<3128x1xi32> to vector<3128x64xi32>
    %eq3A_248 = arith.cmpi eq, %eq3A_247, %iota3A : vector<3128x64xi32>
    %convert_element_type3A_249 = arith.extui %eq3A_248 : vector<3128x64xi1> to vector<3128x64xi32>
    %convert_element_type3A_250 = arith.sitofp %convert_element_type3A_249 : vector<3128x64xi32> to vector<3128x64xf32>
    %get3A_251 = arith.constant 0 : index
    %get3A_252 = arith.constant 0 : index
    %get3A_253 = vector.load %arg13[%get3A_251, %get3A_252] : memref<64x16xf32, #tpu.memory_space<vmem>>, vector<64x16xf32>
    %slice3A_254 = vector.extract_strided_slice %max3A_20 {offsets = [0, 96], sizes = [3128, 16], strides = [1, 1]} : vector<3128x128xf32> to vector<3128x16xf32>
    %dot_general3A_255 = arith.constant dense<0.000000e+00> : vector<64x16xf32>
    %dot_general3A_256 = tpu.matmul %convert_element_type3A_250, %slice3A_254, %dot_general3A_255 {dimension_numbers = #tpu.dot_dimension_numbers<[0], [0], [1], [1], [0, 1, 1, 1], [], []>, transpose_lhs_hint = false} : vector<3128x64xf32>, vector<3128x16xf32>, vector<64x16xf32> -> vector<64x16xf32>
    %add3A_257 = arith.addf %get3A_253, %dot_general3A_256 : vector<64x16xf32>
    %swap3A_258 = arith.constant 0 : index
    %swap3A_259 = arith.constant 0 : index
    %swap3A_260 = vector.load %arg13[%swap3A_258, %swap3A_259] : memref<64x16xf32, #tpu.memory_space<vmem>>, vector<64x16xf32>
    tpu.vector_store %arg13[%swap3A_258, %swap3A_259], %add3A_257 {strides = array<i32>} : memref<64x16xf32, #tpu.memory_space<vmem>>, vector<64x16xf32>,
    %get3A_261 = arith.constant 0 : index
    %get3A_262 = arith.constant 0 : index
    %get3A_263 = vector.load %arg14[%get3A_261, %get3A_262] : memref<64x16xf32, #tpu.memory_space<vmem>>, vector<64x16xf32>
    %slice3A_264 = vector.extract_strided_slice %max3A_40 {offsets = [0, 96], sizes = [3128, 16], strides = [1, 1]} : vector<3128x128xf32> to vector<3128x16xf32>
    %dot_general3A_265 = arith.constant dense<0.000000e+00> : vector<64x16xf32>
    %dot_general3A_266 = tpu.matmul %convert_element_type3A_250, %slice3A_264, %dot_general3A_265 {dimension_numbers = #tpu.dot_dimension_numbers<[0], [0], [1], [1], [0, 1, 1, 1], [], []>, transpose_lhs_hint = false} : vector<3128x64xf32>, vector<3128x16xf32>, vector<64x16xf32> -> vector<64x16xf32>
    %add3A_267 = arith.addf %get3A_263, %dot_general3A_266 : vector<64x16xf32>
    %swap3A_268 = arith.constant 0 : index
    %swap3A_269 = arith.constant 0 : index
    %swap3A_270 = vector.load %arg14[%swap3A_268, %swap3A_269] : memref<64x16xf32, #tpu.memory_space<vmem>>, vector<64x16xf32>
    tpu.vector_store %arg14[%swap3A_268, %swap3A_269], %add3A_267 {strides = array<i32>} : memref<64x16xf32, #tpu.memory_space<vmem>>, vector<64x16xf32>,
    %get3A_271 = arith.constant 0 : index
    %get3A_272 = arith.constant 0 : index
    %get3A_273 = vector.load %arg15[%get3A_271, %get3A_272] : memref<64x1xf32, #tpu.memory_space<vmem>>, vector<64x1xf32>
    %dot_general3A_274 = arith.constant dense<0.000000e+00> : vector<64x1xf32>
    %dot_general3A_275 = tpu.matmul %convert_element_type3A_250, %broadcast_in_dim3A_44, %dot_general3A_274 {dimension_numbers = #tpu.dot_dimension_numbers<[0], [0], [1], [1], [0, 1, 1, 1], [], []>, transpose_lhs_hint = false} : vector<3128x64xf32>, vector<3128x1xf32>, vector<64x1xf32> -> vector<64x1xf32>
    %add3A_276 = arith.addf %get3A_273, %dot_general3A_275 : vector<64x1xf32>
    %swap3A_277 = arith.constant 0 : index
    %swap3A_278 = arith.constant 0 : index
    %swap3A_279 = vector.load %arg15[%swap3A_277, %swap3A_278] : memref<64x1xf32, #tpu.memory_space<vmem>>, vector<64x1xf32>
    tpu.vector_store %arg15[%swap3A_277, %swap3A_278], %add3A_276 {strides = array<i32>} : memref<64x1xf32, #tpu.memory_space<vmem>>, vector<64x1xf32>,
    %slice3A_280 = vector.extract_strided_slice %get3A_43 {offsets = [0, 7], sizes = [3128, 1], strides = [1, 1]} : vector<3128x8xi32> to vector<3128x1xi32>
    %eq3A_281 = vector.broadcast %slice3A_280 : vector<3128x1xi32> to vector<3128x64xi32>
    %eq3A_282 = arith.cmpi eq, %eq3A_281, %iota3A : vector<3128x64xi32>
    %convert_element_type3A_283 = arith.extui %eq3A_282 : vector<3128x64xi1> to vector<3128x64xi32>
    %convert_element_type3A_284 = arith.sitofp %convert_element_type3A_283 : vector<3128x64xi32> to vector<3128x64xf32>
    %get3A_285 = arith.constant 0 : index
    %get3A_286 = arith.constant 0 : index
    %get3A_287 = vector.load %arg13[%get3A_285, %get3A_286] : memref<64x16xf32, #tpu.memory_space<vmem>>, vector<64x16xf32>
    %slice3A_288 = vector.extract_strided_slice %max3A_20 {offsets = [0, 112], sizes = [3128, 16], strides = [1, 1]} : vector<3128x128xf32> to vector<3128x16xf32>
    %dot_general3A_289 = arith.constant dense<0.000000e+00> : vector<64x16xf32>
    %dot_general3A_290 = tpu.matmul %convert_element_type3A_284, %slice3A_288, %dot_general3A_289 {dimension_numbers = #tpu.dot_dimension_numbers<[0], [0], [1], [1], [0, 1, 1, 1], [], []>, transpose_lhs_hint = false} : vector<3128x64xf32>, vector<3128x16xf32>, vector<64x16xf32> -> vector<64x16xf32>
    %add3A_291 = arith.addf %get3A_287, %dot_general3A_290 : vector<64x16xf32>
    %swap3A_292 = arith.constant 0 : index
    %swap3A_293 = arith.constant 0 : index
    %swap3A_294 = vector.load %arg13[%swap3A_292, %swap3A_293] : memref<64x16xf32, #tpu.memory_space<vmem>>, vector<64x16xf32>
    tpu.vector_store %arg13[%swap3A_292, %swap3A_293], %add3A_291 {strides = array<i32>} : memref<64x16xf32, #tpu.memory_space<vmem>>, vector<64x16xf32>,
    %get3A_295 = arith.constant 0 : index
    %get3A_296 = arith.constant 0 : index
    %get3A_297 = vector.load %arg14[%get3A_295, %get3A_296] : memref<64x16xf32, #tpu.memory_space<vmem>>, vector<64x16xf32>
    %slice3A_298 = vector.extract_strided_slice %max3A_40 {offsets = [0, 112], sizes = [3128, 16], strides = [1, 1]} : vector<3128x128xf32> to vector<3128x16xf32>
    %dot_general3A_299 = arith.constant dense<0.000000e+00> : vector<64x16xf32>
    %dot_general3A_300 = tpu.matmul %convert_element_type3A_284, %slice3A_298, %dot_general3A_299 {dimension_numbers = #tpu.dot_dimension_numbers<[0], [0], [1], [1], [0, 1, 1, 1], [], []>, transpose_lhs_hint = false} : vector<3128x64xf32>, vector<3128x16xf32>, vector<64x16xf32> -> vector<64x16xf32>
    %add3A_301 = arith.addf %get3A_297, %dot_general3A_300 : vector<64x16xf32>
    %swap3A_302 = arith.constant 0 : index
    %swap3A_303 = arith.constant 0 : index
    %swap3A_304 = vector.load %arg14[%swap3A_302, %swap3A_303] : memref<64x16xf32, #tpu.memory_space<vmem>>, vector<64x16xf32>
    tpu.vector_store %arg14[%swap3A_302, %swap3A_303], %add3A_301 {strides = array<i32>} : memref<64x16xf32, #tpu.memory_space<vmem>>, vector<64x16xf32>,
    %get3A_305 = arith.constant 0 : index
    %get3A_306 = arith.constant 0 : index
    %get3A_307 = vector.load %arg15[%get3A_305, %get3A_306] : memref<64x1xf32, #tpu.memory_space<vmem>>, vector<64x1xf32>
    %dot_general3A_308 = arith.constant dense<0.000000e+00> : vector<64x1xf32>
    %dot_general3A_309 = tpu.matmul %convert_element_type3A_284, %broadcast_in_dim3A_44, %dot_general3A_308 {dimension_numbers = #tpu.dot_dimension_numbers<[0], [0], [1], [1], [0, 1, 1, 1], [], []>, transpose_lhs_hint = false} : vector<3128x64xf32>, vector<3128x1xf32>, vector<64x1xf32> -> vector<64x1xf32>
    %add3A_310 = arith.addf %get3A_307, %dot_general3A_309 : vector<64x1xf32>
    %swap3A_311 = arith.constant 0 : index
    %swap3A_312 = arith.constant 0 : index
    %swap3A_313 = vector.load %arg15[%swap3A_311, %swap3A_312] : memref<64x1xf32, #tpu.memory_space<vmem>>, vector<64x1xf32>
    tpu.vector_store %arg15[%swap3A_311, %swap3A_312], %add3A_310 {strides = array<i32>} : memref<64x1xf32, #tpu.memory_space<vmem>>, vector<64x1xf32>,
    %eq3A_314 = arith.constant 3 : i32
    %eq3A_315 = arith.cmpi eq, %arg0, %eq3A_314 : i32
    %convert_element_type3A_316 = arith.extui %eq3A_315 : i1 to i32
    %cond3A_317 = arith.constant 0 : i32
    %cond3A_318 = arith.cmpi ne, %convert_element_type3A_316, %cond3A_317 : i32
    scf.if %cond3A_318 {
      %get3A_319 = arith.constant 0 : index
      %get3A_320 = arith.constant 0 : index
      %get3A_321 = vector.load %arg15[%get3A_319, %get3A_320] : memref<64x1xf32, #tpu.memory_space<vmem>>, vector<64x1xf32>
      %max3A_322 = arith.constant 1.000000e+00 : f32
      %max3A_323 = vector.broadcast %max3A_322 : f32 to vector<64x1xf32>
      %max3A_324 = arith.maximumf %get3A_321, %max3A_323 : vector<64x1xf32>
      %get3A_325 = arith.constant 0 : index
      %get3A_326 = arith.constant 0 : index
      %get3A_327 = vector.load %arg13[%get3A_325, %get3A_326] : memref<64x16xf32, #tpu.memory_space<vmem>>, vector<64x16xf32>
      %div3A = vector.broadcast %max3A_324 : vector<64x1xf32> to vector<64x16xf32>
      %div3A_328 = arith.divf %get3A_327, %div3A : vector<64x16xf32>
      %get3A_329 = arith.constant 0 : index
      %get3A_330 = arith.constant 0 : index
      %get3A_331 = vector.load %arg14[%get3A_329, %get3A_330] : memref<64x16xf32, #tpu.memory_space<vmem>>, vector<64x16xf32>
      %div3A_332 = vector.broadcast %max3A_324 : vector<64x1xf32> to vector<64x16xf32>
      %div3A_333 = arith.divf %get3A_331, %div3A_332 : vector<64x16xf32>
      %get3A_334 = arith.constant 0 : index
      %get3A_335 = arith.constant 0 : index
      %get3A_336 = vector.load %arg7[%get3A_334, %get3A_335] : memref<16x16xf32, #tpu.memory_space<vmem>>, vector<16x16xf32>
      %dot_general3A_337 = arith.constant dense<0.000000e+00> : vector<64x16xf32>
      %dot_general3A_338 = tpu.matmul %div3A_328, %get3A_336, %dot_general3A_337 {dimension_numbers = #tpu.dot_dimension_numbers<[1], [0], [0], [1], [0, 0, 1, 1], [], []>, transpose_lhs_hint = false} : vector<64x16xf32>, vector<16x16xf32>, vector<64x16xf32> -> vector<64x16xf32>
      %get3A_339 = arith.constant 0 : index
      %get3A_340 = arith.constant 0 : index
      %get3A_341 = vector.load %arg8[%get3A_339, %get3A_340] : memref<16x16xf32, #tpu.memory_space<vmem>>, vector<16x16xf32>
      %dot_general3A_342 = arith.constant dense<0.000000e+00> : vector<64x16xf32>
      %dot_general3A_343 = tpu.matmul %div3A_333, %get3A_341, %dot_general3A_342 {dimension_numbers = #tpu.dot_dimension_numbers<[1], [0], [0], [1], [0, 0, 1, 1], [], []>, transpose_lhs_hint = false} : vector<64x16xf32>, vector<16x16xf32>, vector<64x16xf32> -> vector<64x16xf32>
      %add3A_344 = arith.addf %dot_general3A_338, %dot_general3A_343 : vector<64x16xf32>
      %get3A_345 = arith.constant 0 : index
      %get3A_346 = arith.constant 0 : index
      %get3A_347 = vector.load %arg9[%get3A_345, %get3A_346] : memref<1x16xf32, #tpu.memory_space<vmem>>, vector<1x16xf32>
      %add3A_348 = vector.broadcast %get3A_347 : vector<1x16xf32> to vector<64x16xf32>
      %add3A_349 = arith.addf %add3A_344, %add3A_348 : vector<64x16xf32>
      %max3A_350 = arith.constant 0.000000e+00 : f32
      %max3A_351 = vector.broadcast %max3A_350 : f32 to vector<64x16xf32>
      %max3A_352 = arith.maximumf %add3A_349, %max3A_351 : vector<64x16xf32>
      %get3A_353 = arith.constant 0 : index
      %get3A_354 = arith.constant 0 : index
      %get3A_355 = vector.load %arg10[%get3A_353, %get3A_354] : memref<16x1xf32, #tpu.memory_space<vmem>>, vector<16x1xf32>
      %dot_general3A_356 = arith.constant dense<0.000000e+00> : vector<64x1xf32>
      %dot_general3A_357 = tpu.matmul %max3A_352, %get3A_355, %dot_general3A_356 {dimension_numbers = #tpu.dot_dimension_numbers<[1], [0], [0], [1], [0, 0, 1, 1], [], []>, transpose_lhs_hint = false} : vector<64x16xf32>, vector<16x1xf32>, vector<64x1xf32> -> vector<64x1xf32>
      %get3A_358 = arith.constant 0 : index
      %get3A_359 = arith.constant 0 : index
      %get3A_360 = vector.load %arg11[%get3A_358, %get3A_359] : memref<1x1xf32, #tpu.memory_space<vmem>>, vector<1x1xf32>
      %add3A_361 = vector.broadcast %get3A_360 : vector<1x1xf32> to vector<64x1xf32>
      %add3A_362 = arith.addf %dot_general3A_357, %add3A_361 : vector<64x1xf32>
      %swap3A_363 = arith.constant 0 : index
      %swap3A_364 = arith.constant 0 : index
      %swap3A_365 = vector.load %arg12[%swap3A_363, %swap3A_364] : memref<64x1xf32, #tpu.memory_space<vmem>>, vector<64x1xf32>
      tpu.vector_store %arg12[%swap3A_363, %swap3A_364], %add3A_362 {strides = array<i32>} : memref<64x1xf32, #tpu.memory_space<vmem>>, vector<64x1xf32>,
    } else {
    }
    return
  }
  func.func @transform_0(%arg0: i32) -> (i32, i32, i32) {
    %c0_i32 = arith.constant 0 : i32
    %c0_i32_0 = arith.constant 0 : i32
    %c0_i32_1 = arith.constant 0 : i32
    return %c0_i32, %arg0, %c0_i32_0 : i32, i32, i32
  }
  func.func @transform_1(%arg0: i32) -> (i32, i32, i32) {
    %c0_i32 = arith.constant 0 : i32
    %c0_i32_0 = arith.constant 0 : i32
    %c0_i32_1 = arith.constant 0 : i32
    return %c0_i32, %arg0, %c0_i32_0 : i32, i32, i32
  }
  func.func @transform_2(%arg0: i32) -> (i32, i32) {
    %c0_i32 = arith.constant 0 : i32
    %c0_i32_0 = arith.constant 0 : i32
    return %arg0, %c0_i32 : i32, i32
  }
  func.func @transform_3(%arg0: i32) -> (i32, i32) {
    %c0_i32 = arith.constant 0 : i32
    %c0_i32_0 = arith.constant 0 : i32
    %c0_i32_1 = arith.constant 0 : i32
    return %c0_i32, %c0_i32_0 : i32, i32
  }
  func.func @transform_4(%arg0: i32) -> (i32, i32) {
    %c0_i32 = arith.constant 0 : i32
    %c0_i32_0 = arith.constant 0 : i32
    %c0_i32_1 = arith.constant 0 : i32
    return %c0_i32, %c0_i32_0 : i32, i32
  }
  func.func @transform_5(%arg0: i32) -> (i32, i32) {
    %c0_i32 = arith.constant 0 : i32
    %c0_i32_0 = arith.constant 0 : i32
    return %arg0, %c0_i32 : i32, i32
  }
  func.func @transform_6(%arg0: i32) -> (i32, i32) {
    %c0_i32 = arith.constant 0 : i32
    %c0_i32_0 = arith.constant 0 : i32
    %c0_i32_1 = arith.constant 0 : i32
    return %c0_i32, %c0_i32_0 : i32, i32
  }
  func.func @transform_7(%arg0: i32) -> (i32, i32) {
    %c0_i32 = arith.constant 0 : i32
    %c0_i32_0 = arith.constant 0 : i32
    %c0_i32_1 = arith.constant 0 : i32
    return %c0_i32, %c0_i32_0 : i32, i32
  }
  func.func @transform_8(%arg0: i32) -> (i32, i32) {
    %c0_i32 = arith.constant 0 : i32
    %c0_i32_0 = arith.constant 0 : i32
    %c0_i32_1 = arith.constant 0 : i32
    return %c0_i32, %c0_i32_0 : i32, i32
  }
  func.func @transform_9(%arg0: i32) -> (i32, i32) {
    %c0_i32 = arith.constant 0 : i32
    %c0_i32_0 = arith.constant 0 : i32
    %c0_i32_1 = arith.constant 0 : i32
    return %c0_i32, %c0_i32_0 : i32, i32
  }
  func.func @transform_10(%arg0: i32) -> (i32, i32) {
    %c0_i32 = arith.constant 0 : i32
    %c0_i32_0 = arith.constant 0 : i32
    %c0_i32_1 = arith.constant 0 : i32
    return %c0_i32, %c0_i32_0 : i32, i32
  }
  func.func @transform_11(%arg0: i32) -> (i32, i32) {
    %c0_i32 = arith.constant 0 : i32
    %c0_i32_0 = arith.constant 0 : i32
    %c0_i32_1 = arith.constant 0 : i32
    return %c0_i32, %c0_i32_0 : i32, i32
  }
}

</mosaic_0001>

<sc_bundles>
// kernel: kernel.12.cloned.1.call-start
scs
__scs_entry_jumppad:
0x0: {  	(pc) =	sbr.rel $0x88, $3  }
0x1: {  	(tag) =	ssettag $0x0;
	lr =	simm.s32 $0x1  }
0x2: {  	[smem:$0x3F96] =	sst lr;
	_ =	strace $0xD0000000  }
0x3: {  	_ = 	snop  }
0x4: {  	_ = 	snop  }
0x5: {  	_ = 	snop  }
0x6: {  	_ = 	snop  }
0x7: {  	_ = 	snop  }
__scs_overlays_trampoline_lowered:
0x8: {  	[smem:$0x3FA5] =	sst s0  }
0x9: {  	[smem:$0x3FA6] =	sst s1  }
0xa: {  	[smem:$0x3FA7] =	sst s2  }
0xb: {  	[smem:$0x3FA8] =	sst s3  }
0xc: {  	[smem:$0x3FA9] =	sst s4  }
0xd: {  	[smem:$0x3FAA] =	sst s5  }
0xe: {  	[smem:$0x3FAB] =	sst s6  }
0xf: {  	[smem:$0x3FAC] =	sst s7  }
0x10: {  	[smem:$0x3FAD] =	sst s8  }
0x11: {  	[smem:$0x3FAE] =	sst s9;
	s0 =	simm.s32 @!p0 $0x0  }
0x12: {  	s1 =	sld [smem:$0x3F94];
	s0 =	simm.s32 @p0 $0x1  }
0x13: {  	[smem:$0x3FAF] =	sst s0;
	s0 =	simm.s32 @!p1 $0x0  }
0x14: {  	s2 =	sld [smem:$0x3F93];
	s0 =	simm.s32 @p1 $0x1  }
0x15: {  	[smem:$0x3FB0] =	sst s0;
	s0 =	simm.s32 @!p2 $0x0  }
0x16: {  	s3 =	sld [smem:$0x3FDB];
	s0 =	simm.s32 @p2 $0x1  }
0x17: {  	s4 =	simm.s32 $0x1BF5;
	[smem:$0x3FB2] =	sst s0  }
0x18: {  	s0 =	sld [smem:$0x3F95];
	_ =	swait.ge [sflag:s4], $0x0  }
0x19: {  	s7 =	sld [smem:$0x3F96]  }
0x1a: {  	s8 =	sadd.s32 $0xFFFFE003, lr  }
0x1b: {  	s9 =	sadd.s32 $0xFFFFFEF7, lr;
	s5 =	simm.s32 $0xFFFFFFFF;
	p2 =	slt.u32 s8, $0xFFFFF086  }
0x1c: {  	p1 =	slt.u32 s9, $0xF7A;
	s5 =	simm.s32 @!p2 $0x0  }
0x1d: {  	s5 =	simm.s32 @p1 $0x1;
	p0 =	seq.s32 s7, s2  }
0x1e: {  	s7 =	smul.u32 @!p0 $0xF7A, s2;
	p2 =	seq.s32 @!p0 s5, $0x0  }
0x1f: {  	s9 =	smul.u32 $0xF7A, s1;
	s8 =	simm.s32 @!p0 $0x1BF5;
	p2 =	por !p2, p0  }
0x20: {  	[sflag:s8] =	ssyncset.s32 @!p0 $0xFFFFF086;
	s6 =	sadd.s32 @!p0 s3, s7;
	s7 =	simm.s32 @!p0 $0x108  }
0x21: {  	s3 =	sadd.s32 s3, s9;
	s6 =	sadd.s32 @!p0 $0x88, s6;
	s7 =	simm.s32 @p2 $0x1082  }
0x22: {  	[simem:s7], [sflag:s8] =	dma.local @!p0 [hbm:s6], $0xF7A  }
0x23: {  	s9 =	sor.u32 $0xD0000000, s2;
	s6 =	simm.s32 $0x108;
	_ =	swait.ge @!p0 [sflag:s8], $0x0  }
0x24: {  	s3 =	sadd.s32 $0x88, s3;
	s6 =	simm.s32 @!p1 $0x1082;
	[sflag:s4] =	ssyncset.s32 $0xFFFFF086  }
0x25: {  	[simem:s6], [sflag:s4] =	dma.local [hbm:s3], $0xF7A  }
0x26: {  	[smem:$0x3F96] =	sst s1;
	(tag) =	ssettag s2;
	_ =	strace s9  }
0x27: {  	s1 =	sld [smem:$0x3FA6]  }
0x28: {  	s2 =	sld [smem:$0x3FA7]  }
0x29: {  	s4 =	sld [smem:$0x3FA9]  }
0x2a: {  	p0 =	seq.s32 s5, $0x0;
	s5 =	sld [smem:$0x3FAA]  }
0x2b: {  	s6 =	sld [smem:$0x3FAB]  }
0x2c: {  	s7 =	sld [smem:$0x3FAC]  }
0x2d: {  	s3 =	simm.s32 $0x108;
	s8 =	sld [smem:$0x3FAD]  }
0x2e: {  	s3 =	simm.s32 @!p0 $0x1082;
	s9 =	sld [smem:$0x3FAE]  }
0x2f: {  	lr =	sadd.s32 s0, s3;
	s0 =	sld [smem:$0x3FA5]  }
0x30: {  	s3 =	sld [smem:$0x3FA8]  }
0x31: {  	[smem:$0x3FB1] =	sst s10  }
0x32: {  	s10 =	sld [smem:$0x3FAF];
	_ =	sdelay $0x3  }
0x33: {  	p0 =	seq.s32 s10, $0x1;
	s10 =	sld [smem:$0x3FB1];
	_ =	sdelay $0x3  }
0x34: {  	[smem:$0x3FB1] =	sst s10  }
0x35: {  	s10 =	sld [smem:$0x3FB0];
	_ =	sdelay $0x3  }
0x36: {  	p1 =	seq.s32 s10, $0x1;
	s10 =	sld [smem:$0x3FB1];
	_ =	sdelay $0x3  }
0x37: {  	[smem:$0x3FB1] =	sst s10  }
0x38: {  	s10 =	sld [smem:$0x3FB2]  }
0x39: {  	_ = 	snop;
	(pc) =	sbr.ind lr, $3  }
0x3a: {  	_ = 	snop  }
0x3b: {  	_ = 	snop  }
0x3c: {  	p2 =	seq.s32 s10, $0x1;
	s10 =	sld [smem:$0x3FB1]  }
0x3d: {  	_ =	shalt  }
0x3e: {  	_ =	shalt  }
0x3f: {  	_ =	shalt  }
0x40: {  	_ =	shalt  }
0x41: {  	_ =	shalt  }
0x42: {  	_ =	shalt  }
0x43: {  	_ =	shalt  }
0x44: {  	_ =	shalt  }
0x45: {  	_ =	shalt  }
0x46: {  	_ =	shalt  }
0x47: {  	_ =	shalt  }
0x48: {  	_ =	shalt  }
0x49: {  	_ =	shalt  }
0x4a: {  	_ =	shalt  }
0x4b: {  	_ =	shalt  }
0x4c: {  	_ =	shalt  }
0x4d: {  	_ =	shalt  }
0x4e: {  	_ =	shalt  }
0x4f: {  	_ =	shalt  }
0x50: {  	_ =	shalt  }
0x51: {  	_ =	shalt  }
0x52: {  	_ =	shalt  }
0x53: {  	_ =	shalt  }
0x54: {  	_ =	shalt  }
0x55: {  	_ =	shalt  }
0x56: {  	_ =	shalt  }
0x57: {  	_ =	shalt  }
0x58: {  	_ =	shalt  }
0x59: {  	_ =	shalt  }
0x5a: {  	_ =	shalt  }
0x5b: {  	_ =	shalt  }
0x5c: {  	_ =	shalt  }
0x5d: {  	_ =	shalt  }
0x5e: {  	_ =	shalt  }
0x5f: {  	_ =	shalt  }
0x60: {  	_ =	shalt  }
0x61: {  	_ =	shalt  }
0x62: {  	_ =	shalt  }
0x63: {  	_ =	shalt  }
0x64: {  	_ =	shalt  }
0x65: {  	_ =	shalt  }
0x66: {  	_ =	shalt  }
0x67: {  	_ =	shalt  }
0x68: {  	_ =	shalt  }
0x69: {  	_ =	shalt  }
0x6a: {  	_ =	shalt  }
0x6b: {  	_ =	shalt  }
0x6c: {  	_ =	shalt  }
0x6d: {  	_ =	shalt  }
0x6e: {  	_ =	shalt  }
0x6f: {  	_ =	shalt  }
0x70: {  	_ =	shalt  }
0x71: {  	_ =	shalt  }
0x72: {  	_ =	shalt  }
0x73: {  	_ =	shalt  }
0x74: {  	_ =	shalt  }
0x75: {  	_ =	shalt  }
0x76: {  	_ =	shalt  }
0x77: {  	_ =	shalt  }
0x78: {  	_ =	shalt  }
0x79: {  	_ =	shalt  }
0x7a: {  	_ =	shalt  }
0x7b: {  	_ =	shalt  }
0x7c: {  	_ =	shalt  }
0x7d: {  	_ =	shalt  }
0x7e: {  	_ =	shalt  }
0x7f: {  	_ =	shalt  }
0x80: {  	_ =	shalt  }
0x81: {  	_ =	shalt  }
0x82: {  	_ =	shalt  }
0x83: {  	_ =	shalt  }
0x84: {  	_ =	shalt  }
0x85: {  	_ =	shalt  }
0x86: {  	_ =	shalt  }
0x87: {  	_ =	shalt  }
.Lfunc_end0:
.L_simem_size_0:
called_computation.1_lowered:
.L_overlay_start_0:
0x88: {  	s2 =	sld [smem:$0x3FD9]  }
0x89: {  	s3 =	sld [smem:$0x3FFE];
	_ =	sdelay $0x1  }
0x8a: {  	s1 =	srdreg.scid  }
0x8b: {  	s0 =	sand.u32 $0x1, s1  }
0x8c: {  	s16 =	sshll.u32 s0, $0xA;
	s2 =	sadd.s32 s3, s2  }
0x8d: {  	s2 =	sadd.s32 s2, s16  }
0x8e: {  	[smem:$0x3FBD] =	sst s2  }
0x8f: {  	_ = 	snop  }
0x90: {  	(tm) =	ssettm $0x1  }
0x91: {  	s17 =	sld [smem:$0x3FFB];
	_ =	sdelay $0x3  }
0x92: {  	_ =	strace s17  }
0x93: {  	s2 =	sld [smem:$0x3FFC];
	_ =	sdelay $0x3  }
0x94: {  	_ =	strace s2  }
0x95: {  	s2 =	sld [smem:$0x3FFD];
	_ =	sdelay $0x3  }
0x96: {  	_ =	strace s2  }
0x97: {  	_ =	strace $0x8FFFFFFF  }
0x98: {  	s18 =	sld [smem:$0x3FDB];
	_ =	sdelay $0x1  }
0x99: {  	s19 =	simm.s32 $_scs_section_size  }
0x9a: {  	s4 =	simm.s32 $_size__tile_overlayer_lowered;
	s5 =	simm.s32 $_tile_overlayer_lowered  }
0x9b: {  	s22 =	simm.s32 $0x1BFF;
	s21 =	sshll.u32 s5, $0x1;
	s2 =	sadd.s32 s19, s18  }
0x9c: {  	s6 =	simm.s32 $0x0;
	s20 =	sshll.u32 s4, $0x1;
	s4 =	sadd.s32 s21, s2  }
0x9d: {  	[timem:s6], [sflag:s22] =	dma.local [hbm:s4], s20  }
0x9e: {  	_ =	swait.ge [sflag:s22], s20  }
0x9f: {  	s3 =	ssub.s32 $0x0, s20;
	[sflag:s22] =	ssyncset.done $0x0  }
0xa0: {  	[sflag:s22] =	ssyncadd.s32 s3;
	_ =	sdelay $0x1  }
0xa1: {  	s23 =	simm.s32 $0x1B8B  }
0xa2: {  	_ =	swait.ge [sflag:s23], $0x1  }
0xa3: {  	[sflag:s23] =	ssyncset.done $0x0  }
0xa4: {  	s25 =	simm.s32 $0x1B8E;
	s24 =	sld [smem:$0x3FFE];
	[sflag:s23] =	ssyncadd.s32 $0xFFFFFFFF  }
0xa5: {  	s26 =	simm.s32 $execute0_lowered;
	[smem:$0x3FD2] =	sst s25  }
0xa6: {  	s4 =	sshll.u32 s26, $0x1;
	_ =	strace $0x80000049;
	[dreg:$0x1] =	wrdreg $0xFFFFFFFF  }
0xa7: {  	s28 =	simm.s32 $_size_execute0_lowered;
	s2 =	sadd.s32 s2, s4;
	[dreg:$0x0] =	wrdreg $0x0  }
0xa8: {  	s4 =	sshll.u32 s28, $0x1;
	[dreg:$0x2] =	wrdreg s2  }
0xa9: {  	[dreg:$0x3] =	wrdreg s4  }
0xaa: {  	[dreg:$0x4] =	wrdreg $0xC0  }
0xab: {  	_ =	task [dreg:s6], $0x5FFFF  }
0xac: {  	[dreg:$0x1] =	wrdreg $0xFFFFFFFF  }
0xad: {  	[dreg:$0x0] =	wrdreg $0x60  }
0xae: {  	[dreg:$0x2] =	wrdreg s24  }
0xaf: {  	[dreg:$0x3] =	wrdreg $0x50800  }
0xb0: {  	[dreg:$0x4] =	wrdreg $0x9  }
0xb1: {  	_ =	task.clear_ibuf [dreg:s6], $0x5FFFF;
	_ =	strace $0x90000049  }
0xb2: {  	s29 =	simm.s32 $0x9;
	_ =	strace $0x8000004B  }
0xb3: {  	_ =	swait.ge [sflag:s29], $0x1  }
0xb4: {  	[sflag:s29] =	ssyncadd.s32 $0xFFFFFFFF  }
0xb5: {  	_ =	strace $0x9000004B  }
0xb6: {  	_ =	sfence  }
0xb7: {  	s30 =	sld [smem:$0x0];
	_ =	sdelay $0x2  }
0xb8: {  	s31 =	sshll.u32 s1, $0xD;
	s1 =	sshrl.u32 s1, $0x2  }
0xb9: {  	s3 =	sand.u32 $0x4000, s31;
	s1 =	sadd.s32 s1, s30  }
0xba: {  	s0 =	sor.u32 s3, s0;
	s1 =	sshll.u32 s1, $0x11  }
0xbb: {  	s0 =	sor.u32 s1, s0  }
0xbc: {  	s0 =	sadd.s32 $0x8F2B, s0  }
0xbd: {  	[sflag:s0] =	ssyncadd.remote.s32 $0x1  }
0xbe: {  	_ =	sfence.sel $0xFFFF  }
0xbf: {  	[dreg:$0x0] =	wrdreg $0xFFFFFFFF;
	(pc) =	sbr.abs _section_cstart, $3  }
0xc0: {  	[dreg:$0x1] =	wrdreg $0xFFFFFFFF  }
0xc1: {  	_ =	task.clear_ibuf [dreg:s6], $0x2FFFF;
	_ =	strace $0x9FFFFFFF  }
0xc2: {  	(tm) =	ssettm $0x7FFFFFFF  }
0xc3: {  	_ =	shalt  }
tec
execute0_lowered:
.L_overlay_start_1:
0x0: {  	(tag) =	ssettag $0x1  }
0x1: {  	s0 =	rddreg [dreg:$0x0]  }
0x2: {  	s1 =	rddreg [dreg:$0x1];
	s2 =	srdreg.scid;
	s3 =	simm.s32 $0x0  }
0x3: {  	s11 =	stileid.u32;
	s23 =	simm.s32 $0x100;
	s12 =	simm.s32 $0x800  }
0x4: {  	s24 =	simm.s32 $0x180;
	s13 =	simm.s32 $0x1000;
	s14 =	simm.s32 $0x1800  }
0x5: {  	s15 =	simm.s32 $0x2000;
	s25 =	simm.s32 $0x280;
	s26 =	simm.s32 $0x300  }
0x6: {  	s31 =	simm.s32 $0x380;
	s28 =	simm.s32 $0x680;
	s29 =	simm.s32 $0x700  }
0x7: {  	s30 =	simm.s32 $0x780;
	s2 =	sand.u32 $0x1, s2;
	s6 =	smul.u32 $0x18700, s11  }
0x8: {  	[smem:$0x7FF] =	sst s3;
	s4 =	sadd.s32 $0x95600, s0;
	s16 =	smul.u32 $0xC4, s11  }
0x9: {  	s10 =	smul.u32 $0x61C00, s11;
	_ =	strace $0x8000004A;
	[dreg:$0x7] =	wrdreg s23  }
0xa: {  	s8 =	sadd.s32 $0x12EA00, s0;
	s11 =	smul.u32 $0x3100, s11;
	[dreg:$0x8] =	wrdreg s24  }
0xb: {  	s9 =	sadd.s32 $0x2800, s0;
	s5 =	smul.u32 $0x187000, s2;
	[dreg:$0x9] =	wrdreg s25  }
0xc: {  	s7 =	smul.u32 $0xC40, s2;
	s17 =	ssub.s32 $0x2, s2;
	[dreg:$0xa] =	wrdreg s26  }
0xd: {  	s2 =	smul.u32 $0x31000, s2;
	[dreg:$0xb] =	wrdreg s31;
	s23 =	simm.s32 $0x480  }
0xe: {  	s24 =	simm.s32 $0x500;
	s25 =	simm.s32 $0x580;
	s26 =	simm.s32 $0x2  }
0xf: {  	s18 =	sshrl.u32 s17, $0x1;
	s22 =	sshrl.u32 s10, $0x2;
	s10 =	simm.s32 $0x400  }
0x10: {  	s5 =	sadd.s32 s6, s5;
	s6 =	sadd.s32 s16, s7;
	s20 =	sadd.s32 s2, s9  }
0x11: {  	s2 =	sadd.s32 s2, s8;
	s16 =	simm.s32 $0x200;
	s5 =	sshrl.u32 s5, $0x3  }
0x12: {  	s6 =	sshll.u32 s6, $0x6;
	s21 =	sadd.s32 s11, s20;
	s2 =	sadd.s32 s11, s2  }
0x13: {  	s11 =	simm.s32 $0x80;
	s20 =	simm.s32 $0x3800;
	s0 =	sadd.s32 s5, s0  }
0x14: {  	s5 =	ssub.s32 s17, s18;
	s19 =	sadd.s32 s6, s8;
	[dreg:$0x5] =	wrdreg s21  }
0x15: {  	s6 =	sadd.s32 s6, s9;
	[dreg:$0x6] =	wrdreg s2;
	s8 =	simm.s32 $0x4800  }
0x16: {  	s9 =	simm.s32 $0x5;
	s17 =	simm.s32 $0x600;
	s7 =	sadd.s32 $0x40, s19  }
0x17: {  	s18 =	simm.s32 $0x2800;
	s6 =	sadd.s32 $0x40, s6;
	[dreg:$0x3] =	wrdreg s7  }
0x18: {  	s21 =	simm.s32 $0x4000;
	s5 =	smax.u32 s5, $0x1;
	[dreg:$0x4] =	wrdreg s6  }
0x19: {  	s2 =	simm.s32 $0x0;
	s19 =	simm.s32 $0x3000;
	[dreg:$0xc] =	wrdreg s5  }
0x1a: {  	v0 =	vimm.f32 $0.0e+00;
	s6 =	sadd.s32 s22, s1;
	s7 =	sadd.s32 $0xC6400, s0;
	s22 =	simm.s32 $0x1  }
.LBB2_1:
0x1b: {  	s0 =	simm.s32 $0x0  }
.LBB2_2:
0x1c: {  	p0 =	sne.s32 s0, $0x21C0  }
.Ltmp0:
0x1d: {  	_ = 	snop;
	(pc) =	sbr.rel @p0 .LBB2_2-.Ltmp0, $3  }
0x1e: {  	_ =	sdelay $0x1  }
0x1f: {  	s5 =	sshra.s32 s0, $0x2  }
0x20: {  	s0 =	sadd.s32 $0x40, s0;
	[tilespmem:s5+$0x4800] =	vst v0  }
0x21: {  	s0 =	sadd.s32 $0x0, s6  }
0x22: {  	[spmem:s0] =	stream.linear.scatter [tilespmem:s8], [sflag:$0x5], $0x880, $0x38;
	[tilespmem:$0x1D780] =	vst v63  }
0x23: {  	s0 =	simm.s32 $0x2200;
	_ =	swait.ge [sflag:s9], $0x880  }
.LBB2_4:
0x24: {  	s5 =	sshra.s32 s0, $0x2;
	[sflag:s9] =	ssyncset.done $0x0;
	p0 =	sne.s32 s0, $0x5FA00  }
.Ltmp1:
0x25: {  	s5 =	sadd.s32 s5, s6;
	[sflag:s9] =	ssyncadd.s32 $0xFFFFF780;
	(pc) =	sbr.rel @p0 .LBB2_4-.Ltmp1, $3  }
0x26: {  	[spmem:s5] =	stream.linear.scatter [tilespmem:s8], [sflag:$0x5], $0x880, $0x38;
	[tilespmem:$0x1D780] =	vst v63  }
0x27: {  	s0 =	sadd.s32 $0x2200, s0;
	_ =	sdelay $0x1  }
0x28: {  	_ =	swait.ge [sflag:s9], $0x880  }
0x29: {  	[sflag:s9] =	ssyncset.done $0x0;
	p0 =	por $0x1, $0x1  }
0x2a: {  	[dreg:$0xd] =	wrdreg s2;
	[sflag:s9] =	ssyncadd.s32 $0xFFFFF780;
	p0 =	por p0, p0  }
0x2b: {  	[bflag:$0x0] =	sbarrier.arrive $0xFFFF;
	s0 =	simm.s32 @!p0 $0x3  }
0x2c: {  	_ =	swait.ge @!p0 [sflag:s0], $0x800  }
0x2d: {  	[sflag:s0] =	ssyncset.done @!p0 $0x0  }
0x2e: {  	[sflag:s0] =	ssyncadd.s32 @!p0 $0xFFFFF800  }
0x2f: {  	_ =	swait.ge @!p0 [sflag:s0], $0x800  }
0x30: {  	[sflag:s0] =	ssyncset.done @!p0 $0x0  }
0x31: {  	[sflag:s0] =	ssyncadd.s32 @!p0 $0xFFFFF800  }
0x32: {  	_ =	swait.ge @!p0 [sflag:s0], $0x800  }
0x33: {  	[sflag:s0] =	ssyncset.done @!p0 $0x0  }
0x34: {  	[sflag:s0] =	ssyncadd.s32 @!p0 $0xFFFFF800  }
0x35: {  	_ =	swait.ge @!p0 [sflag:s0], $0x800  }
0x36: {  	s5 =	rddreg [dreg:$0x6];
	[sflag:s0] =	ssyncset.done @!p0 $0x0  }
0x37: {  	[sflag:s0] =	ssyncadd.s32 @!p0 $0xFFFFF800;
	s5 =	sadd.s32 $0x0, s5  }
0x38: {  	[tilespmem:s3], [sflag:$0x5] =	stream.linear.gather [hbm4b:s5+s3], $0x200, $0x38;
	[tilespmem:$0x1D780] =	vst v63  }
0x39: {  	_ =	swait.ge [sflag:s9], $0x200  }
0x3a: {  	s2 =	rddreg [dreg:$0x5];
	[sflag:s9] =	ssyncset.done $0x0  }
0x3b: {  	[sflag:s9] =	ssyncadd.s32 $0xFFFFFE00;
	s0 =	sadd.s32 $0x0, s2  }
0x3c: {  	[tilespmem:s10], [sflag:$0x5] =	stream.linear.gather [hbm4b:s0+s3], $0x200, $0x38;
	[tilespmem:$0x1D780] =	vst v63  }
0x3d: {  	_ =	swait.ge [sflag:s9], $0x200  }
0x3e: {  	[sflag:s9] =	ssyncset.done $0x0  }
0x3f: {  	[sflag:s9] =	ssyncadd.s32 $0xFFFFFE00  }
0x40: {  	[tilespmem:s12], [sflag:$0x1] =	stream.indirect.gather [hbm4b:s4+s11], $0x10, s3, s11, $0xb8;
	[tilespmem:$0x1D780] =	vst v63  }
0x41: {  	_ = 	snop  }
0x42: {  	[tilespmem:s13], [sflag:$0x1] =	stream.indirect.gather [hbm4b:s4+s11], $0x10, s11, s11, $0xb8;
	[tilespmem:$0x1D780] =	vst v63  }
0x43: {  	s5 =	rddreg [dreg:$0x7]  }
0x44: {  	[tilespmem:s14], [sflag:$0x1] =	stream.indirect.gather [hbm4b:s4+s11], $0x10, s5, s11, $0xb8;
	[tilespmem:$0x1D780] =	vst v63  }
0x45: {  	s0 =	simm.s32 @!p0 $0x4;
	s2 =	rddreg [dreg:$0x8]  }
0x46: {  	[tilespmem:s15], [sflag:$0x1] =	stream.indirect.gather [hbm4b:s4+s11], $0x10, s2, s11, $0xb8;
	[tilespmem:$0x1D780] =	vst v63  }
0x47: {  	_ =	swait.ge @!p0 [sflag:s0], $0x800  }
0x48: {  	[sflag:s0] =	ssyncset.done @!p0 $0x0  }
0x49: {  	[sflag:s0] =	ssyncadd.s32 @!p0 $0xFFFFF800  }
0x4a: {  	_ =	swait.ge @!p0 [sflag:s0], $0x800  }
0x4b: {  	[sflag:s0] =	ssyncset.done @!p0 $0x0  }
0x4c: {  	[sflag:s0] =	ssyncadd.s32 @!p0 $0xFFFFF800  }
0x4d: {  	_ =	swait.ge @!p0 [sflag:s0], $0x800  }
0x4e: {  	[sflag:s0] =	ssyncset.done @!p0 $0x0  }
0x4f: {  	[sflag:s0] =	ssyncadd.s32 @!p0 $0xFFFFF800  }
0x50: {  	_ =	swait.ge @!p0 [sflag:s0], $0x800  }
0x51: {  	s2 =	rddreg [dreg:$0x3];
	[sflag:s0] =	ssyncset.done @!p0 $0x0  }
0x52: {  	[sflag:s0] =	ssyncadd.s32 @!p0 $0xFFFFF800;
	s2 =	sadd.s32 $0x0, s2  }
0x53: {  	[tilespmem:s16], [sflag:$0x5] =	stream.linear.gather [hbm4b:s2+s3], $0x200, $0x38;
	[tilespmem:$0x1D780] =	vst v63  }
0x54: {  	_ =	swait.ge [sflag:s9], $0x200  }
0x55: {  	s5 =	rddreg [dreg:$0x4];
	[sflag:s9] =	ssyncset.done $0x0  }
0x56: {  	[sflag:s9] =	ssyncadd.s32 $0xFFFFFE00;
	s0 =	sadd.s32 $0x0, s5  }
0x57: {  	[tilespmem:s17], [sflag:$0x5] =	stream.linear.gather [hbm4b:s0+s3], $0x200, $0x38;
	[tilespmem:$0x1D780] =	vst v63  }
0x58: {  	_ =	swait.ge [sflag:s9], $0x200  }
0x59: {  	[sflag:s9] =	ssyncset.done $0x0  }
0x5a: {  	[sflag:s9] =	ssyncadd.s32 $0xFFFFFE00  }
0x5b: {  	[tilespmem:s18], [sflag:$0x2] =	stream.indirect.gather [hbm4b:s4+s11], $0x10, s16, s11, $0xb8;
	[tilespmem:$0x1D780] =	vst v63  }
0x5c: {  	s2 =	rddreg [dreg:$0x9]  }
0x5d: {  	[tilespmem:s19], [sflag:$0x2] =	stream.indirect.gather [hbm4b:s4+s11], $0x10, s2, s11, $0xb8;
	[tilespmem:$0x1D780] =	vst v63  }
0x5e: {  	s5 =	rddreg [dreg:$0xa]  }
0x5f: {  	[tilespmem:s20], [sflag:$0x2] =	stream.indirect.gather [hbm4b:s4+s11], $0x10, s5, s11, $0xb8;
	[tilespmem:$0x1D780] =	vst v63  }
0x60: {  	s2 =	rddreg [dreg:$0xb]  }
0x61: {  	[tilespmem:s21], [sflag:$0x2] =	stream.indirect.gather [hbm4b:s4+s11], $0x10, s2, s11, $0xb8;
	[tilespmem:$0x1D780] =	vst v63  }
0x62: {  	_ =	swait.ge [sflag:s22], $0x800  }
0x63: {  	[sflag:s22] =	ssyncset.done $0x0  }
0x64: {  	[sflag:s22] =	ssyncadd.s32 $0xFFFFF800  }
0x65: {  	_ =	swait.ge [sflag:s22], $0x800  }
0x66: {  	[sflag:s22] =	ssyncset.done $0x0  }
0x67: {  	[sflag:s22] =	ssyncadd.s32 $0xFFFFF800  }
0x68: {  	_ =	swait.ge [sflag:s22], $0x800  }
0x69: {  	[sflag:s22] =	ssyncset.done $0x0  }
0x6a: {  	[sflag:s22] =	ssyncadd.s32 $0xFFFFF800  }
0x6b: {  	_ =	swait.ge [sflag:s22], $0x800  }
0x6c: {  	[sflag:s22] =	ssyncset.done $0x0  }
0x6d: {  	[sflag:s22] =	ssyncadd.s32 $0xFFFFF800  }
0x6e: {  	[spmem:s1] =	stream.indirect.scatter.add.f32 [tilespmem:s12], [sflag:$0x3], $0x10, s10, s11, $0xb8;
	[tilespmem:$0x1D780] =	vst v63  }
0x6f: {  	_ = 	snop  }
0x70: {  	[spmem:s1] =	stream.indirect.scatter.add.f32 [tilespmem:s13], [sflag:$0x3], $0x10, s23, s11, $0xb8;
	[tilespmem:$0x1D780] =	vst v63  }
0x71: {  	_ = 	snop  }
0x72: {  	[spmem:s1] =	stream.indirect.scatter.add.f32 [tilespmem:s14], [sflag:$0x3], $0x10, s24, s11, $0xb8;
	[tilespmem:$0x1D780] =	vst v63  }
0x73: {  	_ = 	snop  }
0x74: {  	[spmem:s1] =	stream.indirect.scatter.add.f32 [tilespmem:s15], [sflag:$0x3], $0x10, s25, s11, $0xb8;
	[tilespmem:$0x1D780] =	vst v63  }
0x75: {  	_ =	swait.ge [sflag:s26], $0x800  }
0x76: {  	[sflag:s26] =	ssyncset.done $0x0  }
0x77: {  	[sflag:s26] =	ssyncadd.s32 $0xFFFFF800  }
0x78: {  	_ =	swait.ge [sflag:s26], $0x800  }
0x79: {  	[sflag:s26] =	ssyncset.done $0x0  }
0x7a: {  	[sflag:s26] =	ssyncadd.s32 $0xFFFFF800  }
0x7b: {  	_ =	swait.ge [sflag:s26], $0x800  }
0x7c: {  	[sflag:s26] =	ssyncset.done $0x0  }
0x7d: {  	[sflag:s26] =	ssyncadd.s32 $0xFFFFF800  }
0x7e: {  	_ =	swait.ge [sflag:s26], $0x800  }
0x7f: {  	[sflag:s26] =	ssyncset.done $0x0  }
0x80: {  	[sflag:s26] =	ssyncadd.s32 $0xFFFFF800  }
0x81: {  	[spmem:s1] =	stream.indirect.scatter.add.f32 [tilespmem:s18], [sflag:$0x4], $0x10, s17, s11, $0xb8;
	[tilespmem:$0x1D780] =	vst v63  }
0x82: {  	p6 =	por $0x0, $0x0  }
0x83: {  	[spmem:s1] =	stream.indirect.scatter.add.f32 [tilespmem:s19], [sflag:$0x4], $0x10, s28, s11, $0xb8;
	[tilespmem:$0x1D780] =	vst v63  }
0x84: {  	s31 =	simm.s32 $0x100;
	p0 =	por p6, p6;
	s5 =	simm.s32 $0x80  }
0x85: {  	[spmem:s1] =	stream.indirect.scatter.add.f32 [tilespmem:s20], [sflag:$0x4], $0x10, s29, s11, $0xb8;
	[tilespmem:$0x1D780] =	vst v63  }
.LBB2_6:
0x86: {  	[spmem:s1] =	stream.indirect.scatter.add.f32 [tilespmem:s21], [sflag:$0x4], $0x10, s30, s11, $0xb8;
	[tilespmem:$0x1D780] =	vst v63  }
0x87: {  	s2 =	simm.s32 @!p0 $0x3  }
0x88: {  	_ =	swait.ge @!p0 [sflag:s2], $0x800  }
0x89: {  	[sflag:s2] =	ssyncset.done @!p0 $0x0  }
0x8a: {  	[sflag:s2] =	ssyncadd.s32 @!p0 $0xFFFFF800  }
0x8b: {  	_ =	swait.ge @!p0 [sflag:s2], $0x800  }
0x8c: {  	[sflag:s2] =	ssyncset.done @!p0 $0x0  }
0x8d: {  	[sflag:s2] =	ssyncadd.s32 @!p0 $0xFFFFF800  }
0x8e: {  	_ =	swait.ge @!p0 [sflag:s2], $0x800  }
0x8f: {  	[sflag:s2] =	ssyncset.done @!p0 $0x0  }
0x90: {  	[sflag:s2] =	ssyncadd.s32 @!p0 $0xFFFFF800  }
0x91: {  	_ =	swait.ge @!p0 [sflag:s2], $0x800  }
0x92: {  	[sflag:s2] =	ssyncset.done @!p0 $0x0;
	s23 =	rddreg [dreg:$0x6]  }
0x93: {  	[sflag:s2] =	ssyncadd.s32 @!p0 $0xFFFFF800;
	s23 =	sadd.s32 s5, s23  }
0x94: {  	[tilespmem:s3], [sflag:$0x5] =	stream.linear.gather [hbm4b:s23+s3], $0x200, $0x38;
	[tilespmem:$0x1D780] =	vst v63  }
0x95: {  	_ =	swait.ge [sflag:s9], $0x200  }
0x96: {  	s23 =	rddreg [dreg:$0x5];
	[sflag:s9] =	ssyncset.done $0x0  }
0x97: {  	[sflag:s9] =	ssyncadd.s32 $0xFFFFFE00;
	s2 =	sadd.s32 s5, s23  }
0x98: {  	[tilespmem:s10], [sflag:$0x5] =	stream.linear.gather [hbm4b:s2+s3], $0x200, $0x38;
	[tilespmem:$0x1D780] =	vst v63  }
0x99: {  	_ =	swait.ge [sflag:s9], $0x200  }
0x9a: {  	[sflag:s9] =	ssyncset.done $0x0  }
0x9b: {  	[sflag:s9] =	ssyncadd.s32 $0xFFFFFE00  }
0x9c: {  	[tilespmem:s12], [sflag:$0x1] =	stream.indirect.gather [hbm4b:s4+s11], $0x10, s3, s11, $0xb8;
	[tilespmem:$0x1D780] =	vst v63  }
0x9d: {  	_ = 	snop  }
0x9e: {  	[tilespmem:s13], [sflag:$0x1] =	stream.indirect.gather [hbm4b:s4+s11], $0x10, s11, s11, $0xb8;
	[tilespmem:$0x1D780] =	vst v63  }
0x9f: {  	s2 =	rddreg [dreg:$0x7]  }
0xa0: {  	[tilespmem:s14], [sflag:$0x1] =	stream.indirect.gather [hbm4b:s4+s11], $0x10, s2, s11, $0xb8;
	[tilespmem:$0x1D780] =	vst v63  }
0xa1: {  	s23 =	rddreg [dreg:$0x8];
	s2 =	simm.s32 @!p0 $0x4  }
0xa2: {  	[tilespmem:s15], [sflag:$0x1] =	stream.indirect.gather [hbm4b:s4+s11], $0x10, s23, s11, $0xb8;
	[tilespmem:$0x1D780] =	vst v63  }
0xa3: {  	_ =	swait.ge @!p0 [sflag:s2], $0x800  }
0xa4: {  	[sflag:s2] =	ssyncset.done @!p0 $0x0  }
0xa5: {  	[sflag:s2] =	ssyncadd.s32 @!p0 $0xFFFFF800  }
0xa6: {  	_ =	swait.ge @!p0 [sflag:s2], $0x800  }
0xa7: {  	[sflag:s2] =	ssyncset.done @!p0 $0x0  }
0xa8: {  	[sflag:s2] =	ssyncadd.s32 @!p0 $0xFFFFF800  }
0xa9: {  	_ =	swait.ge @!p0 [sflag:s2], $0x800  }
0xaa: {  	[sflag:s2] =	ssyncset.done @!p0 $0x0  }
0xab: {  	[sflag:s2] =	ssyncadd.s32 @!p0 $0xFFFFF800  }
0xac: {  	_ =	swait.ge @!p0 [sflag:s2], $0x800  }
0xad: {  	s23 =	rddreg [dreg:$0x3];
	[sflag:s2] =	ssyncset.done @!p0 $0x0  }
0xae: {  	[sflag:s2] =	ssyncadd.s32 @!p0 $0xFFFFF800;
	s2 =	sadd.s32 s5, s23  }
0xaf: {  	[tilespmem:s16], [sflag:$0x5] =	stream.linear.gather [hbm4b:s2+s3], $0x200, $0x38;
	[tilespmem:$0x1D780] =	vst v63  }
0xb0: {  	_ =	swait.ge [sflag:s9], $0x200  }
0xb1: {  	s2 =	rddreg [dreg:$0x4];
	[sflag:s9] =	ssyncset.done $0x0  }
0xb2: {  	[sflag:s9] =	ssyncadd.s32 $0xFFFFFE00;
	s2 =	sadd.s32 s5, s2  }
0xb3: {  	[tilespmem:s17], [sflag:$0x5] =	stream.linear.gather [hbm4b:s2+s3], $0x200, $0x38;
	[tilespmem:$0x1D780] =	vst v63  }
0xb4: {  	_ =	swait.ge [sflag:s9], $0x200  }
0xb5: {  	[sflag:s9] =	ssyncset.done $0x0  }
0xb6: {  	s0 =	smov.u32 s31;
	[sflag:s9] =	ssyncadd.s32 $0xFFFFFE00  }
0xb7: {  	[tilespmem:s18], [sflag:$0x2] =	stream.indirect.gather [hbm4b:s4+s11], $0x10, s16, s11, $0xb8;
	[tilespmem:$0x1D780] =	vst v63  }
0xb8: {  	p2 =	seq.s32 s0, $0x0;
	s5 =	smov.u32 s0;
	s0 =	rddreg [dreg:$0x9]  }
0xb9: {  	[tilespmem:s19], [sflag:$0x2] =	stream.indirect.gather [hbm4b:s4+s11], $0x10, s0, s11, $0xb8;
	[tilespmem:$0x1D780] =	vst v63  }
0xba: {  	s2 =	rddreg [dreg:$0xa]  }
0xbb: {  	[tilespmem:s20], [sflag:$0x2] =	stream.indirect.gather [hbm4b:s4+s11], $0x10, s2, s11, $0xb8;
	[tilespmem:$0x1D780] =	vst v63  }
0xbc: {  	s0 =	rddreg [dreg:$0xb]  }
0xbd: {  	[tilespmem:s21], [sflag:$0x2] =	stream.indirect.gather [hbm4b:s4+s11], $0x10, s0, s11, $0xb8;
	[tilespmem:$0x1D780] =	vst v63  }
0xbe: {  	_ =	swait.ge [sflag:s22], $0x800  }
0xbf: {  	[sflag:s22] =	ssyncset.done $0x0  }
0xc0: {  	[sflag:s22] =	ssyncadd.s32 $0xFFFFF800  }
0xc1: {  	_ =	swait.ge [sflag:s22], $0x800  }
0xc2: {  	[sflag:s22] =	ssyncset.done $0x0  }
0xc3: {  	[sflag:s22] =	ssyncadd.s32 $0xFFFFF800  }
0xc4: {  	_ =	swait.ge [sflag:s22], $0x800  }
0xc5: {  	[sflag:s22] =	ssyncset.done $0x0  }
0xc6: {  	[sflag:s22] =	ssyncadd.s32 $0xFFFFF800  }
0xc7: {  	_ =	swait.ge [sflag:s22], $0x800  }
0xc8: {  	[sflag:s22] =	ssyncset.done $0x0  }
0xc9: {  	[sflag:s22] =	ssyncadd.s32 $0xFFFFF800  }
0xca: {  	[spmem:s1] =	stream.indirect.scatter.add.f32 [tilespmem:s12], [sflag:$0x3], $0x10, s10, s11, $0xb8;
	[tilespmem:$0x1D780] =	vst v63  }
0xcb: {  	s23 =	simm.s32 $0x480  }
0xcc: {  	[spmem:s1] =	stream.indirect.scatter.add.f32 [tilespmem:s13], [sflag:$0x3], $0x10, s23, s11, $0xb8;
	[tilespmem:$0x1D780] =	vst v63  }
0xcd: {  	_ = 	snop  }
0xce: {  	[spmem:s1] =	stream.indirect.scatter.add.f32 [tilespmem:s14], [sflag:$0x3], $0x10, s24, s11, $0xb8;
	[tilespmem:$0x1D780] =	vst v63  }
0xcf: {  	_ = 	snop  }
0xd0: {  	[spmem:s1] =	stream.indirect.scatter.add.f32 [tilespmem:s15], [sflag:$0x3], $0x10, s25, s11, $0xb8;
	[tilespmem:$0x1D780] =	vst v63  }
0xd1: {  	_ =	swait.ge [sflag:s26], $0x800  }
0xd2: {  	[sflag:s26] =	ssyncset.done $0x0  }
0xd3: {  	[sflag:s26] =	ssyncadd.s32 $0xFFFFF800  }
0xd4: {  	_ =	swait.ge [sflag:s26], $0x800  }
0xd5: {  	[sflag:s26] =	ssyncset.done $0x0  }
0xd6: {  	[sflag:s26] =	ssyncadd.s32 $0xFFFFF800  }
0xd7: {  	_ =	swait.ge [sflag:s26], $0x800  }
0xd8: {  	[sflag:s26] =	ssyncset.done $0x0  }
0xd9: {  	[sflag:s26] =	ssyncadd.s32 $0xFFFFF800  }
0xda: {  	_ =	swait.ge [sflag:s26], $0x800  }
0xdb: {  	s31 =	sadd.s32 $0x80, s31;
	[sflag:s26] =	ssyncset.done $0x0  }
0xdc: {  	p1 =	sne.s32 s31, $0x3100;
	[sflag:s26] =	ssyncadd.s32 $0xFFFFF800  }
0xdd: {  	[spmem:s1] =	stream.indirect.scatter.add.f32 [tilespmem:s18], [sflag:$0x4], $0x10, s17, s11, $0xb8;
	[tilespmem:$0x1D780] =	vst v63  }
.Ltmp2:
0xde: {  	_ = 	snop;
	(pc) =	sbr.rel @p1 .LBB2_6-.Ltmp2, $4  }
0xdf: {  	_ = 	snop  }
0xe0: {  	[spmem:s1] =	stream.indirect.scatter.add.f32 [tilespmem:s19], [sflag:$0x4], $0x10, s28, s11, $0xb8;
	[tilespmem:$0x1D780] =	vst v63  }
0xe1: {  	p0 =	por p2, p2  }
0xe2: {  	[spmem:s1] =	stream.indirect.scatter.add.f32 [tilespmem:s20], [sflag:$0x4], $0x10, s29, s11, $0xb8;
	[tilespmem:$0x1D780] =	vst v63  }
0xe3: {  	[spmem:s1] =	stream.indirect.scatter.add.f32 [tilespmem:s21], [sflag:$0x4], $0x10, s30, s11, $0xb8;
	[tilespmem:$0x1D780] =	vst v63  }
0xe4: {  	s0 =	simm.s32 @!p0 $0x3  }
0xe5: {  	_ =	swait.ge @!p0 [sflag:s0], $0x800  }
0xe6: {  	[sflag:s0] =	ssyncset.done @!p0 $0x0  }
0xe7: {  	[sflag:s0] =	ssyncadd.s32 @!p0 $0xFFFFF800  }
0xe8: {  	_ =	swait.ge @!p0 [sflag:s0], $0x800  }
0xe9: {  	[sflag:s0] =	ssyncset.done @!p0 $0x0  }
0xea: {  	[sflag:s0] =	ssyncadd.s32 @!p0 $0xFFFFF800  }
0xeb: {  	_ =	swait.ge @!p0 [sflag:s0], $0x800  }
0xec: {  	[sflag:s0] =	ssyncset.done @!p0 $0x0  }
0xed: {  	[sflag:s0] =	ssyncadd.s32 @!p0 $0xFFFFF800  }
0xee: {  	_ =	swait.ge @!p0 [sflag:s0], $0x800  }
0xef: {  	s2 =	rddreg [dreg:$0x6];
	[sflag:s0] =	ssyncset.done @!p0 $0x0  }
0xf0: {  	[sflag:s0] =	ssyncadd.s32 @!p0 $0xFFFFF800;
	s2 =	sadd.s32 s5, s2  }
0xf1: {  	[tilespmem:s3], [sflag:$0x5] =	stream.linear.gather [hbm4b:s2+s3], $0x200, $0x38;
	[tilespmem:$0x1D780] =	vst v63  }
0xf2: {  	_ =	swait.ge [sflag:s9], $0x200  }
0xf3: {  	s31 =	rddreg [dreg:$0x5];
	[sflag:s9] =	ssyncset.done $0x0  }
0xf4: {  	[sflag:s9] =	ssyncadd.s32 $0xFFFFFE00;
	s0 =	sadd.s32 s5, s31  }
0xf5: {  	[tilespmem:s10], [sflag:$0x5] =	stream.linear.gather [hbm4b:s0+s3], $0x200, $0x38;
	[tilespmem:$0x1D780] =	vst v63  }
0xf6: {  	_ =	swait.ge [sflag:s9], $0x200  }
0xf7: {  	[sflag:s9] =	ssyncset.done $0x0  }
0xf8: {  	[sflag:s9] =	ssyncadd.s32 $0xFFFFFE00  }
0xf9: {  	[tilespmem:s12], [sflag:$0x1] =	stream.indirect.gather [hbm4b:s4+s11], $0x10, s3, s11, $0xb8;
	[tilespmem:$0x1D780] =	vst v63  }
0xfa: {  	_ = 	snop  }
0xfb: {  	[tilespmem:s13], [sflag:$0x1] =	stream.indirect.gather [hbm4b:s4+s11], $0x10, s11, s11, $0xb8;
	[tilespmem:$0x1D780] =	vst v63  }
0xfc: {  	s2 =	rddreg [dreg:$0x7]  }
0xfd: {  	[tilespmem:s14], [sflag:$0x1] =	stream.indirect.gather [hbm4b:s4+s11], $0x10, s2, s11, $0xb8;
	[tilespmem:$0x1D780] =	vst v63  }
0xfe: {  	s0 =	simm.s32 @!p0 $0x4;
	s31 =	rddreg [dreg:$0x8]  }
0xff: {  	[tilespmem:s15], [sflag:$0x1] =	stream.indirect.gather [hbm4b:s4+s11], $0x10, s31, s11, $0xb8;
	[tilespmem:$0x1D780] =	vst v63  }
0x100: {  	_ =	swait.ge @!p0 [sflag:s0], $0x800  }
0x101: {  	[sflag:s0] =	ssyncset.done @!p0 $0x0  }
0x102: {  	[sflag:s0] =	ssyncadd.s32 @!p0 $0xFFFFF800  }
0x103: {  	_ =	swait.ge @!p0 [sflag:s0], $0x800  }
0x104: {  	[sflag:s0] =	ssyncset.done @!p0 $0x0  }
0x105: {  	[sflag:s0] =	ssyncadd.s32 @!p0 $0xFFFFF800  }
0x106: {  	_ =	swait.ge @!p0 [sflag:s0], $0x800  }
0x107: {  	[sflag:s0] =	ssyncset.done @!p0 $0x0  }
0x108: {  	[sflag:s0] =	ssyncadd.s32 @!p0 $0xFFFFF800  }
0x109: {  	_ =	swait.ge @!p0 [sflag:s0], $0x800  }
0x10a: {  	s31 =	rddreg [dreg:$0x3];
	[sflag:s0] =	ssyncset.done @!p0 $0x0  }
0x10b: {  	[sflag:s0] =	ssyncadd.s32 @!p0 $0xFFFFF800;
	s2 =	sadd.s32 s5, s31  }
0x10c: {  	[tilespmem:s16], [sflag:$0x5] =	stream.linear.gather [hbm4b:s2+s3], $0x200, $0x38;
	[tilespmem:$0x1D780] =	vst v63  }
0x10d: {  	_ =	swait.ge [sflag:s9], $0x200  }
0x10e: {  	s31 =	rddreg [dreg:$0x4];
	[sflag:s9] =	ssyncset.done $0x0  }
0x10f: {  	[sflag:s9] =	ssyncadd.s32 $0xFFFFFE00;
	s0 =	sadd.s32 s5, s31  }
0x110: {  	[tilespmem:s17], [sflag:$0x5] =	stream.linear.gather [hbm4b:s0+s3], $0x200, $0x38;
	[tilespmem:$0x1D780] =	vst v63  }
0x111: {  	_ =	swait.ge [sflag:s9], $0x200  }
0x112: {  	[sflag:s9] =	ssyncset.done $0x0  }
0x113: {  	[sflag:s9] =	ssyncadd.s32 $0xFFFFFE00  }
0x114: {  	[tilespmem:s18], [sflag:$0x2] =	stream.indirect.gather [hbm4b:s4+s11], $0x10, s16, s11, $0xb8;
	[tilespmem:$0x1D780] =	vst v63  }
0x115: {  	s2 =	rddreg [dreg:$0x9]  }
0x116: {  	[tilespmem:s19], [sflag:$0x2] =	stream.indirect.gather [hbm4b:s4+s11], $0x10, s2, s11, $0xb8;
	[tilespmem:$0x1D780] =	vst v63  }
0x117: {  	s5 =	rddreg [dreg:$0xa]  }
0x118: {  	[tilespmem:s20], [sflag:$0x2] =	stream.indirect.gather [hbm4b:s4+s11], $0x10, s5, s11, $0xb8;
	[tilespmem:$0x1D780] =	vst v63  }
0x119: {  	s31 =	rddreg [dreg:$0xb]  }
0x11a: {  	[tilespmem:s21], [sflag:$0x2] =	stream.indirect.gather [hbm4b:s4+s11], $0x10, s31, s11, $0xb8;
	[tilespmem:$0x1D780] =	vst v63  }
0x11b: {  	_ =	swait.ge [sflag:s22], $0x800  }
0x11c: {  	[sflag:s22] =	ssyncset.done $0x0  }
0x11d: {  	[sflag:s22] =	ssyncadd.s32 $0xFFFFF800  }
0x11e: {  	_ =	swait.ge [sflag:s22], $0x800  }
0x11f: {  	[sflag:s22] =	ssyncset.done $0x0  }
0x120: {  	[sflag:s22] =	ssyncadd.s32 $0xFFFFF800  }
0x121: {  	_ =	swait.ge [sflag:s22], $0x800  }
0x122: {  	[sflag:s22] =	ssyncset.done $0x0  }
0x123: {  	[sflag:s22] =	ssyncadd.s32 $0xFFFFF800  }
0x124: {  	_ =	swait.ge [sflag:s22], $0x800  }
0x125: {  	[sflag:s22] =	ssyncset.done $0x0  }
0x126: {  	[sflag:s22] =	ssyncadd.s32 $0xFFFFF800  }
0x127: {  	[spmem:s1] =	stream.indirect.scatter.add.f32 [tilespmem:s12], [sflag:$0x3], $0x10, s10, s11, $0xb8;
	[tilespmem:$0x1D780] =	vst v63  }
0x128: {  	_ = 	snop  }
0x129: {  	[spmem:s1] =	stream.indirect.scatter.add.f32 [tilespmem:s13], [sflag:$0x3], $0x10, s23, s11, $0xb8;
	[tilespmem:$0x1D780] =	vst v63  }
0x12a: {  	_ = 	snop  }
0x12b: {  	[spmem:s1] =	stream.indirect.scatter.add.f32 [tilespmem:s14], [sflag:$0x3], $0x10, s24, s11, $0xb8;
	[tilespmem:$0x1D780] =	vst v63  }
0x12c: {  	_ = 	snop  }
0x12d: {  	[spmem:s1] =	stream.indirect.scatter.add.f32 [tilespmem:s15], [sflag:$0x3], $0x10, s25, s11, $0xb8;
	[tilespmem:$0x1D780] =	vst v63  }
0x12e: {  	_ =	swait.ge [sflag:s26], $0x800  }
0x12f: {  	[sflag:s26] =	ssyncset.done $0x0  }
0x130: {  	[sflag:s26] =	ssyncadd.s32 $0xFFFFF800  }
0x131: {  	_ =	swait.ge [sflag:s26], $0x800  }
0x132: {  	[sflag:s26] =	ssyncset.done $0x0  }
0x133: {  	[sflag:s26] =	ssyncadd.s32 $0xFFFFF800  }
0x134: {  	_ =	swait.ge [sflag:s26], $0x800  }
0x135: {  	[sflag:s26] =	ssyncset.done $0x0  }
0x136: {  	[sflag:s26] =	ssyncadd.s32 $0xFFFFF800  }
0x137: {  	_ =	swait.ge [sflag:s26], $0x800  }
0x138: {  	[sflag:s26] =	ssyncset.done $0x0  }
0x139: {  	[sflag:s26] =	ssyncadd.s32 $0xFFFFF800  }
0x13a: {  	[spmem:s1] =	stream.indirect.scatter.add.f32 [tilespmem:s18], [sflag:$0x4], $0x10, s17, s11, $0xb8;
	[tilespmem:$0x1D780] =	vst v63  }
0x13b: {  	_ = 	snop  }
0x13c: {  	[spmem:s1] =	stream.indirect.scatter.add.f32 [tilespmem:s19], [sflag:$0x4], $0x10, s28, s11, $0xb8;
	[tilespmem:$0x1D780] =	vst v63  }
0x13d: {  	_ = 	snop  }
0x13e: {  	[spmem:s1] =	stream.indirect.scatter.add.f32 [tilespmem:s20], [sflag:$0x4], $0x10, s29, s11, $0xb8;
	[tilespmem:$0x1D780] =	vst v63  }
0x13f: {  	s2 =	simm.s32 $0x3  }
0x140: {  	[spmem:s1] =	stream.indirect.scatter.add.f32 [tilespmem:s21], [sflag:$0x4], $0x10, s30, s11, $0xb8;
	[tilespmem:$0x1D780] =	vst v63  }
0x141: {  	_ =	swait.ge [sflag:s2], $0x800  }
0x142: {  	[sflag:s2] =	ssyncset.done $0x0  }
0x143: {  	[sflag:s2] =	ssyncadd.s32 $0xFFFFF800  }
0x144: {  	_ =	swait.ge [sflag:s2], $0x800  }
0x145: {  	[sflag:s2] =	ssyncset.done $0x0  }
0x146: {  	[sflag:s2] =	ssyncadd.s32 $0xFFFFF800  }
0x147: {  	_ =	swait.ge [sflag:s2], $0x800  }
0x148: {  	[sflag:s2] =	ssyncset.done $0x0  }
0x149: {  	[sflag:s2] =	ssyncadd.s32 $0xFFFFF800  }
0x14a: {  	_ =	swait.ge [sflag:s2], $0x800  }
0x14b: {  	[sflag:s2] =	ssyncset.done $0x0  }
0x14c: {  	s5 =	simm.s32 $0x4;
	[sflag:s2] =	ssyncadd.s32 $0xFFFFF800  }
0x14d: {  	_ =	swait.ge [sflag:s5], $0x800  }
0x14e: {  	[sflag:s5] =	ssyncset.done $0x0  }
0x14f: {  	[sflag:s5] =	ssyncadd.s32 $0xFFFFF800  }
0x150: {  	_ =	swait.ge [sflag:s5], $0x800  }
0x151: {  	[sflag:s5] =	ssyncset.done $0x0  }
0x152: {  	[sflag:s5] =	ssyncadd.s32 $0xFFFFF800  }
0x153: {  	_ =	swait.ge [sflag:s5], $0x800  }
0x154: {  	[sflag:s5] =	ssyncset.done $0x0  }
0x155: {  	[sflag:s5] =	ssyncadd.s32 $0xFFFFF800  }
0x156: {  	_ =	swait.ge [sflag:s5], $0x800  }
0x157: {  	[sflag:s5] =	ssyncset.done $0x0  }
0x158: {  	[sflag:s5] =	ssyncadd.s32 $0xFFFFF800  }
0x159: {  	[bflag:$0x0] =	sbarrier.arrive $0xFFFF  }
0x15a: {  	[tilespmem:s8], [sflag:$0x5] =	stream.linear.gather [spmem:s6], $0x880, $0x38;
	[tilespmem:$0x1D780] =	vst v63  }
0x15b: {  	_ =	swait.ge [sflag:s9], $0x880  }
0x15c: {  	[sflag:s9] =	ssyncset.done $0x0  }
0x15d: {  	s31 =	sadd.s32 $0x0, s7;
	[sflag:s9] =	ssyncadd.s32 $0xFFFFF780  }
0x15e: {  	[hbm4b:s31+s3] =	stream.linear.scatter [tilespmem:s8], [sflag:$0x5], $0x880, $0x38;
	[tilespmem:$0x1D780] =	vst v63  }
0x15f: {  	_ =	swait.ge [sflag:s9], $0x880  }
0x160: {  	s0 =	simm.s32 $0x110;
	s5 =	smov.u32 s6;
	[sflag:s9] =	ssyncset.done $0x0  }
.LBB2_8:
0x161: {  	p0 =	sne.s32 s0, $0x2FD0;
	[sflag:s9] =	ssyncadd.s32 $0xFFFFF780;
	s5 =	sadd.s32 $0x880, s5  }
0x162: {  	[tilespmem:s8], [sflag:$0x5] =	stream.linear.gather [spmem:s5], $0x880, $0x38;
	[tilespmem:$0x1D780] =	vst v63  }
0x163: {  	s2 =	smov.u32 s0;
	s0 =	sadd.s32 $0x110, s0;
	_ =	swait.ge [sflag:s9], $0x880  }
.Ltmp3:
0x164: {  	[sflag:s9] =	ssyncset.done $0x0;
	(pc) =	sbr.rel @p0 .LBB2_8-.Ltmp3, $4  }
0x165: {  	s2 =	sadd.s32 s2, s7;
	[sflag:s9] =	ssyncadd.s32 $0xFFFFF780  }
0x166: {  	[hbm4b:s2+s3] =	stream.linear.scatter [tilespmem:s8], [sflag:$0x5], $0x880, $0x38;
	[tilespmem:$0x1D780] =	vst v63  }
0x167: {  	_ =	swait.ge [sflag:s9], $0x880  }
0x168: {  	[sflag:s9] =	ssyncset.done $0x0  }
0x169: {  	s2 =	rddreg [dreg:$0xd]  }
0x16a: {  	s0 =	rddreg [dreg:$0xc];
	s2 =	sadd.s32 $0x1, s2  }
0x16b: {  	p0 =	sne.s32 s2, s0  }
.Ltmp4:
0x16c: {  	_ = 	snop;
	(pc) =	sbr.rel @p0 .LBB2_1-.Ltmp4, $2  }
0x16d: {  	_ =	sdelay $0x2  }
0x16e: {  	[sflag:s9] =	ssyncadd.s32 $0xFFFFF780  }
0x16f: {  	_ =	sfence.sel $0x180000  }
0x170: {  	[bflag:$0x0] =	sbarrier.arrive $0xFFFF  }
0x171: {  	_ =	strace $0x9000004A  }
0x172: {  	s0 =	stileid.u32;
	[bflag:$0x2] =	sbarrier.arrive $0xFFFF  }
0x173: {  	p0 =	sne.s32 s0, $0x0;
	s0 =	rddreg [dreg:$0x2]  }
0x174: {  	s0 =	sadd.s32 @!p0 $0x100000, s0  }
0x175: {  	[sflag:s0] =	ssyncadd.tile.s32 @!p0 $0x1;
	_ =	shalt  }
.Lfunc_end2:
_tile_overlayer_lowered:
.L_overlay_start_2:
0x176: {  	(tag) =	ssettag $0x2  }
0x177: {  	s0 =	rddreg [dreg:$0x0];
	s2 =	stileid.u32  }
0x178: {  	s1 =	rddreg [dreg:$0x1];
	p0 =	sne.s32 s2, $0x0  }
0x179: {  	s3 =	rddreg [dreg:$0x2];
	[bflag:$0x3] =	sbarrier.arrive $0xFFFF;
	s2 =	simm.s32 @!p0 $0x1C05  }
0x17a: {  	[timem:s3], [sflag:s2] =	dma.local @!p0 [hbm:s0], s1  }
0x17b: {  	s0 =	simm.s32 @!p0 $0x5  }
0x17c: {  	_ =	swait.ge @!p0 [sflag:s0], s1  }
0x17d: {  	s1 =	ssub.s32 @!p0 $0x0, s1;
	[sflag:s0] =	ssyncset.done @!p0 $0x0  }
0x17e: {  	[sflag:s0] =	ssyncadd.s32 @!p0 s1  }
0x17f: {  	[bflag:$0x3] =	sbarrier.arrive $0xFFFF  }
0x180: {  	_ =	shalt  }

// kernel: kernel.15.cloned.1.call-start
scs
__scs_entry_jumppad:
0x0: {  	(pc) =	sbr.rel $0x88, $3  }
0x1: {  	(tag) =	ssettag $0x0;
	lr =	simm.s32 $0x1  }
0x2: {  	[smem:$0x3F96] =	sst lr;
	_ =	strace $0xD0000000  }
0x3: {  	_ = 	snop  }
0x4: {  	_ = 	snop  }
0x5: {  	_ = 	snop  }
0x6: {  	_ = 	snop  }
0x7: {  	_ = 	snop  }
__scs_overlays_trampoline_lowered:
0x8: {  	[smem:$0x3FA5] =	sst s0  }
0x9: {  	[smem:$0x3FA6] =	sst s1  }
0xa: {  	[smem:$0x3FA7] =	sst s2  }
0xb: {  	[smem:$0x3FA8] =	sst s3  }
0xc: {  	[smem:$0x3FA9] =	sst s4  }
0xd: {  	[smem:$0x3FAA] =	sst s5  }
0xe: {  	[smem:$0x3FAB] =	sst s6  }
0xf: {  	[smem:$0x3FAC] =	sst s7  }
0x10: {  	[smem:$0x3FAD] =	sst s8  }
0x11: {  	[smem:$0x3FAE] =	sst s9;
	s0 =	simm.s32 @!p0 $0x0  }
0x12: {  	s1 =	sld [smem:$0x3F94];
	s0 =	simm.s32 @p0 $0x1  }
0x13: {  	[smem:$0x3FAF] =	sst s0;
	s0 =	simm.s32 @!p1 $0x0  }
0x14: {  	s2 =	sld [smem:$0x3F93];
	s0 =	simm.s32 @p1 $0x1  }
0x15: {  	[smem:$0x3FB0] =	sst s0;
	s0 =	simm.s32 @!p2 $0x0  }
0x16: {  	s3 =	sld [smem:$0x3FDB];
	s0 =	simm.s32 @p2 $0x1  }
0x17: {  	s4 =	simm.s32 $0x1BF5;
	[smem:$0x3FB2] =	sst s0  }
0x18: {  	s0 =	sld [smem:$0x3F95];
	_ =	swait.ge [sflag:s4], $0x0  }
0x19: {  	s7 =	sld [smem:$0x3F96]  }
0x1a: {  	s8 =	sadd.s32 $0xFFFFE003, lr  }
0x1b: {  	s9 =	sadd.s32 $0xFFFFFEF7, lr;
	s5 =	simm.s32 $0xFFFFFFFF;
	p2 =	slt.u32 s8, $0xFFFFF086  }
0x1c: {  	p1 =	slt.u32 s9, $0xF7A;
	s5 =	simm.s32 @!p2 $0x0  }
0x1d: {  	s5 =	simm.s32 @p1 $0x1;
	p0 =	seq.s32 s7, s2  }
0x1e: {  	s7 =	smul.u32 @!p0 $0xF7A, s2;
	p2 =	seq.s32 @!p0 s5, $0x0  }
0x1f: {  	s9 =	smul.u32 $0xF7A, s1;
	s8 =	simm.s32 @!p0 $0x1BF5;
	p2 =	por !p2, p0  }
0x20: {  	[sflag:s8] =	ssyncset.s32 @!p0 $0xFFFFF086;
	s6 =	sadd.s32 @!p0 s3, s7;
	s7 =	simm.s32 @!p0 $0x108  }
0x21: {  	s3 =	sadd.s32 s3, s9;
	s6 =	sadd.s32 @!p0 $0x88, s6;
	s7 =	simm.s32 @p2 $0x1082  }
0x22: {  	[simem:s7], [sflag:s8] =	dma.local @!p0 [hbm:s6], $0xF7A  }
0x23: {  	s9 =	sor.u32 $0xD0000000, s2;
	s6 =	simm.s32 $0x108;
	_ =	swait.ge @!p0 [sflag:s8], $0x0  }
0x24: {  	s3 =	sadd.s32 $0x88, s3;
	s6 =	simm.s32 @!p1 $0x1082;
	[sflag:s4] =	ssyncset.s32 $0xFFFFF086  }
0x25: {  	[simem:s6], [sflag:s4] =	dma.local [hbm:s3], $0xF7A  }
0x26: {  	[smem:$0x3F96] =	sst s1;
	(tag) =	ssettag s2;
	_ =	strace s9  }
0x27: {  	s1 =	sld [smem:$0x3FA6]  }
0x28: {  	s2 =	sld [smem:$0x3FA7]  }
0x29: {  	s4 =	sld [smem:$0x3FA9]  }
0x2a: {  	p0 =	seq.s32 s5, $0x0;
	s5 =	sld [smem:$0x3FAA]  }
0x2b: {  	s6 =	sld [smem:$0x3FAB]  }
0x2c: {  	s7 =	sld [smem:$0x3FAC]  }
0x2d: {  	s3 =	simm.s32 $0x108;
	s8 =	sld [smem:$0x3FAD]  }
0x2e: {  	s3 =	simm.s32 @!p0 $0x1082;
	s9 =	sld [smem:$0x3FAE]  }
0x2f: {  	lr =	sadd.s32 s0, s3;
	s0 =	sld [smem:$0x3FA5]  }
0x30: {  	s3 =	sld [smem:$0x3FA8]  }
0x31: {  	[smem:$0x3FB1] =	sst s10  }
0x32: {  	s10 =	sld [smem:$0x3FAF];
	_ =	sdelay $0x3  }
0x33: {  	p0 =	seq.s32 s10, $0x1;
	s10 =	sld [smem:$0x3FB1];
	_ =	sdelay $0x3  }
0x34: {  	[smem:$0x3FB1] =	sst s10  }
0x35: {  	s10 =	sld [smem:$0x3FB0];
	_ =	sdelay $0x3  }
0x36: {  	p1 =	seq.s32 s10, $0x1;
	s10 =	sld [smem:$0x3FB1];
	_ =	sdelay $0x3  }
0x37: {  	[smem:$0x3FB1] =	sst s10  }
0x38: {  	s10 =	sld [smem:$0x3FB2]  }
0x39: {  	_ = 	snop;
	(pc) =	sbr.ind lr, $3  }
0x3a: {  	_ = 	snop  }
0x3b: {  	_ = 	snop  }
0x3c: {  	p2 =	seq.s32 s10, $0x1;
	s10 =	sld [smem:$0x3FB1]  }
0x3d: {  	_ =	shalt  }
0x3e: {  	_ =	shalt  }
0x3f: {  	_ =	shalt  }
0x40: {  	_ =	shalt  }
0x41: {  	_ =	shalt  }
0x42: {  	_ =	shalt  }
0x43: {  	_ =	shalt  }
0x44: {  	_ =	shalt  }
0x45: {  	_ =	shalt  }
0x46: {  	_ =	shalt  }
0x47: {  	_ =	shalt  }
0x48: {  	_ =	shalt  }
0x49: {  	_ =	shalt  }
0x4a: {  	_ =	shalt  }
0x4b: {  	_ =	shalt  }
0x4c: {  	_ =	shalt  }
0x4d: {  	_ =	shalt  }
0x4e: {  	_ =	shalt  }
0x4f: {  	_ =	shalt  }
0x50: {  	_ =	shalt  }
0x51: {  	_ =	shalt  }
0x52: {  	_ =	shalt  }
0x53: {  	_ =	shalt  }
0x54: {  	_ =	shalt  }
0x55: {  	_ =	shalt  }
0x56: {  	_ =	shalt  }
0x57: {  	_ =	shalt  }
0x58: {  	_ =	shalt  }
0x59: {  	_ =	shalt  }
0x5a: {  	_ =	shalt  }
0x5b: {  	_ =	shalt  }
0x5c: {  	_ =	shalt  }
0x5d: {  	_ =	shalt  }
0x5e: {  	_ =	shalt  }
0x5f: {  	_ =	shalt  }
0x60: {  	_ =	shalt  }
0x61: {  	_ =	shalt  }
0x62: {  	_ =	shalt  }
0x63: {  	_ =	shalt  }
0x64: {  	_ =	shalt  }
0x65: {  	_ =	shalt  }
0x66: {  	_ =	shalt  }
0x67: {  	_ =	shalt  }
0x68: {  	_ =	shalt  }
0x69: {  	_ =	shalt  }
0x6a: {  	_ =	shalt  }
0x6b: {  	_ =	shalt  }
0x6c: {  	_ =	shalt  }
0x6d: {  	_ =	shalt  }
0x6e: {  	_ =	shalt  }
0x6f: {  	_ =	shalt  }
0x70: {  	_ =	shalt  }
0x71: {  	_ =	shalt  }
0x72: {  	_ =	shalt  }
0x73: {  	_ =	shalt  }
0x74: {  	_ =	shalt  }
0x75: {  	_ =	shalt  }
0x76: {  	_ =	shalt  }
0x77: {  	_ =	shalt  }
0x78: {  	_ =	shalt  }
0x79: {  	_ =	shalt  }
0x7a: {  	_ =	shalt  }
0x7b: {  	_ =	shalt  }
0x7c: {  	_ =	shalt  }
0x7d: {  	_ =	shalt  }
0x7e: {  	_ =	shalt  }
0x7f: {  	_ =	shalt  }
0x80: {  	_ =	shalt  }
0x81: {  	_ =	shalt  }
0x82: {  	_ =	shalt  }
0x83: {  	_ =	shalt  }
0x84: {  	_ =	shalt  }
0x85: {  	_ =	shalt  }
0x86: {  	_ =	shalt  }
0x87: {  	_ =	shalt  }
.Lfunc_end0:
.L_simem_size_0:
called_computation.2_lowered:
.L_overlay_start_0:
0x88: {  	s2 =	sld [smem:$0x3FD9]  }
0x89: {  	s3 =	sld [smem:$0x3FFE];
	_ =	sdelay $0x1  }
0x8a: {  	s1 =	srdreg.scid  }
0x8b: {  	s0 =	sand.u32 $0x1, s1  }
0x8c: {  	s16 =	sshll.u32 s0, $0xA;
	s2 =	sadd.s32 s3, s2  }
0x8d: {  	s2 =	sadd.s32 s2, s16  }
0x8e: {  	[smem:$0x3FBD] =	sst s2  }
0x8f: {  	_ = 	snop  }
0x90: {  	(tm) =	ssettm $0x1  }
0x91: {  	s17 =	sld [smem:$0x3FFB];
	_ =	sdelay $0x3  }
0x92: {  	_ =	strace s17  }
0x93: {  	s2 =	sld [smem:$0x3FFC];
	_ =	sdelay $0x3  }
0x94: {  	_ =	strace s2  }
0x95: {  	s2 =	sld [smem:$0x3FFD];
	_ =	sdelay $0x3  }
0x96: {  	_ =	strace s2  }
0x97: {  	_ =	strace $0x8FFFFFFF  }
0x98: {  	s18 =	sld [smem:$0x3FDB];
	_ =	sdelay $0x1  }
0x99: {  	s19 =	simm.s32 $_scs_section_size  }
0x9a: {  	s4 =	simm.s32 $_size__tile_overlayer_lowered;
	s5 =	simm.s32 $_tile_overlayer_lowered  }
0x9b: {  	s22 =	simm.s32 $0x1BFF;
	s21 =	sshll.u32 s5, $0x1;
	s2 =	sadd.s32 s19, s18  }
0x9c: {  	s6 =	simm.s32 $0x0;
	s20 =	sshll.u32 s4, $0x1;
	s4 =	sadd.s32 s21, s2  }
0x9d: {  	[timem:s6], [sflag:s22] =	dma.local [hbm:s4], s20  }
0x9e: {  	_ =	swait.ge [sflag:s22], s20  }
0x9f: {  	s3 =	ssub.s32 $0x0, s20;
	[sflag:s22] =	ssyncset.done $0x0  }
0xa0: {  	[sflag:s22] =	ssyncadd.s32 s3;
	_ =	sdelay $0x1  }
0xa1: {  	s23 =	simm.s32 $0x1B8B  }
0xa2: {  	_ =	swait.ge [sflag:s23], $0x1  }
0xa3: {  	[sflag:s23] =	ssyncset.done $0x0  }
0xa4: {  	s25 =	simm.s32 $0x1B8E;
	s24 =	sld [smem:$0x3FFE];
	[sflag:s23] =	ssyncadd.s32 $0xFFFFFFFF  }
0xa5: {  	s26 =	simm.s32 $execute0_lowered;
	[smem:$0x3FD2] =	sst s25  }
0xa6: {  	s4 =	sshll.u32 s26, $0x1;
	_ =	strace $0x8000004C;
	[dreg:$0x1] =	wrdreg $0xFFFFFFFF  }
0xa7: {  	s28 =	simm.s32 $_size_execute0_lowered;
	s2 =	sadd.s32 s2, s4;
	[dreg:$0x0] =	wrdreg $0x0  }
0xa8: {  	s4 =	sshll.u32 s28, $0x1;
	[dreg:$0x2] =	wrdreg s2  }
0xa9: {  	[dreg:$0x3] =	wrdreg s4  }
0xaa: {  	[dreg:$0x4] =	wrdreg $0xC0  }
0xab: {  	_ =	task [dreg:s6], $0x5FFFF  }
0xac: {  	[dreg:$0x1] =	wrdreg $0xFFFFFFFF  }
0xad: {  	[dreg:$0x0] =	wrdreg $0x60  }
0xae: {  	[dreg:$0x2] =	wrdreg s24  }
0xaf: {  	[dreg:$0x3] =	wrdreg $0x50800  }
0xb0: {  	[dreg:$0x4] =	wrdreg $0x9  }
0xb1: {  	_ =	task.clear_ibuf [dreg:s6], $0x5FFFF;
	_ =	strace $0x9000004C  }
0xb2: {  	s29 =	simm.s32 $0x9;
	_ =	strace $0x8000004E  }
0xb3: {  	_ =	swait.ge [sflag:s29], $0x1  }
0xb4: {  	[sflag:s29] =	ssyncadd.s32 $0xFFFFFFFF  }
0xb5: {  	_ =	strace $0x9000004E  }
0xb6: {  	_ =	sfence  }
0xb7: {  	s30 =	sld [smem:$0x0];
	_ =	sdelay $0x2  }
0xb8: {  	s31 =	sshll.u32 s1, $0xD;
	s1 =	sshrl.u32 s1, $0x2  }
0xb9: {  	s3 =	sand.u32 $0x4000, s31;
	s1 =	sadd.s32 s1, s30  }
0xba: {  	s0 =	sor.u32 s3, s0;
	s1 =	sshll.u32 s1, $0x11  }
0xbb: {  	s0 =	sor.u32 s1, s0  }
0xbc: {  	s0 =	sadd.s32 $0x8F2B, s0  }
0xbd: {  	[sflag:s0] =	ssyncadd.remote.s32 $0x1  }
0xbe: {  	_ =	sfence.sel $0xFFFF  }
0xbf: {  	[dreg:$0x0] =	wrdreg $0xFFFFFFFF;
	(pc) =	sbr.abs _section_cstart, $3  }
0xc0: {  	[dreg:$0x1] =	wrdreg $0xFFFFFFFF  }
0xc1: {  	_ =	task.clear_ibuf [dreg:s6], $0x2FFFF;
	_ =	strace $0x9FFFFFFF  }
0xc2: {  	(tm) =	ssettm $0x7FFFFFFF  }
0xc3: {  	_ =	shalt  }
tec
execute0_lowered:
.L_overlay_start_1:
0x0: {  	(tag) =	ssettag $0x1  }
0x1: {  	s0 =	rddreg [dreg:$0x0];
	s11 =	stileid.u32  }
0x2: {  	s1 =	srdreg.scid;
	s2 =	rddreg [dreg:$0x1];
	s3 =	simm.s32 $0x0  }
0x3: {  	s23 =	simm.s32 $0x100;
	s12 =	simm.s32 $0x800;
	s24 =	simm.s32 $0x180  }
0x4: {  	s13 =	simm.s32 $0x1000;
	s14 =	simm.s32 $0x1800;
	s15 =	simm.s32 $0x2000  }
0x5: {  	s16 =	simm.s32 $0x200;
	s25 =	simm.s32 $0x280;
	s26 =	simm.s32 $0x300  }
0x6: {  	s31 =	simm.s32 $0x380;
	s28 =	simm.s32 $0x680;
	s29 =	simm.s32 $0x700  }
0x7: {  	s30 =	simm.s32 $0x780;
	s5 =	smul.u32 $0x6200, s11;
	s1 =	sand.u32 $0x1, s1  }
0x8: {  	[smem:$0x7FF] =	sst s3;
	s7 =	smul.u32 $0x18700, s11;
	s4 =	sadd.s32 $0x64800, s0  }
0x9: {  	s10 =	smul.u32 $0x31000, s11;
	_ =	strace $0x8000004D;
	[dreg:$0x6] =	wrdreg s23  }
0xa: {  	s9 =	sadd.s32 $0x12EA00, s0;
	s19 =	smul.u32 $0x61C00, s11;
	[dreg:$0x7] =	wrdreg s24  }
0xb: {  	s11 =	simm.s32 $0x80;
	s6 =	smul.u32 $0x187000, s1;
	[dreg:$0x8] =	wrdreg s25  }
0xc: {  	s8 =	smul.u32 $0x310000, s1;
	s1 =	ssub.s32 $0x2, s1;
	[dreg:$0x9] =	wrdreg s26  }
0xd: {  	[dreg:$0xa] =	wrdreg s31;
	s24 =	simm.s32 $0x480;
	s23 =	simm.s32 $0x500  }
0xe: {  	s25 =	simm.s32 $0x580;
	s26 =	simm.s32 $0x2;
	s5 =	sadd.s32 s5, s0  }
0xf: {  	s17 =	sshrl.u32 s1, $0x1;
	s6 =	sadd.s32 s7, s6;
	s8 =	sadd.s32 s10, s8  }
0x10: {  	s1 =	ssub.s32 s1, s17;
	s5 =	sadd.s32 $0x2800, s5;
	s7 =	sshrl.u32 s19, $0x2  }
0x11: {  	s10 =	simm.s32 $0x400;
	s17 =	simm.s32 $0x600;
	s19 =	simm.s32 $0x3000  }
0x12: {  	s6 =	sshrl.u32 s6, $0x3;
	s18 =	sor.u32 $0x200, s8;
	[dreg:$0x3] =	wrdreg s5  }
0x13: {  	s21 =	sshrl.u32 s8, $0x3;
	s1 =	smax.u32 s1, $0x1;
	s8 =	simm.s32 $0x4800  }
0x14: {  	s0 =	sadd.s32 s6, s0;
	s6 =	sshrl.u32 s18, $0x3;
	s22 =	sadd.s32 s21, s9  }
0x15: {  	[dreg:$0xb] =	wrdreg s1;
	s18 =	simm.s32 $0x2800;
	s21 =	simm.s32 $0x4000  }
0x16: {  	s1 =	simm.s32 $0x0;
	s20 =	sadd.s32 s6, s9;
	s6 =	sadd.s32 s7, s2  }
0x17: {  	[dreg:$0x5] =	wrdreg s22;
	s7 =	sadd.s32 $0xC6400, s0;
	s9 =	simm.s32 $0x5  }
0x18: {  	v0 =	vimm.f32 $0.0e+00;
	s22 =	simm.s32 $0x1;
	[dreg:$0x4] =	wrdreg s20;
	s20 =	simm.s32 $0x3800  }
.LBB2_1:
0x19: {  	[dreg:$0xc] =	wrdreg s1;
	s1 =	simm.s32 $0x0  }
.LBB2_2:
0x1a: {  	p0 =	sne.s32 s1, $0x21C0  }
.Ltmp0:
0x1b: {  	_ = 	snop;
	(pc) =	sbr.rel @p0 .LBB2_2-.Ltmp0, $3  }
0x1c: {  	_ =	sdelay $0x1  }
0x1d: {  	s5 =	sshra.s32 s1, $0x2  }
0x1e: {  	s1 =	sadd.s32 $0x40, s1;
	[tilespmem:s5+$0x4800] =	vst v0  }
0x1f: {  	s1 =	sadd.s32 $0x0, s6  }
0x20: {  	[spmem:s1] =	stream.linear.scatter [tilespmem:s8], [sflag:$0x5], $0x880, $0x38;
	[tilespmem:$0x1D780] =	vst v63  }
0x21: {  	s1 =	simm.s32 $0x2200;
	_ =	swait.ge [sflag:s9], $0x880  }
.LBB2_4:
0x22: {  	s5 =	sshra.s32 s1, $0x2;
	[sflag:s9] =	ssyncset.done $0x0;
	p0 =	sne.s32 s1, $0x5FA00  }
.Ltmp1:
0x23: {  	s5 =	sadd.s32 s5, s6;
	[sflag:s9] =	ssyncadd.s32 $0xFFFFF780;
	(pc) =	sbr.rel @p0 .LBB2_4-.Ltmp1, $3  }
0x24: {  	[spmem:s5] =	stream.linear.scatter [tilespmem:s8], [sflag:$0x5], $0x880, $0x38;
	[tilespmem:$0x1D780] =	vst v63  }
0x25: {  	s1 =	sadd.s32 $0x2200, s1;
	_ =	sdelay $0x1  }
0x26: {  	_ =	swait.ge [sflag:s9], $0x880  }
0x27: {  	[sflag:s9] =	ssyncset.done $0x0;
	p0 =	por $0x1, $0x1  }
0x28: {  	[sflag:s9] =	ssyncadd.s32 $0xFFFFF780;
	p0 =	por p0, p0  }
0x29: {  	[bflag:$0x0] =	sbarrier.arrive $0xFFFF;
	s1 =	simm.s32 @!p0 $0x3  }
0x2a: {  	_ =	swait.ge @!p0 [sflag:s1], $0x800  }
0x2b: {  	[sflag:s1] =	ssyncset.done @!p0 $0x0  }
0x2c: {  	[sflag:s1] =	ssyncadd.s32 @!p0 $0xFFFFF800  }
0x2d: {  	_ =	swait.ge @!p0 [sflag:s1], $0x800  }
0x2e: {  	[sflag:s1] =	ssyncset.done @!p0 $0x0  }
0x2f: {  	[sflag:s1] =	ssyncadd.s32 @!p0 $0xFFFFF800  }
0x30: {  	_ =	swait.ge @!p0 [sflag:s1], $0x800  }
0x31: {  	[sflag:s1] =	ssyncset.done @!p0 $0x0  }
0x32: {  	[sflag:s1] =	ssyncadd.s32 @!p0 $0xFFFFF800  }
0x33: {  	_ =	swait.ge @!p0 [sflag:s1], $0x800  }
0x34: {  	s5 =	rddreg [dreg:$0x5];
	[sflag:s1] =	ssyncset.done @!p0 $0x0  }
0x35: {  	[sflag:s1] =	ssyncadd.s32 @!p0 $0xFFFFF800;
	s0 =	sadd.s32 $0x0, s5  }
0x36: {  	[tilespmem:s3], [sflag:$0x5] =	stream.linear.gather [hbm4b:s0+s3], $0x200, $0x38;
	[tilespmem:$0x1D780] =	vst v63  }
0x37: {  	_ =	swait.ge [sflag:s9], $0x200  }
0x38: {  	s5 =	rddreg [dreg:$0x3];
	[sflag:s9] =	ssyncset.done $0x0  }
0x39: {  	[sflag:s9] =	ssyncadd.s32 $0xFFFFFE00;
	s1 =	sadd.s32 $0x0, s5  }
0x3a: {  	[tilespmem:s10], [sflag:$0x5] =	stream.linear.gather [hbm4b:s1+s3], $0x200, $0x38;
	[tilespmem:$0x1D780] =	vst v63  }
0x3b: {  	_ =	swait.ge [sflag:s9], $0x200  }
0x3c: {  	[sflag:s9] =	ssyncset.done $0x0  }
0x3d: {  	[sflag:s9] =	ssyncadd.s32 $0xFFFFFE00  }
0x3e: {  	[tilespmem:s12], [sflag:$0x1] =	stream.indirect.gather [hbm4b:s4+s11], $0x10, s3, s11, $0xb8;
	[tilespmem:$0x1D780] =	vst v63  }
0x3f: {  	_ = 	snop  }
0x40: {  	[tilespmem:s13], [sflag:$0x1] =	stream.indirect.gather [hbm4b:s4+s11], $0x10, s11, s11, $0xb8;
	[tilespmem:$0x1D780] =	vst v63  }
0x41: {  	s0 =	rddreg [dreg:$0x6]  }
0x42: {  	[tilespmem:s14], [sflag:$0x1] =	stream.indirect.gather [hbm4b:s4+s11], $0x10, s0, s11, $0xb8;
	[tilespmem:$0x1D780] =	vst v63  }
0x43: {  	s5 =	simm.s32 @!p0 $0x4;
	s31 =	rddreg [dreg:$0x7]  }
0x44: {  	[tilespmem:s15], [sflag:$0x1] =	stream.indirect.gather [hbm4b:s4+s11], $0x10, s31, s11, $0xb8;
	[tilespmem:$0x1D780] =	vst v63  }
0x45: {  	_ =	swait.ge @!p0 [sflag:s5], $0x800  }
0x46: {  	[sflag:s5] =	ssyncset.done @!p0 $0x0  }
0x47: {  	[sflag:s5] =	ssyncadd.s32 @!p0 $0xFFFFF800  }
0x48: {  	_ =	swait.ge @!p0 [sflag:s5], $0x800  }
0x49: {  	[sflag:s5] =	ssyncset.done @!p0 $0x0  }
0x4a: {  	[sflag:s5] =	ssyncadd.s32 @!p0 $0xFFFFF800  }
0x4b: {  	_ =	swait.ge @!p0 [sflag:s5], $0x800  }
0x4c: {  	[sflag:s5] =	ssyncset.done @!p0 $0x0  }
0x4d: {  	[sflag:s5] =	ssyncadd.s32 @!p0 $0xFFFFF800  }
0x4e: {  	_ =	swait.ge @!p0 [sflag:s5], $0x800  }
0x4f: {  	s31 =	rddreg [dreg:$0x4];
	[sflag:s5] =	ssyncset.done @!p0 $0x0  }
0x50: {  	[sflag:s5] =	ssyncadd.s32 @!p0 $0xFFFFF800;
	s0 =	sadd.s32 $0x0, s31  }
0x51: {  	[tilespmem:s16], [sflag:$0x5] =	stream.linear.gather [hbm4b:s0+s3], $0x200, $0x38;
	[tilespmem:$0x1D780] =	vst v63  }
0x52: {  	_ =	swait.ge [sflag:s9], $0x200  }
0x53: {  	[sflag:s9] =	ssyncset.done $0x0  }
0x54: {  	s1 =	sadd.s32 $0x40, s1;
	[sflag:s9] =	ssyncadd.s32 $0xFFFFFE00  }
0x55: {  	[tilespmem:s17], [sflag:$0x5] =	stream.linear.gather [hbm4b:s1+s3], $0x200, $0x38;
	[tilespmem:$0x1D780] =	vst v63  }
0x56: {  	_ =	swait.ge [sflag:s9], $0x200  }
0x57: {  	[sflag:s9] =	ssyncset.done $0x0  }
0x58: {  	[sflag:s9] =	ssyncadd.s32 $0xFFFFFE00  }
0x59: {  	[tilespmem:s18], [sflag:$0x2] =	stream.indirect.gather [hbm4b:s4+s11], $0x10, s16, s11, $0xb8;
	[tilespmem:$0x1D780] =	vst v63  }
0x5a: {  	s0 =	rddreg [dreg:$0x8]  }
0x5b: {  	[tilespmem:s19], [sflag:$0x2] =	stream.indirect.gather [hbm4b:s4+s11], $0x10, s0, s11, $0xb8;
	[tilespmem:$0x1D780] =	vst v63  }
0x5c: {  	s5 =	rddreg [dreg:$0x9]  }
0x5d: {  	[tilespmem:s20], [sflag:$0x2] =	stream.indirect.gather [hbm4b:s4+s11], $0x10, s5, s11, $0xb8;
	[tilespmem:$0x1D780] =	vst v63  }
0x5e: {  	s0 =	rddreg [dreg:$0xa]  }
0x5f: {  	[tilespmem:s21], [sflag:$0x2] =	stream.indirect.gather [hbm4b:s4+s11], $0x10, s0, s11, $0xb8;
	[tilespmem:$0x1D780] =	vst v63  }
0x60: {  	_ =	swait.ge [sflag:s22], $0x800  }
0x61: {  	[sflag:s22] =	ssyncset.done $0x0  }
0x62: {  	[sflag:s22] =	ssyncadd.s32 $0xFFFFF800  }
0x63: {  	_ =	swait.ge [sflag:s22], $0x800  }
0x64: {  	[sflag:s22] =	ssyncset.done $0x0  }
0x65: {  	[sflag:s22] =	ssyncadd.s32 $0xFFFFF800  }
0x66: {  	_ =	swait.ge [sflag:s22], $0x800  }
0x67: {  	[sflag:s22] =	ssyncset.done $0x0  }
0x68: {  	[sflag:s22] =	ssyncadd.s32 $0xFFFFF800  }
0x69: {  	_ =	swait.ge [sflag:s22], $0x800  }
0x6a: {  	[sflag:s22] =	ssyncset.done $0x0  }
0x6b: {  	[sflag:s22] =	ssyncadd.s32 $0xFFFFF800  }
0x6c: {  	[spmem:s2] =	stream.indirect.scatter.add.f32 [tilespmem:s12], [sflag:$0x3], $0x10, s10, s11, $0xb8;
	[tilespmem:$0x1D780] =	vst v63  }
0x6d: {  	_ = 	snop  }
0x6e: {  	[spmem:s2] =	stream.indirect.scatter.add.f32 [tilespmem:s13], [sflag:$0x3], $0x10, s24, s11, $0xb8;
	[tilespmem:$0x1D780] =	vst v63  }
0x6f: {  	_ = 	snop  }
0x70: {  	[spmem:s2] =	stream.indirect.scatter.add.f32 [tilespmem:s14], [sflag:$0x3], $0x10, s23, s11, $0xb8;
	[tilespmem:$0x1D780] =	vst v63  }
0x71: {  	_ = 	snop  }
0x72: {  	[spmem:s2] =	stream.indirect.scatter.add.f32 [tilespmem:s15], [sflag:$0x3], $0x10, s25, s11, $0xb8;
	[tilespmem:$0x1D780] =	vst v63  }
0x73: {  	_ =	swait.ge [sflag:s26], $0x800  }
0x74: {  	[sflag:s26] =	ssyncset.done $0x0  }
0x75: {  	[sflag:s26] =	ssyncadd.s32 $0xFFFFF800  }
0x76: {  	_ =	swait.ge [sflag:s26], $0x800  }
0x77: {  	[sflag:s26] =	ssyncset.done $0x0  }
0x78: {  	[sflag:s26] =	ssyncadd.s32 $0xFFFFF800  }
0x79: {  	_ =	swait.ge [sflag:s26], $0x800  }
0x7a: {  	[sflag:s26] =	ssyncset.done $0x0  }
0x7b: {  	[sflag:s26] =	ssyncadd.s32 $0xFFFFF800  }
0x7c: {  	_ =	swait.ge [sflag:s26], $0x800  }
0x7d: {  	[sflag:s26] =	ssyncset.done $0x0  }
0x7e: {  	[sflag:s26] =	ssyncadd.s32 $0xFFFFF800  }
0x7f: {  	[spmem:s2] =	stream.indirect.scatter.add.f32 [tilespmem:s18], [sflag:$0x4], $0x10, s17, s11, $0xb8;
	[tilespmem:$0x1D780] =	vst v63  }
0x80: {  	p6 =	por $0x0, $0x0  }
0x81: {  	[spmem:s2] =	stream.indirect.scatter.add.f32 [tilespmem:s19], [sflag:$0x4], $0x10, s28, s11, $0xb8;
	[tilespmem:$0x1D780] =	vst v63  }
0x82: {  	s31 =	simm.s32 $0x100;
	p0 =	por p6, p6;
	s5 =	simm.s32 $0x80  }
0x83: {  	[spmem:s2] =	stream.indirect.scatter.add.f32 [tilespmem:s20], [sflag:$0x4], $0x10, s29, s11, $0xb8;
	[tilespmem:$0x1D780] =	vst v63  }
0x84: {  	s25 =	simm.s32 $0x500;
	s28 =	simm.s32 $0x580;
	s29 =	simm.s32 $0x680  }
.LBB2_6:
0x85: {  	[spmem:s2] =	stream.indirect.scatter.add.f32 [tilespmem:s21], [sflag:$0x4], $0x10, s30, s11, $0xb8;
	[tilespmem:$0x1D780] =	vst v63  }
0x86: {  	s0 =	simm.s32 @!p0 $0x3  }
0x87: {  	_ =	swait.ge @!p0 [sflag:s0], $0x800  }
0x88: {  	[sflag:s0] =	ssyncset.done @!p0 $0x0  }
0x89: {  	[sflag:s0] =	ssyncadd.s32 @!p0 $0xFFFFF800  }
0x8a: {  	_ =	swait.ge @!p0 [sflag:s0], $0x800  }
0x8b: {  	[sflag:s0] =	ssyncset.done @!p0 $0x0  }
0x8c: {  	[sflag:s0] =	ssyncadd.s32 @!p0 $0xFFFFF800  }
0x8d: {  	_ =	swait.ge @!p0 [sflag:s0], $0x800  }
0x8e: {  	[sflag:s0] =	ssyncset.done @!p0 $0x0  }
0x8f: {  	[sflag:s0] =	ssyncadd.s32 @!p0 $0xFFFFF800  }
0x90: {  	_ =	swait.ge @!p0 [sflag:s0], $0x800  }
0x91: {  	[sflag:s0] =	ssyncset.done @!p0 $0x0;
	s23 =	rddreg [dreg:$0x5]  }
0x92: {  	[sflag:s0] =	ssyncadd.s32 @!p0 $0xFFFFF800;
	s23 =	sadd.s32 s5, s23  }
0x93: {  	[tilespmem:s3], [sflag:$0x5] =	stream.linear.gather [hbm4b:s23+s3], $0x200, $0x38;
	[tilespmem:$0x1D780] =	vst v63  }
0x94: {  	_ =	swait.ge [sflag:s9], $0x200  }
0x95: {  	s24 =	rddreg [dreg:$0x3];
	[sflag:s9] =	ssyncset.done $0x0  }
0x96: {  	[sflag:s9] =	ssyncadd.s32 $0xFFFFFE00;
	s0 =	sadd.s32 s5, s24  }
0x97: {  	[tilespmem:s10], [sflag:$0x5] =	stream.linear.gather [hbm4b:s0+s3], $0x200, $0x38;
	[tilespmem:$0x1D780] =	vst v63  }
0x98: {  	_ =	swait.ge [sflag:s9], $0x200  }
0x99: {  	[sflag:s9] =	ssyncset.done $0x0  }
0x9a: {  	[sflag:s9] =	ssyncadd.s32 $0xFFFFFE00  }
0x9b: {  	[tilespmem:s12], [sflag:$0x1] =	stream.indirect.gather [hbm4b:s4+s11], $0x10, s3, s11, $0xb8;
	[tilespmem:$0x1D780] =	vst v63  }
0x9c: {  	_ = 	snop  }
0x9d: {  	[tilespmem:s13], [sflag:$0x1] =	stream.indirect.gather [hbm4b:s4+s11], $0x10, s11, s11, $0xb8;
	[tilespmem:$0x1D780] =	vst v63  }
0x9e: {  	s23 =	rddreg [dreg:$0x6]  }
0x9f: {  	[tilespmem:s14], [sflag:$0x1] =	stream.indirect.gather [hbm4b:s4+s11], $0x10, s23, s11, $0xb8;
	[tilespmem:$0x1D780] =	vst v63  }
0xa0: {  	s24 =	rddreg [dreg:$0x7];
	s23 =	simm.s32 @!p0 $0x4  }
0xa1: {  	[tilespmem:s15], [sflag:$0x1] =	stream.indirect.gather [hbm4b:s4+s11], $0x10, s24, s11, $0xb8;
	[tilespmem:$0x1D780] =	vst v63  }
0xa2: {  	_ =	swait.ge @!p0 [sflag:s23], $0x800  }
0xa3: {  	[sflag:s23] =	ssyncset.done @!p0 $0x0  }
0xa4: {  	[sflag:s23] =	ssyncadd.s32 @!p0 $0xFFFFF800  }
0xa5: {  	_ =	swait.ge @!p0 [sflag:s23], $0x800  }
0xa6: {  	[sflag:s23] =	ssyncset.done @!p0 $0x0  }
0xa7: {  	[sflag:s23] =	ssyncadd.s32 @!p0 $0xFFFFF800  }
0xa8: {  	_ =	swait.ge @!p0 [sflag:s23], $0x800  }
0xa9: {  	[sflag:s23] =	ssyncset.done @!p0 $0x0  }
0xaa: {  	[sflag:s23] =	ssyncadd.s32 @!p0 $0xFFFFF800  }
0xab: {  	_ =	swait.ge @!p0 [sflag:s23], $0x800  }
0xac: {  	s24 =	rddreg [dreg:$0x4];
	[sflag:s23] =	ssyncset.done @!p0 $0x0  }
0xad: {  	[sflag:s23] =	ssyncadd.s32 @!p0 $0xFFFFF800;
	s23 =	sadd.s32 s5, s24  }
0xae: {  	[tilespmem:s16], [sflag:$0x5] =	stream.linear.gather [hbm4b:s23+s3], $0x200, $0x38;
	[tilespmem:$0x1D780] =	vst v63  }
0xaf: {  	_ =	swait.ge [sflag:s9], $0x200  }
0xb0: {  	[sflag:s9] =	ssyncset.done $0x0  }
0xb1: {  	s0 =	sadd.s32 $0x40, s0;
	[sflag:s9] =	ssyncadd.s32 $0xFFFFFE00  }
0xb2: {  	[tilespmem:s17], [sflag:$0x5] =	stream.linear.gather [hbm4b:s0+s3], $0x200, $0x38;
	[tilespmem:$0x1D780] =	vst v63  }
0xb3: {  	_ =	swait.ge [sflag:s9], $0x200  }
0xb4: {  	[sflag:s9] =	ssyncset.done $0x0  }
0xb5: {  	[sflag:s9] =	ssyncadd.s32 $0xFFFFFE00  }
0xb6: {  	[tilespmem:s18], [sflag:$0x2] =	stream.indirect.gather [hbm4b:s4+s11], $0x10, s16, s11, $0xb8;
	[tilespmem:$0x1D780] =	vst v63  }
0xb7: {  	s1 =	smov.u32 s31;
	s23 =	rddreg [dreg:$0x8]  }
0xb8: {  	[tilespmem:s19], [sflag:$0x2] =	stream.indirect.gather [hbm4b:s4+s11], $0x10, s23, s11, $0xb8;
	[tilespmem:$0x1D780] =	vst v63  }
0xb9: {  	p2 =	seq.s32 s1, $0x0;
	s5 =	smov.u32 s1;
	s1 =	rddreg [dreg:$0x9]  }
0xba: {  	[tilespmem:s20], [sflag:$0x2] =	stream.indirect.gather [hbm4b:s4+s11], $0x10, s1, s11, $0xb8;
	[tilespmem:$0x1D780] =	vst v63  }
0xbb: {  	s23 =	rddreg [dreg:$0xa]  }
0xbc: {  	[tilespmem:s21], [sflag:$0x2] =	stream.indirect.gather [hbm4b:s4+s11], $0x10, s23, s11, $0xb8;
	[tilespmem:$0x1D780] =	vst v63  }
0xbd: {  	_ =	swait.ge [sflag:s22], $0x800  }
0xbe: {  	[sflag:s22] =	ssyncset.done $0x0  }
0xbf: {  	[sflag:s22] =	ssyncadd.s32 $0xFFFFF800  }
0xc0: {  	_ =	swait.ge [sflag:s22], $0x800  }
0xc1: {  	[sflag:s22] =	ssyncset.done $0x0  }
0xc2: {  	[sflag:s22] =	ssyncadd.s32 $0xFFFFF800  }
0xc3: {  	_ =	swait.ge [sflag:s22], $0x800  }
0xc4: {  	[sflag:s22] =	ssyncset.done $0x0  }
0xc5: {  	[sflag:s22] =	ssyncadd.s32 $0xFFFFF800  }
0xc6: {  	_ =	swait.ge [sflag:s22], $0x800  }
0xc7: {  	[sflag:s22] =	ssyncset.done $0x0  }
0xc8: {  	[sflag:s22] =	ssyncadd.s32 $0xFFFFF800  }
0xc9: {  	[spmem:s2] =	stream.indirect.scatter.add.f32 [tilespmem:s12], [sflag:$0x3], $0x10, s10, s11, $0xb8;
	[tilespmem:$0x1D780] =	vst v63  }
0xca: {  	s24 =	simm.s32 $0x480  }
0xcb: {  	[spmem:s2] =	stream.indirect.scatter.add.f32 [tilespmem:s13], [sflag:$0x3], $0x10, s24, s11, $0xb8;
	[tilespmem:$0x1D780] =	vst v63  }
0xcc: {  	_ = 	snop  }
0xcd: {  	[spmem:s2] =	stream.indirect.scatter.add.f32 [tilespmem:s14], [sflag:$0x3], $0x10, s25, s11, $0xb8;
	[tilespmem:$0x1D780] =	vst v63  }
0xce: {  	_ = 	snop  }
0xcf: {  	[spmem:s2] =	stream.indirect.scatter.add.f32 [tilespmem:s15], [sflag:$0x3], $0x10, s28, s11, $0xb8;
	[tilespmem:$0x1D780] =	vst v63  }
0xd0: {  	_ =	swait.ge [sflag:s26], $0x800  }
0xd1: {  	[sflag:s26] =	ssyncset.done $0x0  }
0xd2: {  	[sflag:s26] =	ssyncadd.s32 $0xFFFFF800  }
0xd3: {  	_ =	swait.ge [sflag:s26], $0x800  }
0xd4: {  	[sflag:s26] =	ssyncset.done $0x0  }
0xd5: {  	[sflag:s26] =	ssyncadd.s32 $0xFFFFF800  }
0xd6: {  	_ =	swait.ge [sflag:s26], $0x800  }
0xd7: {  	[sflag:s26] =	ssyncset.done $0x0  }
0xd8: {  	[sflag:s26] =	ssyncadd.s32 $0xFFFFF800  }
0xd9: {  	_ =	swait.ge [sflag:s26], $0x800  }
0xda: {  	s31 =	sadd.s32 $0x80, s31;
	[sflag:s26] =	ssyncset.done $0x0  }
0xdb: {  	p1 =	sne.s32 s31, $0x6200;
	[sflag:s26] =	ssyncadd.s32 $0xFFFFF800  }
0xdc: {  	[spmem:s2] =	stream.indirect.scatter.add.f32 [tilespmem:s18], [sflag:$0x4], $0x10, s17, s11, $0xb8;
	[tilespmem:$0x1D780] =	vst v63  }
.Ltmp2:
0xdd: {  	_ = 	snop;
	(pc) =	sbr.rel @p1 .LBB2_6-.Ltmp2, $4  }
0xde: {  	_ = 	snop  }
0xdf: {  	[spmem:s2] =	stream.indirect.scatter.add.f32 [tilespmem:s19], [sflag:$0x4], $0x10, s29, s11, $0xb8;
	[tilespmem:$0x1D780] =	vst v63  }
0xe0: {  	p0 =	por p2, p2;
	s23 =	simm.s32 $0x700  }
0xe1: {  	[spmem:s2] =	stream.indirect.scatter.add.f32 [tilespmem:s20], [sflag:$0x4], $0x10, s23, s11, $0xb8;
	[tilespmem:$0x1D780] =	vst v63  }
0xe2: {  	[spmem:s2] =	stream.indirect.scatter.add.f32 [tilespmem:s21], [sflag:$0x4], $0x10, s30, s11, $0xb8;
	[tilespmem:$0x1D780] =	vst v63  }
0xe3: {  	s0 =	simm.s32 @!p0 $0x3  }
0xe4: {  	_ =	swait.ge @!p0 [sflag:s0], $0x800  }
0xe5: {  	[sflag:s0] =	ssyncset.done @!p0 $0x0  }
0xe6: {  	[sflag:s0] =	ssyncadd.s32 @!p0 $0xFFFFF800  }
0xe7: {  	_ =	swait.ge @!p0 [sflag:s0], $0x800  }
0xe8: {  	[sflag:s0] =	ssyncset.done @!p0 $0x0  }
0xe9: {  	[sflag:s0] =	ssyncadd.s32 @!p0 $0xFFFFF800  }
0xea: {  	_ =	swait.ge @!p0 [sflag:s0], $0x800  }
0xeb: {  	[sflag:s0] =	ssyncset.done @!p0 $0x0  }
0xec: {  	[sflag:s0] =	ssyncadd.s32 @!p0 $0xFFFFF800  }
0xed: {  	_ =	swait.ge @!p0 [sflag:s0], $0x800  }
0xee: {  	s1 =	rddreg [dreg:$0x5];
	[sflag:s0] =	ssyncset.done @!p0 $0x0  }
0xef: {  	[sflag:s0] =	ssyncadd.s32 @!p0 $0xFFFFF800;
	s1 =	sadd.s32 s5, s1  }
0xf0: {  	[tilespmem:s3], [sflag:$0x5] =	stream.linear.gather [hbm4b:s1+s3], $0x200, $0x38;
	[tilespmem:$0x1D780] =	vst v63  }
0xf1: {  	_ =	swait.ge [sflag:s9], $0x200  }
0xf2: {  	s23 =	rddreg [dreg:$0x3];
	[sflag:s9] =	ssyncset.done $0x0  }
0xf3: {  	[sflag:s9] =	ssyncadd.s32 $0xFFFFFE00;
	s0 =	sadd.s32 s5, s23  }
0xf4: {  	[tilespmem:s10], [sflag:$0x5] =	stream.linear.gather [hbm4b:s0+s3], $0x200, $0x38;
	[tilespmem:$0x1D780] =	vst v63  }
0xf5: {  	_ =	swait.ge [sflag:s9], $0x200  }
0xf6: {  	[sflag:s9] =	ssyncset.done $0x0  }
0xf7: {  	[sflag:s9] =	ssyncadd.s32 $0xFFFFFE00  }
0xf8: {  	[tilespmem:s12], [sflag:$0x1] =	stream.indirect.gather [hbm4b:s4+s11], $0x10, s3, s11, $0xb8;
	[tilespmem:$0x1D780] =	vst v63  }
0xf9: {  	_ = 	snop  }
0xfa: {  	[tilespmem:s13], [sflag:$0x1] =	stream.indirect.gather [hbm4b:s4+s11], $0x10, s11, s11, $0xb8;
	[tilespmem:$0x1D780] =	vst v63  }
0xfb: {  	s31 =	rddreg [dreg:$0x6]  }
0xfc: {  	[tilespmem:s14], [sflag:$0x1] =	stream.indirect.gather [hbm4b:s4+s11], $0x10, s31, s11, $0xb8;
	[tilespmem:$0x1D780] =	vst v63  }
0xfd: {  	s1 =	simm.s32 @!p0 $0x4;
	s23 =	rddreg [dreg:$0x7]  }
0xfe: {  	[tilespmem:s15], [sflag:$0x1] =	stream.indirect.gather [hbm4b:s4+s11], $0x10, s23, s11, $0xb8;
	[tilespmem:$0x1D780] =	vst v63  }
0xff: {  	_ =	swait.ge @!p0 [sflag:s1], $0x800  }
0x100: {  	[sflag:s1] =	ssyncset.done @!p0 $0x0  }
0x101: {  	[sflag:s1] =	ssyncadd.s32 @!p0 $0xFFFFF800  }
0x102: {  	_ =	swait.ge @!p0 [sflag:s1], $0x800  }
0x103: {  	[sflag:s1] =	ssyncset.done @!p0 $0x0  }
0x104: {  	[sflag:s1] =	ssyncadd.s32 @!p0 $0xFFFFF800  }
0x105: {  	_ =	swait.ge @!p0 [sflag:s1], $0x800  }
0x106: {  	[sflag:s1] =	ssyncset.done @!p0 $0x0  }
0x107: {  	[sflag:s1] =	ssyncadd.s32 @!p0 $0xFFFFF800  }
0x108: {  	_ =	swait.ge @!p0 [sflag:s1], $0x800  }
0x109: {  	s31 =	rddreg [dreg:$0x4];
	[sflag:s1] =	ssyncset.done @!p0 $0x0  }
0x10a: {  	[sflag:s1] =	ssyncadd.s32 @!p0 $0xFFFFF800;
	s31 =	sadd.s32 s5, s31  }
0x10b: {  	[tilespmem:s16], [sflag:$0x5] =	stream.linear.gather [hbm4b:s31+s3], $0x200, $0x38;
	[tilespmem:$0x1D780] =	vst v63  }
0x10c: {  	_ =	swait.ge [sflag:s9], $0x200  }
0x10d: {  	[sflag:s9] =	ssyncset.done $0x0  }
0x10e: {  	s0 =	sadd.s32 $0x40, s0;
	[sflag:s9] =	ssyncadd.s32 $0xFFFFFE00  }
0x10f: {  	[tilespmem:s17], [sflag:$0x5] =	stream.linear.gather [hbm4b:s0+s3], $0x200, $0x38;
	[tilespmem:$0x1D780] =	vst v63  }
0x110: {  	_ =	swait.ge [sflag:s9], $0x200  }
0x111: {  	[sflag:s9] =	ssyncset.done $0x0  }
0x112: {  	[sflag:s9] =	ssyncadd.s32 $0xFFFFFE00  }
0x113: {  	[tilespmem:s18], [sflag:$0x2] =	stream.indirect.gather [hbm4b:s4+s11], $0x10, s16, s11, $0xb8;
	[tilespmem:$0x1D780] =	vst v63  }
0x114: {  	s5 =	rddreg [dreg:$0x8]  }
0x115: {  	[tilespmem:s19], [sflag:$0x2] =	stream.indirect.gather [hbm4b:s4+s11], $0x10, s5, s11, $0xb8;
	[tilespmem:$0x1D780] =	vst v63  }
0x116: {  	s23 =	rddreg [dreg:$0x9]  }
0x117: {  	[tilespmem:s20], [sflag:$0x2] =	stream.indirect.gather [hbm4b:s4+s11], $0x10, s23, s11, $0xb8;
	[tilespmem:$0x1D780] =	vst v63  }
0x118: {  	s31 =	rddreg [dreg:$0xa]  }
0x119: {  	[tilespmem:s21], [sflag:$0x2] =	stream.indirect.gather [hbm4b:s4+s11], $0x10, s31, s11, $0xb8;
	[tilespmem:$0x1D780] =	vst v63  }
0x11a: {  	_ =	swait.ge [sflag:s22], $0x800  }
0x11b: {  	[sflag:s22] =	ssyncset.done $0x0  }
0x11c: {  	[sflag:s22] =	ssyncadd.s32 $0xFFFFF800  }
0x11d: {  	_ =	swait.ge [sflag:s22], $0x800  }
0x11e: {  	[sflag:s22] =	ssyncset.done $0x0  }
0x11f: {  	[sflag:s22] =	ssyncadd.s32 $0xFFFFF800  }
0x120: {  	_ =	swait.ge [sflag:s22], $0x800  }
0x121: {  	[sflag:s22] =	ssyncset.done $0x0  }
0x122: {  	[sflag:s22] =	ssyncadd.s32 $0xFFFFF800  }
0x123: {  	_ =	swait.ge [sflag:s22], $0x800  }
0x124: {  	[sflag:s22] =	ssyncset.done $0x0  }
0x125: {  	[sflag:s22] =	ssyncadd.s32 $0xFFFFF800  }
0x126: {  	[spmem:s2] =	stream.indirect.scatter.add.f32 [tilespmem:s12], [sflag:$0x3], $0x10, s10, s11, $0xb8;
	[tilespmem:$0x1D780] =	vst v63  }
0x127: {  	_ = 	snop  }
0x128: {  	[spmem:s2] =	stream.indirect.scatter.add.f32 [tilespmem:s13], [sflag:$0x3], $0x10, s24, s11, $0xb8;
	[tilespmem:$0x1D780] =	vst v63  }
0x129: {  	_ = 	snop  }
0x12a: {  	[spmem:s2] =	stream.indirect.scatter.add.f32 [tilespmem:s14], [sflag:$0x3], $0x10, s25, s11, $0xb8;
	[tilespmem:$0x1D780] =	vst v63  }
0x12b: {  	_ = 	snop  }
0x12c: {  	[spmem:s2] =	stream.indirect.scatter.add.f32 [tilespmem:s15], [sflag:$0x3], $0x10, s28, s11, $0xb8;
	[tilespmem:$0x1D780] =	vst v63  }
0x12d: {  	_ =	swait.ge [sflag:s26], $0x800  }
0x12e: {  	[sflag:s26] =	ssyncset.done $0x0  }
0x12f: {  	[sflag:s26] =	ssyncadd.s32 $0xFFFFF800  }
0x130: {  	_ =	swait.ge [sflag:s26], $0x800  }
0x131: {  	[sflag:s26] =	ssyncset.done $0x0  }
0x132: {  	[sflag:s26] =	ssyncadd.s32 $0xFFFFF800  }
0x133: {  	_ =	swait.ge [sflag:s26], $0x800  }
0x134: {  	[sflag:s26] =	ssyncset.done $0x0  }
0x135: {  	[sflag:s26] =	ssyncadd.s32 $0xFFFFF800  }
0x136: {  	_ =	swait.ge [sflag:s26], $0x800  }
0x137: {  	[sflag:s26] =	ssyncset.done $0x0  }
0x138: {  	[sflag:s26] =	ssyncadd.s32 $0xFFFFF800  }
0x139: {  	[spmem:s2] =	stream.indirect.scatter.add.f32 [tilespmem:s18], [sflag:$0x4], $0x10, s17, s11, $0xb8;
	[tilespmem:$0x1D780] =	vst v63  }
0x13a: {  	_ = 	snop  }
0x13b: {  	[spmem:s2] =	stream.indirect.scatter.add.f32 [tilespmem:s19], [sflag:$0x4], $0x10, s29, s11, $0xb8;
	[tilespmem:$0x1D780] =	vst v63  }
0x13c: {  	s5 =	simm.s32 $0x700  }
0x13d: {  	[spmem:s2] =	stream.indirect.scatter.add.f32 [tilespmem:s20], [sflag:$0x4], $0x10, s5, s11, $0xb8;
	[tilespmem:$0x1D780] =	vst v63  }
0x13e: {  	s23 =	simm.s32 $0x3  }
0x13f: {  	[spmem:s2] =	stream.indirect.scatter.add.f32 [tilespmem:s21], [sflag:$0x4], $0x10, s30, s11, $0xb8;
	[tilespmem:$0x1D780] =	vst v63  }
0x140: {  	_ =	swait.ge [sflag:s23], $0x800  }
0x141: {  	[sflag:s23] =	ssyncset.done $0x0  }
0x142: {  	[sflag:s23] =	ssyncadd.s32 $0xFFFFF800  }
0x143: {  	_ =	swait.ge [sflag:s23], $0x800  }
0x144: {  	[sflag:s23] =	ssyncset.done $0x0  }
0x145: {  	[sflag:s23] =	ssyncadd.s32 $0xFFFFF800  }
0x146: {  	_ =	swait.ge [sflag:s23], $0x800  }
0x147: {  	[sflag:s23] =	ssyncset.done $0x0  }
0x148: {  	[sflag:s23] =	ssyncadd.s32 $0xFFFFF800  }
0x149: {  	_ =	swait.ge [sflag:s23], $0x800  }
0x14a: {  	[sflag:s23] =	ssyncset.done $0x0  }
0x14b: {  	s25 =	simm.s32 $0x4;
	[sflag:s23] =	ssyncadd.s32 $0xFFFFF800  }
0x14c: {  	_ =	swait.ge [sflag:s25], $0x800  }
0x14d: {  	[sflag:s25] =	ssyncset.done $0x0  }
0x14e: {  	[sflag:s25] =	ssyncadd.s32 $0xFFFFF800  }
0x14f: {  	_ =	swait.ge [sflag:s25], $0x800  }
0x150: {  	[sflag:s25] =	ssyncset.done $0x0  }
0x151: {  	[sflag:s25] =	ssyncadd.s32 $0xFFFFF800  }
0x152: {  	_ =	swait.ge [sflag:s25], $0x800  }
0x153: {  	[sflag:s25] =	ssyncset.done $0x0  }
0x154: {  	[sflag:s25] =	ssyncadd.s32 $0xFFFFF800  }
0x155: {  	_ =	swait.ge [sflag:s25], $0x800  }
0x156: {  	[sflag:s25] =	ssyncset.done $0x0  }
0x157: {  	[sflag:s25] =	ssyncadd.s32 $0xFFFFF800  }
0x158: {  	[bflag:$0x0] =	sbarrier.arrive $0xFFFF  }
0x159: {  	[tilespmem:s8], [sflag:$0x5] =	stream.linear.gather [spmem:s6], $0x880, $0x38;
	[tilespmem:$0x1D780] =	vst v63  }
0x15a: {  	_ =	swait.ge [sflag:s9], $0x880  }
0x15b: {  	s1 =	simm.s32 $0x110;
	[sflag:s9] =	ssyncset.done $0x0  }
0x15c: {  	s31 =	sadd.s32 $0x0, s7;
	s28 =	simm.s32 $0x680;
	[sflag:s9] =	ssyncadd.s32 $0xFFFFF780  }
0x15d: {  	[hbm4b:s31+s3] =	stream.linear.scatter [tilespmem:s8], [sflag:$0x5], $0x880, $0x38;
	[tilespmem:$0x1D780] =	vst v63  }
0x15e: {  	s29 =	simm.s32 $0x700;
	s5 =	smov.u32 s6;
	_ =	swait.ge [sflag:s9], $0x880  }
0x15f: {  	s23 =	simm.s32 $0x500;
	s25 =	simm.s32 $0x580;
	[sflag:s9] =	ssyncset.done $0x0  }
.LBB2_8:
0x160: {  	p0 =	sne.s32 s1, $0x2FD0;
	[sflag:s9] =	ssyncadd.s32 $0xFFFFF780;
	s5 =	sadd.s32 $0x880, s5  }
0x161: {  	[tilespmem:s8], [sflag:$0x5] =	stream.linear.gather [spmem:s5], $0x880, $0x38;
	[tilespmem:$0x1D780] =	vst v63  }
0x162: {  	s0 =	smov.u32 s1;
	s1 =	sadd.s32 $0x110, s1;
	_ =	swait.ge [sflag:s9], $0x880  }
.Ltmp3:
0x163: {  	[sflag:s9] =	ssyncset.done $0x0;
	(pc) =	sbr.rel @p0 .LBB2_8-.Ltmp3, $4  }
0x164: {  	s0 =	sadd.s32 s0, s7;
	[sflag:s9] =	ssyncadd.s32 $0xFFFFF780  }
0x165: {  	[hbm4b:s0+s3] =	stream.linear.scatter [tilespmem:s8], [sflag:$0x5], $0x880, $0x38;
	[tilespmem:$0x1D780] =	vst v63  }
0x166: {  	_ =	swait.ge [sflag:s9], $0x880  }
0x167: {  	[sflag:s9] =	ssyncset.done $0x0  }
0x168: {  	s1 =	rddreg [dreg:$0xc]  }
0x169: {  	s0 =	rddreg [dreg:$0xb];
	s1 =	sadd.s32 $0x1, s1  }
0x16a: {  	p0 =	sne.s32 s1, s0  }
.Ltmp4:
0x16b: {  	_ = 	snop;
	(pc) =	sbr.rel @p0 .LBB2_1-.Ltmp4, $2  }
0x16c: {  	_ =	sdelay $0x2  }
0x16d: {  	[sflag:s9] =	ssyncadd.s32 $0xFFFFF780  }
0x16e: {  	_ =	sfence.sel $0x180000  }
0x16f: {  	[bflag:$0x0] =	sbarrier.arrive $0xFFFF  }
0x170: {  	_ =	strace $0x9000004D  }
0x171: {  	s0 =	stileid.u32;
	[bflag:$0x2] =	sbarrier.arrive $0xFFFF  }
0x172: {  	p0 =	sne.s32 s0, $0x0;
	s0 =	rddreg [dreg:$0x2]  }
0x173: {  	s0 =	sadd.s32 @!p0 $0x100000, s0  }
0x174: {  	[sflag:s0] =	ssyncadd.tile.s32 @!p0 $0x1;
	_ =	shalt  }
.Lfunc_end2:
_tile_overlayer_lowered:
.L_overlay_start_2:
0x175: {  	(tag) =	ssettag $0x2  }
0x176: {  	s0 =	rddreg [dreg:$0x0];
	s2 =	stileid.u32  }
0x177: {  	s1 =	rddreg [dreg:$0x1];
	p0 =	sne.s32 s2, $0x0  }
0x178: {  	s3 =	rddreg [dreg:$0x2];
	[bflag:$0x3] =	sbarrier.arrive $0xFFFF;
	s2 =	simm.s32 @!p0 $0x1C05  }
0x179: {  	[timem:s3], [sflag:s2] =	dma.local @!p0 [hbm:s0], s1  }
0x17a: {  	s0 =	simm.s32 @!p0 $0x5  }
0x17b: {  	_ =	swait.ge @!p0 [sflag:s0], s1  }
0x17c: {  	s1 =	ssub.s32 @!p0 $0x0, s1;
	[sflag:s0] =	ssyncset.done @!p0 $0x0  }
0x17d: {  	[sflag:s0] =	ssyncadd.s32 @!p0 s1  }
0x17e: {  	[bflag:$0x3] =	sbarrier.arrive $0xFFFF  }
0x17f: {  	_ =	shalt  }

// kernel: kernel.9.cloned.1.call-start
scs
__scs_entry_jumppad:
0x0: {  	(pc) =	sbr.rel $0x88, $3  }
0x1: {  	(tag) =	ssettag $0x0;
	lr =	simm.s32 $0x1  }
0x2: {  	[smem:$0x3F96] =	sst lr;
	_ =	strace $0xD0000000  }
0x3: {  	_ = 	snop  }
0x4: {  	_ = 	snop  }
0x5: {  	_ = 	snop  }
0x6: {  	_ = 	snop  }
0x7: {  	_ = 	snop  }
__scs_overlays_trampoline_lowered:
0x8: {  	[smem:$0x3FA5] =	sst s0  }
0x9: {  	[smem:$0x3FA6] =	sst s1  }
0xa: {  	[smem:$0x3FA7] =	sst s2  }
0xb: {  	[smem:$0x3FA8] =	sst s3  }
0xc: {  	[smem:$0x3FA9] =	sst s4  }
0xd: {  	[smem:$0x3FAA] =	sst s5  }
0xe: {  	[smem:$0x3FAB] =	sst s6  }
0xf: {  	[smem:$0x3FAC] =	sst s7  }
0x10: {  	[smem:$0x3FAD] =	sst s8  }
0x11: {  	[smem:$0x3FAE] =	sst s9;
	s0 =	simm.s32 @!p0 $0x0  }
0x12: {  	s1 =	sld [smem:$0x3F94];
	s0 =	simm.s32 @p0 $0x1  }
0x13: {  	[smem:$0x3FAF] =	sst s0;
	s0 =	simm.s32 @!p1 $0x0  }
0x14: {  	s2 =	sld [smem:$0x3F93];
	s0 =	simm.s32 @p1 $0x1  }
0x15: {  	[smem:$0x3FB0] =	sst s0;
	s0 =	simm.s32 @!p2 $0x0  }
0x16: {  	s3 =	sld [smem:$0x3FDB];
	s0 =	simm.s32 @p2 $0x1  }
0x17: {  	s4 =	simm.s32 $0x1BF5;
	[smem:$0x3FB2] =	sst s0  }
0x18: {  	s0 =	sld [smem:$0x3F95];
	_ =	swait.ge [sflag:s4], $0x0  }
0x19: {  	s7 =	sld [smem:$0x3F96]  }
0x1a: {  	s8 =	sadd.s32 $0xFFFFE003, lr  }
0x1b: {  	s9 =	sadd.s32 $0xFFFFFEF7, lr;
	s5 =	simm.s32 $0xFFFFFFFF;
	p2 =	slt.u32 s8, $0xFFFFF086  }
0x1c: {  	p1 =	slt.u32 s9, $0xF7A;
	s5 =	simm.s32 @!p2 $0x0  }
0x1d: {  	s5 =	simm.s32 @p1 $0x1;
	p0 =	seq.s32 s7, s2  }
0x1e: {  	s7 =	smul.u32 @!p0 $0xF7A, s2;
	p2 =	seq.s32 @!p0 s5, $0x0  }
0x1f: {  	s9 =	smul.u32 $0xF7A, s1;
	s8 =	simm.s32 @!p0 $0x1BF5;
	p2 =	por !p2, p0  }
0x20: {  	[sflag:s8] =	ssyncset.s32 @!p0 $0xFFFFF086;
	s6 =	sadd.s32 @!p0 s3, s7;
	s7 =	simm.s32 @!p0 $0x108  }
0x21: {  	s3 =	sadd.s32 s3, s9;
	s6 =	sadd.s32 @!p0 $0x88, s6;
	s7 =	simm.s32 @p2 $0x1082  }
0x22: {  	[simem:s7], [sflag:s8] =	dma.local @!p0 [hbm:s6], $0xF7A  }
0x23: {  	s9 =	sor.u32 $0xD0000000, s2;
	s6 =	simm.s32 $0x108;
	_ =	swait.ge @!p0 [sflag:s8], $0x0  }
0x24: {  	s3 =	sadd.s32 $0x88, s3;
	s6 =	simm.s32 @!p1 $0x1082;
	[sflag:s4] =	ssyncset.s32 $0xFFFFF086  }
0x25: {  	[simem:s6], [sflag:s4] =	dma.local [hbm:s3], $0xF7A  }
0x26: {  	[smem:$0x3F96] =	sst s1;
	(tag) =	ssettag s2;
	_ =	strace s9  }
0x27: {  	s1 =	sld [smem:$0x3FA6]  }
0x28: {  	s2 =	sld [smem:$0x3FA7]  }
0x29: {  	s4 =	sld [smem:$0x3FA9]  }
0x2a: {  	p0 =	seq.s32 s5, $0x0;
	s5 =	sld [smem:$0x3FAA]  }
0x2b: {  	s6 =	sld [smem:$0x3FAB]  }
0x2c: {  	s7 =	sld [smem:$0x3FAC]  }
0x2d: {  	s3 =	simm.s32 $0x108;
	s8 =	sld [smem:$0x3FAD]  }
0x2e: {  	s3 =	simm.s32 @!p0 $0x1082;
	s9 =	sld [smem:$0x3FAE]  }
0x2f: {  	lr =	sadd.s32 s0, s3;
	s0 =	sld [smem:$0x3FA5]  }
0x30: {  	s3 =	sld [smem:$0x3FA8]  }
0x31: {  	[smem:$0x3FB1] =	sst s10  }
0x32: {  	s10 =	sld [smem:$0x3FAF];
	_ =	sdelay $0x3  }
0x33: {  	p0 =	seq.s32 s10, $0x1;
	s10 =	sld [smem:$0x3FB1];
	_ =	sdelay $0x3  }
0x34: {  	[smem:$0x3FB1] =	sst s10  }
0x35: {  	s10 =	sld [smem:$0x3FB0];
	_ =	sdelay $0x3  }
0x36: {  	p1 =	seq.s32 s10, $0x1;
	s10 =	sld [smem:$0x3FB1];
	_ =	sdelay $0x3  }
0x37: {  	[smem:$0x3FB1] =	sst s10  }
0x38: {  	s10 =	sld [smem:$0x3FB2]  }
0x39: {  	_ = 	snop;
	(pc) =	sbr.ind lr, $3  }
0x3a: {  	_ = 	snop  }
0x3b: {  	_ = 	snop  }
0x3c: {  	p2 =	seq.s32 s10, $0x1;
	s10 =	sld [smem:$0x3FB1]  }
0x3d: {  	_ =	shalt  }
0x3e: {  	_ =	shalt  }
0x3f: {  	_ =	shalt  }
0x40: {  	_ =	shalt  }
0x41: {  	_ =	shalt  }
0x42: {  	_ =	shalt  }
0x43: {  	_ =	shalt  }
0x44: {  	_ =	shalt  }
0x45: {  	_ =	shalt  }
0x46: {  	_ =	shalt  }
0x47: {  	_ =	shalt  }
0x48: {  	_ =	shalt  }
0x49: {  	_ =	shalt  }
0x4a: {  	_ =	shalt  }
0x4b: {  	_ =	shalt  }
0x4c: {  	_ =	shalt  }
0x4d: {  	_ =	shalt  }
0x4e: {  	_ =	shalt  }
0x4f: {  	_ =	shalt  }
0x50: {  	_ =	shalt  }
0x51: {  	_ =	shalt  }
0x52: {  	_ =	shalt  }
0x53: {  	_ =	shalt  }
0x54: {  	_ =	shalt  }
0x55: {  	_ =	shalt  }
0x56: {  	_ =	shalt  }
0x57: {  	_ =	shalt  }
0x58: {  	_ =	shalt  }
0x59: {  	_ =	shalt  }
0x5a: {  	_ =	shalt  }
0x5b: {  	_ =	shalt  }
0x5c: {  	_ =	shalt  }
0x5d: {  	_ =	shalt  }
0x5e: {  	_ =	shalt  }
0x5f: {  	_ =	shalt  }
0x60: {  	_ =	shalt  }
0x61: {  	_ =	shalt  }
0x62: {  	_ =	shalt  }
0x63: {  	_ =	shalt  }
0x64: {  	_ =	shalt  }
0x65: {  	_ =	shalt  }
0x66: {  	_ =	shalt  }
0x67: {  	_ =	shalt  }
0x68: {  	_ =	shalt  }
0x69: {  	_ =	shalt  }
0x6a: {  	_ =	shalt  }
0x6b: {  	_ =	shalt  }
0x6c: {  	_ =	shalt  }
0x6d: {  	_ =	shalt  }
0x6e: {  	_ =	shalt  }
0x6f: {  	_ =	shalt  }
0x70: {  	_ =	shalt  }
0x71: {  	_ =	shalt  }
0x72: {  	_ =	shalt  }
0x73: {  	_ =	shalt  }
0x74: {  	_ =	shalt  }
0x75: {  	_ =	shalt  }
0x76: {  	_ =	shalt  }
0x77: {  	_ =	shalt  }
0x78: {  	_ =	shalt  }
0x79: {  	_ =	shalt  }
0x7a: {  	_ =	shalt  }
0x7b: {  	_ =	shalt  }
0x7c: {  	_ =	shalt  }
0x7d: {  	_ =	shalt  }
0x7e: {  	_ =	shalt  }
0x7f: {  	_ =	shalt  }
0x80: {  	_ =	shalt  }
0x81: {  	_ =	shalt  }
0x82: {  	_ =	shalt  }
0x83: {  	_ =	shalt  }
0x84: {  	_ =	shalt  }
0x85: {  	_ =	shalt  }
0x86: {  	_ =	shalt  }
0x87: {  	_ =	shalt  }
.Lfunc_end0:
.L_simem_size_0:
called_computation_lowered:
.L_overlay_start_0:
0x88: {  	s2 =	sld [smem:$0x3FD9]  }
0x89: {  	s3 =	sld [smem:$0x3FFE];
	_ =	sdelay $0x1  }
0x8a: {  	s1 =	srdreg.scid  }
0x8b: {  	s0 =	sand.u32 $0x1, s1  }
0x8c: {  	s16 =	sshll.u32 s0, $0xA;
	s2 =	sadd.s32 s3, s2  }
0x8d: {  	s2 =	sadd.s32 s2, s16  }
0x8e: {  	[smem:$0x3FBD] =	sst s2  }
0x8f: {  	_ = 	snop  }
0x90: {  	(tm) =	ssettm $0x1  }
0x91: {  	s17 =	sld [smem:$0x3FFB];
	_ =	sdelay $0x3  }
0x92: {  	_ =	strace s17  }
0x93: {  	s2 =	sld [smem:$0x3FFC];
	_ =	sdelay $0x3  }
0x94: {  	_ =	strace s2  }
0x95: {  	s2 =	sld [smem:$0x3FFD];
	_ =	sdelay $0x3  }
0x96: {  	_ =	strace s2  }
0x97: {  	_ =	strace $0x8FFFFFFF  }
0x98: {  	s18 =	sld [smem:$0x3FDB];
	_ =	sdelay $0x1  }
0x99: {  	s19 =	simm.s32 $_scs_section_size  }
0x9a: {  	s4 =	simm.s32 $_size__tile_overlayer_lowered;
	s5 =	simm.s32 $_tile_overlayer_lowered  }
0x9b: {  	s22 =	simm.s32 $0x1BFF;
	s21 =	sshll.u32 s5, $0x1;
	s2 =	sadd.s32 s19, s18  }
0x9c: {  	s6 =	simm.s32 $0x0;
	s20 =	sshll.u32 s4, $0x1;
	s4 =	sadd.s32 s21, s2  }
0x9d: {  	[timem:s6], [sflag:s22] =	dma.local [hbm:s4], s20  }
0x9e: {  	_ =	swait.ge [sflag:s22], s20  }
0x9f: {  	s3 =	ssub.s32 $0x0, s20;
	[sflag:s22] =	ssyncset.done $0x0  }
0xa0: {  	[sflag:s22] =	ssyncadd.s32 s3;
	_ =	sdelay $0x1  }
0xa1: {  	s23 =	simm.s32 $0x1B8B  }
0xa2: {  	_ =	swait.ge [sflag:s23], $0x1  }
0xa3: {  	[sflag:s23] =	ssyncset.done $0x0  }
0xa4: {  	s25 =	simm.s32 $0x1B8E;
	s24 =	sld [smem:$0x3FFE];
	[sflag:s23] =	ssyncadd.s32 $0xFFFFFFFF  }
0xa5: {  	s26 =	simm.s32 $execute0_lowered;
	[smem:$0x3FD2] =	sst s25  }
0xa6: {  	s4 =	sshll.u32 s26, $0x1;
	_ =	strace $0x80000046;
	[dreg:$0x1] =	wrdreg $0xFFFFFFFF  }
0xa7: {  	s28 =	simm.s32 $_size_execute0_lowered;
	s2 =	sadd.s32 s2, s4;
	[dreg:$0x0] =	wrdreg $0x0  }
0xa8: {  	s4 =	sshll.u32 s28, $0x1;
	[dreg:$0x2] =	wrdreg s2  }
0xa9: {  	[dreg:$0x3] =	wrdreg s4  }
0xaa: {  	[dreg:$0x4] =	wrdreg $0xC0  }
0xab: {  	_ =	task [dreg:s6], $0x5FFFF  }
0xac: {  	[dreg:$0x1] =	wrdreg $0xFFFFFFFF  }
0xad: {  	[dreg:$0x0] =	wrdreg $0x60  }
0xae: {  	[dreg:$0x2] =	wrdreg s24  }
0xaf: {  	[dreg:$0x3] =	wrdreg $0x1CF00  }
0xb0: {  	[dreg:$0x4] =	wrdreg $0x9  }
0xb1: {  	_ =	task.clear_ibuf [dreg:s6], $0x5FFFF;
	_ =	strace $0x90000046  }
0xb2: {  	s29 =	simm.s32 $0x9;
	_ =	strace $0x80000048  }
0xb3: {  	_ =	swait.ge [sflag:s29], $0x1  }
0xb4: {  	[sflag:s29] =	ssyncadd.s32 $0xFFFFFFFF  }
0xb5: {  	_ =	strace $0x90000048  }
0xb6: {  	_ =	sfence  }
0xb7: {  	s30 =	sld [smem:$0x0];
	_ =	sdelay $0x2  }
0xb8: {  	s31 =	sshll.u32 s1, $0xD;
	s1 =	sshrl.u32 s1, $0x2  }
0xb9: {  	s3 =	sand.u32 $0x4000, s31;
	s1 =	sadd.s32 s1, s30  }
0xba: {  	s0 =	sor.u32 s3, s0;
	s1 =	sshll.u32 s1, $0x11  }
0xbb: {  	s0 =	sor.u32 s1, s0  }
0xbc: {  	s0 =	sadd.s32 $0x8F2B, s0  }
0xbd: {  	[sflag:s0] =	ssyncadd.remote.s32 $0x1  }
0xbe: {  	_ =	sfence.sel $0xFFFF  }
0xbf: {  	[dreg:$0x0] =	wrdreg $0xFFFFFFFF;
	(pc) =	sbr.abs _section_cstart, $3  }
0xc0: {  	[dreg:$0x1] =	wrdreg $0xFFFFFFFF  }
0xc1: {  	_ =	task.clear_ibuf [dreg:s6], $0x2FFFF;
	_ =	strace $0x9FFFFFFF  }
0xc2: {  	(tm) =	ssettm $0x7FFFFFFF  }
0xc3: {  	_ =	shalt  }
tec
execute0_lowered:
.L_overlay_start_1:
0x0: {  	(tag) =	ssettag $0x1  }
0x1: {  	s4 =	rddreg [dreg:$0x0]  }
0x2: {  	s2 =	rddreg [dreg:$0x1]  }
0x3: {  	s0 =	rddreg [dreg:$0x2]  }
0x4: {  	s5 =	srdreg.scid;
	s1 =	stileid.u32  }
0x5: {  	s3 =	simm.s32 $0x0;
	s14 =	simm.s32 $0x400;
	s15 =	simm.s32 $0x100  }
0x6: {  	s16 =	simm.s32 $0x180;
	s17 =	simm.s32 $0x200;
	s18 =	simm.s32 $0x280  }
0x7: {  	s19 =	simm.s32 $0x300;
	s20 =	simm.s32 $0x380;
	s25 =	smul.u32 $0x1870, s1  }
0x8: {  	s21 =	simm.s32 $0x1;
	s22 =	simm.s32 $0x2;
	s26 =	smul.u32 $0xC4, s1  }
0x9: {  	s23 =	simm.s32 $0x0;
	s6 =	sand.u32 $0x1, s5;
	s29 =	smul.u32 $0x3100, s1  }
0xa: {  	[smem:$0x7FF] =	sst s3;
	s9 =	sadd.s32 $0x2800, s4;
	s7 =	smul.u32 $0x18700, s6  }
0xb: {  	s8 =	sshll.u32 s6, $0x4;
	_ =	strace $0x80000047;
	s12 =	smul.u32 $0xC40, s6  }
0xc: {  	s10 =	ssub.s32 $0x2, s6;
	s13 =	smul.u32 $0x31000, s6;
	s8 =	sor.u32 s1, s8  }
0xd: {  	s11 =	sshrl.u32 s10, $0x1;
	s7 =	sadd.s32 s25, s7;
	s8 =	smul.u32 $0x3100, s8  }
0xe: {  	s10 =	ssub.s32 s10, s11;
	s28 =	sadd.s32 s26, s12;
	s30 =	sadd.s32 s13, s9  }
0xf: {  	s11 =	simm.s32 $0x480;
	s12 =	simm.s32 $0x3;
	s13 =	simm.s32 $0x80  }
0x10: {  	s7 =	sshrl.u32 s7, $0x3;
	s6 =	smax.u32 s10, $0x1;
	s10 =	sshll.u32 s28, $0x6  }
0x11: {  	s31 =	sadd.s32 s29, s30;
	s7 =	sadd.s32 s7, s4;
	s4 =	sadd.s32 s25, s2  }
0x12: {  	s5 =	sadd.s32 $0x64800, s7;
	s7 =	sadd.s32 s9, s8;
	s9 =	sadd.s32 s10, s9  }
0x13: {  	v0 =	vimm.f32 $1.000000000e+00;
	v1 =	vimm.f32 $0.0e+00;
	s10 =	sadd.s32 $0x80, s31;
	s8 =	sadd.s32 $0x40, s7;
	s9 =	sadd.s32 $0xC0, s9  }
.LBB2_1:
0x14: {  	[tilespmem:$0x400] =	vst v0  }
0x15: {  	[tilespmem:$0x410] =	vst v0  }
0x16: {  	[tilespmem:$0x420] =	vst v0  }
0x17: {  	[tilespmem:$0x430] =	vst v0  }
0x18: {  	[tilespmem:$0x440] =	vst v0  }
0x19: {  	[tilespmem:$0x450] =	vst v0  }
0x1a: {  	[tilespmem:$0x460] =	vst v0  }
0x1b: {  	[tilespmem:$0x470] =	vst v0;
	s24 =	simm.s32 $0x40;
	s25 =	simm.s32 $0x0  }
.LBB2_2:
0x1c: {  	p0 =	sne.s32 s24, $0x6180;
	[tilespmem:s25+$0x480] =	vst v1;
	s25 =	smov.u32 s24;
	s24 =	sadd.s32 $0x40, s24  }
.Ltmp0:
0x1d: {  	(pc) =	sbr.rel @p0 .LBB2_2-.Ltmp0, $2  }
0x1e: {  	_ =	sdelay $0x2  }
0x1f: {  	s25 =	sshra.s32 s25, $0x2  }
0x20: {  	[tilespmem:s25+$0x480] =	vst v1  }
0x21: {  	[spmem:s4] =	stream.linear.scatter [tilespmem:s11], [sflag:$0x3], $0x1870, $0x38;
	[tilespmem:$0x3560] =	vst v63  }
0x22: {  	_ =	swait.ge [sflag:s12], $0x1870  }
0x23: {  	[sflag:s12] =	ssyncset.done $0x0  }
0x24: {  	[sflag:s12] =	ssyncadd.s32 $0xFFFFE790  }
0x25: {  	s24 =	simm.s32 $0x0;
	[bflag:$0x0] =	sbarrier.arrive $0xFFFF  }
0x26: {  	[tilespmem:s24], [sflag:$0x3] =	stream.linear.gather [hbm4b:s7+s24], $0x200, $0x38;
	[tilespmem:$0x3560] =	vst v63  }
0x27: {  	_ =	swait.ge [sflag:s12], $0x200  }
0x28: {  	[sflag:s12] =	ssyncset.done $0x0  }
0x29: {  	[sflag:s12] =	ssyncadd.s32 $0xFFFFFE00  }
0x2a: {  	[spmem:s2] =	stream.indirect.scatter.add.f32 [tilespmem:s14], [sflag:$0x1], $0x1, s24, s13, $0xb8;
	[tilespmem:$0x3560] =	vst v63  }
0x2b: {  	_ = 	snop  }
0x2c: {  	[spmem:s2] =	stream.indirect.scatter.add.f32 [tilespmem:s14], [sflag:$0x1], $0x1, s13, s13, $0xb8;
	[tilespmem:$0x3560] =	vst v63  }
0x2d: {  	_ = 	snop  }
0x2e: {  	[spmem:s2] =	stream.indirect.scatter.add.f32 [tilespmem:s14], [sflag:$0x1], $0x1, s15, s13, $0xb8;
	[tilespmem:$0x3560] =	vst v63  }
0x2f: {  	_ = 	snop  }
0x30: {  	[spmem:s2] =	stream.indirect.scatter.add.f32 [tilespmem:s14], [sflag:$0x1], $0x1, s16, s13, $0xb8;
	[tilespmem:$0x3560] =	vst v63  }
0x31: {  	_ = 	snop  }
0x32: {  	[tilespmem:s17], [sflag:$0x3] =	stream.linear.gather [hbm4b:s8+s24], $0x200, $0x38;
	[tilespmem:$0x3560] =	vst v63  }
0x33: {  	_ =	swait.ge [sflag:s12], $0x200  }
0x34: {  	[sflag:s12] =	ssyncset.done $0x0  }
0x35: {  	[sflag:s12] =	ssyncadd.s32 $0xFFFFFE00  }
0x36: {  	[spmem:s2] =	stream.indirect.scatter.add.f32 [tilespmem:s14], [sflag:$0x2], $0x1, s17, s13, $0xb8;
	[tilespmem:$0x3560] =	vst v63  }
0x37: {  	_ = 	snop  }
0x38: {  	[spmem:s2] =	stream.indirect.scatter.add.f32 [tilespmem:s14], [sflag:$0x2], $0x1, s18, s13, $0xb8;
	[tilespmem:$0x3560] =	vst v63  }
0x39: {  	_ = 	snop  }
0x3a: {  	[spmem:s2] =	stream.indirect.scatter.add.f32 [tilespmem:s14], [sflag:$0x2], $0x1, s19, s13, $0xb8;
	[tilespmem:$0x3560] =	vst v63  }
0x3b: {  	_ = 	snop  }
0x3c: {  	[spmem:s2] =	stream.indirect.scatter.add.f32 [tilespmem:s14], [sflag:$0x2], $0x1, s20, s13, $0xb8;
	[tilespmem:$0x3560] =	vst v63  }
0x3d: {  	_ =	swait.ge [sflag:s21], $0x80  }
0x3e: {  	[sflag:s21] =	ssyncset.done $0x0  }
0x3f: {  	[sflag:s21] =	ssyncadd.s32 $0xFFFFFF80  }
0x40: {  	_ =	swait.ge [sflag:s21], $0x80  }
0x41: {  	[sflag:s21] =	ssyncset.done $0x0  }
0x42: {  	[sflag:s21] =	ssyncadd.s32 $0xFFFFFF80  }
0x43: {  	_ =	swait.ge [sflag:s21], $0x80  }
0x44: {  	[sflag:s21] =	ssyncset.done $0x0  }
0x45: {  	[sflag:s21] =	ssyncadd.s32 $0xFFFFFF80  }
0x46: {  	_ =	swait.ge [sflag:s21], $0x80  }
0x47: {  	[sflag:s21] =	ssyncset.done $0x0  }
0x48: {  	s30 =	sadd.s32 $0x0, s10;
	[sflag:s21] =	ssyncadd.s32 $0xFFFFFF80  }
0x49: {  	[tilespmem:s3], [sflag:$0x3] =	stream.linear.gather [hbm4b:s30+s3], $0x200, $0x38;
	[tilespmem:$0x3560] =	vst v63  }
0x4a: {  	_ =	swait.ge [sflag:s12], $0x200  }
0x4b: {  	[sflag:s12] =	ssyncset.done $0x0  }
0x4c: {  	[sflag:s12] =	ssyncadd.s32 $0xFFFFFE00  }
0x4d: {  	[spmem:s2] =	stream.indirect.scatter.add.f32 [tilespmem:s14], [sflag:$0x1], $0x1, s3, s13, $0xb8;
	[tilespmem:$0x3560] =	vst v63  }
0x4e: {  	_ = 	snop  }
0x4f: {  	[spmem:s2] =	stream.indirect.scatter.add.f32 [tilespmem:s14], [sflag:$0x1], $0x1, s13, s13, $0xb8;
	[tilespmem:$0x3560] =	vst v63  }
0x50: {  	_ = 	snop  }
0x51: {  	[spmem:s2] =	stream.indirect.scatter.add.f32 [tilespmem:s14], [sflag:$0x1], $0x1, s15, s13, $0xb8;
	[tilespmem:$0x3560] =	vst v63  }
0x52: {  	_ = 	snop  }
0x53: {  	[spmem:s2] =	stream.indirect.scatter.add.f32 [tilespmem:s14], [sflag:$0x1], $0x1, s16, s13, $0xb8;
	[tilespmem:$0x3560] =	vst v63  }
0x54: {  	_ =	swait.ge [sflag:s22], $0x80  }
0x55: {  	[sflag:s22] =	ssyncset.done $0x0  }
0x56: {  	[sflag:s22] =	ssyncadd.s32 $0xFFFFFF80  }
0x57: {  	_ =	swait.ge [sflag:s22], $0x80  }
0x58: {  	[sflag:s22] =	ssyncset.done $0x0  }
0x59: {  	[sflag:s22] =	ssyncadd.s32 $0xFFFFFF80  }
0x5a: {  	_ =	swait.ge [sflag:s22], $0x80  }
0x5b: {  	[sflag:s22] =	ssyncset.done $0x0  }
0x5c: {  	[sflag:s22] =	ssyncadd.s32 $0xFFFFFF80  }
0x5d: {  	_ =	swait.ge [sflag:s22], $0x80  }
0x5e: {  	[sflag:s22] =	ssyncset.done $0x0  }
0x5f: {  	s31 =	sadd.s32 $0x0, s9;
	[sflag:s22] =	ssyncadd.s32 $0xFFFFFF80  }
0x60: {  	[tilespmem:s17], [sflag:$0x3] =	stream.linear.gather [hbm4b:s31+s3], $0x200, $0x38;
	[tilespmem:$0x3560] =	vst v63  }
0x61: {  	_ =	swait.ge [sflag:s12], $0x200  }
0x62: {  	[sflag:s12] =	ssyncset.done $0x0  }
0x63: {  	[sflag:s12] =	ssyncadd.s32 $0xFFFFFE00  }
0x64: {  	[spmem:s2] =	stream.indirect.scatter.add.f32 [tilespmem:s14], [sflag:$0x2], $0x1, s17, s13, $0xb8;
	[tilespmem:$0x3560] =	vst v63  }
0x65: {  	_ = 	snop  }
0x66: {  	[spmem:s2] =	stream.indirect.scatter.add.f32 [tilespmem:s14], [sflag:$0x2], $0x1, s18, s13, $0xb8;
	[tilespmem:$0x3560] =	vst v63  }
0x67: {  	s24 =	simm.s32 $0x80  }
0x68: {  	[spmem:s2] =	stream.indirect.scatter.add.f32 [tilespmem:s14], [sflag:$0x2], $0x1, s19, s13, $0xb8;
	[tilespmem:$0x3560] =	vst v63  }
.LBB2_4:
0x69: {  	[spmem:s2] =	stream.indirect.scatter.add.f32 [tilespmem:s14], [sflag:$0x2], $0x1, s20, s13, $0xb8;
	[tilespmem:$0x3560] =	vst v63  }
0x6a: {  	s25 =	smov.u32 s24  }
0x6b: {  	p0 =	sne.s32 s24, $0x3000;
	s24 =	sadd.s32 $0x80, s24;
	_ =	swait.ge [sflag:s21], $0x80  }
0x6c: {  	[sflag:s21] =	ssyncset.done $0x0  }
0x6d: {  	[sflag:s21] =	ssyncadd.s32 $0xFFFFFF80  }
0x6e: {  	_ =	swait.ge [sflag:s21], $0x80  }
0x6f: {  	[sflag:s21] =	ssyncset.done $0x0  }
0x70: {  	[sflag:s21] =	ssyncadd.s32 $0xFFFFFF80  }
0x71: {  	_ =	swait.ge [sflag:s21], $0x80  }
0x72: {  	[sflag:s21] =	ssyncset.done $0x0  }
0x73: {  	[sflag:s21] =	ssyncadd.s32 $0xFFFFFF80  }
0x74: {  	_ =	swait.ge [sflag:s21], $0x80  }
0x75: {  	[sflag:s21] =	ssyncset.done $0x0  }
0x76: {  	s26 =	sadd.s32 s25, s10;
	[sflag:s21] =	ssyncadd.s32 $0xFFFFFF80  }
0x77: {  	[tilespmem:s3], [sflag:$0x3] =	stream.linear.gather [hbm4b:s26+s3], $0x200, $0x38;
	[tilespmem:$0x3560] =	vst v63  }
0x78: {  	_ =	swait.ge [sflag:s12], $0x200  }
0x79: {  	[sflag:s12] =	ssyncset.done $0x0  }
0x7a: {  	[sflag:s12] =	ssyncadd.s32 $0xFFFFFE00  }
0x7b: {  	[spmem:s2] =	stream.indirect.scatter.add.f32 [tilespmem:s14], [sflag:$0x1], $0x1, s3, s13, $0xb8;
	[tilespmem:$0x3560] =	vst v63  }
0x7c: {  	_ = 	snop  }
0x7d: {  	[spmem:s2] =	stream.indirect.scatter.add.f32 [tilespmem:s14], [sflag:$0x1], $0x1, s13, s13, $0xb8;
	[tilespmem:$0x3560] =	vst v63  }
0x7e: {  	_ = 	snop  }
0x7f: {  	[spmem:s2] =	stream.indirect.scatter.add.f32 [tilespmem:s14], [sflag:$0x1], $0x1, s15, s13, $0xb8;
	[tilespmem:$0x3560] =	vst v63  }
0x80: {  	_ = 	snop  }
0x81: {  	[spmem:s2] =	stream.indirect.scatter.add.f32 [tilespmem:s14], [sflag:$0x1], $0x1, s16, s13, $0xb8;
	[tilespmem:$0x3560] =	vst v63  }
0x82: {  	_ =	swait.ge [sflag:s22], $0x80  }
0x83: {  	[sflag:s22] =	ssyncset.done $0x0  }
0x84: {  	[sflag:s22] =	ssyncadd.s32 $0xFFFFFF80  }
0x85: {  	_ =	swait.ge [sflag:s22], $0x80  }
0x86: {  	[sflag:s22] =	ssyncset.done $0x0  }
0x87: {  	[sflag:s22] =	ssyncadd.s32 $0xFFFFFF80  }
0x88: {  	_ =	swait.ge [sflag:s22], $0x80  }
0x89: {  	[sflag:s22] =	ssyncset.done $0x0  }
0x8a: {  	[sflag:s22] =	ssyncadd.s32 $0xFFFFFF80  }
0x8b: {  	_ =	swait.ge [sflag:s22], $0x80  }
0x8c: {  	[sflag:s22] =	ssyncset.done $0x0  }
0x8d: {  	s25 =	sadd.s32 s25, s9;
	[sflag:s22] =	ssyncadd.s32 $0xFFFFFF80  }
0x8e: {  	[tilespmem:s17], [sflag:$0x3] =	stream.linear.gather [hbm4b:s25+s3], $0x200, $0x38;
	[tilespmem:$0x3560] =	vst v63  }
0x8f: {  	_ =	swait.ge [sflag:s12], $0x200  }
0x90: {  	[sflag:s12] =	ssyncset.done $0x0  }
0x91: {  	[sflag:s12] =	ssyncadd.s32 $0xFFFFFE00  }
0x92: {  	[spmem:s2] =	stream.indirect.scatter.add.f32 [tilespmem:s14], [sflag:$0x2], $0x1, s17, s13, $0xb8;
	[tilespmem:$0x3560] =	vst v63  }
.Ltmp1:
0x93: {  	_ = 	snop;
	(pc) =	sbr.rel @p0 .LBB2_4-.Ltmp1, $4  }
0x94: {  	_ = 	snop  }
0x95: {  	[spmem:s2] =	stream.indirect.scatter.add.f32 [tilespmem:s14], [sflag:$0x2], $0x1, s18, s13, $0xb8;
	[tilespmem:$0x3560] =	vst v63  }
0x96: {  	_ = 	snop  }
0x97: {  	[spmem:s2] =	stream.indirect.scatter.add.f32 [tilespmem:s14], [sflag:$0x2], $0x1, s19, s13, $0xb8;
	[tilespmem:$0x3560] =	vst v63  }
0x98: {  	[spmem:s2] =	stream.indirect.scatter.add.f32 [tilespmem:s14], [sflag:$0x2], $0x1, s20, s13, $0xb8;
	[tilespmem:$0x3560] =	vst v63  }
0x99: {  	_ =	swait.ge [sflag:s21], $0x80  }
0x9a: {  	[sflag:s21] =	ssyncset.done $0x0  }
0x9b: {  	[sflag:s21] =	ssyncadd.s32 $0xFFFFFF80  }
0x9c: {  	_ =	swait.ge [sflag:s21], $0x80  }
0x9d: {  	[sflag:s21] =	ssyncset.done $0x0  }
0x9e: {  	[sflag:s21] =	ssyncadd.s32 $0xFFFFFF80  }
0x9f: {  	_ =	swait.ge [sflag:s21], $0x80  }
0xa0: {  	[sflag:s21] =	ssyncset.done $0x0  }
0xa1: {  	[sflag:s21] =	ssyncadd.s32 $0xFFFFFF80  }
0xa2: {  	_ =	swait.ge [sflag:s21], $0x80  }
0xa3: {  	[sflag:s21] =	ssyncset.done $0x0  }
0xa4: {  	[sflag:s21] =	ssyncadd.s32 $0xFFFFFF80  }
0xa5: {  	_ =	swait.ge [sflag:s22], $0x80  }
0xa6: {  	[sflag:s22] =	ssyncset.done $0x0  }
0xa7: {  	[sflag:s22] =	ssyncadd.s32 $0xFFFFFF80  }
0xa8: {  	_ =	swait.ge [sflag:s22], $0x80  }
0xa9: {  	[sflag:s22] =	ssyncset.done $0x0  }
0xaa: {  	[sflag:s22] =	ssyncadd.s32 $0xFFFFFF80  }
0xab: {  	_ =	swait.ge [sflag:s22], $0x80  }
0xac: {  	[sflag:s22] =	ssyncset.done $0x0  }
0xad: {  	[sflag:s22] =	ssyncadd.s32 $0xFFFFFF80  }
0xae: {  	_ =	swait.ge [sflag:s22], $0x80  }
0xaf: {  	[sflag:s22] =	ssyncset.done $0x0  }
0xb0: {  	[sflag:s22] =	ssyncadd.s32 $0xFFFFFF80  }
0xb1: {  	[bflag:$0x0] =	sbarrier.arrive $0xFFFF  }
0xb2: {  	[tilespmem:s11], [sflag:$0x3] =	stream.linear.gather [spmem:s4], $0x1870, $0x38;
	[tilespmem:$0x3560] =	vst v63  }
0xb3: {  	s23 =	sadd.s32 $0x1, s23;
	_ =	swait.ge [sflag:s12], $0x1870  }
0xb4: {  	p0 =	sne.s32 s23, s6;
	[sflag:s12] =	ssyncset.done $0x0  }
.Ltmp2:
0xb5: {  	[sflag:s12] =	ssyncadd.s32 $0xFFFFE790;
	(pc) =	sbr.rel @p0 .LBB2_1-.Ltmp2, $4  }
0xb6: {  	[hbm4b:s5+s3] =	stream.linear.scatter [tilespmem:s11], [sflag:$0x3], $0x1870, $0x38;
	[tilespmem:$0x3560] =	vst v63  }
0xb7: {  	_ =	swait.ge [sflag:s12], $0x1870  }
0xb8: {  	[sflag:s12] =	ssyncset.done $0x0  }
0xb9: {  	[sflag:s12] =	ssyncadd.s32 $0xFFFFE790  }
0xba: {  	_ =	sfence.sel $0x180000  }
0xbb: {  	[bflag:$0x0] =	sbarrier.arrive $0xFFFF  }
0xbc: {  	p0 =	sne.s32 s1, $0x0;
	_ =	strace $0x90000047  }
0xbd: {  	s0 =	sadd.s32 @!p0 $0x100000, s0;
	[bflag:$0x2] =	sbarrier.arrive $0xFFFF  }
0xbe: {  	[sflag:s0] =	ssyncadd.tile.s32 @!p0 $0x1;
	_ =	shalt  }
.Lfunc_end2:
_tile_overlayer_lowered:
.L_overlay_start_2:
0xbf: {  	(tag) =	ssettag $0x2  }
0xc0: {  	s0 =	rddreg [dreg:$0x0];
	s2 =	stileid.u32  }
0xc1: {  	s1 =	rddreg [dreg:$0x1];
	p0 =	sne.s32 s2, $0x0  }
0xc2: {  	s3 =	rddreg [dreg:$0x2];
	[bflag:$0x3] =	sbarrier.arrive $0xFFFF;
	s2 =	simm.s32 @!p0 $0x1C03  }
0xc3: {  	[timem:s3], [sflag:s2] =	dma.local @!p0 [hbm:s0], s1  }
0xc4: {  	s0 =	simm.s32 @!p0 $0x3  }
0xc5: {  	_ =	swait.ge @!p0 [sflag:s0], s1  }
0xc6: {  	s1 =	ssub.s32 @!p0 $0x0, s1;
	[sflag:s0] =	ssyncset.done @!p0 $0x0  }
0xc7: {  	[sflag:s0] =	ssyncadd.s32 @!p0 s1  }
0xc8: {  	[bflag:$0x3] =	sbarrier.arrive $0xFFFF  }
0xc9: {  	_ =	shalt  }

</sc_bundles>
